<compile_context>
chip_gen: v7x
topology: tpu7x:2x2x1
jax: 0.10.2.dev20260603
libtpu: 0.0.44.dev20260713+nightly
codegen_flags: <defaults>
</compile_context>

<pallas_src>
import functools

import jax
import jax.numpy as jnp
from jax import lax
from jax.experimental import pallas as pl
from jax.experimental.pallas import tpu as pltpu
from jax.experimental.pallas import tpu_sc as plsc

N = 10000
E = 160000
D = 128
VOCAB = 3000
TOK = 3
NG = 128
NSYM = 80000

BE = 2000
BN = 2000

NW = 32
CH = 64
ECH = E // CH
CPT = ECH // NW
XTRA = ECH - CPT * NW
EBUF = (CPT + 1) * CH
ZR = 156
PH = 5000
PACC = 5008

def _mesh():
    return plsc.VectorSubcoreMesh(core_axis_name="c", subcore_axis_name="s")


def _wid():
    return lax.axis_index("s") * 2 + lax.axis_index("c")


def _chunk_start(w):
    return w * CPT + jnp.minimum(w, XTRA)


def _vec_sum3(rows3, out, nrows):
    def body(r, _):
        for k in range(D // 16):
            s = pl.ds(k * 16, 16)
            out[r, s] = rows3[0, r, s] + rows3[1, r, s] + rows3[2, r, s]
        return 0
    lax.fori_loop(0, nrows, body, 0)


def _xsum_sc_kernel(emb_hbm, xtok_hbm, out_hbm, t0, t1, t2, rows3, ob, sem):
    w = _wid()
    nch = (N + CH - 1) // CH

    def chunk(j, _):
        t = w + j * NW

        @pl.when(t < nch)
        def _():
            base = jnp.minimum(t * CH, N - CH)
            pltpu.sync_copy(xtok_hbm.at[pl.ds(base, CH)], t0)
            pltpu.sync_copy(xtok_hbm.at[pl.ds(N + base, CH)], t1)
            pltpu.sync_copy(xtok_hbm.at[pl.ds(2 * N + base, CH)], t2)
            c0 = pltpu.async_copy(emb_hbm.at[t0], rows3.at[0], sem)
            c1 = pltpu.async_copy(emb_hbm.at[t1], rows3.at[1], sem)
            c2 = pltpu.async_copy(emb_hbm.at[t2], rows3.at[2], sem)
            c0.wait(); c1.wait(); c2.wait()
            _vec_sum3(rows3, ob, CH)
            pltpu.sync_copy(ob, out_hbm.at[pl.ds(base, CH)])
        return 0

    lax.fori_loop(0, (nch + NW - 1) // NW, chunk, 0)


def _xsum_sc(emb, xtok_t):
    k = pl.kernel(
        _xsum_sc_kernel, mesh=_mesh(),
        compiler_params=pltpu.CompilerParams(needs_layout_passes=False),
        out_type=jax.ShapeDtypeStruct((N, D), jnp.float32),
        scratch_types=[
            pltpu.VMEM((CH,), jnp.int32), pltpu.VMEM((CH,), jnp.int32),
            pltpu.VMEM((CH,), jnp.int32),
            pltpu.VMEM((3, CH, D), jnp.float32),
            pltpu.VMEM((CH, D), jnp.float32),
            pltpu.SemaphoreType.DMA,
        ])
    return k(emb, xtok_t)


SYB = 1600


def _edge_sc_kernel(xsum_hbm, emb2_hbm, eat_hbm, ei_hbm, sym_hbm,
                    xr_hbm, xc_hbm, ea_hbm,
                    mask_v, symb, rowf, colf, tk0, tk1, tk2,
                    ixr0, ixc0, it00, it10, it20, rows30, xrb0, xcb0,
                    ixr1, ixc1, it01, it11, it21, rows31, xrb1, xcb1,
                    sg0, sg1, sw0, sw1):
    w = _wid()
    c_lo = _chunk_start(w)
    c_hi = _chunk_start(w + 1)
    lo = c_lo * CH
    n_ch = c_hi - c_lo
    n_loc = n_ch * CH

    for hbm, off, buf in ((ei_hbm, 0, rowf), (ei_hbm, E, colf),
                          (eat_hbm, 0, tk0), (eat_hbm, E, tk1),
                          (eat_hbm, 2 * E, tk2)):
        pltpu.sync_copy(hbm.at[pl.ds(off + lo, CPT * CH)],
                        buf.at[pl.ds(0, CPT * CH)])

        @pl.when(w < XTRA)
        def _():
            pltpu.sync_copy(hbm.at[pl.ds(off + lo + CPT * CH, CH)],
                            buf.at[pl.ds(CPT * CH, CH)])

    zero16 = jnp.zeros((16,), jnp.int32)
    one16 = jnp.full((16,), 1, jnp.int32)

    def zeroit(q, _):
        mask_v[pl.ds(q * 16, 16)] = zero16
        return 0
    lax.fori_loop(0, EBUF // 16, zeroit, 0)

    def symscan(s0, _):
        pltpu.sync_copy(sym_hbm.at[pl.ds(s0 * SYB, SYB)], symb)

        def inner(q, _):
            v = symb[pl.ds(q * 16, 16)]
            loc = v - lo
            m = (loc >= 0) & (loc < n_loc)
            locc = jnp.clip(loc, 0, EBUF - 1)
            plsc.store_scatter(mask_v, [locc], one16, mask=m)
            return 0
        lax.fori_loop(0, SYB // 16, inner, 0)
        return 0
    lax.fori_loop(0, NSYM // SYB, symscan, 0)

    sets = ((ixr0, ixc0, it00, it10, it20, rows30, xrb0, xcb0, sg0, sw0),
            (ixr1, ixc1, it01, it11, it21, rows31, xrb1, xcb1, sg1, sw1))

    def drain_writes(s):
        _, _, _, _, _, rows3, xrb, xcb, _, sw = s
        pltpu.make_async_copy(xr_hbm.at[pl.ds(0, CH)], xrb, sw).wait()
        pltpu.make_async_copy(xr_hbm.at[pl.ds(0, CH)], xcb, sw).wait()
        pltpu.make_async_copy(ea_hbm.at[pl.ds(0, CH)], rows3.at[0], sw).wait()

    def fire(j, s):
        ixr, ixc, it0, it1, it2, rows3, xrb, xcb, sg, _ = s
        lb = j * CH
        for q in range(CH // 16):
            sl = pl.ds(lb + q * 16, 16)
            so = pl.ds(q * 16, 16)
            mv = mask_v[sl] * VOCAB
            it0[so] = tk0[sl] + mv
            it1[so] = tk1[sl] + mv
            it2[so] = tk2[sl] + mv
            ixr[so] = rowf[sl]
            ixc[so] = colf[sl]
        pltpu.async_copy(xsum_hbm.at[ixr], xrb, sg)
        pltpu.async_copy(xsum_hbm.at[ixc], xcb, sg)
        pltpu.async_copy(emb2_hbm.at[it0], rows3.at[0], sg)
        pltpu.async_copy(emb2_hbm.at[it1], rows3.at[1], sg)
        pltpu.async_copy(emb2_hbm.at[it2], rows3.at[2], sg)

    def complete(j, s):
        _, _, _, _, _, rows3, xrb, xcb, sg, sw = s
        pltpu.make_async_copy(xsum_hbm.at[pl.ds(0, CH)], xrb, sg).wait()
        pltpu.make_async_copy(xsum_hbm.at[pl.ds(0, CH)], xcb, sg).wait()
        for t in range(3):
            pltpu.make_async_copy(emb2_hbm.at[pl.ds(0, CH)], rows3.at[t], sg).wait()

        def body(r, _):
            for k in range(D // 16):
                sk = pl.ds(k * 16, 16)
                rows3[0, r, sk] = rows3[0, r, sk] + rows3[1, r, sk] + rows3[2, r, sk]
            return 0
        lax.fori_loop(0, CH, body, 0)
        g = lo + j * CH
        pltpu.async_copy(xrb, xr_hbm.at[pl.ds(g, CH)], sw)
        pltpu.async_copy(xcb, xc_hbm.at[pl.ds(g, CH)], sw)
        pltpu.async_copy(rows3.at[0], ea_hbm.at[pl.ds(g, CH)], sw)

    def pair(jj, _):
        j0 = jj * 2
        j1 = jj * 2 + 1

        @pl.when(j0 < n_ch)
        def _():
            @pl.when(j0 >= 2)
            def _():
                drain_writes(sets[0])
            fire(j0, sets[0])

        @pl.when((j0 >= 1) & (j0 - 1 < n_ch))
        def _():
            complete(j0 - 1, sets[1])

        @pl.when(j1 < n_ch)
        def _():
            @pl.when(j1 >= 2)
            def _():
                drain_writes(sets[1])
            fire(j1, sets[1])

        @pl.when(j1 - 1 < n_ch)
        def _():
            complete(j1 - 1, sets[0])
        return 0

    lax.fori_loop(0, (CPT + 2) // 2, pair, 0)

    drain_writes(sets[0])
    drain_writes(sets[1])


def _edge_sc(x_sum, emb2, eat_t, edge_index, added_sym_edge):
    vi = lambda shape: pltpu.VMEM(shape, jnp.int32)
    vf = lambda shape: pltpu.VMEM(shape, jnp.float32)
    bufset = [vi((CH,))] * 5 + [vf((3, CH, D)), vf((CH, D)), vf((CH, D))]
    k = pl.kernel(
        _edge_sc_kernel, mesh=_mesh(),
        compiler_params=pltpu.CompilerParams(needs_layout_passes=False),
        out_type=[jax.ShapeDtypeStruct((E, D), jnp.float32)] * 3,
        scratch_types=[
            vi((EBUF,)), vi((SYB,)),
            vi((EBUF,)), vi((EBUF,)), vi((EBUF,)), vi((EBUF,)), vi((EBUF,)),
        ] + bufset + bufset + [
            pltpu.SemaphoreType.DMA, pltpu.SemaphoreType.DMA,
            pltpu.SemaphoreType.DMA, pltpu.SemaphoreType.DMA,
        ])
    return k(x_sum, emb2, eat_t, edge_index, added_sym_edge)


def _scatter_sc_kernel(msg_hbm, ei_hbm, part_hbm, cntp_hbm,
                       colf, idxb, msgb, idxb1, msgb1, ones_v, zrow, zcnt,
                       acc_sh, cnt_sh, sg0, sg1, sv0, sv1):
    sid = lax.axis_index("s")
    cid = lax.axis_index("c")
    w = sid * 2 + cid
    lo = _chunk_start(w) * CH

    zero16 = jnp.zeros((16,), jnp.float32)
    one16 = jnp.full((16,), 1.0, jnp.float32)

    def zr(r, _):
        for k in range(D // 16):
            zrow[r, pl.ds(k * 16, 16)] = zero16
        return 0
    lax.fori_loop(0, ZR, zr, 0)

    def zc(r, _):
        zcnt[r, pl.ds(0, 16)] = zero16
        return 0
    lax.fori_loop(0, 312, zc, 0)

    def ov(r, _):
        ones_v[r, pl.ds(0, 16)] = one16
        return 0
    lax.fori_loop(0, CH, ov, 0)

    pltpu.sync_copy(ei_hbm.at[pl.ds(E + lo, CPT * CH)], colf.at[pl.ds(0, CPT * CH)])

    @pl.when(w < XTRA)
    def _():
        pltpu.sync_copy(ei_hbm.at[pl.ds(E + lo + CPT * CH, CH)],
                        colf.at[pl.ds(CPT * CH, CH)])

    for p in range(2):
        nb = p * PH
        pltpu.sync_copy(zrow, acc_sh.at[pl.ds(sid * 312, ZR)])
        pltpu.sync_copy(zrow, acc_sh.at[pl.ds(sid * 312 + ZR, ZR)])
        pltpu.sync_copy(zcnt, cnt_sh.at[pl.ds(sid * 312, 312)])

        @pl.when(sid == 15)
        def _():
            pltpu.sync_copy(zrow.at[pl.ds(0, PACC - 4992)],
                            acc_sh.at[pl.ds(4992, PACC - 4992)])
            pltpu.sync_copy(zcnt.at[pl.ds(0, PACC - 4992)],
                            cnt_sh.at[pl.ds(4992, PACC - 4992)])

        plsc.subcore_barrier()

        n_ch = _chunk_start(w + 1) - _chunk_start(w)
        ssets = ((idxb, msgb, sg0, sv0), (idxb1, msgb1, sg1, sv1))

        def drain_scat(s):
            idxs, msgs, _, sv = s
            pltpu.make_async_copy(msg_hbm.at[pl.ds(0, CH)], msgs, sv).wait()
            pltpu.make_async_copy(cntp_hbm.at[0, pl.ds(0, CH)], ones_v, sv).wait()

        def fire_stage(j, s):
            _, msgs, sg, _ = s
            pltpu.async_copy(msg_hbm.at[pl.ds(lo + j * CH, CH)], msgs, sg)

        def fire_scat(j, s):
            idxs, msgs, sg, sv = s
            pltpu.make_async_copy(msg_hbm.at[pl.ds(0, CH)], msgs, sg).wait()
            lb = j * CH
            for q in range(CH // 16):
                loc = colf[pl.ds(lb + q * 16, 16)] - nb
                m = (loc >= 0) & (loc < PH)
                idxs[pl.ds(q * 16, 16)] = jnp.where(m, loc, PH)
            pltpu.async_copy(msgs, acc_sh.at[idxs], sv, add=True)
            pltpu.async_copy(ones_v, cnt_sh.at[idxs], sv, add=True)

        def spair(jj, _):
            j0 = jj * 2
            j1 = jj * 2 + 1

            @pl.when(j0 < n_ch)
            def _():
                @pl.when(j0 >= 2)
                def _():
                    drain_scat(ssets[0])
                fire_stage(j0, ssets[0])

            @pl.when((j0 >= 1) & (j0 - 1 < n_ch))
            def _():
                fire_scat(j0 - 1, ssets[1])

            @pl.when(j1 < n_ch)
            def _():
                @pl.when(j1 >= 2)
                def _():
                    drain_scat(ssets[1])
                fire_stage(j1, ssets[1])

            @pl.when(j1 - 1 < n_ch)
            def _():
                fire_scat(j1 - 1, ssets[0])
            return 0

        lax.fori_loop(0, (CPT + 2) // 2, spair, 0)
        drain_scat(ssets[0])
        drain_scat(ssets[1])

        plsc.subcore_barrier()
        sl = pl.ds(sid * 312, 312)
        glb = pl.ds(nb + sid * 312, 312)
        pltpu.sync_copy(acc_sh.at[sl], part_hbm.at[cid, glb])
        pltpu.sync_copy(cnt_sh.at[sl], cntp_hbm.at[cid, glb])

        @pl.when(sid == 15)
        def _():
            sl2 = pl.ds(4992, 8)
            glb2 = pl.ds(nb + 4992, 8)
            pltpu.sync_copy(acc_sh.at[sl2], part_hbm.at[cid, glb2])
            pltpu.sync_copy(cnt_sh.at[sl2], cntp_hbm.at[cid, glb2])


def _scatter_sc(msg, edge_index_flat):
    vf = lambda shape: pltpu.VMEM(shape, jnp.float32)
    k = pl.kernel(
        _scatter_sc_kernel, mesh=_mesh(),
        compiler_params=pltpu.CompilerParams(needs_layout_passes=False,
                                             use_tc_tiling_on_sc=False),
        out_type=[jax.ShapeDtypeStruct((2, N, D), jnp.float32),
                  jax.ShapeDtypeStruct((2, N, 16), jnp.float32)],
        scratch_types=[
            pltpu.VMEM((EBUF,), jnp.int32), pltpu.VMEM((CH,), jnp.int32),
            vf((CH, D)), pltpu.VMEM((CH,), jnp.int32), vf((CH, D)),
            vf((CH, 16)), vf((ZR, D)), vf((312, 16)),
            pltpu.VMEM_SHARED((PACC, D), jnp.float32),
            pltpu.VMEM_SHARED((PACC, 16), jnp.float32),
            pltpu.SemaphoreType.DMA, pltpu.SemaphoreType.DMA,
            pltpu.SemaphoreType.DMA, pltpu.SemaphoreType.DMA,
        ])
    return k(msg, edge_index_flat)


def _edge_block_kernel(xr_ref, xc_ref, ea_ref,
                       ew1_ref, eb1_ref, ew2_ref, eb2_ref,
                       nw1_ref, nb1_ref, nw2_ref, nb2_ref,
                       eout_ref, msg_ref):
    xr = xr_ref[...]
    xc = xc_ref[...]
    ea = ea_ref[...]
    w_r = ew1_ref[0:D, :]
    w_c = ew1_ref[D:2 * D, :]
    w_a = ew1_ref[2 * D:3 * D, :]
    h = jnp.dot(xr, w_r, preferred_element_type=jnp.float32)
    h += jnp.dot(xc, w_c, preferred_element_type=jnp.float32)
    h += jnp.dot(ea, w_a, preferred_element_type=jnp.float32)
    h = jnp.maximum(h + eb1_ref[...], 0.0)
    eout = jnp.dot(h, ew2_ref[...], preferred_element_type=jnp.float32) + eb2_ref[...]
    eout_ref[...] = eout

    m_r = nw1_ref[0:D, :]
    m_e = nw1_ref[D:2 * D, :]
    m = jnp.dot(xr, m_r, preferred_element_type=jnp.float32)
    m += jnp.dot(eout, m_e, preferred_element_type=jnp.float32)
    m = jnp.maximum(m + nb1_ref[...], 0.0)
    msg_ref[...] = jnp.dot(m, nw2_ref[...], preferred_element_type=jnp.float32) + nb2_ref[...]


def _edge_mlps(xr, xc, ea, e_w1, e_b1, e_w2, e_b2, n1_w1, n1_b1, n1_w2, n1_b2):
    nblk = E // BE
    full = lambda shape: pl.BlockSpec(shape, lambda i: (0,) * len(shape))
    blk = pl.BlockSpec((BE, D), lambda i: (i, 0))
    return pl.pallas_call(
        _edge_block_kernel,
        grid=(nblk,),
        in_specs=[blk, blk, blk,
                  full((3 * D, D)), full((1, D)), full((D, D)), full((1, D)),
                  full((2 * D, D)), full((1, D)), full((D, D)), full((1, D))],
        out_specs=[blk, blk],
        out_shape=[jax.ShapeDtypeStruct((E, D), jnp.float32),
                   jax.ShapeDtypeStruct((E, D), jnp.float32)],
    )(xr, xc, ea, e_w1, e_b1, e_w2, e_b2, n1_w1, n1_b1, n1_w2, n1_b2)


def _node_block_kernel(xs_ref, part_ref, cntp_ref, batch_row_ref,
                       w1_ref, b1_ref, w2_ref, b2_ref,
                       xout_ref, stats_ref):
    i = pl.program_id(0)
    xs = xs_ref[...]
    cnt = (cntp_ref[0] + cntp_ref[1])[:, 0:1]
    agg = (part_ref[0] + part_ref[1]) / jnp.maximum(cnt, 1.0)
    w_x = w1_ref[0:D, :]
    w_a = w1_ref[D:2 * D, :]
    h = jnp.dot(xs, w_x, preferred_element_type=jnp.float32)
    h += jnp.dot(agg, w_a, preferred_element_type=jnp.float32)
    h = jnp.maximum(h + b1_ref[...], 0.0)
    xo = jnp.dot(h, w2_ref[...], preferred_element_type=jnp.float32) + b2_ref[...]
    xout_ref[...] = xo

    gids = lax.broadcasted_iota(jnp.int32, (NG, BN), 0)
    onehot_t = (gids == batch_row_ref[0]).astype(jnp.float32)
    cat = jnp.concatenate([xo, xo * xo, jnp.ones((BN, D), jnp.float32)], axis=1)
    part = jnp.dot(onehot_t, cat, preferred_element_type=jnp.float32)

    @pl.when(i == 0)
    def _():
        stats_ref[...] = jnp.zeros_like(stats_ref)

    stats_ref[...] += part


def _node_mlp_stats(x_sum, part, cntp, batch_row, n2_w1, n2_b1, n2_w2, n2_b2):
    nblk = N // BN
    full = lambda shape: pl.BlockSpec(shape, lambda i: (0,) * len(shape))
    blk = pl.BlockSpec((BN, D), lambda i: (i, 0))
    return pl.pallas_call(
        _node_block_kernel,
        grid=(nblk,),
        in_specs=[blk, pl.BlockSpec((2, BN, D), lambda i: (0, i, 0)),
                  pl.BlockSpec((2, BN, 16), lambda i: (0, i, 0)),
                  pl.BlockSpec((1, 1, BN), lambda i: (i, 0, 0)),
                  full((2 * D, D)), full((1, D)), full((D, D)), full((1, D))],
        out_specs=[blk, full((NG, 3 * D))],
        out_shape=[jax.ShapeDtypeStruct((N, D), jnp.float32),
                   jax.ShapeDtypeStruct((NG, 3 * D), jnp.float32)],
    )(x_sum, part, cntp, batch_row, n2_w1, n2_b1, n2_w2, n2_b2)


def _norm_block_kernel(xo_ref, batch_col_ref, stats_ref, gamma_ref, beta_ref, out_ref):
    xo = xo_ref[...]
    gids = lax.broadcasted_iota(jnp.int32, (BN, NG), 1)
    onehot = (gids == batch_col_ref[...]).astype(jnp.float32)
    st = jnp.dot(onehot, stats_ref[...], preferred_element_type=jnp.float32)
    cnt = jnp.maximum(st[:, 2 * D:2 * D + 1], 1.0)
    mean = st[:, 0:D] / cnt
    var = st[:, D:2 * D] / cnt - mean * mean
    inv = lax.rsqrt(jnp.maximum(var, 0.0) + 1e-5)
    out_ref[...] = (xo - mean) * inv * gamma_ref[...] + beta_ref[...]


def _graph_norm(x_out, batch_col, stats, gamma, beta):
    nblk = N // BN
    full = lambda shape: pl.BlockSpec(shape, lambda i: (0,) * len(shape))
    blk = pl.BlockSpec((BN, D), lambda i: (i, 0))
    return pl.pallas_call(
        _norm_block_kernel,
        grid=(nblk,),
        in_specs=[blk, pl.BlockSpec((BN, 1), lambda i: (i, 0)),
                  full((NG, 3 * D)), full((1, D)), full((1, D))],
        out_specs=blk,
        out_shape=jax.ShapeDtypeStruct((N, D), jnp.float32),
    )(x_out, batch_col, stats, gamma, beta)


def kernel(x_tokens, edge_index, edge_attr_tokens, added_sym_edge, batch, emb,
           e_w1, e_b1, e_w2, e_b2, n1_w1, n1_b1, n1_w2, n1_b2,
           n2_w1, n2_b1, n2_w2, n2_b2, gamma, beta):
    x_tokens = x_tokens.astype(jnp.int32)
    edge_attr_tokens = edge_attr_tokens.astype(jnp.int32)
    edge_index = edge_index.astype(jnp.int32)
    added_sym_edge = added_sym_edge.astype(jnp.int32)
    batch = batch.astype(jnp.int32)

    x_sum = _xsum_sc(emb, jnp.transpose(x_tokens).reshape(-1))

    emb2 = jnp.concatenate([emb, -emb], axis=0)
    xr, xc, ea_sum = _edge_sc(x_sum, emb2,
                              jnp.transpose(edge_attr_tokens).reshape(-1),
                              edge_index.reshape(-1), added_sym_edge)

    r2 = lambda v: v.reshape(1, D)
    edge_out, msg = _edge_mlps(xr, xc, ea_sum, e_w1, r2(e_b1), e_w2, r2(e_b2),
                               n1_w1, r2(n1_b1), n1_w2, r2(n1_b2))

    part, cntp = _scatter_sc(msg, edge_index.reshape(-1))

    batch_row = batch.reshape(N // BN, 1, BN)
    x_out, stats = _node_mlp_stats(x_sum, part, cntp, batch_row,
                                   n2_w1, r2(n2_b1), n2_w2, r2(n2_b2))

    x_norm = _graph_norm(x_out, batch.reshape(N, 1), stats, r2(gamma), r2(beta))
    return (x_norm, edge_out)

# --- scband reference (transcript-rebuilt; emitter-appended) ---
"""Pipeline reference for scband-sgencoder-22376779612491 (READ-ONLY COPY).

The authoritative reference and input builder live on the scoring server;
editing this copy changes nothing except your own understanding.
"""

import jax, jax.numpy as jnp
import numpy as np

N = 10000
E = 160000
D = 128
VOCAB = 3000
TOK = 3
NG = 128
NSYM = 80000


def _mlp(x, w1, b1, w2, b2):
    h = jnp.maximum(x @ w1 + b1, 0.0)
    return h @ w2 + b2


def _scatter_mean(src, index, dim_size):
    s = jax.ops.segment_sum(src, index, num_segments=dim_size)
    cnt = jax.ops.segment_sum(jnp.ones((src.shape[0], 1), src.dtype), index, num_segments=dim_size)
    return s / jnp.maximum(cnt, 1.0)


def _glorot(key, fan_in, fan_out):
    lim = float(np.sqrt(6.0 / (fan_in + fan_out)))
    return jax.random.uniform(key, (fan_in, fan_out), jnp.float32, -lim, lim)


def setup_inputs(seed: int = 0):
    key = jax.random.key(seed)
    ks = jax.random.split(key, 16)
    inp = {}
    inp["x_tokens"] = jax.random.randint(ks[0], (N, TOK), 0, VOCAB)
    inp["edge_index"] = jax.random.randint(ks[1], (2, E), 0, N)
    inp["edge_attr_tokens"] = jax.random.randint(ks[2], (E, TOK), 0, VOCAB)
    inp["added_sym_edge"] = jax.random.randint(ks[3], (NSYM,), 0, E)
    inp["batch"] = jnp.sort(jax.random.randint(ks[4], (N,), 0, NG))
    emb = jax.random.normal(ks[5], (VOCAB, D), jnp.float32) * 0.02
    inp["emb"] = emb.at[0].set(0.0)
    inp["e_w1"] = _glorot(ks[6], 3 * D, D); inp["e_b1"] = jnp.zeros((D,), jnp.float32)
    inp["e_w2"] = _glorot(ks[7], D, D); inp["e_b2"] = jnp.zeros((D,), jnp.float32)
    inp["n1_w1"] = _glorot(ks[8], 2 * D, D); inp["n1_b1"] = jnp.zeros((D,), jnp.float32)
    inp["n1_w2"] = _glorot(ks[9], D, D); inp["n1_b2"] = jnp.zeros((D,), jnp.float32)
    inp["n2_w1"] = _glorot(ks[10], 2 * D, D); inp["n2_b1"] = jnp.zeros((D,), jnp.float32)
    inp["n2_w2"] = _glorot(ks[11], D, D); inp["n2_b2"] = jnp.zeros((D,), jnp.float32)
    inp["gamma"] = jnp.ones((D,), jnp.float32)
    inp["beta"] = jnp.zeros((D,), jnp.float32)
    return inp


def reference(x_tokens, edge_index, edge_attr_tokens, added_sym_edge, batch, emb, e_w1, e_b1, e_w2, e_b2, n1_w1, n1_b1, n1_w2, n1_b2, n2_w1, n2_b1, n2_w2, n2_b2, gamma, beta):
    # sg_vocab_embedding lookups (padding_idx=0 row is zero)
    x_embed = jnp.take(emb, x_tokens, axis=0)            # [N, TOK, D]
    x_sum = jnp.sum(x_embed, axis=-2)                     # [N, D]
    ea_embed = jnp.take(emb, edge_attr_tokens, axis=0)    # [E, TOK, D]
    # edge_attr_embed[added_sym_edge] *= -1 (apply once per edge, torch semantics)
    sym_mask = jnp.zeros((E,), jnp.bool_).at[added_sym_edge].set(True)
    ea_embed = jnp.where(sym_mask[:, None, None], -ea_embed, ea_embed)
    ea_sum = jnp.sum(ea_embed, axis=-2)                   # [E, D]
    row = edge_index[0]
    col = edge_index[1]
    # MetaLayer EdgeModel
    edge_out = _mlp(jnp.concatenate([x_sum[row], x_sum[col], ea_sum], axis=1), e_w1, e_b1, e_w2, e_b2)
    # MetaLayer NodeModel
    msg = _mlp(jnp.concatenate([x_sum[row], edge_out], axis=1), n1_w1, n1_b1, n1_w2, n1_b2)
    agg = _scatter_mean(msg, col, N)
    x_out = _mlp(jnp.concatenate([x_sum, agg], axis=1), n2_w1, n2_b1, n2_w2, n2_b2)
    # GraphLayerNorm: per-graph mean/var normalization
    mean = _scatter_mean(x_out, batch, NG)[batch]
    var = _scatter_mean((x_out - mean) ** 2, batch, NG)[batch]
    x_norm = (x_out - mean) / jnp.sqrt(var + 1e-5) * gamma + beta
    return (x_norm, edge_out)

if __name__ == "__main__":
    import jax
    _d = setup_inputs()
    print(jax.jit(kernel)(*tuple(_d.values())))

</pallas_src>

<mosaic_0001>
#map = affine_map<(d0, d1) -> (0, 0)>
#map1 = affine_map<(d0, d1) -> (0)>
module attributes {stable_mosaic.version = 14 : i64} {
  func.func @_xsum_sc_kernel(%arg0: i32, %arg1: i32, %arg2: memref<3000x128xf32, #tpu.memory_space<hbm>>, %arg3: memref<30000xi32, #tpu.memory_space<hbm>>, %arg4: memref<10000x128xf32, #tpu.memory_space<hbm>>, %arg5: memref<64xi32, #tpu.memory_space<vmem>>, %arg6: memref<64xi32, #tpu.memory_space<vmem>>, %arg7: memref<64xi32, #tpu.memory_space<vmem>>, %arg8: memref<3x64x128xf32, #tpu.memory_space<vmem>>, %arg9: memref<64x128xf32, #tpu.memory_space<vmem>>, %arg10: memref<!tpu.dma_semaphore, #tpu.memory_space<semaphore_mem>>) attributes {dimension_semantics = [#tpu.dimension_semantics<core_parallel>, #tpu.dimension_semantics<subcore_parallel>], iteration_bounds = array<i64: 2, 16>, scalar_prefetch = 0 : i64, scratch_operands = 6 : i64, tpu.core_type = #tpu.core_type<sc_vector_subcore>, window_params = [{transform_indices = #map}, {transform_indices = #map1}, {transform_indices = #map}]} {
    %mul3A = arith.constant 2 : i32
    %mul3A_0 = arith.muli %arg1, %mul3A : i32
    %add3A = arith.addi %mul3A_0, %arg0 : i32
    %scan3A = arith.constant 0 : i32
    %scan3A_1 = arith.constant 0 : i32
    %scan3A_2 = arith.constant 5 : i32
    %scan3A_3 = arith.addi %scan3A_1, %scan3A_2 : i32
    %scan3A_4 = arith.constant 1 : i32
    %scan3A_5 = scf.for %scan3A_7 = %scan3A_1 to %scan3A_3 step %scan3A_4 iter_args(%scan3A_8 = %scan3A) -> (i32)  : i32 {
      %mul3A_9 = arith.constant 32 : i32
      %mul3A_10 = arith.muli %scan3A_7, %mul3A_9 : i32
      %add3A_11 = arith.addi %add3A, %mul3A_10 : i32
      %lt3A = arith.constant 157 : i32
      %lt3A_12 = arith.cmpi slt, %add3A_11, %lt3A : i32
      %convert_element_type3A = arith.extui %lt3A_12 : i1 to i32
      %cond3A = arith.constant 0 : i32
      %cond3A_13 = arith.cmpi ne, %convert_element_type3A, %cond3A : i32
      scf.if %cond3A_13 {
        %mul3A_15 = arith.constant 64 : i32
        %mul3A_16 = arith.muli %add3A_11, %mul3A_15 : i32
        %min3A = arith.constant 9936 : i32
        %min3A_17 = arith.minsi %mul3A_16, %min3A : i32
        "tpu.region"() ({
          %run_scoped3A = tpu.sem_alloc : memref<!tpu.dma_semaphore, #tpu.memory_space<semaphore_mem>>
          %dma_start3A_75 = tpu.memref_slice %arg3[%min3A_17] : memref<30000xi32, #tpu.memory_space<hbm>> -> memref<64xi32, #tpu.memory_space<hbm>>
          %dma_start3A_76 = tpu.memref_slice %arg3[%min3A_17] : memref<30000xi32, #tpu.memory_space<hbm>> -> memref<64xi32, #tpu.memory_space<hbm>>
          tpu.enqueue_dma source(%dma_start3A_76 : memref<64xi32, #tpu.memory_space<hbm>>) target(%arg5 : memref<64xi32, #tpu.memory_space<vmem>>) target_semaphore(%run_scoped3A : memref<!tpu.dma_semaphore, #tpu.memory_space<semaphore_mem>>)
          %dma_wait3A_77 = tpu.memref_slice %arg3[%min3A_17] : memref<30000xi32, #tpu.memory_space<hbm>> -> memref<64xi32, #tpu.memory_space<hbm>>
          %dma_wait3A_78 = tpu.memref_slice %arg3[%min3A_17] : memref<30000xi32, #tpu.memory_space<hbm>> -> memref<64xi32, #tpu.memory_space<hbm>>
          tpu.wait_dma2 semaphore(%run_scoped3A : memref<!tpu.dma_semaphore, #tpu.memory_space<semaphore_mem>>) src(%dma_wait3A_78 : memref<64xi32, #tpu.memory_space<hbm>>) dst(%arg5 : memref<64xi32, #tpu.memory_space<vmem>>)
          tpu.yield
        }) : () -> ()
        %add3A_18 = arith.constant 10000 : i32
        %add3A_19 = arith.addi %add3A_18, %min3A_17 : i32
        "tpu.region"() ({
          %run_scoped3A = tpu.sem_alloc : memref<!tpu.dma_semaphore, #tpu.memory_space<semaphore_mem>>
          %dma_start3A_75 = tpu.memref_slice %arg3[%add3A_19] : memref<30000xi32, #tpu.memory_space<hbm>> -> memref<64xi32, #tpu.memory_space<hbm>>
          %dma_start3A_76 = tpu.memref_slice %arg3[%add3A_19] : memref<30000xi32, #tpu.memory_space<hbm>> -> memref<64xi32, #tpu.memory_space<hbm>>
          tpu.enqueue_dma source(%dma_start3A_76 : memref<64xi32, #tpu.memory_space<hbm>>) target(%arg6 : memref<64xi32, #tpu.memory_space<vmem>>) target_semaphore(%run_scoped3A : memref<!tpu.dma_semaphore, #tpu.memory_space<semaphore_mem>>)
          %dma_wait3A_77 = tpu.memref_slice %arg3[%add3A_19] : memref<30000xi32, #tpu.memory_space<hbm>> -> memref<64xi32, #tpu.memory_space<hbm>>
          %dma_wait3A_78 = tpu.memref_slice %arg3[%add3A_19] : memref<30000xi32, #tpu.memory_space<hbm>> -> memref<64xi32, #tpu.memory_space<hbm>>
          tpu.wait_dma2 semaphore(%run_scoped3A : memref<!tpu.dma_semaphore, #tpu.memory_space<semaphore_mem>>) src(%dma_wait3A_78 : memref<64xi32, #tpu.memory_space<hbm>>) dst(%arg6 : memref<64xi32, #tpu.memory_space<vmem>>)
          tpu.yield
        }) : () -> ()
        %add3A_20 = arith.constant 20000 : i32
        %add3A_21 = arith.addi %add3A_20, %min3A_17 : i32
        "tpu.region"() ({
          %run_scoped3A = tpu.sem_alloc : memref<!tpu.dma_semaphore, #tpu.memory_space<semaphore_mem>>
          %dma_start3A_75 = tpu.memref_slice %arg3[%add3A_21] : memref<30000xi32, #tpu.memory_space<hbm>> -> memref<64xi32, #tpu.memory_space<hbm>>
          %dma_start3A_76 = tpu.memref_slice %arg3[%add3A_21] : memref<30000xi32, #tpu.memory_space<hbm>> -> memref<64xi32, #tpu.memory_space<hbm>>
          tpu.enqueue_dma source(%dma_start3A_76 : memref<64xi32, #tpu.memory_space<hbm>>) target(%arg7 : memref<64xi32, #tpu.memory_space<vmem>>) target_semaphore(%run_scoped3A : memref<!tpu.dma_semaphore, #tpu.memory_space<semaphore_mem>>)
          %dma_wait3A_77 = tpu.memref_slice %arg3[%add3A_21] : memref<30000xi32, #tpu.memory_space<hbm>> -> memref<64xi32, #tpu.memory_space<hbm>>
          %dma_wait3A_78 = tpu.memref_slice %arg3[%add3A_21] : memref<30000xi32, #tpu.memory_space<hbm>> -> memref<64xi32, #tpu.memory_space<hbm>>
          tpu.wait_dma2 semaphore(%run_scoped3A : memref<!tpu.dma_semaphore, #tpu.memory_space<semaphore_mem>>) src(%dma_wait3A_78 : memref<64xi32, #tpu.memory_space<hbm>>) dst(%arg7 : memref<64xi32, #tpu.memory_space<vmem>>)
          tpu.yield
        }) : () -> ()
        %dma_start3A = arith.constant 0 : i32
        %dma_start3A_22 = arith.constant 0 : i32
        %dma_start3A_23 = arith.constant 0 : i32
        %dma_start3A_24 = tpu.memref_slice %arg8[%dma_start3A, %dma_start3A_22, %dma_start3A_23] : memref<3x64x128xf32, #tpu.memory_space<vmem>> -> memref<1x64x128xf32, #tpu.memory_space<vmem>>
        %dma_start3A_25 = tpu.memref_squeeze %dma_start3A_24 : memref<1x64x128xf32, #tpu.memory_space<vmem>> -> memref<64x128xf32, #tpu.memory_space<vmem>>
        %dma_start3A_26 = arith.constant 0 : i32
        %dma_start3A_27 = arith.constant 0 : i32
        %dma_start3A_28 = tpu.memref_slice %arg2[%dma_start3A_26, %dma_start3A_27] : memref<3000x128xf32, #tpu.memory_space<hbm>> -> memref<3000x128xf32, #tpu.memory_space<hbm>>
        tpu.enqueue_indirect_dma source(%dma_start3A_28 : memref<3000x128xf32, #tpu.memory_space<hbm>>) target(%dma_start3A_25 : memref<64x128xf32, #tpu.memory_space<vmem>>) offsets(%arg5 : memref<64xi32, #tpu.memory_space<vmem>>) semaphore(%arg10 : memref<!tpu.dma_semaphore, #tpu.memory_space<semaphore_mem>>)
        %dma_start3A_29 = arith.constant 1 : i32
        %dma_start3A_30 = arith.constant 0 : i32
        %dma_start3A_31 = arith.constant 0 : i32
        %dma_start3A_32 = tpu.memref_slice %arg8[%dma_start3A_29, %dma_start3A_30, %dma_start3A_31] : memref<3x64x128xf32, #tpu.memory_space<vmem>> -> memref<1x64x128xf32, #tpu.memory_space<vmem>>
        %dma_start3A_33 = tpu.memref_squeeze %dma_start3A_32 : memref<1x64x128xf32, #tpu.memory_space<vmem>> -> memref<64x128xf32, #tpu.memory_space<vmem>>
        %dma_start3A_34 = arith.constant 0 : i32
        %dma_start3A_35 = arith.constant 0 : i32
        %dma_start3A_36 = tpu.memref_slice %arg2[%dma_start3A_34, %dma_start3A_35] : memref<3000x128xf32, #tpu.memory_space<hbm>> -> memref<3000x128xf32, #tpu.memory_space<hbm>>
        tpu.enqueue_indirect_dma source(%dma_start3A_36 : memref<3000x128xf32, #tpu.memory_space<hbm>>) target(%dma_start3A_33 : memref<64x128xf32, #tpu.memory_space<vmem>>) offsets(%arg6 : memref<64xi32, #tpu.memory_space<vmem>>) semaphore(%arg10 : memref<!tpu.dma_semaphore, #tpu.memory_space<semaphore_mem>>)
        %dma_start3A_37 = arith.constant 2 : i32
        %dma_start3A_38 = arith.constant 0 : i32
        %dma_start3A_39 = arith.constant 0 : i32
        %dma_start3A_40 = tpu.memref_slice %arg8[%dma_start3A_37, %dma_start3A_38, %dma_start3A_39] : memref<3x64x128xf32, #tpu.memory_space<vmem>> -> memref<1x64x128xf32, #tpu.memory_space<vmem>>
        %dma_start3A_41 = tpu.memref_squeeze %dma_start3A_40 : memref<1x64x128xf32, #tpu.memory_space<vmem>> -> memref<64x128xf32, #tpu.memory_space<vmem>>
        %dma_start3A_42 = arith.constant 0 : i32
        %dma_start3A_43 = arith.constant 0 : i32
        %dma_start3A_44 = tpu.memref_slice %arg2[%dma_start3A_42, %dma_start3A_43] : memref<3000x128xf32, #tpu.memory_space<hbm>> -> memref<3000x128xf32, #tpu.memory_space<hbm>>
        tpu.enqueue_indirect_dma source(%dma_start3A_44 : memref<3000x128xf32, #tpu.memory_space<hbm>>) target(%dma_start3A_41 : memref<64x128xf32, #tpu.memory_space<vmem>>) offsets(%arg7 : memref<64xi32, #tpu.memory_space<vmem>>) semaphore(%arg10 : memref<!tpu.dma_semaphore, #tpu.memory_space<semaphore_mem>>)
        %dma_wait3A = arith.constant 0 : i32
        %dma_wait3A_45 = arith.constant 0 : i32
        %dma_wait3A_46 = arith.constant 0 : i32
        %dma_wait3A_47 = tpu.memref_slice %arg8[%dma_wait3A, %dma_wait3A_45, %dma_wait3A_46] : memref<3x64x128xf32, #tpu.memory_space<vmem>> -> memref<1x64x128xf32, #tpu.memory_space<vmem>>
        %dma_wait3A_48 = tpu.memref_squeeze %dma_wait3A_47 : memref<1x64x128xf32, #tpu.memory_space<vmem>> -> memref<64x128xf32, #tpu.memory_space<vmem>>
        %dma_wait3A_49 = arith.constant 0 : i32
        %dma_wait3A_50 = arith.constant 0 : i32
        %dma_wait3A_51 = tpu.memref_slice %arg2[%dma_wait3A_49, %dma_wait3A_50] : memref<3000x128xf32, #tpu.memory_space<hbm>> -> memref<3000x128xf32, #tpu.memory_space<hbm>>
        tpu.wait_indirect_dma semaphore(%arg10 : memref<!tpu.dma_semaphore, #tpu.memory_space<semaphore_mem>>) src(%dma_wait3A_51 : memref<3000x128xf32, #tpu.memory_space<hbm>>) dst(%dma_wait3A_48 : memref<64x128xf32, #tpu.memory_space<vmem>>)
        %dma_wait3A_52 = arith.constant 1 : i32
        %dma_wait3A_53 = arith.constant 0 : i32
        %dma_wait3A_54 = arith.constant 0 : i32
        %dma_wait3A_55 = tpu.memref_slice %arg8[%dma_wait3A_52, %dma_wait3A_53, %dma_wait3A_54] : memref<3x64x128xf32, #tpu.memory_space<vmem>> -> memref<1x64x128xf32, #tpu.memory_space<vmem>>
        %dma_wait3A_56 = tpu.memref_squeeze %dma_wait3A_55 : memref<1x64x128xf32, #tpu.memory_space<vmem>> -> memref<64x128xf32, #tpu.memory_space<vmem>>
        %dma_wait3A_57 = arith.constant 0 : i32
        %dma_wait3A_58 = arith.constant 0 : i32
        %dma_wait3A_59 = tpu.memref_slice %arg2[%dma_wait3A_57, %dma_wait3A_58] : memref<3000x128xf32, #tpu.memory_space<hbm>> -> memref<3000x128xf32, #tpu.memory_space<hbm>>
        tpu.wait_indirect_dma semaphore(%arg10 : memref<!tpu.dma_semaphore, #tpu.memory_space<semaphore_mem>>) src(%dma_wait3A_59 : memref<3000x128xf32, #tpu.memory_space<hbm>>) dst(%dma_wait3A_56 : memref<64x128xf32, #tpu.memory_space<vmem>>)
        %dma_wait3A_60 = arith.constant 2 : i32
        %dma_wait3A_61 = arith.constant 0 : i32
        %dma_wait3A_62 = arith.constant 0 : i32
        %dma_wait3A_63 = tpu.memref_slice %arg8[%dma_wait3A_60, %dma_wait3A_61, %dma_wait3A_62] : memref<3x64x128xf32, #tpu.memory_space<vmem>> -> memref<1x64x128xf32, #tpu.memory_space<vmem>>
        %dma_wait3A_64 = tpu.memref_squeeze %dma_wait3A_63 : memref<1x64x128xf32, #tpu.memory_space<vmem>> -> memref<64x128xf32, #tpu.memory_space<vmem>>
        %dma_wait3A_65 = arith.constant 0 : i32
        %dma_wait3A_66 = arith.constant 0 : i32
        %dma_wait3A_67 = tpu.memref_slice %arg2[%dma_wait3A_65, %dma_wait3A_66] : memref<3000x128xf32, #tpu.memory_space<hbm>> -> memref<3000x128xf32, #tpu.memory_space<hbm>>
        tpu.wait_indirect_dma semaphore(%arg10 : memref<!tpu.dma_semaphore, #tpu.memory_space<semaphore_mem>>) src(%dma_wait3A_67 : memref<3000x128xf32, #tpu.memory_space<hbm>>) dst(%dma_wait3A_64 : memref<64x128xf32, #tpu.memory_space<vmem>>)
        %scan3A_68 = arith.constant 0 : i32
        %scan3A_69 = arith.constant 0 : i32
        %scan3A_70 = arith.constant 64 : i32
        %scan3A_71 = arith.addi %scan3A_69, %scan3A_70 : i32
        %scan3A_72 = arith.constant 1 : i32
        %scan3A_73 = scf.for %scan3A_75 = %scan3A_69 to %scan3A_71 step %scan3A_72 iter_args(%scan3A_76 = %scan3A_68) -> (i32)  : i32 {
          %get3A = arith.constant 0 : i32
          %get3A_77 = arith.index_cast %get3A : i32 to index
          %get3A_78 = arith.index_cast %scan3A_75 : i32 to index
          %get3A_79 = arith.constant 0 : index
          %get3A_80 = tpu.vector_load %arg8[%get3A_77, %get3A_78, %get3A_79] {strides = array<i32>} : memref<3x64x128xf32, #tpu.memory_space<vmem>>, vector<16xf32>,
          %get3A_81 = arith.constant 1 : i32
          %get3A_82 = arith.index_cast %get3A_81 : i32 to index
          %get3A_83 = arith.index_cast %scan3A_75 : i32 to index
          %get3A_84 = arith.constant 0 : index
          %get3A_85 = tpu.vector_load %arg8[%get3A_82, %get3A_83, %get3A_84] {strides = array<i32>} : memref<3x64x128xf32, #tpu.memory_space<vmem>>, vector<16xf32>,
          %add3A_86 = arith.addf %get3A_80, %get3A_85 : vector<16xf32>
          %get3A_87 = arith.constant 2 : i32
          %get3A_88 = arith.index_cast %get3A_87 : i32 to index
          %get3A_89 = arith.index_cast %scan3A_75 : i32 to index
          %get3A_90 = arith.constant 0 : index
          %get3A_91 = tpu.vector_load %arg8[%get3A_88, %get3A_89, %get3A_90] {strides = array<i32>} : memref<3x64x128xf32, #tpu.memory_space<vmem>>, vector<16xf32>,
          %add3A_92 = arith.addf %add3A_86, %get3A_91 : vector<16xf32>
          %swap3A = arith.index_cast %scan3A_75 : i32 to index
          %swap3A_93 = arith.constant 0 : index
          %swap3A_94 = tpu.vector_load %arg9[%swap3A, %swap3A_93] {strides = array<i32>} : memref<64x128xf32, #tpu.memory_space<vmem>>, vector<16xf32>,
          tpu.vector_store %arg9[%swap3A, %swap3A_93], %add3A_92 {strides = array<i32>} : memref<64x128xf32, #tpu.memory_space<vmem>>, vector<16xf32>,
          %get3A_95 = arith.constant 0 : i32
          %get3A_96 = arith.index_cast %get3A_95 : i32 to index
          %get3A_97 = arith.index_cast %scan3A_75 : i32 to index
          %get3A_98 = arith.constant 16 : index
          %get3A_99 = tpu.vector_load %arg8[%get3A_96, %get3A_97, %get3A_98] {strides = array<i32>} : memref<3x64x128xf32, #tpu.memory_space<vmem>>, vector<16xf32>,
          %get3A_100 = arith.constant 1 : i32
          %get3A_101 = arith.index_cast %get3A_100 : i32 to index
          %get3A_102 = arith.index_cast %scan3A_75 : i32 to index
          %get3A_103 = arith.constant 16 : index
          %get3A_104 = tpu.vector_load %arg8[%get3A_101, %get3A_102, %get3A_103] {strides = array<i32>} : memref<3x64x128xf32, #tpu.memory_space<vmem>>, vector<16xf32>,
          %add3A_105 = arith.addf %get3A_99, %get3A_104 : vector<16xf32>
          %get3A_106 = arith.constant 2 : i32
          %get3A_107 = arith.index_cast %get3A_106 : i32 to index
          %get3A_108 = arith.index_cast %scan3A_75 : i32 to index
          %get3A_109 = arith.constant 16 : index
          %get3A_110 = tpu.vector_load %arg8[%get3A_107, %get3A_108, %get3A_109] {strides = array<i32>} : memref<3x64x128xf32, #tpu.memory_space<vmem>>, vector<16xf32>,
          %add3A_111 = arith.addf %add3A_105, %get3A_110 : vector<16xf32>
          %swap3A_112 = arith.index_cast %scan3A_75 : i32 to index
          %swap3A_113 = arith.constant 16 : index
          %swap3A_114 = tpu.vector_load %arg9[%swap3A_112, %swap3A_113] {strides = array<i32>} : memref<64x128xf32, #tpu.memory_space<vmem>>, vector<16xf32>,
          tpu.vector_store %arg9[%swap3A_112, %swap3A_113], %add3A_111 {strides = array<i32>} : memref<64x128xf32, #tpu.memory_space<vmem>>, vector<16xf32>,
          %get3A_115 = arith.constant 0 : i32
          %get3A_116 = arith.index_cast %get3A_115 : i32 to index
          %get3A_117 = arith.index_cast %scan3A_75 : i32 to index
          %get3A_118 = arith.constant 32 : index
          %get3A_119 = tpu.vector_load %arg8[%get3A_116, %get3A_117, %get3A_118] {strides = array<i32>} : memref<3x64x128xf32, #tpu.memory_space<vmem>>, vector<16xf32>,
          %get3A_120 = arith.constant 1 : i32
          %get3A_121 = arith.index_cast %get3A_120 : i32 to index
          %get3A_122 = arith.index_cast %scan3A_75 : i32 to index
          %get3A_123 = arith.constant 32 : index
          %get3A_124 = tpu.vector_load %arg8[%get3A_121, %get3A_122, %get3A_123] {strides = array<i32>} : memref<3x64x128xf32, #tpu.memory_space<vmem>>, vector<16xf32>,
          %add3A_125 = arith.addf %get3A_119, %get3A_124 : vector<16xf32>
          %get3A_126 = arith.constant 2 : i32
          %get3A_127 = arith.index_cast %get3A_126 : i32 to index
          %get3A_128 = arith.index_cast %scan3A_75 : i32 to index
          %get3A_129 = arith.constant 32 : index
          %get3A_130 = tpu.vector_load %arg8[%get3A_127, %get3A_128, %get3A_129] {strides = array<i32>} : memref<3x64x128xf32, #tpu.memory_space<vmem>>, vector<16xf32>,
          %add3A_131 = arith.addf %add3A_125, %get3A_130 : vector<16xf32>
          %swap3A_132 = arith.index_cast %scan3A_75 : i32 to index
          %swap3A_133 = arith.constant 32 : index
          %swap3A_134 = tpu.vector_load %arg9[%swap3A_132, %swap3A_133] {strides = array<i32>} : memref<64x128xf32, #tpu.memory_space<vmem>>, vector<16xf32>,
          tpu.vector_store %arg9[%swap3A_132, %swap3A_133], %add3A_131 {strides = array<i32>} : memref<64x128xf32, #tpu.memory_space<vmem>>, vector<16xf32>,
          %get3A_135 = arith.constant 0 : i32
          %get3A_136 = arith.index_cast %get3A_135 : i32 to index
          %get3A_137 = arith.index_cast %scan3A_75 : i32 to index
          %get3A_138 = arith.constant 48 : index
          %get3A_139 = tpu.vector_load %arg8[%get3A_136, %get3A_137, %get3A_138] {strides = array<i32>} : memref<3x64x128xf32, #tpu.memory_space<vmem>>, vector<16xf32>,
          %get3A_140 = arith.constant 1 : i32
          %get3A_141 = arith.index_cast %get3A_140 : i32 to index
          %get3A_142 = arith.index_cast %scan3A_75 : i32 to index
          %get3A_143 = arith.constant 48 : index
          %get3A_144 = tpu.vector_load %arg8[%get3A_141, %get3A_142, %get3A_143] {strides = array<i32>} : memref<3x64x128xf32, #tpu.memory_space<vmem>>, vector<16xf32>,
          %add3A_145 = arith.addf %get3A_139, %get3A_144 : vector<16xf32>
          %get3A_146 = arith.constant 2 : i32
          %get3A_147 = arith.index_cast %get3A_146 : i32 to index
          %get3A_148 = arith.index_cast %scan3A_75 : i32 to index
          %get3A_149 = arith.constant 48 : index
          %get3A_150 = tpu.vector_load %arg8[%get3A_147, %get3A_148, %get3A_149] {strides = array<i32>} : memref<3x64x128xf32, #tpu.memory_space<vmem>>, vector<16xf32>,
          %add3A_151 = arith.addf %add3A_145, %get3A_150 : vector<16xf32>
          %swap3A_152 = arith.index_cast %scan3A_75 : i32 to index
          %swap3A_153 = arith.constant 48 : index
          %swap3A_154 = tpu.vector_load %arg9[%swap3A_152, %swap3A_153] {strides = array<i32>} : memref<64x128xf32, #tpu.memory_space<vmem>>, vector<16xf32>,
          tpu.vector_store %arg9[%swap3A_152, %swap3A_153], %add3A_151 {strides = array<i32>} : memref<64x128xf32, #tpu.memory_space<vmem>>, vector<16xf32>,
          %get3A_155 = arith.constant 0 : i32
          %get3A_156 = arith.index_cast %get3A_155 : i32 to index
          %get3A_157 = arith.index_cast %scan3A_75 : i32 to index
          %get3A_158 = arith.constant 64 : index
          %get3A_159 = tpu.vector_load %arg8[%get3A_156, %get3A_157, %get3A_158] {strides = array<i32>} : memref<3x64x128xf32, #tpu.memory_space<vmem>>, vector<16xf32>,
          %get3A_160 = arith.constant 1 : i32
          %get3A_161 = arith.index_cast %get3A_160 : i32 to index
          %get3A_162 = arith.index_cast %scan3A_75 : i32 to index
          %get3A_163 = arith.constant 64 : index
          %get3A_164 = tpu.vector_load %arg8[%get3A_161, %get3A_162, %get3A_163] {strides = array<i32>} : memref<3x64x128xf32, #tpu.memory_space<vmem>>, vector<16xf32>,
          %add3A_165 = arith.addf %get3A_159, %get3A_164 : vector<16xf32>
          %get3A_166 = arith.constant 2 : i32
          %get3A_167 = arith.index_cast %get3A_166 : i32 to index
          %get3A_168 = arith.index_cast %scan3A_75 : i32 to index
          %get3A_169 = arith.constant 64 : index
          %get3A_170 = tpu.vector_load %arg8[%get3A_167, %get3A_168, %get3A_169] {strides = array<i32>} : memref<3x64x128xf32, #tpu.memory_space<vmem>>, vector<16xf32>,
          %add3A_171 = arith.addf %add3A_165, %get3A_170 : vector<16xf32>
          %swap3A_172 = arith.index_cast %scan3A_75 : i32 to index
          %swap3A_173 = arith.constant 64 : index
          %swap3A_174 = tpu.vector_load %arg9[%swap3A_172, %swap3A_173] {strides = array<i32>} : memref<64x128xf32, #tpu.memory_space<vmem>>, vector<16xf32>,
          tpu.vector_store %arg9[%swap3A_172, %swap3A_173], %add3A_171 {strides = array<i32>} : memref<64x128xf32, #tpu.memory_space<vmem>>, vector<16xf32>,
          %get3A_175 = arith.constant 0 : i32
          %get3A_176 = arith.index_cast %get3A_175 : i32 to index
          %get3A_177 = arith.index_cast %scan3A_75 : i32 to index
          %get3A_178 = arith.constant 80 : index
          %get3A_179 = tpu.vector_load %arg8[%get3A_176, %get3A_177, %get3A_178] {strides = array<i32>} : memref<3x64x128xf32, #tpu.memory_space<vmem>>, vector<16xf32>,
          %get3A_180 = arith.constant 1 : i32
          %get3A_181 = arith.index_cast %get3A_180 : i32 to index
          %get3A_182 = arith.index_cast %scan3A_75 : i32 to index
          %get3A_183 = arith.constant 80 : index
          %get3A_184 = tpu.vector_load %arg8[%get3A_181, %get3A_182, %get3A_183] {strides = array<i32>} : memref<3x64x128xf32, #tpu.memory_space<vmem>>, vector<16xf32>,
          %add3A_185 = arith.addf %get3A_179, %get3A_184 : vector<16xf32>
          %get3A_186 = arith.constant 2 : i32
          %get3A_187 = arith.index_cast %get3A_186 : i32 to index
          %get3A_188 = arith.index_cast %scan3A_75 : i32 to index
          %get3A_189 = arith.constant 80 : index
          %get3A_190 = tpu.vector_load %arg8[%get3A_187, %get3A_188, %get3A_189] {strides = array<i32>} : memref<3x64x128xf32, #tpu.memory_space<vmem>>, vector<16xf32>,
          %add3A_191 = arith.addf %add3A_185, %get3A_190 : vector<16xf32>
          %swap3A_192 = arith.index_cast %scan3A_75 : i32 to index
          %swap3A_193 = arith.constant 80 : index
          %swap3A_194 = tpu.vector_load %arg9[%swap3A_192, %swap3A_193] {strides = array<i32>} : memref<64x128xf32, #tpu.memory_space<vmem>>, vector<16xf32>,
          tpu.vector_store %arg9[%swap3A_192, %swap3A_193], %add3A_191 {strides = array<i32>} : memref<64x128xf32, #tpu.memory_space<vmem>>, vector<16xf32>,
          %get3A_195 = arith.constant 0 : i32
          %get3A_196 = arith.index_cast %get3A_195 : i32 to index
          %get3A_197 = arith.index_cast %scan3A_75 : i32 to index
          %get3A_198 = arith.constant 96 : index
          %get3A_199 = tpu.vector_load %arg8[%get3A_196, %get3A_197, %get3A_198] {strides = array<i32>} : memref<3x64x128xf32, #tpu.memory_space<vmem>>, vector<16xf32>,
          %get3A_200 = arith.constant 1 : i32
          %get3A_201 = arith.index_cast %get3A_200 : i32 to index
          %get3A_202 = arith.index_cast %scan3A_75 : i32 to index
          %get3A_203 = arith.constant 96 : index
          %get3A_204 = tpu.vector_load %arg8[%get3A_201, %get3A_202, %get3A_203] {strides = array<i32>} : memref<3x64x128xf32, #tpu.memory_space<vmem>>, vector<16xf32>,
          %add3A_205 = arith.addf %get3A_199, %get3A_204 : vector<16xf32>
          %get3A_206 = arith.constant 2 : i32
          %get3A_207 = arith.index_cast %get3A_206 : i32 to index
          %get3A_208 = arith.index_cast %scan3A_75 : i32 to index
          %get3A_209 = arith.constant 96 : index
          %get3A_210 = tpu.vector_load %arg8[%get3A_207, %get3A_208, %get3A_209] {strides = array<i32>} : memref<3x64x128xf32, #tpu.memory_space<vmem>>, vector<16xf32>,
          %add3A_211 = arith.addf %add3A_205, %get3A_210 : vector<16xf32>
          %swap3A_212 = arith.index_cast %scan3A_75 : i32 to index
          %swap3A_213 = arith.constant 96 : index
          %swap3A_214 = tpu.vector_load %arg9[%swap3A_212, %swap3A_213] {strides = array<i32>} : memref<64x128xf32, #tpu.memory_space<vmem>>, vector<16xf32>,
          tpu.vector_store %arg9[%swap3A_212, %swap3A_213], %add3A_211 {strides = array<i32>} : memref<64x128xf32, #tpu.memory_space<vmem>>, vector<16xf32>,
          %get3A_215 = arith.constant 0 : i32
          %get3A_216 = arith.index_cast %get3A_215 : i32 to index
          %get3A_217 = arith.index_cast %scan3A_75 : i32 to index
          %get3A_218 = arith.constant 112 : index
          %get3A_219 = tpu.vector_load %arg8[%get3A_216, %get3A_217, %get3A_218] {strides = array<i32>} : memref<3x64x128xf32, #tpu.memory_space<vmem>>, vector<16xf32>,
          %get3A_220 = arith.constant 1 : i32
          %get3A_221 = arith.index_cast %get3A_220 : i32 to index
          %get3A_222 = arith.index_cast %scan3A_75 : i32 to index
          %get3A_223 = arith.constant 112 : index
          %get3A_224 = tpu.vector_load %arg8[%get3A_221, %get3A_222, %get3A_223] {strides = array<i32>} : memref<3x64x128xf32, #tpu.memory_space<vmem>>, vector<16xf32>,
          %add3A_225 = arith.addf %get3A_219, %get3A_224 : vector<16xf32>
          %get3A_226 = arith.constant 2 : i32
          %get3A_227 = arith.index_cast %get3A_226 : i32 to index
          %get3A_228 = arith.index_cast %scan3A_75 : i32 to index
          %get3A_229 = arith.constant 112 : index
          %get3A_230 = tpu.vector_load %arg8[%get3A_227, %get3A_228, %get3A_229] {strides = array<i32>} : memref<3x64x128xf32, #tpu.memory_space<vmem>>, vector<16xf32>,
          %add3A_231 = arith.addf %add3A_225, %get3A_230 : vector<16xf32>
          %swap3A_232 = arith.index_cast %scan3A_75 : i32 to index
          %swap3A_233 = arith.constant 112 : index
          %swap3A_234 = tpu.vector_load %arg9[%swap3A_232, %swap3A_233] {strides = array<i32>} : memref<64x128xf32, #tpu.memory_space<vmem>>, vector<16xf32>,
          tpu.vector_store %arg9[%swap3A_232, %swap3A_233], %add3A_231 {strides = array<i32>} : memref<64x128xf32, #tpu.memory_space<vmem>>, vector<16xf32>,
          %scan3A_235 = arith.constant 0 : i32
          scf.yield %scan3A_235 : i32
        }
        %scan3A_74 = arith.constant 64 : i32
        "tpu.region"() ({
          %run_scoped3A = tpu.sem_alloc : memref<!tpu.dma_semaphore, #tpu.memory_space<semaphore_mem>>
          %dma_start3A_75 = arith.constant 0 : i32
          %dma_start3A_76 = tpu.memref_slice %arg4[%min3A_17, %dma_start3A_75] : memref<10000x128xf32, #tpu.memory_space<hbm>> -> memref<64x128xf32, #tpu.memory_space<hbm>>
          %dma_start3A_77 = arith.constant 0 : i32
          %dma_start3A_78 = tpu.memref_slice %arg4[%min3A_17, %dma_start3A_77] : memref<10000x128xf32, #tpu.memory_space<hbm>> -> memref<64x128xf32, #tpu.memory_space<hbm>>
          tpu.enqueue_dma source(%arg9 : memref<64x128xf32, #tpu.memory_space<vmem>>) target(%dma_start3A_78 : memref<64x128xf32, #tpu.memory_space<hbm>>) target_semaphore(%run_scoped3A : memref<!tpu.dma_semaphore, #tpu.memory_space<semaphore_mem>>)
          %dma_wait3A_79 = arith.constant 0 : i32
          %dma_wait3A_80 = tpu.memref_slice %arg4[%min3A_17, %dma_wait3A_79] : memref<10000x128xf32, #tpu.memory_space<hbm>> -> memref<64x128xf32, #tpu.memory_space<hbm>>
          %dma_wait3A_81 = arith.constant 0 : i32
          %dma_wait3A_82 = tpu.memref_slice %arg4[%min3A_17, %dma_wait3A_81] : memref<10000x128xf32, #tpu.memory_space<hbm>> -> memref<64x128xf32, #tpu.memory_space<hbm>>
          tpu.wait_dma2 semaphore(%run_scoped3A : memref<!tpu.dma_semaphore, #tpu.memory_space<semaphore_mem>>) src(%arg9 : memref<64x128xf32, #tpu.memory_space<vmem>>) dst(%dma_wait3A_82 : memref<64x128xf32, #tpu.memory_space<hbm>>)
          tpu.yield
        }) : () -> ()
      } else {
      }
      %scan3A_14 = arith.constant 0 : i32
      scf.yield %scan3A_14 : i32
    }
    %scan3A_6 = arith.constant 5 : i32
    return
  }
}

#map = affine_map<(d0, d1) -> (0, 0)>
#map1 = affine_map<(d0, d1) -> (0)>
#map2 = affine_map<(d0, d1) -> (0, 0, 0)>
module attributes {stable_mosaic.version = 14 : i64} {
  func.func @_scatter_sc_kernel(%arg0: i32, %arg1: i32, %arg2: memref<160000x128xf32, #tpu.memory_space<hbm>>, %arg3: memref<320000xi32, #tpu.memory_space<hbm>>, %arg4: memref<2x10000x128xf32, #tpu.memory_space<hbm>>, %arg5: memref<2x10000x16xf32, #tpu.memory_space<hbm>>, %arg6: memref<5056xi32, #tpu.memory_space<vmem>>, %arg7: memref<64xi32, #tpu.memory_space<vmem>>, %arg8: memref<64x128xf32, #tpu.memory_space<vmem>>, %arg9: memref<64xi32, #tpu.memory_space<vmem>>, %arg10: memref<64x128xf32, #tpu.memory_space<vmem>>, %arg11: memref<64x16xf32, #tpu.memory_space<vmem>>, %arg12: memref<156x128xf32, #tpu.memory_space<vmem>>, %arg13: memref<312x16xf32, #tpu.memory_space<vmem>>, %arg14: memref<5008x128xf32, #tpu.memory_space<vmem_shared>>, %arg15: memref<5008x16xf32, #tpu.memory_space<vmem_shared>>, %arg16: memref<!tpu.dma_semaphore, #tpu.memory_space<semaphore_mem>>, %arg17: memref<!tpu.dma_semaphore, #tpu.memory_space<semaphore_mem>>, %arg18: memref<!tpu.dma_semaphore, #tpu.memory_space<semaphore_mem>>, %arg19: memref<!tpu.dma_semaphore, #tpu.memory_space<semaphore_mem>>) attributes {dimension_semantics = [#tpu.dimension_semantics<core_parallel>, #tpu.dimension_semantics<subcore_parallel>], iteration_bounds = array<i64: 2, 16>, scalar_prefetch = 0 : i64, scratch_operands = 14 : i64, tpu.core_type = #tpu.core_type<sc_vector_subcore>, window_params = [{transform_indices = #map}, {transform_indices = #map1}, {transform_indices = #map2}, {transform_indices = #map2}]} {
    %mul3A = arith.constant 2 : i32
    %mul3A_0 = arith.muli %arg1, %mul3A : i32
    %add3A = arith.addi %mul3A_0, %arg0 : i32
    %mul3A_1 = arith.constant 78 : i32
    %mul3A_2 = arith.muli %add3A, %mul3A_1 : i32
    %min3A = arith.constant 4 : i32
    %min3A_3 = arith.minsi %add3A, %min3A : i32
    %add3A_4 = arith.addi %mul3A_2, %min3A_3 : i32
    %mul3A_5 = arith.constant 64 : i32
    %mul3A_6 = arith.muli %add3A_4, %mul3A_5 : i32
    %broadcast_in_dim3A = arith.constant 0.000000e+00 : f32
    %broadcast_in_dim3A_7 = vector.broadcast %broadcast_in_dim3A : f32 to vector<16xf32>
    %broadcast_in_dim3A_8 = arith.constant 1.000000e+00 : f32
    %broadcast_in_dim3A_9 = vector.broadcast %broadcast_in_dim3A_8 : f32 to vector<16xf32>
    %scan3A = arith.constant 0 : i32
    %scan3A_10 = arith.constant 0 : i32
    %scan3A_11 = arith.constant 156 : i32
    %scan3A_12 = arith.addi %scan3A_10, %scan3A_11 : i32
    %scan3A_13 = arith.constant 1 : i32
    %scan3A_14 = scf.for %scan3A_182 = %scan3A_10 to %scan3A_12 step %scan3A_13 iter_args(%scan3A_183 = %scan3A) -> (i32)  : i32 {
      %swap3A = arith.index_cast %scan3A_182 : i32 to index
      %swap3A_184 = arith.constant 0 : index
      %swap3A_185 = tpu.vector_load %arg12[%swap3A, %swap3A_184] {strides = array<i32>} : memref<156x128xf32, #tpu.memory_space<vmem>>, vector<16xf32>,
      tpu.vector_store %arg12[%swap3A, %swap3A_184], %broadcast_in_dim3A_7 {strides = array<i32>} : memref<156x128xf32, #tpu.memory_space<vmem>>, vector<16xf32>,
      %swap3A_186 = arith.index_cast %scan3A_182 : i32 to index
      %swap3A_187 = arith.constant 16 : index
      %swap3A_188 = tpu.vector_load %arg12[%swap3A_186, %swap3A_187] {strides = array<i32>} : memref<156x128xf32, #tpu.memory_space<vmem>>, vector<16xf32>,
      tpu.vector_store %arg12[%swap3A_186, %swap3A_187], %broadcast_in_dim3A_7 {strides = array<i32>} : memref<156x128xf32, #tpu.memory_space<vmem>>, vector<16xf32>,
      %swap3A_189 = arith.index_cast %scan3A_182 : i32 to index
      %swap3A_190 = arith.constant 32 : index
      %swap3A_191 = tpu.vector_load %arg12[%swap3A_189, %swap3A_190] {strides = array<i32>} : memref<156x128xf32, #tpu.memory_space<vmem>>, vector<16xf32>,
      tpu.vector_store %arg12[%swap3A_189, %swap3A_190], %broadcast_in_dim3A_7 {strides = array<i32>} : memref<156x128xf32, #tpu.memory_space<vmem>>, vector<16xf32>,
      %swap3A_192 = arith.index_cast %scan3A_182 : i32 to index
      %swap3A_193 = arith.constant 48 : index
      %swap3A_194 = tpu.vector_load %arg12[%swap3A_192, %swap3A_193] {strides = array<i32>} : memref<156x128xf32, #tpu.memory_space<vmem>>, vector<16xf32>,
      tpu.vector_store %arg12[%swap3A_192, %swap3A_193], %broadcast_in_dim3A_7 {strides = array<i32>} : memref<156x128xf32, #tpu.memory_space<vmem>>, vector<16xf32>,
      %swap3A_195 = arith.index_cast %scan3A_182 : i32 to index
      %swap3A_196 = arith.constant 64 : index
      %swap3A_197 = tpu.vector_load %arg12[%swap3A_195, %swap3A_196] {strides = array<i32>} : memref<156x128xf32, #tpu.memory_space<vmem>>, vector<16xf32>,
      tpu.vector_store %arg12[%swap3A_195, %swap3A_196], %broadcast_in_dim3A_7 {strides = array<i32>} : memref<156x128xf32, #tpu.memory_space<vmem>>, vector<16xf32>,
      %swap3A_198 = arith.index_cast %scan3A_182 : i32 to index
      %swap3A_199 = arith.constant 80 : index
      %swap3A_200 = tpu.vector_load %arg12[%swap3A_198, %swap3A_199] {strides = array<i32>} : memref<156x128xf32, #tpu.memory_space<vmem>>, vector<16xf32>,
      tpu.vector_store %arg12[%swap3A_198, %swap3A_199], %broadcast_in_dim3A_7 {strides = array<i32>} : memref<156x128xf32, #tpu.memory_space<vmem>>, vector<16xf32>,
      %swap3A_201 = arith.index_cast %scan3A_182 : i32 to index
      %swap3A_202 = arith.constant 96 : index
      %swap3A_203 = tpu.vector_load %arg12[%swap3A_201, %swap3A_202] {strides = array<i32>} : memref<156x128xf32, #tpu.memory_space<vmem>>, vector<16xf32>,
      tpu.vector_store %arg12[%swap3A_201, %swap3A_202], %broadcast_in_dim3A_7 {strides = array<i32>} : memref<156x128xf32, #tpu.memory_space<vmem>>, vector<16xf32>,
      %swap3A_204 = arith.index_cast %scan3A_182 : i32 to index
      %swap3A_205 = arith.constant 112 : index
      %swap3A_206 = tpu.vector_load %arg12[%swap3A_204, %swap3A_205] {strides = array<i32>} : memref<156x128xf32, #tpu.memory_space<vmem>>, vector<16xf32>,
      tpu.vector_store %arg12[%swap3A_204, %swap3A_205], %broadcast_in_dim3A_7 {strides = array<i32>} : memref<156x128xf32, #tpu.memory_space<vmem>>, vector<16xf32>,
      %scan3A_207 = arith.constant 0 : i32
      scf.yield %scan3A_207 : i32
    }
    %scan3A_15 = arith.constant 156 : i32
    %scan3A_16 = arith.constant 0 : i32
    %scan3A_17 = arith.constant 0 : i32
    %scan3A_18 = arith.constant 312 : i32
    %scan3A_19 = arith.addi %scan3A_17, %scan3A_18 : i32
    %scan3A_20 = arith.constant 1 : i32
    %scan3A_21 = scf.for %scan3A_182 = %scan3A_17 to %scan3A_19 step %scan3A_20 iter_args(%scan3A_183 = %scan3A_16) -> (i32)  : i32 {
      %swap3A = arith.index_cast %scan3A_182 : i32 to index
      %swap3A_184 = arith.constant 0 : index
      %swap3A_185 = tpu.vector_load %arg13[%swap3A, %swap3A_184] {strides = array<i32>} : memref<312x16xf32, #tpu.memory_space<vmem>>, vector<16xf32>,
      tpu.vector_store %arg13[%swap3A, %swap3A_184], %broadcast_in_dim3A_7 {strides = array<i32>} : memref<312x16xf32, #tpu.memory_space<vmem>>, vector<16xf32>,
      %scan3A_186 = arith.constant 0 : i32
      scf.yield %scan3A_186 : i32
    }
    %scan3A_22 = arith.constant 312 : i32
    %scan3A_23 = arith.constant 0 : i32
    %scan3A_24 = arith.constant 0 : i32
    %scan3A_25 = arith.constant 64 : i32
    %scan3A_26 = arith.addi %scan3A_24, %scan3A_25 : i32
    %scan3A_27 = arith.constant 1 : i32
    %scan3A_28 = scf.for %scan3A_182 = %scan3A_24 to %scan3A_26 step %scan3A_27 iter_args(%scan3A_183 = %scan3A_23) -> (i32)  : i32 {
      %swap3A = arith.index_cast %scan3A_182 : i32 to index
      %swap3A_184 = arith.constant 0 : index
      %swap3A_185 = tpu.vector_load %arg11[%swap3A, %swap3A_184] {strides = array<i32>} : memref<64x16xf32, #tpu.memory_space<vmem>>, vector<16xf32>,
      tpu.vector_store %arg11[%swap3A, %swap3A_184], %broadcast_in_dim3A_9 {strides = array<i32>} : memref<64x16xf32, #tpu.memory_space<vmem>>, vector<16xf32>,
      %scan3A_186 = arith.constant 0 : i32
      scf.yield %scan3A_186 : i32
    }
    %scan3A_29 = arith.constant 64 : i32
    %add3A_30 = arith.constant 160000 : i32
    %add3A_31 = arith.addi %add3A_30, %mul3A_6 : i32
    "tpu.region"() ({
      %run_scoped3A = tpu.sem_alloc : memref<!tpu.dma_semaphore, #tpu.memory_space<semaphore_mem>>
      %dma_start3A = arith.constant 0 : i32
      %dma_start3A_182 = tpu.memref_slice %arg6[%dma_start3A] : memref<5056xi32, #tpu.memory_space<vmem>> -> memref<4992xi32, #tpu.memory_space<vmem>>
      %dma_start3A_183 = tpu.memref_slice %arg3[%add3A_31] : memref<320000xi32, #tpu.memory_space<hbm>> -> memref<4992xi32, #tpu.memory_space<hbm>>
      %dma_start3A_184 = arith.constant 0 : i32
      %dma_start3A_185 = tpu.memref_slice %arg6[%dma_start3A_184] : memref<5056xi32, #tpu.memory_space<vmem>> -> memref<4992xi32, #tpu.memory_space<vmem>>
      %dma_start3A_186 = tpu.memref_slice %arg3[%add3A_31] : memref<320000xi32, #tpu.memory_space<hbm>> -> memref<4992xi32, #tpu.memory_space<hbm>>
      tpu.enqueue_dma source(%dma_start3A_186 : memref<4992xi32, #tpu.memory_space<hbm>>) target(%dma_start3A_185 : memref<4992xi32, #tpu.memory_space<vmem>>) target_semaphore(%run_scoped3A : memref<!tpu.dma_semaphore, #tpu.memory_space<semaphore_mem>>)
      %dma_wait3A_187 = arith.constant 0 : i32
      %dma_wait3A_188 = tpu.memref_slice %arg6[%dma_wait3A_187] : memref<5056xi32, #tpu.memory_space<vmem>> -> memref<4992xi32, #tpu.memory_space<vmem>>
      %dma_wait3A_189 = tpu.memref_slice %arg3[%add3A_31] : memref<320000xi32, #tpu.memory_space<hbm>> -> memref<4992xi32, #tpu.memory_space<hbm>>
      %dma_wait3A_190 = arith.constant 0 : i32
      %dma_wait3A_191 = tpu.memref_slice %arg6[%dma_wait3A_190] : memref<5056xi32, #tpu.memory_space<vmem>> -> memref<4992xi32, #tpu.memory_space<vmem>>
      %dma_wait3A_192 = tpu.memref_slice %arg3[%add3A_31] : memref<320000xi32, #tpu.memory_space<hbm>> -> memref<4992xi32, #tpu.memory_space<hbm>>
      tpu.wait_dma2 semaphore(%run_scoped3A : memref<!tpu.dma_semaphore, #tpu.memory_space<semaphore_mem>>) src(%dma_wait3A_192 : memref<4992xi32, #tpu.memory_space<hbm>>) dst(%dma_wait3A_191 : memref<4992xi32, #tpu.memory_space<vmem>>)
      tpu.yield
    }) : () -> ()
    %lt3A = arith.constant 4 : i32
    %lt3A_32 = arith.cmpi slt, %add3A, %lt3A : i32
    %convert_element_type3A = arith.extui %lt3A_32 : i1 to i32
    %cond3A = arith.constant 0 : i32
    %cond3A_33 = arith.cmpi ne, %convert_element_type3A, %cond3A : i32
    scf.if %cond3A_33 {
      %add3A_182 = arith.constant 160000 : i32
      %add3A_183 = arith.addi %add3A_182, %mul3A_6 : i32
      %add3A_184 = arith.constant 4992 : i32
      %add3A_185 = arith.addi %add3A_183, %add3A_184 : i32
      "tpu.region"() ({
        %run_scoped3A = tpu.sem_alloc : memref<!tpu.dma_semaphore, #tpu.memory_space<semaphore_mem>>
        %dma_start3A = arith.constant 4992 : i32
        %dma_start3A_186 = tpu.memref_slice %arg6[%dma_start3A] : memref<5056xi32, #tpu.memory_space<vmem>> -> memref<64xi32, #tpu.memory_space<vmem>>
        %dma_start3A_187 = tpu.memref_slice %arg3[%add3A_185] : memref<320000xi32, #tpu.memory_space<hbm>> -> memref<64xi32, #tpu.memory_space<hbm>>
        %dma_start3A_188 = arith.constant 4992 : i32
        %dma_start3A_189 = tpu.memref_slice %arg6[%dma_start3A_188] : memref<5056xi32, #tpu.memory_space<vmem>> -> memref<64xi32, #tpu.memory_space<vmem>>
        %dma_start3A_190 = tpu.memref_slice %arg3[%add3A_185] : memref<320000xi32, #tpu.memory_space<hbm>> -> memref<64xi32, #tpu.memory_space<hbm>>
        tpu.enqueue_dma source(%dma_start3A_190 : memref<64xi32, #tpu.memory_space<hbm>>) target(%dma_start3A_189 : memref<64xi32, #tpu.memory_space<vmem>>) target_semaphore(%run_scoped3A : memref<!tpu.dma_semaphore, #tpu.memory_space<semaphore_mem>>)
        %dma_wait3A_191 = arith.constant 4992 : i32
        %dma_wait3A_192 = tpu.memref_slice %arg6[%dma_wait3A_191] : memref<5056xi32, #tpu.memory_space<vmem>> -> memref<64xi32, #tpu.memory_space<vmem>>
        %dma_wait3A_193 = tpu.memref_slice %arg3[%add3A_185] : memref<320000xi32, #tpu.memory_space<hbm>> -> memref<64xi32, #tpu.memory_space<hbm>>
        %dma_wait3A_194 = arith.constant 4992 : i32
        %dma_wait3A_195 = tpu.memref_slice %arg6[%dma_wait3A_194] : memref<5056xi32, #tpu.memory_space<vmem>> -> memref<64xi32, #tpu.memory_space<vmem>>
        %dma_wait3A_196 = tpu.memref_slice %arg3[%add3A_185] : memref<320000xi32, #tpu.memory_space<hbm>> -> memref<64xi32, #tpu.memory_space<hbm>>
        tpu.wait_dma2 semaphore(%run_scoped3A : memref<!tpu.dma_semaphore, #tpu.memory_space<semaphore_mem>>) src(%dma_wait3A_196 : memref<64xi32, #tpu.memory_space<hbm>>) dst(%dma_wait3A_195 : memref<64xi32, #tpu.memory_space<vmem>>)
        tpu.yield
      }) : () -> ()
    } else {
    }
    %mul3A_34 = arith.constant 312 : i32
    %mul3A_35 = arith.muli %arg1, %mul3A_34 : i32
    "tpu.region"() ({
      %run_scoped3A = tpu.sem_alloc : memref<!tpu.dma_semaphore, #tpu.memory_space<semaphore_mem>>
      %dma_start3A = arith.constant 0 : i32
      %dma_start3A_182 = tpu.memref_slice %arg14[%mul3A_35, %dma_start3A] : memref<5008x128xf32, #tpu.memory_space<vmem_shared>> -> memref<156x128xf32, #tpu.memory_space<vmem_shared>>
      %dma_start3A_183 = arith.constant 0 : i32
      %dma_start3A_184 = tpu.memref_slice %arg14[%mul3A_35, %dma_start3A_183] : memref<5008x128xf32, #tpu.memory_space<vmem_shared>> -> memref<156x128xf32, #tpu.memory_space<vmem_shared>>
      tpu.enqueue_dma source(%arg12 : memref<156x128xf32, #tpu.memory_space<vmem>>) target(%dma_start3A_184 : memref<156x128xf32, #tpu.memory_space<vmem_shared>>) target_semaphore(%run_scoped3A : memref<!tpu.dma_semaphore, #tpu.memory_space<semaphore_mem>>)
      %dma_wait3A_185 = arith.constant 0 : i32
      %dma_wait3A_186 = tpu.memref_slice %arg14[%mul3A_35, %dma_wait3A_185] : memref<5008x128xf32, #tpu.memory_space<vmem_shared>> -> memref<156x128xf32, #tpu.memory_space<vmem_shared>>
      %dma_wait3A_187 = arith.constant 0 : i32
      %dma_wait3A_188 = tpu.memref_slice %arg14[%mul3A_35, %dma_wait3A_187] : memref<5008x128xf32, #tpu.memory_space<vmem_shared>> -> memref<156x128xf32, #tpu.memory_space<vmem_shared>>
      tpu.wait_dma2 semaphore(%run_scoped3A : memref<!tpu.dma_semaphore, #tpu.memory_space<semaphore_mem>>) src(%arg12 : memref<156x128xf32, #tpu.memory_space<vmem>>) dst(%dma_wait3A_188 : memref<156x128xf32, #tpu.memory_space<vmem_shared>>)
      tpu.yield
    }) : () -> ()
    %mul3A_36 = arith.constant 312 : i32
    %mul3A_37 = arith.muli %arg1, %mul3A_36 : i32
    %add3A_38 = arith.constant 156 : i32
    %add3A_39 = arith.addi %mul3A_37, %add3A_38 : i32
    "tpu.region"() ({
      %run_scoped3A = tpu.sem_alloc : memref<!tpu.dma_semaphore, #tpu.memory_space<semaphore_mem>>
      %dma_start3A = arith.constant 0 : i32
      %dma_start3A_182 = tpu.memref_slice %arg14[%add3A_39, %dma_start3A] : memref<5008x128xf32, #tpu.memory_space<vmem_shared>> -> memref<156x128xf32, #tpu.memory_space<vmem_shared>>
      %dma_start3A_183 = arith.constant 0 : i32
      %dma_start3A_184 = tpu.memref_slice %arg14[%add3A_39, %dma_start3A_183] : memref<5008x128xf32, #tpu.memory_space<vmem_shared>> -> memref<156x128xf32, #tpu.memory_space<vmem_shared>>
      tpu.enqueue_dma source(%arg12 : memref<156x128xf32, #tpu.memory_space<vmem>>) target(%dma_start3A_184 : memref<156x128xf32, #tpu.memory_space<vmem_shared>>) target_semaphore(%run_scoped3A : memref<!tpu.dma_semaphore, #tpu.memory_space<semaphore_mem>>)
      %dma_wait3A_185 = arith.constant 0 : i32
      %dma_wait3A_186 = tpu.memref_slice %arg14[%add3A_39, %dma_wait3A_185] : memref<5008x128xf32, #tpu.memory_space<vmem_shared>> -> memref<156x128xf32, #tpu.memory_space<vmem_shared>>
      %dma_wait3A_187 = arith.constant 0 : i32
      %dma_wait3A_188 = tpu.memref_slice %arg14[%add3A_39, %dma_wait3A_187] : memref<5008x128xf32, #tpu.memory_space<vmem_shared>> -> memref<156x128xf32, #tpu.memory_space<vmem_shared>>
      tpu.wait_dma2 semaphore(%run_scoped3A : memref<!tpu.dma_semaphore, #tpu.memory_space<semaphore_mem>>) src(%arg12 : memref<156x128xf32, #tpu.memory_space<vmem>>) dst(%dma_wait3A_188 : memref<156x128xf32, #tpu.memory_space<vmem_shared>>)
      tpu.yield
    }) : () -> ()
    %mul3A_40 = arith.constant 312 : i32
    %mul3A_41 = arith.muli %arg1, %mul3A_40 : i32
    "tpu.region"() ({
      %run_scoped3A = tpu.sem_alloc : memref<!tpu.dma_semaphore, #tpu.memory_space<semaphore_mem>>
      %dma_start3A = arith.constant 0 : i32
      %dma_start3A_182 = tpu.memref_slice %arg15[%mul3A_41, %dma_start3A] : memref<5008x16xf32, #tpu.memory_space<vmem_shared>> -> memref<312x16xf32, #tpu.memory_space<vmem_shared>>
      %dma_start3A_183 = arith.constant 0 : i32
      %dma_start3A_184 = tpu.memref_slice %arg15[%mul3A_41, %dma_start3A_183] : memref<5008x16xf32, #tpu.memory_space<vmem_shared>> -> memref<312x16xf32, #tpu.memory_space<vmem_shared>>
      tpu.enqueue_dma source(%arg13 : memref<312x16xf32, #tpu.memory_space<vmem>>) target(%dma_start3A_184 : memref<312x16xf32, #tpu.memory_space<vmem_shared>>) target_semaphore(%run_scoped3A : memref<!tpu.dma_semaphore, #tpu.memory_space<semaphore_mem>>)
      %dma_wait3A_185 = arith.constant 0 : i32
      %dma_wait3A_186 = tpu.memref_slice %arg15[%mul3A_41, %dma_wait3A_185] : memref<5008x16xf32, #tpu.memory_space<vmem_shared>> -> memref<312x16xf32, #tpu.memory_space<vmem_shared>>
      %dma_wait3A_187 = arith.constant 0 : i32
      %dma_wait3A_188 = tpu.memref_slice %arg15[%mul3A_41, %dma_wait3A_187] : memref<5008x16xf32, #tpu.memory_space<vmem_shared>> -> memref<312x16xf32, #tpu.memory_space<vmem_shared>>
      tpu.wait_dma2 semaphore(%run_scoped3A : memref<!tpu.dma_semaphore, #tpu.memory_space<semaphore_mem>>) src(%arg13 : memref<312x16xf32, #tpu.memory_space<vmem>>) dst(%dma_wait3A_188 : memref<312x16xf32, #tpu.memory_space<vmem_shared>>)
      tpu.yield
    }) : () -> ()
    %eq3A = arith.constant 15 : i32
    %eq3A_42 = arith.cmpi eq, %arg1, %eq3A : i32
    %convert_element_type3A_43 = arith.extui %eq3A_42 : i1 to i32
    %cond3A_44 = arith.constant 0 : i32
    %cond3A_45 = arith.cmpi ne, %convert_element_type3A_43, %cond3A_44 : i32
    scf.if %cond3A_45 {
      "tpu.region"() ({
        %run_scoped3A = tpu.sem_alloc : memref<!tpu.dma_semaphore, #tpu.memory_space<semaphore_mem>>
        %dma_start3A = arith.constant 0 : i32
        %dma_start3A_182 = arith.constant 0 : i32
        %dma_start3A_183 = tpu.memref_slice %arg12[%dma_start3A, %dma_start3A_182] : memref<156x128xf32, #tpu.memory_space<vmem>> -> memref<16x128xf32, #tpu.memory_space<vmem>>
        %dma_start3A_184 = arith.constant 4992 : i32
        %dma_start3A_185 = arith.constant 0 : i32
        %dma_start3A_186 = tpu.memref_slice %arg14[%dma_start3A_184, %dma_start3A_185] : memref<5008x128xf32, #tpu.memory_space<vmem_shared>> -> memref<16x128xf32, #tpu.memory_space<vmem_shared>>
        %dma_start3A_187 = arith.constant 4992 : i32
        %dma_start3A_188 = arith.constant 0 : i32
        %dma_start3A_189 = tpu.memref_slice %arg14[%dma_start3A_187, %dma_start3A_188] : memref<5008x128xf32, #tpu.memory_space<vmem_shared>> -> memref<16x128xf32, #tpu.memory_space<vmem_shared>>
        %dma_start3A_190 = arith.constant 0 : i32
        %dma_start3A_191 = arith.constant 0 : i32
        %dma_start3A_192 = tpu.memref_slice %arg12[%dma_start3A_190, %dma_start3A_191] : memref<156x128xf32, #tpu.memory_space<vmem>> -> memref<16x128xf32, #tpu.memory_space<vmem>>
        tpu.enqueue_dma source(%dma_start3A_192 : memref<16x128xf32, #tpu.memory_space<vmem>>) target(%dma_start3A_189 : memref<16x128xf32, #tpu.memory_space<vmem_shared>>) target_semaphore(%run_scoped3A : memref<!tpu.dma_semaphore, #tpu.memory_space<semaphore_mem>>)
        %dma_wait3A_193 = arith.constant 0 : i32
        %dma_wait3A_194 = arith.constant 0 : i32
        %dma_wait3A_195 = tpu.memref_slice %arg12[%dma_wait3A_193, %dma_wait3A_194] : memref<156x128xf32, #tpu.memory_space<vmem>> -> memref<16x128xf32, #tpu.memory_space<vmem>>
        %dma_wait3A_196 = arith.constant 4992 : i32
        %dma_wait3A_197 = arith.constant 0 : i32
        %dma_wait3A_198 = tpu.memref_slice %arg14[%dma_wait3A_196, %dma_wait3A_197] : memref<5008x128xf32, #tpu.memory_space<vmem_shared>> -> memref<16x128xf32, #tpu.memory_space<vmem_shared>>
        %dma_wait3A_199 = arith.constant 4992 : i32
        %dma_wait3A_200 = arith.constant 0 : i32
        %dma_wait3A_201 = tpu.memref_slice %arg14[%dma_wait3A_199, %dma_wait3A_200] : memref<5008x128xf32, #tpu.memory_space<vmem_shared>> -> memref<16x128xf32, #tpu.memory_space<vmem_shared>>
        %dma_wait3A_202 = arith.constant 0 : i32
        %dma_wait3A_203 = arith.constant 0 : i32
        %dma_wait3A_204 = tpu.memref_slice %arg12[%dma_wait3A_202, %dma_wait3A_203] : memref<156x128xf32, #tpu.memory_space<vmem>> -> memref<16x128xf32, #tpu.memory_space<vmem>>
        tpu.wait_dma2 semaphore(%run_scoped3A : memref<!tpu.dma_semaphore, #tpu.memory_space<semaphore_mem>>) src(%dma_wait3A_204 : memref<16x128xf32, #tpu.memory_space<vmem>>) dst(%dma_wait3A_201 : memref<16x128xf32, #tpu.memory_space<vmem_shared>>)
        tpu.yield
      }) : () -> ()
      "tpu.region"() ({
        %run_scoped3A = tpu.sem_alloc : memref<!tpu.dma_semaphore, #tpu.memory_space<semaphore_mem>>
        %dma_start3A = arith.constant 0 : i32
        %dma_start3A_182 = arith.constant 0 : i32
        %dma_start3A_183 = tpu.memref_slice %arg13[%dma_start3A, %dma_start3A_182] : memref<312x16xf32, #tpu.memory_space<vmem>> -> memref<16x16xf32, #tpu.memory_space<vmem>>
        %dma_start3A_184 = arith.constant 4992 : i32
        %dma_start3A_185 = arith.constant 0 : i32
        %dma_start3A_186 = tpu.memref_slice %arg15[%dma_start3A_184, %dma_start3A_185] : memref<5008x16xf32, #tpu.memory_space<vmem_shared>> -> memref<16x16xf32, #tpu.memory_space<vmem_shared>>
        %dma_start3A_187 = arith.constant 4992 : i32
        %dma_start3A_188 = arith.constant 0 : i32
        %dma_start3A_189 = tpu.memref_slice %arg15[%dma_start3A_187, %dma_start3A_188] : memref<5008x16xf32, #tpu.memory_space<vmem_shared>> -> memref<16x16xf32, #tpu.memory_space<vmem_shared>>
        %dma_start3A_190 = arith.constant 0 : i32
        %dma_start3A_191 = arith.constant 0 : i32
        %dma_start3A_192 = tpu.memref_slice %arg13[%dma_start3A_190, %dma_start3A_191] : memref<312x16xf32, #tpu.memory_space<vmem>> -> memref<16x16xf32, #tpu.memory_space<vmem>>
        tpu.enqueue_dma source(%dma_start3A_192 : memref<16x16xf32, #tpu.memory_space<vmem>>) target(%dma_start3A_189 : memref<16x16xf32, #tpu.memory_space<vmem_shared>>) target_semaphore(%run_scoped3A : memref<!tpu.dma_semaphore, #tpu.memory_space<semaphore_mem>>)
        %dma_wait3A_193 = arith.constant 0 : i32
        %dma_wait3A_194 = arith.constant 0 : i32
        %dma_wait3A_195 = tpu.memref_slice %arg13[%dma_wait3A_193, %dma_wait3A_194] : memref<312x16xf32, #tpu.memory_space<vmem>> -> memref<16x16xf32, #tpu.memory_space<vmem>>
        %dma_wait3A_196 = arith.constant 4992 : i32
        %dma_wait3A_197 = arith.constant 0 : i32
        %dma_wait3A_198 = tpu.memref_slice %arg15[%dma_wait3A_196, %dma_wait3A_197] : memref<5008x16xf32, #tpu.memory_space<vmem_shared>> -> memref<16x16xf32, #tpu.memory_space<vmem_shared>>
        %dma_wait3A_199 = arith.constant 4992 : i32
        %dma_wait3A_200 = arith.constant 0 : i32
        %dma_wait3A_201 = tpu.memref_slice %arg15[%dma_wait3A_199, %dma_wait3A_200] : memref<5008x16xf32, #tpu.memory_space<vmem_shared>> -> memref<16x16xf32, #tpu.memory_space<vmem_shared>>
        %dma_wait3A_202 = arith.constant 0 : i32
        %dma_wait3A_203 = arith.constant 0 : i32
        %dma_wait3A_204 = tpu.memref_slice %arg13[%dma_wait3A_202, %dma_wait3A_203] : memref<312x16xf32, #tpu.memory_space<vmem>> -> memref<16x16xf32, #tpu.memory_space<vmem>>
        tpu.wait_dma2 semaphore(%run_scoped3A : memref<!tpu.dma_semaphore, #tpu.memory_space<semaphore_mem>>) src(%dma_wait3A_204 : memref<16x16xf32, #tpu.memory_space<vmem>>) dst(%dma_wait3A_201 : memref<16x16xf32, #tpu.memory_space<vmem_shared>>)
        tpu.yield
      }) : () -> ()
    } else {
    }
    %barrier3A = arith.constant 0 : index
    tpu.barrier barrier_id(%barrier3A)
    %add3A_46 = arith.constant 1 : i32
    %add3A_47 = arith.addi %add3A, %add3A_46 : i32
    %mul3A_48 = arith.constant 78 : i32
    %mul3A_49 = arith.muli %add3A_47, %mul3A_48 : i32
    %min3A_50 = arith.constant 4 : i32
    %min3A_51 = arith.minsi %add3A_47, %min3A_50 : i32
    %add3A_52 = arith.addi %mul3A_49, %min3A_51 : i32
    %mul3A_53 = arith.constant 78 : i32
    %mul3A_54 = arith.muli %add3A, %mul3A_53 : i32
    %min3A_55 = arith.constant 4 : i32
    %min3A_56 = arith.minsi %add3A, %min3A_55 : i32
    %add3A_57 = arith.addi %mul3A_54, %min3A_56 : i32
    %sub3A = arith.subi %add3A_52, %add3A_57 : i32
    %scan3A_58 = arith.constant 0 : i32
    %scan3A_59 = arith.constant 0 : i32
    %scan3A_60 = arith.constant 40 : i32
    %scan3A_61 = arith.addi %scan3A_59, %scan3A_60 : i32
    %scan3A_62 = arith.constant 1 : i32
    %scan3A_63 = scf.for %scan3A_182 = %scan3A_59 to %scan3A_61 step %scan3A_62 iter_args(%scan3A_183 = %scan3A_58) -> (i32)  : i32 {
      %mul3A_184 = arith.constant 2 : i32
      %mul3A_185 = arith.muli %scan3A_182, %mul3A_184 : i32
      %mul3A_186 = arith.constant 2 : i32
      %mul3A_187 = arith.muli %scan3A_182, %mul3A_186 : i32
      %add3A_188 = arith.constant 1 : i32
      %add3A_189 = arith.addi %mul3A_187, %add3A_188 : i32
      %lt3A_190 = arith.cmpi slt, %mul3A_185, %sub3A : i32
      %convert_element_type3A_191 = arith.extui %lt3A_190 : i1 to i32
      %cond3A_192 = arith.constant 0 : i32
      %cond3A_193 = arith.cmpi ne, %convert_element_type3A_191, %cond3A_192 : i32
      scf.if %cond3A_193 {
        %ge3A_212 = arith.constant 2 : i32
        %ge3A_213 = arith.cmpi sge, %mul3A_185, %ge3A_212 : i32
        %convert_element_type3A_214 = arith.extui %ge3A_213 : i1 to i32
        %cond3A_215 = arith.constant 0 : i32
        %cond3A_216 = arith.cmpi ne, %convert_element_type3A_214, %cond3A_215 : i32
        scf.if %cond3A_216 {
          %dma_wait3A_223 = arith.constant 0 : i32
          %dma_wait3A_224 = arith.constant 0 : i32
          %dma_wait3A_225 = tpu.memref_slice %arg2[%dma_wait3A_223, %dma_wait3A_224] : memref<160000x128xf32, #tpu.memory_space<hbm>> -> memref<64x128xf32, #tpu.memory_space<hbm>>
          %dma_wait3A_226 = arith.constant 0 : i32
          %dma_wait3A_227 = arith.constant 0 : i32
          %dma_wait3A_228 = tpu.memref_slice %arg2[%dma_wait3A_226, %dma_wait3A_227] : memref<160000x128xf32, #tpu.memory_space<hbm>> -> memref<64x128xf32, #tpu.memory_space<hbm>>
          tpu.wait_dma2 semaphore(%arg18 : memref<!tpu.dma_semaphore, #tpu.memory_space<semaphore_mem>>) src(%dma_wait3A_228 : memref<64x128xf32, #tpu.memory_space<hbm>>) dst(%arg8 : memref<64x128xf32, #tpu.memory_space<vmem>>)
          %dma_wait3A_229 = arith.constant 0 : i32
          %dma_wait3A_230 = arith.constant 0 : i32
          %dma_wait3A_231 = arith.constant 0 : i32
          %dma_wait3A_232 = tpu.memref_slice %arg5[%dma_wait3A_229, %dma_wait3A_230, %dma_wait3A_231] : memref<2x10000x16xf32, #tpu.memory_space<hbm>> -> memref<1x64x16xf32, #tpu.memory_space<hbm>>
          %dma_wait3A_233 = tpu.memref_squeeze %dma_wait3A_232 : memref<1x64x16xf32, #tpu.memory_space<hbm>> -> memref<64x16xf32, #tpu.memory_space<hbm>>
          %dma_wait3A_234 = arith.constant 0 : i32
          %dma_wait3A_235 = arith.constant 0 : i32
          %dma_wait3A_236 = tpu.memref_slice %arg5[%dma_wait3A_229, %dma_wait3A_234, %dma_wait3A_235] : memref<2x10000x16xf32, #tpu.memory_space<hbm>> -> memref<1x64x16xf32, #tpu.memory_space<hbm>>
          %dma_wait3A_237 = tpu.memref_squeeze %dma_wait3A_236 : memref<1x64x16xf32, #tpu.memory_space<hbm>> -> memref<64x16xf32, #tpu.memory_space<hbm>>
          tpu.wait_dma2 semaphore(%arg18 : memref<!tpu.dma_semaphore, #tpu.memory_space<semaphore_mem>>) src(%dma_wait3A_237 : memref<64x16xf32, #tpu.memory_space<hbm>>) dst(%arg11 : memref<64x16xf32, #tpu.memory_space<vmem>>)
        } else {
        }
        %mul3A_217 = arith.constant 64 : i32
        %mul3A_218 = arith.muli %mul3A_185, %mul3A_217 : i32
        %add3A_219 = arith.addi %mul3A_6, %mul3A_218 : i32
        %dma_start3A = arith.constant 0 : i32
        %dma_start3A_220 = tpu.memref_slice %arg2[%add3A_219, %dma_start3A] : memref<160000x128xf32, #tpu.memory_space<hbm>> -> memref<64x128xf32, #tpu.memory_space<hbm>>
        %dma_start3A_221 = arith.constant 0 : i32
        %dma_start3A_222 = tpu.memref_slice %arg2[%add3A_219, %dma_start3A_221] : memref<160000x128xf32, #tpu.memory_space<hbm>> -> memref<64x128xf32, #tpu.memory_space<hbm>>
        tpu.enqueue_dma source(%dma_start3A_222 : memref<64x128xf32, #tpu.memory_space<hbm>>) target(%arg8 : memref<64x128xf32, #tpu.memory_space<vmem>>) target_semaphore(%arg16 : memref<!tpu.dma_semaphore, #tpu.memory_space<semaphore_mem>>)
      } else {
      }
      %ge3A = arith.constant 1 : i32
      %ge3A_194 = arith.cmpi sge, %mul3A_185, %ge3A : i32
      %sub3A_195 = arith.constant 1 : i32
      %sub3A_196 = arith.subi %mul3A_185, %sub3A_195 : i32
      %lt3A_197 = arith.cmpi slt, %sub3A_196, %sub3A : i32
      %and3A = arith.andi %ge3A_194, %lt3A_197 : i1
      %convert_element_type3A_198 = arith.extui %and3A : i1 to i32
      %cond3A_199 = arith.constant 0 : i32
      %cond3A_200 = arith.cmpi ne, %convert_element_type3A_198, %cond3A_199 : i32
      scf.if %cond3A_200 {
        %sub3A_212 = arith.constant 1 : i32
        %sub3A_213 = arith.subi %mul3A_185, %sub3A_212 : i32
        %dma_wait3A_214 = arith.constant 0 : i32
        %dma_wait3A_215 = arith.constant 0 : i32
        %dma_wait3A_216 = tpu.memref_slice %arg2[%dma_wait3A_214, %dma_wait3A_215] : memref<160000x128xf32, #tpu.memory_space<hbm>> -> memref<64x128xf32, #tpu.memory_space<hbm>>
        %dma_wait3A_217 = arith.constant 0 : i32
        %dma_wait3A_218 = arith.constant 0 : i32
        %dma_wait3A_219 = tpu.memref_slice %arg2[%dma_wait3A_217, %dma_wait3A_218] : memref<160000x128xf32, #tpu.memory_space<hbm>> -> memref<64x128xf32, #tpu.memory_space<hbm>>
        tpu.wait_dma2 semaphore(%arg17 : memref<!tpu.dma_semaphore, #tpu.memory_space<semaphore_mem>>) src(%dma_wait3A_219 : memref<64x128xf32, #tpu.memory_space<hbm>>) dst(%arg10 : memref<64x128xf32, #tpu.memory_space<vmem>>)
        %mul3A_220 = arith.constant 64 : i32
        %mul3A_221 = arith.muli %sub3A_213, %mul3A_220 : i32
        %add3A_222 = arith.constant 0 : i32
        %add3A_223 = arith.addi %mul3A_221, %add3A_222 : i32
        %get3A = arith.index_cast %add3A_223 : i32 to index
        %get3A_224 = tpu.vector_load %arg6[%get3A] {strides = array<i32>} : memref<5056xi32, #tpu.memory_space<vmem>>, vector<16xi32>,
        %sub3A_225 = arith.constant 0 : i32
        %sub3A_226 = vector.broadcast %sub3A_225 : i32 to vector<16xi32>
        %sub3A_227 = arith.subi %get3A_224, %sub3A_226 : vector<16xi32>
        %ge3A_228 = arith.constant 0 : i32
        %ge3A_229 = vector.broadcast %ge3A_228 : i32 to vector<16xi32>
        %ge3A_230 = arith.cmpi sge, %sub3A_227, %ge3A_229 : vector<16xi32>
        %lt3A_231 = arith.constant 5000 : i32
        %lt3A_232 = vector.broadcast %lt3A_231 : i32 to vector<16xi32>
        %lt3A_233 = arith.cmpi slt, %sub3A_227, %lt3A_232 : vector<16xi32>
        %and3A_234 = arith.andi %ge3A_230, %lt3A_233 : vector<16xi1>
        %jit3A = arith.constant 5000 : i32
        %broadcast_in_dim3A_235 = vector.broadcast %jit3A : i32 to vector<16xi32>
        %select_n3A = arith.select %and3A_234, %sub3A_227, %broadcast_in_dim3A_235 : vector<16xi1>, vector<16xi32>
        %swap3A = arith.constant 0 : index
        %swap3A_236 = tpu.vector_load %arg9[%swap3A] {strides = array<i32>} : memref<64xi32, #tpu.memory_space<vmem>>, vector<16xi32>,
        tpu.vector_store %arg9[%swap3A], %select_n3A {strides = array<i32>} : memref<64xi32, #tpu.memory_space<vmem>>, vector<16xi32>,
        %add3A_237 = arith.constant 16 : i32
        %add3A_238 = arith.addi %mul3A_221, %add3A_237 : i32
        %get3A_239 = arith.index_cast %add3A_238 : i32 to index
        %get3A_240 = tpu.vector_load %arg6[%get3A_239] {strides = array<i32>} : memref<5056xi32, #tpu.memory_space<vmem>>, vector<16xi32>,
        %sub3A_241 = arith.constant 0 : i32
        %sub3A_242 = vector.broadcast %sub3A_241 : i32 to vector<16xi32>
        %sub3A_243 = arith.subi %get3A_240, %sub3A_242 : vector<16xi32>
        %ge3A_244 = arith.constant 0 : i32
        %ge3A_245 = vector.broadcast %ge3A_244 : i32 to vector<16xi32>
        %ge3A_246 = arith.cmpi sge, %sub3A_243, %ge3A_245 : vector<16xi32>
        %lt3A_247 = arith.constant 5000 : i32
        %lt3A_248 = vector.broadcast %lt3A_247 : i32 to vector<16xi32>
        %lt3A_249 = arith.cmpi slt, %sub3A_243, %lt3A_248 : vector<16xi32>
        %and3A_250 = arith.andi %ge3A_246, %lt3A_249 : vector<16xi1>
        %jit3A_251 = arith.constant 5000 : i32
        %broadcast_in_dim3A_252 = vector.broadcast %jit3A_251 : i32 to vector<16xi32>
        %select_n3A_253 = arith.select %and3A_250, %sub3A_243, %broadcast_in_dim3A_252 : vector<16xi1>, vector<16xi32>
        %swap3A_254 = arith.constant 16 : index
        %swap3A_255 = tpu.vector_load %arg9[%swap3A_254] {strides = array<i32>} : memref<64xi32, #tpu.memory_space<vmem>>, vector<16xi32>,
        tpu.vector_store %arg9[%swap3A_254], %select_n3A_253 {strides = array<i32>} : memref<64xi32, #tpu.memory_space<vmem>>, vector<16xi32>,
        %add3A_256 = arith.constant 32 : i32
        %add3A_257 = arith.addi %mul3A_221, %add3A_256 : i32
        %get3A_258 = arith.index_cast %add3A_257 : i32 to index
        %get3A_259 = tpu.vector_load %arg6[%get3A_258] {strides = array<i32>} : memref<5056xi32, #tpu.memory_space<vmem>>, vector<16xi32>,
        %sub3A_260 = arith.constant 0 : i32
        %sub3A_261 = vector.broadcast %sub3A_260 : i32 to vector<16xi32>
        %sub3A_262 = arith.subi %get3A_259, %sub3A_261 : vector<16xi32>
        %ge3A_263 = arith.constant 0 : i32
        %ge3A_264 = vector.broadcast %ge3A_263 : i32 to vector<16xi32>
        %ge3A_265 = arith.cmpi sge, %sub3A_262, %ge3A_264 : vector<16xi32>
        %lt3A_266 = arith.constant 5000 : i32
        %lt3A_267 = vector.broadcast %lt3A_266 : i32 to vector<16xi32>
        %lt3A_268 = arith.cmpi slt, %sub3A_262, %lt3A_267 : vector<16xi32>
        %and3A_269 = arith.andi %ge3A_265, %lt3A_268 : vector<16xi1>
        %jit3A_270 = arith.constant 5000 : i32
        %broadcast_in_dim3A_271 = vector.broadcast %jit3A_270 : i32 to vector<16xi32>
        %select_n3A_272 = arith.select %and3A_269, %sub3A_262, %broadcast_in_dim3A_271 : vector<16xi1>, vector<16xi32>
        %swap3A_273 = arith.constant 32 : index
        %swap3A_274 = tpu.vector_load %arg9[%swap3A_273] {strides = array<i32>} : memref<64xi32, #tpu.memory_space<vmem>>, vector<16xi32>,
        tpu.vector_store %arg9[%swap3A_273], %select_n3A_272 {strides = array<i32>} : memref<64xi32, #tpu.memory_space<vmem>>, vector<16xi32>,
        %add3A_275 = arith.constant 48 : i32
        %add3A_276 = arith.addi %mul3A_221, %add3A_275 : i32
        %get3A_277 = arith.index_cast %add3A_276 : i32 to index
        %get3A_278 = tpu.vector_load %arg6[%get3A_277] {strides = array<i32>} : memref<5056xi32, #tpu.memory_space<vmem>>, vector<16xi32>,
        %sub3A_279 = arith.constant 0 : i32
        %sub3A_280 = vector.broadcast %sub3A_279 : i32 to vector<16xi32>
        %sub3A_281 = arith.subi %get3A_278, %sub3A_280 : vector<16xi32>
        %ge3A_282 = arith.constant 0 : i32
        %ge3A_283 = vector.broadcast %ge3A_282 : i32 to vector<16xi32>
        %ge3A_284 = arith.cmpi sge, %sub3A_281, %ge3A_283 : vector<16xi32>
        %lt3A_285 = arith.constant 5000 : i32
        %lt3A_286 = vector.broadcast %lt3A_285 : i32 to vector<16xi32>
        %lt3A_287 = arith.cmpi slt, %sub3A_281, %lt3A_286 : vector<16xi32>
        %and3A_288 = arith.andi %ge3A_284, %lt3A_287 : vector<16xi1>
        %jit3A_289 = arith.constant 5000 : i32
        %broadcast_in_dim3A_290 = vector.broadcast %jit3A_289 : i32 to vector<16xi32>
        %select_n3A_291 = arith.select %and3A_288, %sub3A_281, %broadcast_in_dim3A_290 : vector<16xi1>, vector<16xi32>
        %swap3A_292 = arith.constant 48 : index
        %swap3A_293 = tpu.vector_load %arg9[%swap3A_292] {strides = array<i32>} : memref<64xi32, #tpu.memory_space<vmem>>, vector<16xi32>,
        tpu.vector_store %arg9[%swap3A_292], %select_n3A_291 {strides = array<i32>} : memref<64xi32, #tpu.memory_space<vmem>>, vector<16xi32>,
        %dma_start3A = arith.constant 0 : i32
        %dma_start3A_294 = arith.constant 0 : i32
        %dma_start3A_295 = tpu.memref_slice %arg14[%dma_start3A, %dma_start3A_294] : memref<5008x128xf32, #tpu.memory_space<vmem_shared>> -> memref<5008x128xf32, #tpu.memory_space<vmem_shared>>
        tpu.enqueue_indirect_dma source(%arg10 : memref<64x128xf32, #tpu.memory_space<vmem>>) target(%dma_start3A_295 : memref<5008x128xf32, #tpu.memory_space<vmem_shared>>) offsets(%arg9 : memref<64xi32, #tpu.memory_space<vmem>>) semaphore(%arg19 : memref<!tpu.dma_semaphore, #tpu.memory_space<semaphore_mem>>) {add = true}
        %dma_start3A_296 = arith.constant 0 : i32
        %dma_start3A_297 = arith.constant 0 : i32
        %dma_start3A_298 = tpu.memref_slice %arg15[%dma_start3A_296, %dma_start3A_297] : memref<5008x16xf32, #tpu.memory_space<vmem_shared>> -> memref<5008x16xf32, #tpu.memory_space<vmem_shared>>
        tpu.enqueue_indirect_dma source(%arg11 : memref<64x16xf32, #tpu.memory_space<vmem>>) target(%dma_start3A_298 : memref<5008x16xf32, #tpu.memory_space<vmem_shared>>) offsets(%arg9 : memref<64xi32, #tpu.memory_space<vmem>>) semaphore(%arg19 : memref<!tpu.dma_semaphore, #tpu.memory_space<semaphore_mem>>) {add = true}
      } else {
      }
      %lt3A_201 = arith.cmpi slt, %add3A_189, %sub3A : i32
      %convert_element_type3A_202 = arith.extui %lt3A_201 : i1 to i32
      %cond3A_203 = arith.constant 0 : i32
      %cond3A_204 = arith.cmpi ne, %convert_element_type3A_202, %cond3A_203 : i32
      scf.if %cond3A_204 {
        %ge3A_212 = arith.constant 2 : i32
        %ge3A_213 = arith.cmpi sge, %add3A_189, %ge3A_212 : i32
        %convert_element_type3A_214 = arith.extui %ge3A_213 : i1 to i32
        %cond3A_215 = arith.constant 0 : i32
        %cond3A_216 = arith.cmpi ne, %convert_element_type3A_214, %cond3A_215 : i32
        scf.if %cond3A_216 {
          %dma_wait3A_223 = arith.constant 0 : i32
          %dma_wait3A_224 = arith.constant 0 : i32
          %dma_wait3A_225 = tpu.memref_slice %arg2[%dma_wait3A_223, %dma_wait3A_224] : memref<160000x128xf32, #tpu.memory_space<hbm>> -> memref<64x128xf32, #tpu.memory_space<hbm>>
          %dma_wait3A_226 = arith.constant 0 : i32
          %dma_wait3A_227 = arith.constant 0 : i32
          %dma_wait3A_228 = tpu.memref_slice %arg2[%dma_wait3A_226, %dma_wait3A_227] : memref<160000x128xf32, #tpu.memory_space<hbm>> -> memref<64x128xf32, #tpu.memory_space<hbm>>
          tpu.wait_dma2 semaphore(%arg19 : memref<!tpu.dma_semaphore, #tpu.memory_space<semaphore_mem>>) src(%dma_wait3A_228 : memref<64x128xf32, #tpu.memory_space<hbm>>) dst(%arg10 : memref<64x128xf32, #tpu.memory_space<vmem>>)
          %dma_wait3A_229 = arith.constant 0 : i32
          %dma_wait3A_230 = arith.constant 0 : i32
          %dma_wait3A_231 = arith.constant 0 : i32
          %dma_wait3A_232 = tpu.memref_slice %arg5[%dma_wait3A_229, %dma_wait3A_230, %dma_wait3A_231] : memref<2x10000x16xf32, #tpu.memory_space<hbm>> -> memref<1x64x16xf32, #tpu.memory_space<hbm>>
          %dma_wait3A_233 = tpu.memref_squeeze %dma_wait3A_232 : memref<1x64x16xf32, #tpu.memory_space<hbm>> -> memref<64x16xf32, #tpu.memory_space<hbm>>
          %dma_wait3A_234 = arith.constant 0 : i32
          %dma_wait3A_235 = arith.constant 0 : i32
          %dma_wait3A_236 = tpu.memref_slice %arg5[%dma_wait3A_229, %dma_wait3A_234, %dma_wait3A_235] : memref<2x10000x16xf32, #tpu.memory_space<hbm>> -> memref<1x64x16xf32, #tpu.memory_space<hbm>>
          %dma_wait3A_237 = tpu.memref_squeeze %dma_wait3A_236 : memref<1x64x16xf32, #tpu.memory_space<hbm>> -> memref<64x16xf32, #tpu.memory_space<hbm>>
          tpu.wait_dma2 semaphore(%arg19 : memref<!tpu.dma_semaphore, #tpu.memory_space<semaphore_mem>>) src(%dma_wait3A_237 : memref<64x16xf32, #tpu.memory_space<hbm>>) dst(%arg11 : memref<64x16xf32, #tpu.memory_space<vmem>>)
        } else {
        }
        %mul3A_217 = arith.constant 64 : i32
        %mul3A_218 = arith.muli %add3A_189, %mul3A_217 : i32
        %add3A_219 = arith.addi %mul3A_6, %mul3A_218 : i32
        %dma_start3A = arith.constant 0 : i32
        %dma_start3A_220 = tpu.memref_slice %arg2[%add3A_219, %dma_start3A] : memref<160000x128xf32, #tpu.memory_space<hbm>> -> memref<64x128xf32, #tpu.memory_space<hbm>>
        %dma_start3A_221 = arith.constant 0 : i32
        %dma_start3A_222 = tpu.memref_slice %arg2[%add3A_219, %dma_start3A_221] : memref<160000x128xf32, #tpu.memory_space<hbm>> -> memref<64x128xf32, #tpu.memory_space<hbm>>
        tpu.enqueue_dma source(%dma_start3A_222 : memref<64x128xf32, #tpu.memory_space<hbm>>) target(%arg10 : memref<64x128xf32, #tpu.memory_space<vmem>>) target_semaphore(%arg17 : memref<!tpu.dma_semaphore, #tpu.memory_space<semaphore_mem>>)
      } else {
      }
      %sub3A_205 = arith.constant 1 : i32
      %sub3A_206 = arith.subi %add3A_189, %sub3A_205 : i32
      %lt3A_207 = arith.cmpi slt, %sub3A_206, %sub3A : i32
      %convert_element_type3A_208 = arith.extui %lt3A_207 : i1 to i32
      %cond3A_209 = arith.constant 0 : i32
      %cond3A_210 = arith.cmpi ne, %convert_element_type3A_208, %cond3A_209 : i32
      scf.if %cond3A_210 {
        %sub3A_212 = arith.constant 1 : i32
        %sub3A_213 = arith.subi %add3A_189, %sub3A_212 : i32
        %dma_wait3A_214 = arith.constant 0 : i32
        %dma_wait3A_215 = arith.constant 0 : i32
        %dma_wait3A_216 = tpu.memref_slice %arg2[%dma_wait3A_214, %dma_wait3A_215] : memref<160000x128xf32, #tpu.memory_space<hbm>> -> memref<64x128xf32, #tpu.memory_space<hbm>>
        %dma_wait3A_217 = arith.constant 0 : i32
        %dma_wait3A_218 = arith.constant 0 : i32
        %dma_wait3A_219 = tpu.memref_slice %arg2[%dma_wait3A_217, %dma_wait3A_218] : memref<160000x128xf32, #tpu.memory_space<hbm>> -> memref<64x128xf32, #tpu.memory_space<hbm>>
        tpu.wait_dma2 semaphore(%arg16 : memref<!tpu.dma_semaphore, #tpu.memory_space<semaphore_mem>>) src(%dma_wait3A_219 : memref<64x128xf32, #tpu.memory_space<hbm>>) dst(%arg8 : memref<64x128xf32, #tpu.memory_space<vmem>>)
        %mul3A_220 = arith.constant 64 : i32
        %mul3A_221 = arith.muli %sub3A_213, %mul3A_220 : i32
        %add3A_222 = arith.constant 0 : i32
        %add3A_223 = arith.addi %mul3A_221, %add3A_222 : i32
        %get3A = arith.index_cast %add3A_223 : i32 to index
        %get3A_224 = tpu.vector_load %arg6[%get3A] {strides = array<i32>} : memref<5056xi32, #tpu.memory_space<vmem>>, vector<16xi32>,
        %sub3A_225 = arith.constant 0 : i32
        %sub3A_226 = vector.broadcast %sub3A_225 : i32 to vector<16xi32>
        %sub3A_227 = arith.subi %get3A_224, %sub3A_226 : vector<16xi32>
        %ge3A_228 = arith.constant 0 : i32
        %ge3A_229 = vector.broadcast %ge3A_228 : i32 to vector<16xi32>
        %ge3A_230 = arith.cmpi sge, %sub3A_227, %ge3A_229 : vector<16xi32>
        %lt3A_231 = arith.constant 5000 : i32
        %lt3A_232 = vector.broadcast %lt3A_231 : i32 to vector<16xi32>
        %lt3A_233 = arith.cmpi slt, %sub3A_227, %lt3A_232 : vector<16xi32>
        %and3A_234 = arith.andi %ge3A_230, %lt3A_233 : vector<16xi1>
        %jit3A = arith.constant 5000 : i32
        %broadcast_in_dim3A_235 = vector.broadcast %jit3A : i32 to vector<16xi32>
        %select_n3A = arith.select %and3A_234, %sub3A_227, %broadcast_in_dim3A_235 : vector<16xi1>, vector<16xi32>
        %swap3A = arith.constant 0 : index
        %swap3A_236 = tpu.vector_load %arg7[%swap3A] {strides = array<i32>} : memref<64xi32, #tpu.memory_space<vmem>>, vector<16xi32>,
        tpu.vector_store %arg7[%swap3A], %select_n3A {strides = array<i32>} : memref<64xi32, #tpu.memory_space<vmem>>, vector<16xi32>,
        %add3A_237 = arith.constant 16 : i32
        %add3A_238 = arith.addi %mul3A_221, %add3A_237 : i32
        %get3A_239 = arith.index_cast %add3A_238 : i32 to index
        %get3A_240 = tpu.vector_load %arg6[%get3A_239] {strides = array<i32>} : memref<5056xi32, #tpu.memory_space<vmem>>, vector<16xi32>,
        %sub3A_241 = arith.constant 0 : i32
        %sub3A_242 = vector.broadcast %sub3A_241 : i32 to vector<16xi32>
        %sub3A_243 = arith.subi %get3A_240, %sub3A_242 : vector<16xi32>
        %ge3A_244 = arith.constant 0 : i32
        %ge3A_245 = vector.broadcast %ge3A_244 : i32 to vector<16xi32>
        %ge3A_246 = arith.cmpi sge, %sub3A_243, %ge3A_245 : vector<16xi32>
        %lt3A_247 = arith.constant 5000 : i32
        %lt3A_248 = vector.broadcast %lt3A_247 : i32 to vector<16xi32>
        %lt3A_249 = arith.cmpi slt, %sub3A_243, %lt3A_248 : vector<16xi32>
        %and3A_250 = arith.andi %ge3A_246, %lt3A_249 : vector<16xi1>
        %jit3A_251 = arith.constant 5000 : i32
        %broadcast_in_dim3A_252 = vector.broadcast %jit3A_251 : i32 to vector<16xi32>
        %select_n3A_253 = arith.select %and3A_250, %sub3A_243, %broadcast_in_dim3A_252 : vector<16xi1>, vector<16xi32>
        %swap3A_254 = arith.constant 16 : index
        %swap3A_255 = tpu.vector_load %arg7[%swap3A_254] {strides = array<i32>} : memref<64xi32, #tpu.memory_space<vmem>>, vector<16xi32>,
        tpu.vector_store %arg7[%swap3A_254], %select_n3A_253 {strides = array<i32>} : memref<64xi32, #tpu.memory_space<vmem>>, vector<16xi32>,
        %add3A_256 = arith.constant 32 : i32
        %add3A_257 = arith.addi %mul3A_221, %add3A_256 : i32
        %get3A_258 = arith.index_cast %add3A_257 : i32 to index
        %get3A_259 = tpu.vector_load %arg6[%get3A_258] {strides = array<i32>} : memref<5056xi32, #tpu.memory_space<vmem>>, vector<16xi32>,
        %sub3A_260 = arith.constant 0 : i32
        %sub3A_261 = vector.broadcast %sub3A_260 : i32 to vector<16xi32>
        %sub3A_262 = arith.subi %get3A_259, %sub3A_261 : vector<16xi32>
        %ge3A_263 = arith.constant 0 : i32
        %ge3A_264 = vector.broadcast %ge3A_263 : i32 to vector<16xi32>
        %ge3A_265 = arith.cmpi sge, %sub3A_262, %ge3A_264 : vector<16xi32>
        %lt3A_266 = arith.constant 5000 : i32
        %lt3A_267 = vector.broadcast %lt3A_266 : i32 to vector<16xi32>
        %lt3A_268 = arith.cmpi slt, %sub3A_262, %lt3A_267 : vector<16xi32>
        %and3A_269 = arith.andi %ge3A_265, %lt3A_268 : vector<16xi1>
        %jit3A_270 = arith.constant 5000 : i32
        %broadcast_in_dim3A_271 = vector.broadcast %jit3A_270 : i32 to vector<16xi32>
        %select_n3A_272 = arith.select %and3A_269, %sub3A_262, %broadcast_in_dim3A_271 : vector<16xi1>, vector<16xi32>
        %swap3A_273 = arith.constant 32 : index
        %swap3A_274 = tpu.vector_load %arg7[%swap3A_273] {strides = array<i32>} : memref<64xi32, #tpu.memory_space<vmem>>, vector<16xi32>,
        tpu.vector_store %arg7[%swap3A_273], %select_n3A_272 {strides = array<i32>} : memref<64xi32, #tpu.memory_space<vmem>>, vector<16xi32>,
        %add3A_275 = arith.constant 48 : i32
        %add3A_276 = arith.addi %mul3A_221, %add3A_275 : i32
        %get3A_277 = arith.index_cast %add3A_276 : i32 to index
        %get3A_278 = tpu.vector_load %arg6[%get3A_277] {strides = array<i32>} : memref<5056xi32, #tpu.memory_space<vmem>>, vector<16xi32>,
        %sub3A_279 = arith.constant 0 : i32
        %sub3A_280 = vector.broadcast %sub3A_279 : i32 to vector<16xi32>
        %sub3A_281 = arith.subi %get3A_278, %sub3A_280 : vector<16xi32>
        %ge3A_282 = arith.constant 0 : i32
        %ge3A_283 = vector.broadcast %ge3A_282 : i32 to vector<16xi32>
        %ge3A_284 = arith.cmpi sge, %sub3A_281, %ge3A_283 : vector<16xi32>
        %lt3A_285 = arith.constant 5000 : i32
        %lt3A_286 = vector.broadcast %lt3A_285 : i32 to vector<16xi32>
        %lt3A_287 = arith.cmpi slt, %sub3A_281, %lt3A_286 : vector<16xi32>
        %and3A_288 = arith.andi %ge3A_284, %lt3A_287 : vector<16xi1>
        %jit3A_289 = arith.constant 5000 : i32
        %broadcast_in_dim3A_290 = vector.broadcast %jit3A_289 : i32 to vector<16xi32>
        %select_n3A_291 = arith.select %and3A_288, %sub3A_281, %broadcast_in_dim3A_290 : vector<16xi1>, vector<16xi32>
        %swap3A_292 = arith.constant 48 : index
        %swap3A_293 = tpu.vector_load %arg7[%swap3A_292] {strides = array<i32>} : memref<64xi32, #tpu.memory_space<vmem>>, vector<16xi32>,
        tpu.vector_store %arg7[%swap3A_292], %select_n3A_291 {strides = array<i32>} : memref<64xi32, #tpu.memory_space<vmem>>, vector<16xi32>,
        %dma_start3A = arith.constant 0 : i32
        %dma_start3A_294 = arith.constant 0 : i32
        %dma_start3A_295 = tpu.memref_slice %arg14[%dma_start3A, %dma_start3A_294] : memref<5008x128xf32, #tpu.memory_space<vmem_shared>> -> memref<5008x128xf32, #tpu.memory_space<vmem_shared>>
        tpu.enqueue_indirect_dma source(%arg8 : memref<64x128xf32, #tpu.memory_space<vmem>>) target(%dma_start3A_295 : memref<5008x128xf32, #tpu.memory_space<vmem_shared>>) offsets(%arg7 : memref<64xi32, #tpu.memory_space<vmem>>) semaphore(%arg18 : memref<!tpu.dma_semaphore, #tpu.memory_space<semaphore_mem>>) {add = true}
        %dma_start3A_296 = arith.constant 0 : i32
        %dma_start3A_297 = arith.constant 0 : i32
        %dma_start3A_298 = tpu.memref_slice %arg15[%dma_start3A_296, %dma_start3A_297] : memref<5008x16xf32, #tpu.memory_space<vmem_shared>> -> memref<5008x16xf32, #tpu.memory_space<vmem_shared>>
        tpu.enqueue_indirect_dma source(%arg11 : memref<64x16xf32, #tpu.memory_space<vmem>>) target(%dma_start3A_298 : memref<5008x16xf32, #tpu.memory_space<vmem_shared>>) offsets(%arg7 : memref<64xi32, #tpu.memory_space<vmem>>) semaphore(%arg18 : memref<!tpu.dma_semaphore, #tpu.memory_space<semaphore_mem>>) {add = true}
      } else {
      }
      %scan3A_211 = arith.constant 0 : i32
      scf.yield %scan3A_211 : i32
    }
    %scan3A_64 = arith.constant 40 : i32
    %dma_wait3A = arith.constant 0 : i32
    %dma_wait3A_65 = arith.constant 0 : i32
    %dma_wait3A_66 = tpu.memref_slice %arg2[%dma_wait3A, %dma_wait3A_65] : memref<160000x128xf32, #tpu.memory_space<hbm>> -> memref<64x128xf32, #tpu.memory_space<hbm>>
    %dma_wait3A_67 = arith.constant 0 : i32
    %dma_wait3A_68 = arith.constant 0 : i32
    %dma_wait3A_69 = tpu.memref_slice %arg2[%dma_wait3A_67, %dma_wait3A_68] : memref<160000x128xf32, #tpu.memory_space<hbm>> -> memref<64x128xf32, #tpu.memory_space<hbm>>
    tpu.wait_dma2 semaphore(%arg18 : memref<!tpu.dma_semaphore, #tpu.memory_space<semaphore_mem>>) src(%dma_wait3A_69 : memref<64x128xf32, #tpu.memory_space<hbm>>) dst(%arg8 : memref<64x128xf32, #tpu.memory_space<vmem>>)
    %dma_wait3A_70 = arith.constant 0 : i32
    %dma_wait3A_71 = arith.constant 0 : i32
    %dma_wait3A_72 = arith.constant 0 : i32
    %dma_wait3A_73 = tpu.memref_slice %arg5[%dma_wait3A_70, %dma_wait3A_71, %dma_wait3A_72] : memref<2x10000x16xf32, #tpu.memory_space<hbm>> -> memref<1x64x16xf32, #tpu.memory_space<hbm>>
    %dma_wait3A_74 = tpu.memref_squeeze %dma_wait3A_73 : memref<1x64x16xf32, #tpu.memory_space<hbm>> -> memref<64x16xf32, #tpu.memory_space<hbm>>
    %dma_wait3A_75 = arith.constant 0 : i32
    %dma_wait3A_76 = arith.constant 0 : i32
    %dma_wait3A_77 = tpu.memref_slice %arg5[%dma_wait3A_70, %dma_wait3A_75, %dma_wait3A_76] : memref<2x10000x16xf32, #tpu.memory_space<hbm>> -> memref<1x64x16xf32, #tpu.memory_space<hbm>>
    %dma_wait3A_78 = tpu.memref_squeeze %dma_wait3A_77 : memref<1x64x16xf32, #tpu.memory_space<hbm>> -> memref<64x16xf32, #tpu.memory_space<hbm>>
    tpu.wait_dma2 semaphore(%arg18 : memref<!tpu.dma_semaphore, #tpu.memory_space<semaphore_mem>>) src(%dma_wait3A_78 : memref<64x16xf32, #tpu.memory_space<hbm>>) dst(%arg11 : memref<64x16xf32, #tpu.memory_space<vmem>>)
    %dma_wait3A_79 = arith.constant 0 : i32
    %dma_wait3A_80 = arith.constant 0 : i32
    %dma_wait3A_81 = tpu.memref_slice %arg2[%dma_wait3A_79, %dma_wait3A_80] : memref<160000x128xf32, #tpu.memory_space<hbm>> -> memref<64x128xf32, #tpu.memory_space<hbm>>
    %dma_wait3A_82 = arith.constant 0 : i32
    %dma_wait3A_83 = arith.constant 0 : i32
    %dma_wait3A_84 = tpu.memref_slice %arg2[%dma_wait3A_82, %dma_wait3A_83] : memref<160000x128xf32, #tpu.memory_space<hbm>> -> memref<64x128xf32, #tpu.memory_space<hbm>>
    tpu.wait_dma2 semaphore(%arg19 : memref<!tpu.dma_semaphore, #tpu.memory_space<semaphore_mem>>) src(%dma_wait3A_84 : memref<64x128xf32, #tpu.memory_space<hbm>>) dst(%arg10 : memref<64x128xf32, #tpu.memory_space<vmem>>)
    %dma_wait3A_85 = arith.constant 0 : i32
    %dma_wait3A_86 = arith.constant 0 : i32
    %dma_wait3A_87 = arith.constant 0 : i32
    %dma_wait3A_88 = tpu.memref_slice %arg5[%dma_wait3A_85, %dma_wait3A_86, %dma_wait3A_87] : memref<2x10000x16xf32, #tpu.memory_space<hbm>> -> memref<1x64x16xf32, #tpu.memory_space<hbm>>
    %dma_wait3A_89 = tpu.memref_squeeze %dma_wait3A_88 : memref<1x64x16xf32, #tpu.memory_space<hbm>> -> memref<64x16xf32, #tpu.memory_space<hbm>>
    %dma_wait3A_90 = arith.constant 0 : i32
    %dma_wait3A_91 = arith.constant 0 : i32
    %dma_wait3A_92 = tpu.memref_slice %arg5[%dma_wait3A_85, %dma_wait3A_90, %dma_wait3A_91] : memref<2x10000x16xf32, #tpu.memory_space<hbm>> -> memref<1x64x16xf32, #tpu.memory_space<hbm>>
    %dma_wait3A_93 = tpu.memref_squeeze %dma_wait3A_92 : memref<1x64x16xf32, #tpu.memory_space<hbm>> -> memref<64x16xf32, #tpu.memory_space<hbm>>
    tpu.wait_dma2 semaphore(%arg19 : memref<!tpu.dma_semaphore, #tpu.memory_space<semaphore_mem>>) src(%dma_wait3A_93 : memref<64x16xf32, #tpu.memory_space<hbm>>) dst(%arg11 : memref<64x16xf32, #tpu.memory_space<vmem>>)
    %barrier3A_94 = arith.constant 0 : index
    tpu.barrier barrier_id(%barrier3A_94)
    %mul3A_95 = arith.constant 312 : i32
    %mul3A_96 = arith.muli %arg1, %mul3A_95 : i32
    %mul3A_97 = arith.constant 312 : i32
    %mul3A_98 = arith.muli %arg1, %mul3A_97 : i32
    %add3A_99 = arith.constant 0 : i32
    %add3A_100 = arith.addi %add3A_99, %mul3A_98 : i32
    "tpu.region"() ({
      %run_scoped3A = tpu.sem_alloc : memref<!tpu.dma_semaphore, #tpu.memory_space<semaphore_mem>>
      %dma_start3A = arith.constant 0 : i32
      %dma_start3A_182 = tpu.memref_slice %arg4[%arg0, %add3A_100, %dma_start3A] : memref<2x10000x128xf32, #tpu.memory_space<hbm>> -> memref<1x312x128xf32, #tpu.memory_space<hbm>>
      %dma_start3A_183 = tpu.memref_squeeze %dma_start3A_182 : memref<1x312x128xf32, #tpu.memory_space<hbm>> -> memref<312x128xf32, #tpu.memory_space<hbm>>
      %dma_start3A_184 = arith.constant 0 : i32
      %dma_start3A_185 = tpu.memref_slice %arg14[%mul3A_96, %dma_start3A_184] : memref<5008x128xf32, #tpu.memory_space<vmem_shared>> -> memref<312x128xf32, #tpu.memory_space<vmem_shared>>
      tpu.enqueue_dma source(%dma_start3A_185 : memref<312x128xf32, #tpu.memory_space<vmem_shared>>) target(%dma_start3A_183 : memref<312x128xf32, #tpu.memory_space<hbm>>) target_semaphore(%run_scoped3A : memref<!tpu.dma_semaphore, #tpu.memory_space<semaphore_mem>>)
      %dma_wait3A_186 = arith.constant 0 : i32
      %dma_wait3A_187 = tpu.memref_slice %arg4[%arg0, %add3A_100, %dma_wait3A_186] : memref<2x10000x128xf32, #tpu.memory_space<hbm>> -> memref<1x312x128xf32, #tpu.memory_space<hbm>>
      %dma_wait3A_188 = tpu.memref_squeeze %dma_wait3A_187 : memref<1x312x128xf32, #tpu.memory_space<hbm>> -> memref<312x128xf32, #tpu.memory_space<hbm>>
      %dma_wait3A_189 = arith.constant 0 : i32
      %dma_wait3A_190 = tpu.memref_slice %arg14[%mul3A_96, %dma_wait3A_189] : memref<5008x128xf32, #tpu.memory_space<vmem_shared>> -> memref<312x128xf32, #tpu.memory_space<vmem_shared>>
      tpu.wait_dma2 semaphore(%run_scoped3A : memref<!tpu.dma_semaphore, #tpu.memory_space<semaphore_mem>>) src(%dma_wait3A_190 : memref<312x128xf32, #tpu.memory_space<vmem_shared>>) dst(%dma_wait3A_188 : memref<312x128xf32, #tpu.memory_space<hbm>>)
      tpu.yield
    }) : () -> ()
    "tpu.region"() ({
      %run_scoped3A = tpu.sem_alloc : memref<!tpu.dma_semaphore, #tpu.memory_space<semaphore_mem>>
      %dma_start3A = arith.constant 0 : i32
      %dma_start3A_182 = tpu.memref_slice %arg5[%arg0, %add3A_100, %dma_start3A] : memref<2x10000x16xf32, #tpu.memory_space<hbm>> -> memref<1x312x16xf32, #tpu.memory_space<hbm>>
      %dma_start3A_183 = tpu.memref_squeeze %dma_start3A_182 : memref<1x312x16xf32, #tpu.memory_space<hbm>> -> memref<312x16xf32, #tpu.memory_space<hbm>>
      %dma_start3A_184 = arith.constant 0 : i32
      %dma_start3A_185 = tpu.memref_slice %arg15[%mul3A_96, %dma_start3A_184] : memref<5008x16xf32, #tpu.memory_space<vmem_shared>> -> memref<312x16xf32, #tpu.memory_space<vmem_shared>>
      tpu.enqueue_dma source(%dma_start3A_185 : memref<312x16xf32, #tpu.memory_space<vmem_shared>>) target(%dma_start3A_183 : memref<312x16xf32, #tpu.memory_space<hbm>>) target_semaphore(%run_scoped3A : memref<!tpu.dma_semaphore, #tpu.memory_space<semaphore_mem>>)
      %dma_wait3A_186 = arith.constant 0 : i32
      %dma_wait3A_187 = tpu.memref_slice %arg5[%arg0, %add3A_100, %dma_wait3A_186] : memref<2x10000x16xf32, #tpu.memory_space<hbm>> -> memref<1x312x16xf32, #tpu.memory_space<hbm>>
      %dma_wait3A_188 = tpu.memref_squeeze %dma_wait3A_187 : memref<1x312x16xf32, #tpu.memory_space<hbm>> -> memref<312x16xf32, #tpu.memory_space<hbm>>
      %dma_wait3A_189 = arith.constant 0 : i32
      %dma_wait3A_190 = tpu.memref_slice %arg15[%mul3A_96, %dma_wait3A_189] : memref<5008x16xf32, #tpu.memory_space<vmem_shared>> -> memref<312x16xf32, #tpu.memory_space<vmem_shared>>
      tpu.wait_dma2 semaphore(%run_scoped3A : memref<!tpu.dma_semaphore, #tpu.memory_space<semaphore_mem>>) src(%dma_wait3A_190 : memref<312x16xf32, #tpu.memory_space<vmem_shared>>) dst(%dma_wait3A_188 : memref<312x16xf32, #tpu.memory_space<hbm>>)
      tpu.yield
    }) : () -> ()
    %eq3A_101 = arith.constant 15 : i32
    %eq3A_102 = arith.cmpi eq, %arg1, %eq3A_101 : i32
    %convert_element_type3A_103 = arith.extui %eq3A_102 : i1 to i32
    %cond3A_104 = arith.constant 0 : i32
    %cond3A_105 = arith.cmpi ne, %convert_element_type3A_103, %cond3A_104 : i32
    scf.if %cond3A_105 {
      "tpu.region"() ({
        %run_scoped3A = tpu.sem_alloc : memref<!tpu.dma_semaphore, #tpu.memory_space<semaphore_mem>>
        %dma_start3A = arith.constant 4992 : i32
        %dma_start3A_182 = arith.constant 0 : i32
        %dma_start3A_183 = tpu.memref_slice %arg4[%arg0, %dma_start3A, %dma_start3A_182] : memref<2x10000x128xf32, #tpu.memory_space<hbm>> -> memref<1x8x128xf32, #tpu.memory_space<hbm>>
        %dma_start3A_184 = tpu.memref_squeeze %dma_start3A_183 : memref<1x8x128xf32, #tpu.memory_space<hbm>> -> memref<8x128xf32, #tpu.memory_space<hbm>>
        %dma_start3A_185 = arith.constant 4992 : i32
        %dma_start3A_186 = arith.constant 0 : i32
        %dma_start3A_187 = tpu.memref_slice %arg14[%dma_start3A_185, %dma_start3A_186] : memref<5008x128xf32, #tpu.memory_space<vmem_shared>> -> memref<8x128xf32, #tpu.memory_space<vmem_shared>>
        tpu.enqueue_dma source(%dma_start3A_187 : memref<8x128xf32, #tpu.memory_space<vmem_shared>>) target(%dma_start3A_184 : memref<8x128xf32, #tpu.memory_space<hbm>>) target_semaphore(%run_scoped3A : memref<!tpu.dma_semaphore, #tpu.memory_space<semaphore_mem>>)
        %dma_wait3A_188 = arith.constant 4992 : i32
        %dma_wait3A_189 = arith.constant 0 : i32
        %dma_wait3A_190 = tpu.memref_slice %arg4[%arg0, %dma_wait3A_188, %dma_wait3A_189] : memref<2x10000x128xf32, #tpu.memory_space<hbm>> -> memref<1x8x128xf32, #tpu.memory_space<hbm>>
        %dma_wait3A_191 = tpu.memref_squeeze %dma_wait3A_190 : memref<1x8x128xf32, #tpu.memory_space<hbm>> -> memref<8x128xf32, #tpu.memory_space<hbm>>
        %dma_wait3A_192 = arith.constant 4992 : i32
        %dma_wait3A_193 = arith.constant 0 : i32
        %dma_wait3A_194 = tpu.memref_slice %arg14[%dma_wait3A_192, %dma_wait3A_193] : memref<5008x128xf32, #tpu.memory_space<vmem_shared>> -> memref<8x128xf32, #tpu.memory_space<vmem_shared>>
        tpu.wait_dma2 semaphore(%run_scoped3A : memref<!tpu.dma_semaphore, #tpu.memory_space<semaphore_mem>>) src(%dma_wait3A_194 : memref<8x128xf32, #tpu.memory_space<vmem_shared>>) dst(%dma_wait3A_191 : memref<8x128xf32, #tpu.memory_space<hbm>>)
        tpu.yield
      }) : () -> ()
      "tpu.region"() ({
        %run_scoped3A = tpu.sem_alloc : memref<!tpu.dma_semaphore, #tpu.memory_space<semaphore_mem>>
        %dma_start3A = arith.constant 4992 : i32
        %dma_start3A_182 = arith.constant 0 : i32
        %dma_start3A_183 = tpu.memref_slice %arg5[%arg0, %dma_start3A, %dma_start3A_182] : memref<2x10000x16xf32, #tpu.memory_space<hbm>> -> memref<1x8x16xf32, #tpu.memory_space<hbm>>
        %dma_start3A_184 = tpu.memref_squeeze %dma_start3A_183 : memref<1x8x16xf32, #tpu.memory_space<hbm>> -> memref<8x16xf32, #tpu.memory_space<hbm>>
        %dma_start3A_185 = arith.constant 4992 : i32
        %dma_start3A_186 = arith.constant 0 : i32
        %dma_start3A_187 = tpu.memref_slice %arg15[%dma_start3A_185, %dma_start3A_186] : memref<5008x16xf32, #tpu.memory_space<vmem_shared>> -> memref<8x16xf32, #tpu.memory_space<vmem_shared>>
        tpu.enqueue_dma source(%dma_start3A_187 : memref<8x16xf32, #tpu.memory_space<vmem_shared>>) target(%dma_start3A_184 : memref<8x16xf32, #tpu.memory_space<hbm>>) target_semaphore(%run_scoped3A : memref<!tpu.dma_semaphore, #tpu.memory_space<semaphore_mem>>)
        %dma_wait3A_188 = arith.constant 4992 : i32
        %dma_wait3A_189 = arith.constant 0 : i32
        %dma_wait3A_190 = tpu.memref_slice %arg5[%arg0, %dma_wait3A_188, %dma_wait3A_189] : memref<2x10000x16xf32, #tpu.memory_space<hbm>> -> memref<1x8x16xf32, #tpu.memory_space<hbm>>
        %dma_wait3A_191 = tpu.memref_squeeze %dma_wait3A_190 : memref<1x8x16xf32, #tpu.memory_space<hbm>> -> memref<8x16xf32, #tpu.memory_space<hbm>>
        %dma_wait3A_192 = arith.constant 4992 : i32
        %dma_wait3A_193 = arith.constant 0 : i32
        %dma_wait3A_194 = tpu.memref_slice %arg15[%dma_wait3A_192, %dma_wait3A_193] : memref<5008x16xf32, #tpu.memory_space<vmem_shared>> -> memref<8x16xf32, #tpu.memory_space<vmem_shared>>
        tpu.wait_dma2 semaphore(%run_scoped3A : memref<!tpu.dma_semaphore, #tpu.memory_space<semaphore_mem>>) src(%dma_wait3A_194 : memref<8x16xf32, #tpu.memory_space<vmem_shared>>) dst(%dma_wait3A_191 : memref<8x16xf32, #tpu.memory_space<hbm>>)
        tpu.yield
      }) : () -> ()
    } else {
    }
    %mul3A_106 = arith.constant 312 : i32
    %mul3A_107 = arith.muli %arg1, %mul3A_106 : i32
    "tpu.region"() ({
      %run_scoped3A = tpu.sem_alloc : memref<!tpu.dma_semaphore, #tpu.memory_space<semaphore_mem>>
      %dma_start3A = arith.constant 0 : i32
      %dma_start3A_182 = tpu.memref_slice %arg14[%mul3A_107, %dma_start3A] : memref<5008x128xf32, #tpu.memory_space<vmem_shared>> -> memref<156x128xf32, #tpu.memory_space<vmem_shared>>
      %dma_start3A_183 = arith.constant 0 : i32
      %dma_start3A_184 = tpu.memref_slice %arg14[%mul3A_107, %dma_start3A_183] : memref<5008x128xf32, #tpu.memory_space<vmem_shared>> -> memref<156x128xf32, #tpu.memory_space<vmem_shared>>
      tpu.enqueue_dma source(%arg12 : memref<156x128xf32, #tpu.memory_space<vmem>>) target(%dma_start3A_184 : memref<156x128xf32, #tpu.memory_space<vmem_shared>>) target_semaphore(%run_scoped3A : memref<!tpu.dma_semaphore, #tpu.memory_space<semaphore_mem>>)
      %dma_wait3A_185 = arith.constant 0 : i32
      %dma_wait3A_186 = tpu.memref_slice %arg14[%mul3A_107, %dma_wait3A_185] : memref<5008x128xf32, #tpu.memory_space<vmem_shared>> -> memref<156x128xf32, #tpu.memory_space<vmem_shared>>
      %dma_wait3A_187 = arith.constant 0 : i32
      %dma_wait3A_188 = tpu.memref_slice %arg14[%mul3A_107, %dma_wait3A_187] : memref<5008x128xf32, #tpu.memory_space<vmem_shared>> -> memref<156x128xf32, #tpu.memory_space<vmem_shared>>
      tpu.wait_dma2 semaphore(%run_scoped3A : memref<!tpu.dma_semaphore, #tpu.memory_space<semaphore_mem>>) src(%arg12 : memref<156x128xf32, #tpu.memory_space<vmem>>) dst(%dma_wait3A_188 : memref<156x128xf32, #tpu.memory_space<vmem_shared>>)
      tpu.yield
    }) : () -> ()
    %mul3A_108 = arith.constant 312 : i32
    %mul3A_109 = arith.muli %arg1, %mul3A_108 : i32
    %add3A_110 = arith.constant 156 : i32
    %add3A_111 = arith.addi %mul3A_109, %add3A_110 : i32
    "tpu.region"() ({
      %run_scoped3A = tpu.sem_alloc : memref<!tpu.dma_semaphore, #tpu.memory_space<semaphore_mem>>
      %dma_start3A = arith.constant 0 : i32
      %dma_start3A_182 = tpu.memref_slice %arg14[%add3A_111, %dma_start3A] : memref<5008x128xf32, #tpu.memory_space<vmem_shared>> -> memref<156x128xf32, #tpu.memory_space<vmem_shared>>
      %dma_start3A_183 = arith.constant 0 : i32
      %dma_start3A_184 = tpu.memref_slice %arg14[%add3A_111, %dma_start3A_183] : memref<5008x128xf32, #tpu.memory_space<vmem_shared>> -> memref<156x128xf32, #tpu.memory_space<vmem_shared>>
      tpu.enqueue_dma source(%arg12 : memref<156x128xf32, #tpu.memory_space<vmem>>) target(%dma_start3A_184 : memref<156x128xf32, #tpu.memory_space<vmem_shared>>) target_semaphore(%run_scoped3A : memref<!tpu.dma_semaphore, #tpu.memory_space<semaphore_mem>>)
      %dma_wait3A_185 = arith.constant 0 : i32
      %dma_wait3A_186 = tpu.memref_slice %arg14[%add3A_111, %dma_wait3A_185] : memref<5008x128xf32, #tpu.memory_space<vmem_shared>> -> memref<156x128xf32, #tpu.memory_space<vmem_shared>>
      %dma_wait3A_187 = arith.constant 0 : i32
      %dma_wait3A_188 = tpu.memref_slice %arg14[%add3A_111, %dma_wait3A_187] : memref<5008x128xf32, #tpu.memory_space<vmem_shared>> -> memref<156x128xf32, #tpu.memory_space<vmem_shared>>
      tpu.wait_dma2 semaphore(%run_scoped3A : memref<!tpu.dma_semaphore, #tpu.memory_space<semaphore_mem>>) src(%arg12 : memref<156x128xf32, #tpu.memory_space<vmem>>) dst(%dma_wait3A_188 : memref<156x128xf32, #tpu.memory_space<vmem_shared>>)
      tpu.yield
    }) : () -> ()
    %mul3A_112 = arith.constant 312 : i32
    %mul3A_113 = arith.muli %arg1, %mul3A_112 : i32
    "tpu.region"() ({
      %run_scoped3A = tpu.sem_alloc : memref<!tpu.dma_semaphore, #tpu.memory_space<semaphore_mem>>
      %dma_start3A = arith.constant 0 : i32
      %dma_start3A_182 = tpu.memref_slice %arg15[%mul3A_113, %dma_start3A] : memref<5008x16xf32, #tpu.memory_space<vmem_shared>> -> memref<312x16xf32, #tpu.memory_space<vmem_shared>>
      %dma_start3A_183 = arith.constant 0 : i32
      %dma_start3A_184 = tpu.memref_slice %arg15[%mul3A_113, %dma_start3A_183] : memref<5008x16xf32, #tpu.memory_space<vmem_shared>> -> memref<312x16xf32, #tpu.memory_space<vmem_shared>>
      tpu.enqueue_dma source(%arg13 : memref<312x16xf32, #tpu.memory_space<vmem>>) target(%dma_start3A_184 : memref<312x16xf32, #tpu.memory_space<vmem_shared>>) target_semaphore(%run_scoped3A : memref<!tpu.dma_semaphore, #tpu.memory_space<semaphore_mem>>)
      %dma_wait3A_185 = arith.constant 0 : i32
      %dma_wait3A_186 = tpu.memref_slice %arg15[%mul3A_113, %dma_wait3A_185] : memref<5008x16xf32, #tpu.memory_space<vmem_shared>> -> memref<312x16xf32, #tpu.memory_space<vmem_shared>>
      %dma_wait3A_187 = arith.constant 0 : i32
      %dma_wait3A_188 = tpu.memref_slice %arg15[%mul3A_113, %dma_wait3A_187] : memref<5008x16xf32, #tpu.memory_space<vmem_shared>> -> memref<312x16xf32, #tpu.memory_space<vmem_shared>>
      tpu.wait_dma2 semaphore(%run_scoped3A : memref<!tpu.dma_semaphore, #tpu.memory_space<semaphore_mem>>) src(%arg13 : memref<312x16xf32, #tpu.memory_space<vmem>>) dst(%dma_wait3A_188 : memref<312x16xf32, #tpu.memory_space<vmem_shared>>)
      tpu.yield
    }) : () -> ()
    %eq3A_114 = arith.constant 15 : i32
    %eq3A_115 = arith.cmpi eq, %arg1, %eq3A_114 : i32
    %convert_element_type3A_116 = arith.extui %eq3A_115 : i1 to i32
    %cond3A_117 = arith.constant 0 : i32
    %cond3A_118 = arith.cmpi ne, %convert_element_type3A_116, %cond3A_117 : i32
    scf.if %cond3A_118 {
      "tpu.region"() ({
        %run_scoped3A = tpu.sem_alloc : memref<!tpu.dma_semaphore, #tpu.memory_space<semaphore_mem>>
        %dma_start3A = arith.constant 0 : i32
        %dma_start3A_182 = arith.constant 0 : i32
        %dma_start3A_183 = tpu.memref_slice %arg12[%dma_start3A, %dma_start3A_182] : memref<156x128xf32, #tpu.memory_space<vmem>> -> memref<16x128xf32, #tpu.memory_space<vmem>>
        %dma_start3A_184 = arith.constant 4992 : i32
        %dma_start3A_185 = arith.constant 0 : i32
        %dma_start3A_186 = tpu.memref_slice %arg14[%dma_start3A_184, %dma_start3A_185] : memref<5008x128xf32, #tpu.memory_space<vmem_shared>> -> memref<16x128xf32, #tpu.memory_space<vmem_shared>>
        %dma_start3A_187 = arith.constant 4992 : i32
        %dma_start3A_188 = arith.constant 0 : i32
        %dma_start3A_189 = tpu.memref_slice %arg14[%dma_start3A_187, %dma_start3A_188] : memref<5008x128xf32, #tpu.memory_space<vmem_shared>> -> memref<16x128xf32, #tpu.memory_space<vmem_shared>>
        %dma_start3A_190 = arith.constant 0 : i32
        %dma_start3A_191 = arith.constant 0 : i32
        %dma_start3A_192 = tpu.memref_slice %arg12[%dma_start3A_190, %dma_start3A_191] : memref<156x128xf32, #tpu.memory_space<vmem>> -> memref<16x128xf32, #tpu.memory_space<vmem>>
        tpu.enqueue_dma source(%dma_start3A_192 : memref<16x128xf32, #tpu.memory_space<vmem>>) target(%dma_start3A_189 : memref<16x128xf32, #tpu.memory_space<vmem_shared>>) target_semaphore(%run_scoped3A : memref<!tpu.dma_semaphore, #tpu.memory_space<semaphore_mem>>)
        %dma_wait3A_193 = arith.constant 0 : i32
        %dma_wait3A_194 = arith.constant 0 : i32
        %dma_wait3A_195 = tpu.memref_slice %arg12[%dma_wait3A_193, %dma_wait3A_194] : memref<156x128xf32, #tpu.memory_space<vmem>> -> memref<16x128xf32, #tpu.memory_space<vmem>>
        %dma_wait3A_196 = arith.constant 4992 : i32
        %dma_wait3A_197 = arith.constant 0 : i32
        %dma_wait3A_198 = tpu.memref_slice %arg14[%dma_wait3A_196, %dma_wait3A_197] : memref<5008x128xf32, #tpu.memory_space<vmem_shared>> -> memref<16x128xf32, #tpu.memory_space<vmem_shared>>
        %dma_wait3A_199 = arith.constant 4992 : i32
        %dma_wait3A_200 = arith.constant 0 : i32
        %dma_wait3A_201 = tpu.memref_slice %arg14[%dma_wait3A_199, %dma_wait3A_200] : memref<5008x128xf32, #tpu.memory_space<vmem_shared>> -> memref<16x128xf32, #tpu.memory_space<vmem_shared>>
        %dma_wait3A_202 = arith.constant 0 : i32
        %dma_wait3A_203 = arith.constant 0 : i32
        %dma_wait3A_204 = tpu.memref_slice %arg12[%dma_wait3A_202, %dma_wait3A_203] : memref<156x128xf32, #tpu.memory_space<vmem>> -> memref<16x128xf32, #tpu.memory_space<vmem>>
        tpu.wait_dma2 semaphore(%run_scoped3A : memref<!tpu.dma_semaphore, #tpu.memory_space<semaphore_mem>>) src(%dma_wait3A_204 : memref<16x128xf32, #tpu.memory_space<vmem>>) dst(%dma_wait3A_201 : memref<16x128xf32, #tpu.memory_space<vmem_shared>>)
        tpu.yield
      }) : () -> ()
      "tpu.region"() ({
        %run_scoped3A = tpu.sem_alloc : memref<!tpu.dma_semaphore, #tpu.memory_space<semaphore_mem>>
        %dma_start3A = arith.constant 0 : i32
        %dma_start3A_182 = arith.constant 0 : i32
        %dma_start3A_183 = tpu.memref_slice %arg13[%dma_start3A, %dma_start3A_182] : memref<312x16xf32, #tpu.memory_space<vmem>> -> memref<16x16xf32, #tpu.memory_space<vmem>>
        %dma_start3A_184 = arith.constant 4992 : i32
        %dma_start3A_185 = arith.constant 0 : i32
        %dma_start3A_186 = tpu.memref_slice %arg15[%dma_start3A_184, %dma_start3A_185] : memref<5008x16xf32, #tpu.memory_space<vmem_shared>> -> memref<16x16xf32, #tpu.memory_space<vmem_shared>>
        %dma_start3A_187 = arith.constant 4992 : i32
        %dma_start3A_188 = arith.constant 0 : i32
        %dma_start3A_189 = tpu.memref_slice %arg15[%dma_start3A_187, %dma_start3A_188] : memref<5008x16xf32, #tpu.memory_space<vmem_shared>> -> memref<16x16xf32, #tpu.memory_space<vmem_shared>>
        %dma_start3A_190 = arith.constant 0 : i32
        %dma_start3A_191 = arith.constant 0 : i32
        %dma_start3A_192 = tpu.memref_slice %arg13[%dma_start3A_190, %dma_start3A_191] : memref<312x16xf32, #tpu.memory_space<vmem>> -> memref<16x16xf32, #tpu.memory_space<vmem>>
        tpu.enqueue_dma source(%dma_start3A_192 : memref<16x16xf32, #tpu.memory_space<vmem>>) target(%dma_start3A_189 : memref<16x16xf32, #tpu.memory_space<vmem_shared>>) target_semaphore(%run_scoped3A : memref<!tpu.dma_semaphore, #tpu.memory_space<semaphore_mem>>)
        %dma_wait3A_193 = arith.constant 0 : i32
        %dma_wait3A_194 = arith.constant 0 : i32
        %dma_wait3A_195 = tpu.memref_slice %arg13[%dma_wait3A_193, %dma_wait3A_194] : memref<312x16xf32, #tpu.memory_space<vmem>> -> memref<16x16xf32, #tpu.memory_space<vmem>>
        %dma_wait3A_196 = arith.constant 4992 : i32
        %dma_wait3A_197 = arith.constant 0 : i32
        %dma_wait3A_198 = tpu.memref_slice %arg15[%dma_wait3A_196, %dma_wait3A_197] : memref<5008x16xf32, #tpu.memory_space<vmem_shared>> -> memref<16x16xf32, #tpu.memory_space<vmem_shared>>
        %dma_wait3A_199 = arith.constant 4992 : i32
        %dma_wait3A_200 = arith.constant 0 : i32
        %dma_wait3A_201 = tpu.memref_slice %arg15[%dma_wait3A_199, %dma_wait3A_200] : memref<5008x16xf32, #tpu.memory_space<vmem_shared>> -> memref<16x16xf32, #tpu.memory_space<vmem_shared>>
        %dma_wait3A_202 = arith.constant 0 : i32
        %dma_wait3A_203 = arith.constant 0 : i32
        %dma_wait3A_204 = tpu.memref_slice %arg13[%dma_wait3A_202, %dma_wait3A_203] : memref<312x16xf32, #tpu.memory_space<vmem>> -> memref<16x16xf32, #tpu.memory_space<vmem>>
        tpu.wait_dma2 semaphore(%run_scoped3A : memref<!tpu.dma_semaphore, #tpu.memory_space<semaphore_mem>>) src(%dma_wait3A_204 : memref<16x16xf32, #tpu.memory_space<vmem>>) dst(%dma_wait3A_201 : memref<16x16xf32, #tpu.memory_space<vmem_shared>>)
        tpu.yield
      }) : () -> ()
    } else {
    }
    %barrier3A_119 = arith.constant 0 : index
    tpu.barrier barrier_id(%barrier3A_119)
    %add3A_120 = arith.constant 1 : i32
    %add3A_121 = arith.addi %add3A, %add3A_120 : i32
    %mul3A_122 = arith.constant 78 : i32
    %mul3A_123 = arith.muli %add3A_121, %mul3A_122 : i32
    %min3A_124 = arith.constant 4 : i32
    %min3A_125 = arith.minsi %add3A_121, %min3A_124 : i32
    %add3A_126 = arith.addi %mul3A_123, %min3A_125 : i32
    %mul3A_127 = arith.constant 78 : i32
    %mul3A_128 = arith.muli %add3A, %mul3A_127 : i32
    %min3A_129 = arith.constant 4 : i32
    %min3A_130 = arith.minsi %add3A, %min3A_129 : i32
    %add3A_131 = arith.addi %mul3A_128, %min3A_130 : i32
    %sub3A_132 = arith.subi %add3A_126, %add3A_131 : i32
    %scan3A_133 = arith.constant 0 : i32
    %scan3A_134 = arith.constant 0 : i32
    %scan3A_135 = arith.constant 40 : i32
    %scan3A_136 = arith.addi %scan3A_134, %scan3A_135 : i32
    %scan3A_137 = arith.constant 1 : i32
    %scan3A_138 = scf.for %scan3A_182 = %scan3A_134 to %scan3A_136 step %scan3A_137 iter_args(%scan3A_183 = %scan3A_133) -> (i32)  : i32 {
      %mul3A_184 = arith.constant 2 : i32
      %mul3A_185 = arith.muli %scan3A_182, %mul3A_184 : i32
      %mul3A_186 = arith.constant 2 : i32
      %mul3A_187 = arith.muli %scan3A_182, %mul3A_186 : i32
      %add3A_188 = arith.constant 1 : i32
      %add3A_189 = arith.addi %mul3A_187, %add3A_188 : i32
      %lt3A_190 = arith.cmpi slt, %mul3A_185, %sub3A_132 : i32
      %convert_element_type3A_191 = arith.extui %lt3A_190 : i1 to i32
      %cond3A_192 = arith.constant 0 : i32
      %cond3A_193 = arith.cmpi ne, %convert_element_type3A_191, %cond3A_192 : i32
      scf.if %cond3A_193 {
        %ge3A_212 = arith.constant 2 : i32
        %ge3A_213 = arith.cmpi sge, %mul3A_185, %ge3A_212 : i32
        %convert_element_type3A_214 = arith.extui %ge3A_213 : i1 to i32
        %cond3A_215 = arith.constant 0 : i32
        %cond3A_216 = arith.cmpi ne, %convert_element_type3A_214, %cond3A_215 : i32
        scf.if %cond3A_216 {
          %dma_wait3A_223 = arith.constant 0 : i32
          %dma_wait3A_224 = arith.constant 0 : i32
          %dma_wait3A_225 = tpu.memref_slice %arg2[%dma_wait3A_223, %dma_wait3A_224] : memref<160000x128xf32, #tpu.memory_space<hbm>> -> memref<64x128xf32, #tpu.memory_space<hbm>>
          %dma_wait3A_226 = arith.constant 0 : i32
          %dma_wait3A_227 = arith.constant 0 : i32
          %dma_wait3A_228 = tpu.memref_slice %arg2[%dma_wait3A_226, %dma_wait3A_227] : memref<160000x128xf32, #tpu.memory_space<hbm>> -> memref<64x128xf32, #tpu.memory_space<hbm>>
          tpu.wait_dma2 semaphore(%arg18 : memref<!tpu.dma_semaphore, #tpu.memory_space<semaphore_mem>>) src(%dma_wait3A_228 : memref<64x128xf32, #tpu.memory_space<hbm>>) dst(%arg8 : memref<64x128xf32, #tpu.memory_space<vmem>>)
          %dma_wait3A_229 = arith.constant 0 : i32
          %dma_wait3A_230 = arith.constant 0 : i32
          %dma_wait3A_231 = arith.constant 0 : i32
          %dma_wait3A_232 = tpu.memref_slice %arg5[%dma_wait3A_229, %dma_wait3A_230, %dma_wait3A_231] : memref<2x10000x16xf32, #tpu.memory_space<hbm>> -> memref<1x64x16xf32, #tpu.memory_space<hbm>>
          %dma_wait3A_233 = tpu.memref_squeeze %dma_wait3A_232 : memref<1x64x16xf32, #tpu.memory_space<hbm>> -> memref<64x16xf32, #tpu.memory_space<hbm>>
          %dma_wait3A_234 = arith.constant 0 : i32
          %dma_wait3A_235 = arith.constant 0 : i32
          %dma_wait3A_236 = tpu.memref_slice %arg5[%dma_wait3A_229, %dma_wait3A_234, %dma_wait3A_235] : memref<2x10000x16xf32, #tpu.memory_space<hbm>> -> memref<1x64x16xf32, #tpu.memory_space<hbm>>
          %dma_wait3A_237 = tpu.memref_squeeze %dma_wait3A_236 : memref<1x64x16xf32, #tpu.memory_space<hbm>> -> memref<64x16xf32, #tpu.memory_space<hbm>>
          tpu.wait_dma2 semaphore(%arg18 : memref<!tpu.dma_semaphore, #tpu.memory_space<semaphore_mem>>) src(%dma_wait3A_237 : memref<64x16xf32, #tpu.memory_space<hbm>>) dst(%arg11 : memref<64x16xf32, #tpu.memory_space<vmem>>)
        } else {
        }
        %mul3A_217 = arith.constant 64 : i32
        %mul3A_218 = arith.muli %mul3A_185, %mul3A_217 : i32
        %add3A_219 = arith.addi %mul3A_6, %mul3A_218 : i32
        %dma_start3A = arith.constant 0 : i32
        %dma_start3A_220 = tpu.memref_slice %arg2[%add3A_219, %dma_start3A] : memref<160000x128xf32, #tpu.memory_space<hbm>> -> memref<64x128xf32, #tpu.memory_space<hbm>>
        %dma_start3A_221 = arith.constant 0 : i32
        %dma_start3A_222 = tpu.memref_slice %arg2[%add3A_219, %dma_start3A_221] : memref<160000x128xf32, #tpu.memory_space<hbm>> -> memref<64x128xf32, #tpu.memory_space<hbm>>
        tpu.enqueue_dma source(%dma_start3A_222 : memref<64x128xf32, #tpu.memory_space<hbm>>) target(%arg8 : memref<64x128xf32, #tpu.memory_space<vmem>>) target_semaphore(%arg16 : memref<!tpu.dma_semaphore, #tpu.memory_space<semaphore_mem>>)
      } else {
      }
      %ge3A = arith.constant 1 : i32
      %ge3A_194 = arith.cmpi sge, %mul3A_185, %ge3A : i32
      %sub3A_195 = arith.constant 1 : i32
      %sub3A_196 = arith.subi %mul3A_185, %sub3A_195 : i32
      %lt3A_197 = arith.cmpi slt, %sub3A_196, %sub3A_132 : i32
      %and3A = arith.andi %ge3A_194, %lt3A_197 : i1
      %convert_element_type3A_198 = arith.extui %and3A : i1 to i32
      %cond3A_199 = arith.constant 0 : i32
      %cond3A_200 = arith.cmpi ne, %convert_element_type3A_198, %cond3A_199 : i32
      scf.if %cond3A_200 {
        %sub3A_212 = arith.constant 1 : i32
        %sub3A_213 = arith.subi %mul3A_185, %sub3A_212 : i32
        %dma_wait3A_214 = arith.constant 0 : i32
        %dma_wait3A_215 = arith.constant 0 : i32
        %dma_wait3A_216 = tpu.memref_slice %arg2[%dma_wait3A_214, %dma_wait3A_215] : memref<160000x128xf32, #tpu.memory_space<hbm>> -> memref<64x128xf32, #tpu.memory_space<hbm>>
        %dma_wait3A_217 = arith.constant 0 : i32
        %dma_wait3A_218 = arith.constant 0 : i32
        %dma_wait3A_219 = tpu.memref_slice %arg2[%dma_wait3A_217, %dma_wait3A_218] : memref<160000x128xf32, #tpu.memory_space<hbm>> -> memref<64x128xf32, #tpu.memory_space<hbm>>
        tpu.wait_dma2 semaphore(%arg17 : memref<!tpu.dma_semaphore, #tpu.memory_space<semaphore_mem>>) src(%dma_wait3A_219 : memref<64x128xf32, #tpu.memory_space<hbm>>) dst(%arg10 : memref<64x128xf32, #tpu.memory_space<vmem>>)
        %mul3A_220 = arith.constant 64 : i32
        %mul3A_221 = arith.muli %sub3A_213, %mul3A_220 : i32
        %add3A_222 = arith.constant 0 : i32
        %add3A_223 = arith.addi %mul3A_221, %add3A_222 : i32
        %get3A = arith.index_cast %add3A_223 : i32 to index
        %get3A_224 = tpu.vector_load %arg6[%get3A] {strides = array<i32>} : memref<5056xi32, #tpu.memory_space<vmem>>, vector<16xi32>,
        %sub3A_225 = arith.constant 5000 : i32
        %sub3A_226 = vector.broadcast %sub3A_225 : i32 to vector<16xi32>
        %sub3A_227 = arith.subi %get3A_224, %sub3A_226 : vector<16xi32>
        %ge3A_228 = arith.constant 0 : i32
        %ge3A_229 = vector.broadcast %ge3A_228 : i32 to vector<16xi32>
        %ge3A_230 = arith.cmpi sge, %sub3A_227, %ge3A_229 : vector<16xi32>
        %lt3A_231 = arith.constant 5000 : i32
        %lt3A_232 = vector.broadcast %lt3A_231 : i32 to vector<16xi32>
        %lt3A_233 = arith.cmpi slt, %sub3A_227, %lt3A_232 : vector<16xi32>
        %and3A_234 = arith.andi %ge3A_230, %lt3A_233 : vector<16xi1>
        %jit3A = arith.constant 5000 : i32
        %broadcast_in_dim3A_235 = vector.broadcast %jit3A : i32 to vector<16xi32>
        %select_n3A = arith.select %and3A_234, %sub3A_227, %broadcast_in_dim3A_235 : vector<16xi1>, vector<16xi32>
        %swap3A = arith.constant 0 : index
        %swap3A_236 = tpu.vector_load %arg9[%swap3A] {strides = array<i32>} : memref<64xi32, #tpu.memory_space<vmem>>, vector<16xi32>,
        tpu.vector_store %arg9[%swap3A], %select_n3A {strides = array<i32>} : memref<64xi32, #tpu.memory_space<vmem>>, vector<16xi32>,
        %add3A_237 = arith.constant 16 : i32
        %add3A_238 = arith.addi %mul3A_221, %add3A_237 : i32
        %get3A_239 = arith.index_cast %add3A_238 : i32 to index
        %get3A_240 = tpu.vector_load %arg6[%get3A_239] {strides = array<i32>} : memref<5056xi32, #tpu.memory_space<vmem>>, vector<16xi32>,
        %sub3A_241 = arith.constant 5000 : i32
        %sub3A_242 = vector.broadcast %sub3A_241 : i32 to vector<16xi32>
        %sub3A_243 = arith.subi %get3A_240, %sub3A_242 : vector<16xi32>
        %ge3A_244 = arith.constant 0 : i32
        %ge3A_245 = vector.broadcast %ge3A_244 : i32 to vector<16xi32>
        %ge3A_246 = arith.cmpi sge, %sub3A_243, %ge3A_245 : vector<16xi32>
        %lt3A_247 = arith.constant 5000 : i32
        %lt3A_248 = vector.broadcast %lt3A_247 : i32 to vector<16xi32>
        %lt3A_249 = arith.cmpi slt, %sub3A_243, %lt3A_248 : vector<16xi32>
        %and3A_250 = arith.andi %ge3A_246, %lt3A_249 : vector<16xi1>
        %jit3A_251 = arith.constant 5000 : i32
        %broadcast_in_dim3A_252 = vector.broadcast %jit3A_251 : i32 to vector<16xi32>
        %select_n3A_253 = arith.select %and3A_250, %sub3A_243, %broadcast_in_dim3A_252 : vector<16xi1>, vector<16xi32>
        %swap3A_254 = arith.constant 16 : index
        %swap3A_255 = tpu.vector_load %arg9[%swap3A_254] {strides = array<i32>} : memref<64xi32, #tpu.memory_space<vmem>>, vector<16xi32>,
        tpu.vector_store %arg9[%swap3A_254], %select_n3A_253 {strides = array<i32>} : memref<64xi32, #tpu.memory_space<vmem>>, vector<16xi32>,
        %add3A_256 = arith.constant 32 : i32
        %add3A_257 = arith.addi %mul3A_221, %add3A_256 : i32
        %get3A_258 = arith.index_cast %add3A_257 : i32 to index
        %get3A_259 = tpu.vector_load %arg6[%get3A_258] {strides = array<i32>} : memref<5056xi32, #tpu.memory_space<vmem>>, vector<16xi32>,
        %sub3A_260 = arith.constant 5000 : i32
        %sub3A_261 = vector.broadcast %sub3A_260 : i32 to vector<16xi32>
        %sub3A_262 = arith.subi %get3A_259, %sub3A_261 : vector<16xi32>
        %ge3A_263 = arith.constant 0 : i32
        %ge3A_264 = vector.broadcast %ge3A_263 : i32 to vector<16xi32>
        %ge3A_265 = arith.cmpi sge, %sub3A_262, %ge3A_264 : vector<16xi32>
        %lt3A_266 = arith.constant 5000 : i32
        %lt3A_267 = vector.broadcast %lt3A_266 : i32 to vector<16xi32>
        %lt3A_268 = arith.cmpi slt, %sub3A_262, %lt3A_267 : vector<16xi32>
        %and3A_269 = arith.andi %ge3A_265, %lt3A_268 : vector<16xi1>
        %jit3A_270 = arith.constant 5000 : i32
        %broadcast_in_dim3A_271 = vector.broadcast %jit3A_270 : i32 to vector<16xi32>
        %select_n3A_272 = arith.select %and3A_269, %sub3A_262, %broadcast_in_dim3A_271 : vector<16xi1>, vector<16xi32>
        %swap3A_273 = arith.constant 32 : index
        %swap3A_274 = tpu.vector_load %arg9[%swap3A_273] {strides = array<i32>} : memref<64xi32, #tpu.memory_space<vmem>>, vector<16xi32>,
        tpu.vector_store %arg9[%swap3A_273], %select_n3A_272 {strides = array<i32>} : memref<64xi32, #tpu.memory_space<vmem>>, vector<16xi32>,
        %add3A_275 = arith.constant 48 : i32
        %add3A_276 = arith.addi %mul3A_221, %add3A_275 : i32
        %get3A_277 = arith.index_cast %add3A_276 : i32 to index
        %get3A_278 = tpu.vector_load %arg6[%get3A_277] {strides = array<i32>} : memref<5056xi32, #tpu.memory_space<vmem>>, vector<16xi32>,
        %sub3A_279 = arith.constant 5000 : i32
        %sub3A_280 = vector.broadcast %sub3A_279 : i32 to vector<16xi32>
        %sub3A_281 = arith.subi %get3A_278, %sub3A_280 : vector<16xi32>
        %ge3A_282 = arith.constant 0 : i32
        %ge3A_283 = vector.broadcast %ge3A_282 : i32 to vector<16xi32>
        %ge3A_284 = arith.cmpi sge, %sub3A_281, %ge3A_283 : vector<16xi32>
        %lt3A_285 = arith.constant 5000 : i32
        %lt3A_286 = vector.broadcast %lt3A_285 : i32 to vector<16xi32>
        %lt3A_287 = arith.cmpi slt, %sub3A_281, %lt3A_286 : vector<16xi32>
        %and3A_288 = arith.andi %ge3A_284, %lt3A_287 : vector<16xi1>
        %jit3A_289 = arith.constant 5000 : i32
        %broadcast_in_dim3A_290 = vector.broadcast %jit3A_289 : i32 to vector<16xi32>
        %select_n3A_291 = arith.select %and3A_288, %sub3A_281, %broadcast_in_dim3A_290 : vector<16xi1>, vector<16xi32>
        %swap3A_292 = arith.constant 48 : index
        %swap3A_293 = tpu.vector_load %arg9[%swap3A_292] {strides = array<i32>} : memref<64xi32, #tpu.memory_space<vmem>>, vector<16xi32>,
        tpu.vector_store %arg9[%swap3A_292], %select_n3A_291 {strides = array<i32>} : memref<64xi32, #tpu.memory_space<vmem>>, vector<16xi32>,
        %dma_start3A = arith.constant 0 : i32
        %dma_start3A_294 = arith.constant 0 : i32
        %dma_start3A_295 = tpu.memref_slice %arg14[%dma_start3A, %dma_start3A_294] : memref<5008x128xf32, #tpu.memory_space<vmem_shared>> -> memref<5008x128xf32, #tpu.memory_space<vmem_shared>>
        tpu.enqueue_indirect_dma source(%arg10 : memref<64x128xf32, #tpu.memory_space<vmem>>) target(%dma_start3A_295 : memref<5008x128xf32, #tpu.memory_space<vmem_shared>>) offsets(%arg9 : memref<64xi32, #tpu.memory_space<vmem>>) semaphore(%arg19 : memref<!tpu.dma_semaphore, #tpu.memory_space<semaphore_mem>>) {add = true}
        %dma_start3A_296 = arith.constant 0 : i32
        %dma_start3A_297 = arith.constant 0 : i32
        %dma_start3A_298 = tpu.memref_slice %arg15[%dma_start3A_296, %dma_start3A_297] : memref<5008x16xf32, #tpu.memory_space<vmem_shared>> -> memref<5008x16xf32, #tpu.memory_space<vmem_shared>>
        tpu.enqueue_indirect_dma source(%arg11 : memref<64x16xf32, #tpu.memory_space<vmem>>) target(%dma_start3A_298 : memref<5008x16xf32, #tpu.memory_space<vmem_shared>>) offsets(%arg9 : memref<64xi32, #tpu.memory_space<vmem>>) semaphore(%arg19 : memref<!tpu.dma_semaphore, #tpu.memory_space<semaphore_mem>>) {add = true}
      } else {
      }
      %lt3A_201 = arith.cmpi slt, %add3A_189, %sub3A_132 : i32
      %convert_element_type3A_202 = arith.extui %lt3A_201 : i1 to i32
      %cond3A_203 = arith.constant 0 : i32
      %cond3A_204 = arith.cmpi ne, %convert_element_type3A_202, %cond3A_203 : i32
      scf.if %cond3A_204 {
        %ge3A_212 = arith.constant 2 : i32
        %ge3A_213 = arith.cmpi sge, %add3A_189, %ge3A_212 : i32
        %convert_element_type3A_214 = arith.extui %ge3A_213 : i1 to i32
        %cond3A_215 = arith.constant 0 : i32
        %cond3A_216 = arith.cmpi ne, %convert_element_type3A_214, %cond3A_215 : i32
        scf.if %cond3A_216 {
          %dma_wait3A_223 = arith.constant 0 : i32
          %dma_wait3A_224 = arith.constant 0 : i32
          %dma_wait3A_225 = tpu.memref_slice %arg2[%dma_wait3A_223, %dma_wait3A_224] : memref<160000x128xf32, #tpu.memory_space<hbm>> -> memref<64x128xf32, #tpu.memory_space<hbm>>
          %dma_wait3A_226 = arith.constant 0 : i32
          %dma_wait3A_227 = arith.constant 0 : i32
          %dma_wait3A_228 = tpu.memref_slice %arg2[%dma_wait3A_226, %dma_wait3A_227] : memref<160000x128xf32, #tpu.memory_space<hbm>> -> memref<64x128xf32, #tpu.memory_space<hbm>>
          tpu.wait_dma2 semaphore(%arg19 : memref<!tpu.dma_semaphore, #tpu.memory_space<semaphore_mem>>) src(%dma_wait3A_228 : memref<64x128xf32, #tpu.memory_space<hbm>>) dst(%arg10 : memref<64x128xf32, #tpu.memory_space<vmem>>)
          %dma_wait3A_229 = arith.constant 0 : i32
          %dma_wait3A_230 = arith.constant 0 : i32
          %dma_wait3A_231 = arith.constant 0 : i32
          %dma_wait3A_232 = tpu.memref_slice %arg5[%dma_wait3A_229, %dma_wait3A_230, %dma_wait3A_231] : memref<2x10000x16xf32, #tpu.memory_space<hbm>> -> memref<1x64x16xf32, #tpu.memory_space<hbm>>
          %dma_wait3A_233 = tpu.memref_squeeze %dma_wait3A_232 : memref<1x64x16xf32, #tpu.memory_space<hbm>> -> memref<64x16xf32, #tpu.memory_space<hbm>>
          %dma_wait3A_234 = arith.constant 0 : i32
          %dma_wait3A_235 = arith.constant 0 : i32
          %dma_wait3A_236 = tpu.memref_slice %arg5[%dma_wait3A_229, %dma_wait3A_234, %dma_wait3A_235] : memref<2x10000x16xf32, #tpu.memory_space<hbm>> -> memref<1x64x16xf32, #tpu.memory_space<hbm>>
          %dma_wait3A_237 = tpu.memref_squeeze %dma_wait3A_236 : memref<1x64x16xf32, #tpu.memory_space<hbm>> -> memref<64x16xf32, #tpu.memory_space<hbm>>
          tpu.wait_dma2 semaphore(%arg19 : memref<!tpu.dma_semaphore, #tpu.memory_space<semaphore_mem>>) src(%dma_wait3A_237 : memref<64x16xf32, #tpu.memory_space<hbm>>) dst(%arg11 : memref<64x16xf32, #tpu.memory_space<vmem>>)
        } else {
        }
        %mul3A_217 = arith.constant 64 : i32
        %mul3A_218 = arith.muli %add3A_189, %mul3A_217 : i32
        %add3A_219 = arith.addi %mul3A_6, %mul3A_218 : i32
        %dma_start3A = arith.constant 0 : i32
        %dma_start3A_220 = tpu.memref_slice %arg2[%add3A_219, %dma_start3A] : memref<160000x128xf32, #tpu.memory_space<hbm>> -> memref<64x128xf32, #tpu.memory_space<hbm>>
        %dma_start3A_221 = arith.constant 0 : i32
        %dma_start3A_222 = tpu.memref_slice %arg2[%add3A_219, %dma_start3A_221] : memref<160000x128xf32, #tpu.memory_space<hbm>> -> memref<64x128xf32, #tpu.memory_space<hbm>>
        tpu.enqueue_dma source(%dma_start3A_222 : memref<64x128xf32, #tpu.memory_space<hbm>>) target(%arg10 : memref<64x128xf32, #tpu.memory_space<vmem>>) target_semaphore(%arg17 : memref<!tpu.dma_semaphore, #tpu.memory_space<semaphore_mem>>)
      } else {
      }
      %sub3A_205 = arith.constant 1 : i32
      %sub3A_206 = arith.subi %add3A_189, %sub3A_205 : i32
      %lt3A_207 = arith.cmpi slt, %sub3A_206, %sub3A_132 : i32
      %convert_element_type3A_208 = arith.extui %lt3A_207 : i1 to i32
      %cond3A_209 = arith.constant 0 : i32
      %cond3A_210 = arith.cmpi ne, %convert_element_type3A_208, %cond3A_209 : i32
      scf.if %cond3A_210 {
        %sub3A_212 = arith.constant 1 : i32
        %sub3A_213 = arith.subi %add3A_189, %sub3A_212 : i32
        %dma_wait3A_214 = arith.constant 0 : i32
        %dma_wait3A_215 = arith.constant 0 : i32
        %dma_wait3A_216 = tpu.memref_slice %arg2[%dma_wait3A_214, %dma_wait3A_215] : memref<160000x128xf32, #tpu.memory_space<hbm>> -> memref<64x128xf32, #tpu.memory_space<hbm>>
        %dma_wait3A_217 = arith.constant 0 : i32
        %dma_wait3A_218 = arith.constant 0 : i32
        %dma_wait3A_219 = tpu.memref_slice %arg2[%dma_wait3A_217, %dma_wait3A_218] : memref<160000x128xf32, #tpu.memory_space<hbm>> -> memref<64x128xf32, #tpu.memory_space<hbm>>
        tpu.wait_dma2 semaphore(%arg16 : memref<!tpu.dma_semaphore, #tpu.memory_space<semaphore_mem>>) src(%dma_wait3A_219 : memref<64x128xf32, #tpu.memory_space<hbm>>) dst(%arg8 : memref<64x128xf32, #tpu.memory_space<vmem>>)
        %mul3A_220 = arith.constant 64 : i32
        %mul3A_221 = arith.muli %sub3A_213, %mul3A_220 : i32
        %add3A_222 = arith.constant 0 : i32
        %add3A_223 = arith.addi %mul3A_221, %add3A_222 : i32
        %get3A = arith.index_cast %add3A_223 : i32 to index
        %get3A_224 = tpu.vector_load %arg6[%get3A] {strides = array<i32>} : memref<5056xi32, #tpu.memory_space<vmem>>, vector<16xi32>,
        %sub3A_225 = arith.constant 5000 : i32
        %sub3A_226 = vector.broadcast %sub3A_225 : i32 to vector<16xi32>
        %sub3A_227 = arith.subi %get3A_224, %sub3A_226 : vector<16xi32>
        %ge3A_228 = arith.constant 0 : i32
        %ge3A_229 = vector.broadcast %ge3A_228 : i32 to vector<16xi32>
        %ge3A_230 = arith.cmpi sge, %sub3A_227, %ge3A_229 : vector<16xi32>
        %lt3A_231 = arith.constant 5000 : i32
        %lt3A_232 = vector.broadcast %lt3A_231 : i32 to vector<16xi32>
        %lt3A_233 = arith.cmpi slt, %sub3A_227, %lt3A_232 : vector<16xi32>
        %and3A_234 = arith.andi %ge3A_230, %lt3A_233 : vector<16xi1>
        %jit3A = arith.constant 5000 : i32
        %broadcast_in_dim3A_235 = vector.broadcast %jit3A : i32 to vector<16xi32>
        %select_n3A = arith.select %and3A_234, %sub3A_227, %broadcast_in_dim3A_235 : vector<16xi1>, vector<16xi32>
        %swap3A = arith.constant 0 : index
        %swap3A_236 = tpu.vector_load %arg7[%swap3A] {strides = array<i32>} : memref<64xi32, #tpu.memory_space<vmem>>, vector<16xi32>,
        tpu.vector_store %arg7[%swap3A], %select_n3A {strides = array<i32>} : memref<64xi32, #tpu.memory_space<vmem>>, vector<16xi32>,
        %add3A_237 = arith.constant 16 : i32
        %add3A_238 = arith.addi %mul3A_221, %add3A_237 : i32
        %get3A_239 = arith.index_cast %add3A_238 : i32 to index
        %get3A_240 = tpu.vector_load %arg6[%get3A_239] {strides = array<i32>} : memref<5056xi32, #tpu.memory_space<vmem>>, vector<16xi32>,
        %sub3A_241 = arith.constant 5000 : i32
        %sub3A_242 = vector.broadcast %sub3A_241 : i32 to vector<16xi32>
        %sub3A_243 = arith.subi %get3A_240, %sub3A_242 : vector<16xi32>
        %ge3A_244 = arith.constant 0 : i32
        %ge3A_245 = vector.broadcast %ge3A_244 : i32 to vector<16xi32>
        %ge3A_246 = arith.cmpi sge, %sub3A_243, %ge3A_245 : vector<16xi32>
        %lt3A_247 = arith.constant 5000 : i32
        %lt3A_248 = vector.broadcast %lt3A_247 : i32 to vector<16xi32>
        %lt3A_249 = arith.cmpi slt, %sub3A_243, %lt3A_248 : vector<16xi32>
        %and3A_250 = arith.andi %ge3A_246, %lt3A_249 : vector<16xi1>
        %jit3A_251 = arith.constant 5000 : i32
        %broadcast_in_dim3A_252 = vector.broadcast %jit3A_251 : i32 to vector<16xi32>
        %select_n3A_253 = arith.select %and3A_250, %sub3A_243, %broadcast_in_dim3A_252 : vector<16xi1>, vector<16xi32>
        %swap3A_254 = arith.constant 16 : index
        %swap3A_255 = tpu.vector_load %arg7[%swap3A_254] {strides = array<i32>} : memref<64xi32, #tpu.memory_space<vmem>>, vector<16xi32>,
        tpu.vector_store %arg7[%swap3A_254], %select_n3A_253 {strides = array<i32>} : memref<64xi32, #tpu.memory_space<vmem>>, vector<16xi32>,
        %add3A_256 = arith.constant 32 : i32
        %add3A_257 = arith.addi %mul3A_221, %add3A_256 : i32
        %get3A_258 = arith.index_cast %add3A_257 : i32 to index
        %get3A_259 = tpu.vector_load %arg6[%get3A_258] {strides = array<i32>} : memref<5056xi32, #tpu.memory_space<vmem>>, vector<16xi32>,
        %sub3A_260 = arith.constant 5000 : i32
        %sub3A_261 = vector.broadcast %sub3A_260 : i32 to vector<16xi32>
        %sub3A_262 = arith.subi %get3A_259, %sub3A_261 : vector<16xi32>
        %ge3A_263 = arith.constant 0 : i32
        %ge3A_264 = vector.broadcast %ge3A_263 : i32 to vector<16xi32>
        %ge3A_265 = arith.cmpi sge, %sub3A_262, %ge3A_264 : vector<16xi32>
        %lt3A_266 = arith.constant 5000 : i32
        %lt3A_267 = vector.broadcast %lt3A_266 : i32 to vector<16xi32>
        %lt3A_268 = arith.cmpi slt, %sub3A_262, %lt3A_267 : vector<16xi32>
        %and3A_269 = arith.andi %ge3A_265, %lt3A_268 : vector<16xi1>
        %jit3A_270 = arith.constant 5000 : i32
        %broadcast_in_dim3A_271 = vector.broadcast %jit3A_270 : i32 to vector<16xi32>
        %select_n3A_272 = arith.select %and3A_269, %sub3A_262, %broadcast_in_dim3A_271 : vector<16xi1>, vector<16xi32>
        %swap3A_273 = arith.constant 32 : index
        %swap3A_274 = tpu.vector_load %arg7[%swap3A_273] {strides = array<i32>} : memref<64xi32, #tpu.memory_space<vmem>>, vector<16xi32>,
        tpu.vector_store %arg7[%swap3A_273], %select_n3A_272 {strides = array<i32>} : memref<64xi32, #tpu.memory_space<vmem>>, vector<16xi32>,
        %add3A_275 = arith.constant 48 : i32
        %add3A_276 = arith.addi %mul3A_221, %add3A_275 : i32
        %get3A_277 = arith.index_cast %add3A_276 : i32 to index
        %get3A_278 = tpu.vector_load %arg6[%get3A_277] {strides = array<i32>} : memref<5056xi32, #tpu.memory_space<vmem>>, vector<16xi32>,
        %sub3A_279 = arith.constant 5000 : i32
        %sub3A_280 = vector.broadcast %sub3A_279 : i32 to vector<16xi32>
        %sub3A_281 = arith.subi %get3A_278, %sub3A_280 : vector<16xi32>
        %ge3A_282 = arith.constant 0 : i32
        %ge3A_283 = vector.broadcast %ge3A_282 : i32 to vector<16xi32>
        %ge3A_284 = arith.cmpi sge, %sub3A_281, %ge3A_283 : vector<16xi32>
        %lt3A_285 = arith.constant 5000 : i32
        %lt3A_286 = vector.broadcast %lt3A_285 : i32 to vector<16xi32>
        %lt3A_287 = arith.cmpi slt, %sub3A_281, %lt3A_286 : vector<16xi32>
        %and3A_288 = arith.andi %ge3A_284, %lt3A_287 : vector<16xi1>
        %jit3A_289 = arith.constant 5000 : i32
        %broadcast_in_dim3A_290 = vector.broadcast %jit3A_289 : i32 to vector<16xi32>
        %select_n3A_291 = arith.select %and3A_288, %sub3A_281, %broadcast_in_dim3A_290 : vector<16xi1>, vector<16xi32>
        %swap3A_292 = arith.constant 48 : index
        %swap3A_293 = tpu.vector_load %arg7[%swap3A_292] {strides = array<i32>} : memref<64xi32, #tpu.memory_space<vmem>>, vector<16xi32>,
        tpu.vector_store %arg7[%swap3A_292], %select_n3A_291 {strides = array<i32>} : memref<64xi32, #tpu.memory_space<vmem>>, vector<16xi32>,
        %dma_start3A = arith.constant 0 : i32
        %dma_start3A_294 = arith.constant 0 : i32
        %dma_start3A_295 = tpu.memref_slice %arg14[%dma_start3A, %dma_start3A_294] : memref<5008x128xf32, #tpu.memory_space<vmem_shared>> -> memref<5008x128xf32, #tpu.memory_space<vmem_shared>>
        tpu.enqueue_indirect_dma source(%arg8 : memref<64x128xf32, #tpu.memory_space<vmem>>) target(%dma_start3A_295 : memref<5008x128xf32, #tpu.memory_space<vmem_shared>>) offsets(%arg7 : memref<64xi32, #tpu.memory_space<vmem>>) semaphore(%arg18 : memref<!tpu.dma_semaphore, #tpu.memory_space<semaphore_mem>>) {add = true}
        %dma_start3A_296 = arith.constant 0 : i32
        %dma_start3A_297 = arith.constant 0 : i32
        %dma_start3A_298 = tpu.memref_slice %arg15[%dma_start3A_296, %dma_start3A_297] : memref<5008x16xf32, #tpu.memory_space<vmem_shared>> -> memref<5008x16xf32, #tpu.memory_space<vmem_shared>>
        tpu.enqueue_indirect_dma source(%arg11 : memref<64x16xf32, #tpu.memory_space<vmem>>) target(%dma_start3A_298 : memref<5008x16xf32, #tpu.memory_space<vmem_shared>>) offsets(%arg7 : memref<64xi32, #tpu.memory_space<vmem>>) semaphore(%arg18 : memref<!tpu.dma_semaphore, #tpu.memory_space<semaphore_mem>>) {add = true}
      } else {
      }
      %scan3A_211 = arith.constant 0 : i32
      scf.yield %scan3A_211 : i32
    }
    %scan3A_139 = arith.constant 40 : i32
    %dma_wait3A_140 = arith.constant 0 : i32
    %dma_wait3A_141 = arith.constant 0 : i32
    %dma_wait3A_142 = tpu.memref_slice %arg2[%dma_wait3A_140, %dma_wait3A_141] : memref<160000x128xf32, #tpu.memory_space<hbm>> -> memref<64x128xf32, #tpu.memory_space<hbm>>
    %dma_wait3A_143 = arith.constant 0 : i32
    %dma_wait3A_144 = arith.constant 0 : i32
    %dma_wait3A_145 = tpu.memref_slice %arg2[%dma_wait3A_143, %dma_wait3A_144] : memref<160000x128xf32, #tpu.memory_space<hbm>> -> memref<64x128xf32, #tpu.memory_space<hbm>>
    tpu.wait_dma2 semaphore(%arg18 : memref<!tpu.dma_semaphore, #tpu.memory_space<semaphore_mem>>) src(%dma_wait3A_145 : memref<64x128xf32, #tpu.memory_space<hbm>>) dst(%arg8 : memref<64x128xf32, #tpu.memory_space<vmem>>)
    %dma_wait3A_146 = arith.constant 0 : i32
    %dma_wait3A_147 = arith.constant 0 : i32
    %dma_wait3A_148 = arith.constant 0 : i32
    %dma_wait3A_149 = tpu.memref_slice %arg5[%dma_wait3A_146, %dma_wait3A_147, %dma_wait3A_148] : memref<2x10000x16xf32, #tpu.memory_space<hbm>> -> memref<1x64x16xf32, #tpu.memory_space<hbm>>
    %dma_wait3A_150 = tpu.memref_squeeze %dma_wait3A_149 : memref<1x64x16xf32, #tpu.memory_space<hbm>> -> memref<64x16xf32, #tpu.memory_space<hbm>>
    %dma_wait3A_151 = arith.constant 0 : i32
    %dma_wait3A_152 = arith.constant 0 : i32
    %dma_wait3A_153 = tpu.memref_slice %arg5[%dma_wait3A_146, %dma_wait3A_151, %dma_wait3A_152] : memref<2x10000x16xf32, #tpu.memory_space<hbm>> -> memref<1x64x16xf32, #tpu.memory_space<hbm>>
    %dma_wait3A_154 = tpu.memref_squeeze %dma_wait3A_153 : memref<1x64x16xf32, #tpu.memory_space<hbm>> -> memref<64x16xf32, #tpu.memory_space<hbm>>
    tpu.wait_dma2 semaphore(%arg18 : memref<!tpu.dma_semaphore, #tpu.memory_space<semaphore_mem>>) src(%dma_wait3A_154 : memref<64x16xf32, #tpu.memory_space<hbm>>) dst(%arg11 : memref<64x16xf32, #tpu.memory_space<vmem>>)
    %dma_wait3A_155 = arith.constant 0 : i32
    %dma_wait3A_156 = arith.constant 0 : i32
    %dma_wait3A_157 = tpu.memref_slice %arg2[%dma_wait3A_155, %dma_wait3A_156] : memref<160000x128xf32, #tpu.memory_space<hbm>> -> memref<64x128xf32, #tpu.memory_space<hbm>>
    %dma_wait3A_158 = arith.constant 0 : i32
    %dma_wait3A_159 = arith.constant 0 : i32
    %dma_wait3A_160 = tpu.memref_slice %arg2[%dma_wait3A_158, %dma_wait3A_159] : memref<160000x128xf32, #tpu.memory_space<hbm>> -> memref<64x128xf32, #tpu.memory_space<hbm>>
    tpu.wait_dma2 semaphore(%arg19 : memref<!tpu.dma_semaphore, #tpu.memory_space<semaphore_mem>>) src(%dma_wait3A_160 : memref<64x128xf32, #tpu.memory_space<hbm>>) dst(%arg10 : memref<64x128xf32, #tpu.memory_space<vmem>>)
    %dma_wait3A_161 = arith.constant 0 : i32
    %dma_wait3A_162 = arith.constant 0 : i32
    %dma_wait3A_163 = arith.constant 0 : i32
    %dma_wait3A_164 = tpu.memref_slice %arg5[%dma_wait3A_161, %dma_wait3A_162, %dma_wait3A_163] : memref<2x10000x16xf32, #tpu.memory_space<hbm>> -> memref<1x64x16xf32, #tpu.memory_space<hbm>>
    %dma_wait3A_165 = tpu.memref_squeeze %dma_wait3A_164 : memref<1x64x16xf32, #tpu.memory_space<hbm>> -> memref<64x16xf32, #tpu.memory_space<hbm>>
    %dma_wait3A_166 = arith.constant 0 : i32
    %dma_wait3A_167 = arith.constant 0 : i32
    %dma_wait3A_168 = tpu.memref_slice %arg5[%dma_wait3A_161, %dma_wait3A_166, %dma_wait3A_167] : memref<2x10000x16xf32, #tpu.memory_space<hbm>> -> memref<1x64x16xf32, #tpu.memory_space<hbm>>
    %dma_wait3A_169 = tpu.memref_squeeze %dma_wait3A_168 : memref<1x64x16xf32, #tpu.memory_space<hbm>> -> memref<64x16xf32, #tpu.memory_space<hbm>>
    tpu.wait_dma2 semaphore(%arg19 : memref<!tpu.dma_semaphore, #tpu.memory_space<semaphore_mem>>) src(%dma_wait3A_169 : memref<64x16xf32, #tpu.memory_space<hbm>>) dst(%arg11 : memref<64x16xf32, #tpu.memory_space<vmem>>)
    %barrier3A_170 = arith.constant 0 : index
    tpu.barrier barrier_id(%barrier3A_170)
    %mul3A_171 = arith.constant 312 : i32
    %mul3A_172 = arith.muli %arg1, %mul3A_171 : i32
    %mul3A_173 = arith.constant 312 : i32
    %mul3A_174 = arith.muli %arg1, %mul3A_173 : i32
    %add3A_175 = arith.constant 5000 : i32
    %add3A_176 = arith.addi %add3A_175, %mul3A_174 : i32
    "tpu.region"() ({
      %run_scoped3A = tpu.sem_alloc : memref<!tpu.dma_semaphore, #tpu.memory_space<semaphore_mem>>
      %dma_start3A = arith.constant 0 : i32
      %dma_start3A_182 = tpu.memref_slice %arg4[%arg0, %add3A_176, %dma_start3A] : memref<2x10000x128xf32, #tpu.memory_space<hbm>> -> memref<1x312x128xf32, #tpu.memory_space<hbm>>
      %dma_start3A_183 = tpu.memref_squeeze %dma_start3A_182 : memref<1x312x128xf32, #tpu.memory_space<hbm>> -> memref<312x128xf32, #tpu.memory_space<hbm>>
      %dma_start3A_184 = arith.constant 0 : i32
      %dma_start3A_185 = tpu.memref_slice %arg14[%mul3A_172, %dma_start3A_184] : memref<5008x128xf32, #tpu.memory_space<vmem_shared>> -> memref<312x128xf32, #tpu.memory_space<vmem_shared>>
      tpu.enqueue_dma source(%dma_start3A_185 : memref<312x128xf32, #tpu.memory_space<vmem_shared>>) target(%dma_start3A_183 : memref<312x128xf32, #tpu.memory_space<hbm>>) target_semaphore(%run_scoped3A : memref<!tpu.dma_semaphore, #tpu.memory_space<semaphore_mem>>)
      %dma_wait3A_186 = arith.constant 0 : i32
      %dma_wait3A_187 = tpu.memref_slice %arg4[%arg0, %add3A_176, %dma_wait3A_186] : memref<2x10000x128xf32, #tpu.memory_space<hbm>> -> memref<1x312x128xf32, #tpu.memory_space<hbm>>
      %dma_wait3A_188 = tpu.memref_squeeze %dma_wait3A_187 : memref<1x312x128xf32, #tpu.memory_space<hbm>> -> memref<312x128xf32, #tpu.memory_space<hbm>>
      %dma_wait3A_189 = arith.constant 0 : i32
      %dma_wait3A_190 = tpu.memref_slice %arg14[%mul3A_172, %dma_wait3A_189] : memref<5008x128xf32, #tpu.memory_space<vmem_shared>> -> memref<312x128xf32, #tpu.memory_space<vmem_shared>>
      tpu.wait_dma2 semaphore(%run_scoped3A : memref<!tpu.dma_semaphore, #tpu.memory_space<semaphore_mem>>) src(%dma_wait3A_190 : memref<312x128xf32, #tpu.memory_space<vmem_shared>>) dst(%dma_wait3A_188 : memref<312x128xf32, #tpu.memory_space<hbm>>)
      tpu.yield
    }) : () -> ()
    "tpu.region"() ({
      %run_scoped3A = tpu.sem_alloc : memref<!tpu.dma_semaphore, #tpu.memory_space<semaphore_mem>>
      %dma_start3A = arith.constant 0 : i32
      %dma_start3A_182 = tpu.memref_slice %arg5[%arg0, %add3A_176, %dma_start3A] : memref<2x10000x16xf32, #tpu.memory_space<hbm>> -> memref<1x312x16xf32, #tpu.memory_space<hbm>>
      %dma_start3A_183 = tpu.memref_squeeze %dma_start3A_182 : memref<1x312x16xf32, #tpu.memory_space<hbm>> -> memref<312x16xf32, #tpu.memory_space<hbm>>
      %dma_start3A_184 = arith.constant 0 : i32
      %dma_start3A_185 = tpu.memref_slice %arg15[%mul3A_172, %dma_start3A_184] : memref<5008x16xf32, #tpu.memory_space<vmem_shared>> -> memref<312x16xf32, #tpu.memory_space<vmem_shared>>
      tpu.enqueue_dma source(%dma_start3A_185 : memref<312x16xf32, #tpu.memory_space<vmem_shared>>) target(%dma_start3A_183 : memref<312x16xf32, #tpu.memory_space<hbm>>) target_semaphore(%run_scoped3A : memref<!tpu.dma_semaphore, #tpu.memory_space<semaphore_mem>>)
      %dma_wait3A_186 = arith.constant 0 : i32
      %dma_wait3A_187 = tpu.memref_slice %arg5[%arg0, %add3A_176, %dma_wait3A_186] : memref<2x10000x16xf32, #tpu.memory_space<hbm>> -> memref<1x312x16xf32, #tpu.memory_space<hbm>>
      %dma_wait3A_188 = tpu.memref_squeeze %dma_wait3A_187 : memref<1x312x16xf32, #tpu.memory_space<hbm>> -> memref<312x16xf32, #tpu.memory_space<hbm>>
      %dma_wait3A_189 = arith.constant 0 : i32
      %dma_wait3A_190 = tpu.memref_slice %arg15[%mul3A_172, %dma_wait3A_189] : memref<5008x16xf32, #tpu.memory_space<vmem_shared>> -> memref<312x16xf32, #tpu.memory_space<vmem_shared>>
      tpu.wait_dma2 semaphore(%run_scoped3A : memref<!tpu.dma_semaphore, #tpu.memory_space<semaphore_mem>>) src(%dma_wait3A_190 : memref<312x16xf32, #tpu.memory_space<vmem_shared>>) dst(%dma_wait3A_188 : memref<312x16xf32, #tpu.memory_space<hbm>>)
      tpu.yield
    }) : () -> ()
    %eq3A_177 = arith.constant 15 : i32
    %eq3A_178 = arith.cmpi eq, %arg1, %eq3A_177 : i32
    %convert_element_type3A_179 = arith.extui %eq3A_178 : i1 to i32
    %cond3A_180 = arith.constant 0 : i32
    %cond3A_181 = arith.cmpi ne, %convert_element_type3A_179, %cond3A_180 : i32
    scf.if %cond3A_181 {
      "tpu.region"() ({
        %run_scoped3A = tpu.sem_alloc : memref<!tpu.dma_semaphore, #tpu.memory_space<semaphore_mem>>
        %dma_start3A = arith.constant 9992 : i32
        %dma_start3A_182 = arith.constant 0 : i32
        %dma_start3A_183 = tpu.memref_slice %arg4[%arg0, %dma_start3A, %dma_start3A_182] : memref<2x10000x128xf32, #tpu.memory_space<hbm>> -> memref<1x8x128xf32, #tpu.memory_space<hbm>>
        %dma_start3A_184 = tpu.memref_squeeze %dma_start3A_183 : memref<1x8x128xf32, #tpu.memory_space<hbm>> -> memref<8x128xf32, #tpu.memory_space<hbm>>
        %dma_start3A_185 = arith.constant 4992 : i32
        %dma_start3A_186 = arith.constant 0 : i32
        %dma_start3A_187 = tpu.memref_slice %arg14[%dma_start3A_185, %dma_start3A_186] : memref<5008x128xf32, #tpu.memory_space<vmem_shared>> -> memref<8x128xf32, #tpu.memory_space<vmem_shared>>
        tpu.enqueue_dma source(%dma_start3A_187 : memref<8x128xf32, #tpu.memory_space<vmem_shared>>) target(%dma_start3A_184 : memref<8x128xf32, #tpu.memory_space<hbm>>) target_semaphore(%run_scoped3A : memref<!tpu.dma_semaphore, #tpu.memory_space<semaphore_mem>>)
        %dma_wait3A_188 = arith.constant 9992 : i32
        %dma_wait3A_189 = arith.constant 0 : i32
        %dma_wait3A_190 = tpu.memref_slice %arg4[%arg0, %dma_wait3A_188, %dma_wait3A_189] : memref<2x10000x128xf32, #tpu.memory_space<hbm>> -> memref<1x8x128xf32, #tpu.memory_space<hbm>>
        %dma_wait3A_191 = tpu.memref_squeeze %dma_wait3A_190 : memref<1x8x128xf32, #tpu.memory_space<hbm>> -> memref<8x128xf32, #tpu.memory_space<hbm>>
        %dma_wait3A_192 = arith.constant 4992 : i32
        %dma_wait3A_193 = arith.constant 0 : i32
        %dma_wait3A_194 = tpu.memref_slice %arg14[%dma_wait3A_192, %dma_wait3A_193] : memref<5008x128xf32, #tpu.memory_space<vmem_shared>> -> memref<8x128xf32, #tpu.memory_space<vmem_shared>>
        tpu.wait_dma2 semaphore(%run_scoped3A : memref<!tpu.dma_semaphore, #tpu.memory_space<semaphore_mem>>) src(%dma_wait3A_194 : memref<8x128xf32, #tpu.memory_space<vmem_shared>>) dst(%dma_wait3A_191 : memref<8x128xf32, #tpu.memory_space<hbm>>)
        tpu.yield
      }) : () -> ()
      "tpu.region"() ({
        %run_scoped3A = tpu.sem_alloc : memref<!tpu.dma_semaphore, #tpu.memory_space<semaphore_mem>>
        %dma_start3A = arith.constant 9992 : i32
        %dma_start3A_182 = arith.constant 0 : i32
        %dma_start3A_183 = tpu.memref_slice %arg5[%arg0, %dma_start3A, %dma_start3A_182] : memref<2x10000x16xf32, #tpu.memory_space<hbm>> -> memref<1x8x16xf32, #tpu.memory_space<hbm>>
        %dma_start3A_184 = tpu.memref_squeeze %dma_start3A_183 : memref<1x8x16xf32, #tpu.memory_space<hbm>> -> memref<8x16xf32, #tpu.memory_space<hbm>>
        %dma_start3A_185 = arith.constant 4992 : i32
        %dma_start3A_186 = arith.constant 0 : i32
        %dma_start3A_187 = tpu.memref_slice %arg15[%dma_start3A_185, %dma_start3A_186] : memref<5008x16xf32, #tpu.memory_space<vmem_shared>> -> memref<8x16xf32, #tpu.memory_space<vmem_shared>>
        tpu.enqueue_dma source(%dma_start3A_187 : memref<8x16xf32, #tpu.memory_space<vmem_shared>>) target(%dma_start3A_184 : memref<8x16xf32, #tpu.memory_space<hbm>>) target_semaphore(%run_scoped3A : memref<!tpu.dma_semaphore, #tpu.memory_space<semaphore_mem>>)
        %dma_wait3A_188 = arith.constant 9992 : i32
        %dma_wait3A_189 = arith.constant 0 : i32
        %dma_wait3A_190 = tpu.memref_slice %arg5[%arg0, %dma_wait3A_188, %dma_wait3A_189] : memref<2x10000x16xf32, #tpu.memory_space<hbm>> -> memref<1x8x16xf32, #tpu.memory_space<hbm>>
        %dma_wait3A_191 = tpu.memref_squeeze %dma_wait3A_190 : memref<1x8x16xf32, #tpu.memory_space<hbm>> -> memref<8x16xf32, #tpu.memory_space<hbm>>
        %dma_wait3A_192 = arith.constant 4992 : i32
        %dma_wait3A_193 = arith.constant 0 : i32
        %dma_wait3A_194 = tpu.memref_slice %arg15[%dma_wait3A_192, %dma_wait3A_193] : memref<5008x16xf32, #tpu.memory_space<vmem_shared>> -> memref<8x16xf32, #tpu.memory_space<vmem_shared>>
        tpu.wait_dma2 semaphore(%run_scoped3A : memref<!tpu.dma_semaphore, #tpu.memory_space<semaphore_mem>>) src(%dma_wait3A_194 : memref<8x16xf32, #tpu.memory_space<vmem_shared>>) dst(%dma_wait3A_191 : memref<8x16xf32, #tpu.memory_space<hbm>>)
        tpu.yield
      }) : () -> ()
    } else {
    }
    return
  }
}

#map = affine_map<(d0, d1) -> (0, 0)>
#map1 = affine_map<(d0, d1) -> (0)>
module attributes {stable_mosaic.version = 14 : i64} {
  func.func @_edge_sc_kernel(%arg0: i32, %arg1: i32, %arg2: memref<10000x128xf32, #tpu.memory_space<hbm>>, %arg3: memref<6000x128xf32, #tpu.memory_space<hbm>>, %arg4: memref<480000xi32, #tpu.memory_space<hbm>>, %arg5: memref<320000xi32, #tpu.memory_space<hbm>>, %arg6: memref<80000xi32, #tpu.memory_space<hbm>>, %arg7: memref<160000x128xf32, #tpu.memory_space<hbm>>, %arg8: memref<160000x128xf32, #tpu.memory_space<hbm>>, %arg9: memref<160000x128xf32, #tpu.memory_space<hbm>>, %arg10: memref<5056xi32, #tpu.memory_space<vmem>>, %arg11: memref<1600xi32, #tpu.memory_space<vmem>>, %arg12: memref<5056xi32, #tpu.memory_space<vmem>>, %arg13: memref<5056xi32, #tpu.memory_space<vmem>>, %arg14: memref<5056xi32, #tpu.memory_space<vmem>>, %arg15: memref<5056xi32, #tpu.memory_space<vmem>>, %arg16: memref<5056xi32, #tpu.memory_space<vmem>>, %arg17: memref<64xi32, #tpu.memory_space<vmem>>, %arg18: memref<64xi32, #tpu.memory_space<vmem>>, %arg19: memref<64xi32, #tpu.memory_space<vmem>>, %arg20: memref<64xi32, #tpu.memory_space<vmem>>, %arg21: memref<64xi32, #tpu.memory_space<vmem>>, %arg22: memref<3x64x128xf32, #tpu.memory_space<vmem>>, %arg23: memref<64x128xf32, #tpu.memory_space<vmem>>, %arg24: memref<64x128xf32, #tpu.memory_space<vmem>>, %arg25: memref<64xi32, #tpu.memory_space<vmem>>, %arg26: memref<64xi32, #tpu.memory_space<vmem>>, %arg27: memref<64xi32, #tpu.memory_space<vmem>>, %arg28: memref<64xi32, #tpu.memory_space<vmem>>, %arg29: memref<64xi32, #tpu.memory_space<vmem>>, %arg30: memref<3x64x128xf32, #tpu.memory_space<vmem>>, %arg31: memref<64x128xf32, #tpu.memory_space<vmem>>, %arg32: memref<64x128xf32, #tpu.memory_space<vmem>>, %arg33: memref<!tpu.dma_semaphore, #tpu.memory_space<semaphore_mem>>, %arg34: memref<!tpu.dma_semaphore, #tpu.memory_space<semaphore_mem>>, %arg35: memref<!tpu.dma_semaphore, #tpu.memory_space<semaphore_mem>>, %arg36: memref<!tpu.dma_semaphore, #tpu.memory_space<semaphore_mem>>) attributes {dimension_semantics = [#tpu.dimension_semantics<core_parallel>, #tpu.dimension_semantics<subcore_parallel>], iteration_bounds = array<i64: 2, 16>, scalar_prefetch = 0 : i64, scratch_operands = 27 : i64, tpu.core_type = #tpu.core_type<sc_vector_subcore>, window_params = [{transform_indices = #map}, {transform_indices = #map}, {transform_indices = #map1}, {transform_indices = #map1}, {transform_indices = #map1}, {transform_indices = #map}, {transform_indices = #map}, {transform_indices = #map}]} {
    %mul3A = arith.constant 2 : i32
    %mul3A_0 = arith.muli %arg1, %mul3A : i32
    %add3A = arith.addi %mul3A_0, %arg0 : i32
    %mul3A_1 = arith.constant 78 : i32
    %mul3A_2 = arith.muli %add3A, %mul3A_1 : i32
    %min3A = arith.constant 4 : i32
    %min3A_3 = arith.minsi %add3A, %min3A : i32
    %add3A_4 = arith.addi %mul3A_2, %min3A_3 : i32
    %add3A_5 = arith.constant 1 : i32
    %add3A_6 = arith.addi %add3A, %add3A_5 : i32
    %mul3A_7 = arith.constant 78 : i32
    %mul3A_8 = arith.muli %add3A_6, %mul3A_7 : i32
    %min3A_9 = arith.constant 4 : i32
    %min3A_10 = arith.minsi %add3A_6, %min3A_9 : i32
    %add3A_11 = arith.addi %mul3A_8, %min3A_10 : i32
    %mul3A_12 = arith.constant 64 : i32
    %mul3A_13 = arith.muli %add3A_4, %mul3A_12 : i32
    %sub3A = arith.subi %add3A_11, %add3A_4 : i32
    %mul3A_14 = arith.constant 64 : i32
    %mul3A_15 = arith.muli %sub3A, %mul3A_14 : i32
    %add3A_16 = arith.constant 0 : i32
    %add3A_17 = arith.addi %add3A_16, %mul3A_13 : i32
    "tpu.region"() ({
      %run_scoped3A = tpu.sem_alloc : memref<!tpu.dma_semaphore, #tpu.memory_space<semaphore_mem>>
      %dma_start3A = arith.constant 0 : i32
      %dma_start3A_124 = tpu.memref_slice %arg12[%dma_start3A] : memref<5056xi32, #tpu.memory_space<vmem>> -> memref<4992xi32, #tpu.memory_space<vmem>>
      %dma_start3A_125 = tpu.memref_slice %arg5[%add3A_17] : memref<320000xi32, #tpu.memory_space<hbm>> -> memref<4992xi32, #tpu.memory_space<hbm>>
      %dma_start3A_126 = arith.constant 0 : i32
      %dma_start3A_127 = tpu.memref_slice %arg12[%dma_start3A_126] : memref<5056xi32, #tpu.memory_space<vmem>> -> memref<4992xi32, #tpu.memory_space<vmem>>
      %dma_start3A_128 = tpu.memref_slice %arg5[%add3A_17] : memref<320000xi32, #tpu.memory_space<hbm>> -> memref<4992xi32, #tpu.memory_space<hbm>>
      tpu.enqueue_dma source(%dma_start3A_128 : memref<4992xi32, #tpu.memory_space<hbm>>) target(%dma_start3A_127 : memref<4992xi32, #tpu.memory_space<vmem>>) target_semaphore(%run_scoped3A : memref<!tpu.dma_semaphore, #tpu.memory_space<semaphore_mem>>)
      %dma_wait3A_129 = arith.constant 0 : i32
      %dma_wait3A_130 = tpu.memref_slice %arg12[%dma_wait3A_129] : memref<5056xi32, #tpu.memory_space<vmem>> -> memref<4992xi32, #tpu.memory_space<vmem>>
      %dma_wait3A_131 = tpu.memref_slice %arg5[%add3A_17] : memref<320000xi32, #tpu.memory_space<hbm>> -> memref<4992xi32, #tpu.memory_space<hbm>>
      %dma_wait3A_132 = arith.constant 0 : i32
      %dma_wait3A_133 = tpu.memref_slice %arg12[%dma_wait3A_132] : memref<5056xi32, #tpu.memory_space<vmem>> -> memref<4992xi32, #tpu.memory_space<vmem>>
      %dma_wait3A_134 = tpu.memref_slice %arg5[%add3A_17] : memref<320000xi32, #tpu.memory_space<hbm>> -> memref<4992xi32, #tpu.memory_space<hbm>>
      tpu.wait_dma2 semaphore(%run_scoped3A : memref<!tpu.dma_semaphore, #tpu.memory_space<semaphore_mem>>) src(%dma_wait3A_134 : memref<4992xi32, #tpu.memory_space<hbm>>) dst(%dma_wait3A_133 : memref<4992xi32, #tpu.memory_space<vmem>>)
      tpu.yield
    }) : () -> ()
    %lt3A = arith.constant 4 : i32
    %lt3A_18 = arith.cmpi slt, %add3A, %lt3A : i32
    %convert_element_type3A = arith.extui %lt3A_18 : i1 to i32
    %cond3A = arith.constant 0 : i32
    %cond3A_19 = arith.cmpi ne, %convert_element_type3A, %cond3A : i32
    scf.if %cond3A_19 {
      %add3A_124 = arith.constant 0 : i32
      %add3A_125 = arith.addi %add3A_124, %mul3A_13 : i32
      %add3A_126 = arith.constant 4992 : i32
      %add3A_127 = arith.addi %add3A_125, %add3A_126 : i32
      "tpu.region"() ({
        %run_scoped3A = tpu.sem_alloc : memref<!tpu.dma_semaphore, #tpu.memory_space<semaphore_mem>>
        %dma_start3A = arith.constant 4992 : i32
        %dma_start3A_128 = tpu.memref_slice %arg12[%dma_start3A] : memref<5056xi32, #tpu.memory_space<vmem>> -> memref<64xi32, #tpu.memory_space<vmem>>
        %dma_start3A_129 = tpu.memref_slice %arg5[%add3A_127] : memref<320000xi32, #tpu.memory_space<hbm>> -> memref<64xi32, #tpu.memory_space<hbm>>
        %dma_start3A_130 = arith.constant 4992 : i32
        %dma_start3A_131 = tpu.memref_slice %arg12[%dma_start3A_130] : memref<5056xi32, #tpu.memory_space<vmem>> -> memref<64xi32, #tpu.memory_space<vmem>>
        %dma_start3A_132 = tpu.memref_slice %arg5[%add3A_127] : memref<320000xi32, #tpu.memory_space<hbm>> -> memref<64xi32, #tpu.memory_space<hbm>>
        tpu.enqueue_dma source(%dma_start3A_132 : memref<64xi32, #tpu.memory_space<hbm>>) target(%dma_start3A_131 : memref<64xi32, #tpu.memory_space<vmem>>) target_semaphore(%run_scoped3A : memref<!tpu.dma_semaphore, #tpu.memory_space<semaphore_mem>>)
        %dma_wait3A_133 = arith.constant 4992 : i32
        %dma_wait3A_134 = tpu.memref_slice %arg12[%dma_wait3A_133] : memref<5056xi32, #tpu.memory_space<vmem>> -> memref<64xi32, #tpu.memory_space<vmem>>
        %dma_wait3A_135 = tpu.memref_slice %arg5[%add3A_127] : memref<320000xi32, #tpu.memory_space<hbm>> -> memref<64xi32, #tpu.memory_space<hbm>>
        %dma_wait3A_136 = arith.constant 4992 : i32
        %dma_wait3A_137 = tpu.memref_slice %arg12[%dma_wait3A_136] : memref<5056xi32, #tpu.memory_space<vmem>> -> memref<64xi32, #tpu.memory_space<vmem>>
        %dma_wait3A_138 = tpu.memref_slice %arg5[%add3A_127] : memref<320000xi32, #tpu.memory_space<hbm>> -> memref<64xi32, #tpu.memory_space<hbm>>
        tpu.wait_dma2 semaphore(%run_scoped3A : memref<!tpu.dma_semaphore, #tpu.memory_space<semaphore_mem>>) src(%dma_wait3A_138 : memref<64xi32, #tpu.memory_space<hbm>>) dst(%dma_wait3A_137 : memref<64xi32, #tpu.memory_space<vmem>>)
        tpu.yield
      }) : () -> ()
    } else {
    }
    %add3A_20 = arith.constant 160000 : i32
    %add3A_21 = arith.addi %add3A_20, %mul3A_13 : i32
    "tpu.region"() ({
      %run_scoped3A = tpu.sem_alloc : memref<!tpu.dma_semaphore, #tpu.memory_space<semaphore_mem>>
      %dma_start3A = arith.constant 0 : i32
      %dma_start3A_124 = tpu.memref_slice %arg13[%dma_start3A] : memref<5056xi32, #tpu.memory_space<vmem>> -> memref<4992xi32, #tpu.memory_space<vmem>>
      %dma_start3A_125 = tpu.memref_slice %arg5[%add3A_21] : memref<320000xi32, #tpu.memory_space<hbm>> -> memref<4992xi32, #tpu.memory_space<hbm>>
      %dma_start3A_126 = arith.constant 0 : i32
      %dma_start3A_127 = tpu.memref_slice %arg13[%dma_start3A_126] : memref<5056xi32, #tpu.memory_space<vmem>> -> memref<4992xi32, #tpu.memory_space<vmem>>
      %dma_start3A_128 = tpu.memref_slice %arg5[%add3A_21] : memref<320000xi32, #tpu.memory_space<hbm>> -> memref<4992xi32, #tpu.memory_space<hbm>>
      tpu.enqueue_dma source(%dma_start3A_128 : memref<4992xi32, #tpu.memory_space<hbm>>) target(%dma_start3A_127 : memref<4992xi32, #tpu.memory_space<vmem>>) target_semaphore(%run_scoped3A : memref<!tpu.dma_semaphore, #tpu.memory_space<semaphore_mem>>)
      %dma_wait3A_129 = arith.constant 0 : i32
      %dma_wait3A_130 = tpu.memref_slice %arg13[%dma_wait3A_129] : memref<5056xi32, #tpu.memory_space<vmem>> -> memref<4992xi32, #tpu.memory_space<vmem>>
      %dma_wait3A_131 = tpu.memref_slice %arg5[%add3A_21] : memref<320000xi32, #tpu.memory_space<hbm>> -> memref<4992xi32, #tpu.memory_space<hbm>>
      %dma_wait3A_132 = arith.constant 0 : i32
      %dma_wait3A_133 = tpu.memref_slice %arg13[%dma_wait3A_132] : memref<5056xi32, #tpu.memory_space<vmem>> -> memref<4992xi32, #tpu.memory_space<vmem>>
      %dma_wait3A_134 = tpu.memref_slice %arg5[%add3A_21] : memref<320000xi32, #tpu.memory_space<hbm>> -> memref<4992xi32, #tpu.memory_space<hbm>>
      tpu.wait_dma2 semaphore(%run_scoped3A : memref<!tpu.dma_semaphore, #tpu.memory_space<semaphore_mem>>) src(%dma_wait3A_134 : memref<4992xi32, #tpu.memory_space<hbm>>) dst(%dma_wait3A_133 : memref<4992xi32, #tpu.memory_space<vmem>>)
      tpu.yield
    }) : () -> ()
    %lt3A_22 = arith.constant 4 : i32
    %lt3A_23 = arith.cmpi slt, %add3A, %lt3A_22 : i32
    %convert_element_type3A_24 = arith.extui %lt3A_23 : i1 to i32
    %cond3A_25 = arith.constant 0 : i32
    %cond3A_26 = arith.cmpi ne, %convert_element_type3A_24, %cond3A_25 : i32
    scf.if %cond3A_26 {
      %add3A_124 = arith.constant 160000 : i32
      %add3A_125 = arith.addi %add3A_124, %mul3A_13 : i32
      %add3A_126 = arith.constant 4992 : i32
      %add3A_127 = arith.addi %add3A_125, %add3A_126 : i32
      "tpu.region"() ({
        %run_scoped3A = tpu.sem_alloc : memref<!tpu.dma_semaphore, #tpu.memory_space<semaphore_mem>>
        %dma_start3A = arith.constant 4992 : i32
        %dma_start3A_128 = tpu.memref_slice %arg13[%dma_start3A] : memref<5056xi32, #tpu.memory_space<vmem>> -> memref<64xi32, #tpu.memory_space<vmem>>
        %dma_start3A_129 = tpu.memref_slice %arg5[%add3A_127] : memref<320000xi32, #tpu.memory_space<hbm>> -> memref<64xi32, #tpu.memory_space<hbm>>
        %dma_start3A_130 = arith.constant 4992 : i32
        %dma_start3A_131 = tpu.memref_slice %arg13[%dma_start3A_130] : memref<5056xi32, #tpu.memory_space<vmem>> -> memref<64xi32, #tpu.memory_space<vmem>>
        %dma_start3A_132 = tpu.memref_slice %arg5[%add3A_127] : memref<320000xi32, #tpu.memory_space<hbm>> -> memref<64xi32, #tpu.memory_space<hbm>>
        tpu.enqueue_dma source(%dma_start3A_132 : memref<64xi32, #tpu.memory_space<hbm>>) target(%dma_start3A_131 : memref<64xi32, #tpu.memory_space<vmem>>) target_semaphore(%run_scoped3A : memref<!tpu.dma_semaphore, #tpu.memory_space<semaphore_mem>>)
        %dma_wait3A_133 = arith.constant 4992 : i32
        %dma_wait3A_134 = tpu.memref_slice %arg13[%dma_wait3A_133] : memref<5056xi32, #tpu.memory_space<vmem>> -> memref<64xi32, #tpu.memory_space<vmem>>
        %dma_wait3A_135 = tpu.memref_slice %arg5[%add3A_127] : memref<320000xi32, #tpu.memory_space<hbm>> -> memref<64xi32, #tpu.memory_space<hbm>>
        %dma_wait3A_136 = arith.constant 4992 : i32
        %dma_wait3A_137 = tpu.memref_slice %arg13[%dma_wait3A_136] : memref<5056xi32, #tpu.memory_space<vmem>> -> memref<64xi32, #tpu.memory_space<vmem>>
        %dma_wait3A_138 = tpu.memref_slice %arg5[%add3A_127] : memref<320000xi32, #tpu.memory_space<hbm>> -> memref<64xi32, #tpu.memory_space<hbm>>
        tpu.wait_dma2 semaphore(%run_scoped3A : memref<!tpu.dma_semaphore, #tpu.memory_space<semaphore_mem>>) src(%dma_wait3A_138 : memref<64xi32, #tpu.memory_space<hbm>>) dst(%dma_wait3A_137 : memref<64xi32, #tpu.memory_space<vmem>>)
        tpu.yield
      }) : () -> ()
    } else {
    }
    %add3A_27 = arith.constant 0 : i32
    %add3A_28 = arith.addi %add3A_27, %mul3A_13 : i32
    "tpu.region"() ({
      %run_scoped3A = tpu.sem_alloc : memref<!tpu.dma_semaphore, #tpu.memory_space<semaphore_mem>>
      %dma_start3A = arith.constant 0 : i32
      %dma_start3A_124 = tpu.memref_slice %arg14[%dma_start3A] : memref<5056xi32, #tpu.memory_space<vmem>> -> memref<4992xi32, #tpu.memory_space<vmem>>
      %dma_start3A_125 = tpu.memref_slice %arg4[%add3A_28] : memref<480000xi32, #tpu.memory_space<hbm>> -> memref<4992xi32, #tpu.memory_space<hbm>>
      %dma_start3A_126 = arith.constant 0 : i32
      %dma_start3A_127 = tpu.memref_slice %arg14[%dma_start3A_126] : memref<5056xi32, #tpu.memory_space<vmem>> -> memref<4992xi32, #tpu.memory_space<vmem>>
      %dma_start3A_128 = tpu.memref_slice %arg4[%add3A_28] : memref<480000xi32, #tpu.memory_space<hbm>> -> memref<4992xi32, #tpu.memory_space<hbm>>
      tpu.enqueue_dma source(%dma_start3A_128 : memref<4992xi32, #tpu.memory_space<hbm>>) target(%dma_start3A_127 : memref<4992xi32, #tpu.memory_space<vmem>>) target_semaphore(%run_scoped3A : memref<!tpu.dma_semaphore, #tpu.memory_space<semaphore_mem>>)
      %dma_wait3A_129 = arith.constant 0 : i32
      %dma_wait3A_130 = tpu.memref_slice %arg14[%dma_wait3A_129] : memref<5056xi32, #tpu.memory_space<vmem>> -> memref<4992xi32, #tpu.memory_space<vmem>>
      %dma_wait3A_131 = tpu.memref_slice %arg4[%add3A_28] : memref<480000xi32, #tpu.memory_space<hbm>> -> memref<4992xi32, #tpu.memory_space<hbm>>
      %dma_wait3A_132 = arith.constant 0 : i32
      %dma_wait3A_133 = tpu.memref_slice %arg14[%dma_wait3A_132] : memref<5056xi32, #tpu.memory_space<vmem>> -> memref<4992xi32, #tpu.memory_space<vmem>>
      %dma_wait3A_134 = tpu.memref_slice %arg4[%add3A_28] : memref<480000xi32, #tpu.memory_space<hbm>> -> memref<4992xi32, #tpu.memory_space<hbm>>
      tpu.wait_dma2 semaphore(%run_scoped3A : memref<!tpu.dma_semaphore, #tpu.memory_space<semaphore_mem>>) src(%dma_wait3A_134 : memref<4992xi32, #tpu.memory_space<hbm>>) dst(%dma_wait3A_133 : memref<4992xi32, #tpu.memory_space<vmem>>)
      tpu.yield
    }) : () -> ()
    %lt3A_29 = arith.constant 4 : i32
    %lt3A_30 = arith.cmpi slt, %add3A, %lt3A_29 : i32
    %convert_element_type3A_31 = arith.extui %lt3A_30 : i1 to i32
    %cond3A_32 = arith.constant 0 : i32
    %cond3A_33 = arith.cmpi ne, %convert_element_type3A_31, %cond3A_32 : i32
    scf.if %cond3A_33 {
      %add3A_124 = arith.constant 0 : i32
      %add3A_125 = arith.addi %add3A_124, %mul3A_13 : i32
      %add3A_126 = arith.constant 4992 : i32
      %add3A_127 = arith.addi %add3A_125, %add3A_126 : i32
      "tpu.region"() ({
        %run_scoped3A = tpu.sem_alloc : memref<!tpu.dma_semaphore, #tpu.memory_space<semaphore_mem>>
        %dma_start3A = arith.constant 4992 : i32
        %dma_start3A_128 = tpu.memref_slice %arg14[%dma_start3A] : memref<5056xi32, #tpu.memory_space<vmem>> -> memref<64xi32, #tpu.memory_space<vmem>>
        %dma_start3A_129 = tpu.memref_slice %arg4[%add3A_127] : memref<480000xi32, #tpu.memory_space<hbm>> -> memref<64xi32, #tpu.memory_space<hbm>>
        %dma_start3A_130 = arith.constant 4992 : i32
        %dma_start3A_131 = tpu.memref_slice %arg14[%dma_start3A_130] : memref<5056xi32, #tpu.memory_space<vmem>> -> memref<64xi32, #tpu.memory_space<vmem>>
        %dma_start3A_132 = tpu.memref_slice %arg4[%add3A_127] : memref<480000xi32, #tpu.memory_space<hbm>> -> memref<64xi32, #tpu.memory_space<hbm>>
        tpu.enqueue_dma source(%dma_start3A_132 : memref<64xi32, #tpu.memory_space<hbm>>) target(%dma_start3A_131 : memref<64xi32, #tpu.memory_space<vmem>>) target_semaphore(%run_scoped3A : memref<!tpu.dma_semaphore, #tpu.memory_space<semaphore_mem>>)
        %dma_wait3A_133 = arith.constant 4992 : i32
        %dma_wait3A_134 = tpu.memref_slice %arg14[%dma_wait3A_133] : memref<5056xi32, #tpu.memory_space<vmem>> -> memref<64xi32, #tpu.memory_space<vmem>>
        %dma_wait3A_135 = tpu.memref_slice %arg4[%add3A_127] : memref<480000xi32, #tpu.memory_space<hbm>> -> memref<64xi32, #tpu.memory_space<hbm>>
        %dma_wait3A_136 = arith.constant 4992 : i32
        %dma_wait3A_137 = tpu.memref_slice %arg14[%dma_wait3A_136] : memref<5056xi32, #tpu.memory_space<vmem>> -> memref<64xi32, #tpu.memory_space<vmem>>
        %dma_wait3A_138 = tpu.memref_slice %arg4[%add3A_127] : memref<480000xi32, #tpu.memory_space<hbm>> -> memref<64xi32, #tpu.memory_space<hbm>>
        tpu.wait_dma2 semaphore(%run_scoped3A : memref<!tpu.dma_semaphore, #tpu.memory_space<semaphore_mem>>) src(%dma_wait3A_138 : memref<64xi32, #tpu.memory_space<hbm>>) dst(%dma_wait3A_137 : memref<64xi32, #tpu.memory_space<vmem>>)
        tpu.yield
      }) : () -> ()
    } else {
    }
    %add3A_34 = arith.constant 160000 : i32
    %add3A_35 = arith.addi %add3A_34, %mul3A_13 : i32
    "tpu.region"() ({
      %run_scoped3A = tpu.sem_alloc : memref<!tpu.dma_semaphore, #tpu.memory_space<semaphore_mem>>
      %dma_start3A = arith.constant 0 : i32
      %dma_start3A_124 = tpu.memref_slice %arg15[%dma_start3A] : memref<5056xi32, #tpu.memory_space<vmem>> -> memref<4992xi32, #tpu.memory_space<vmem>>
      %dma_start3A_125 = tpu.memref_slice %arg4[%add3A_35] : memref<480000xi32, #tpu.memory_space<hbm>> -> memref<4992xi32, #tpu.memory_space<hbm>>
      %dma_start3A_126 = arith.constant 0 : i32
      %dma_start3A_127 = tpu.memref_slice %arg15[%dma_start3A_126] : memref<5056xi32, #tpu.memory_space<vmem>> -> memref<4992xi32, #tpu.memory_space<vmem>>
      %dma_start3A_128 = tpu.memref_slice %arg4[%add3A_35] : memref<480000xi32, #tpu.memory_space<hbm>> -> memref<4992xi32, #tpu.memory_space<hbm>>
      tpu.enqueue_dma source(%dma_start3A_128 : memref<4992xi32, #tpu.memory_space<hbm>>) target(%dma_start3A_127 : memref<4992xi32, #tpu.memory_space<vmem>>) target_semaphore(%run_scoped3A : memref<!tpu.dma_semaphore, #tpu.memory_space<semaphore_mem>>)
      %dma_wait3A_129 = arith.constant 0 : i32
      %dma_wait3A_130 = tpu.memref_slice %arg15[%dma_wait3A_129] : memref<5056xi32, #tpu.memory_space<vmem>> -> memref<4992xi32, #tpu.memory_space<vmem>>
      %dma_wait3A_131 = tpu.memref_slice %arg4[%add3A_35] : memref<480000xi32, #tpu.memory_space<hbm>> -> memref<4992xi32, #tpu.memory_space<hbm>>
      %dma_wait3A_132 = arith.constant 0 : i32
      %dma_wait3A_133 = tpu.memref_slice %arg15[%dma_wait3A_132] : memref<5056xi32, #tpu.memory_space<vmem>> -> memref<4992xi32, #tpu.memory_space<vmem>>
      %dma_wait3A_134 = tpu.memref_slice %arg4[%add3A_35] : memref<480000xi32, #tpu.memory_space<hbm>> -> memref<4992xi32, #tpu.memory_space<hbm>>
      tpu.wait_dma2 semaphore(%run_scoped3A : memref<!tpu.dma_semaphore, #tpu.memory_space<semaphore_mem>>) src(%dma_wait3A_134 : memref<4992xi32, #tpu.memory_space<hbm>>) dst(%dma_wait3A_133 : memref<4992xi32, #tpu.memory_space<vmem>>)
      tpu.yield
    }) : () -> ()
    %lt3A_36 = arith.constant 4 : i32
    %lt3A_37 = arith.cmpi slt, %add3A, %lt3A_36 : i32
    %convert_element_type3A_38 = arith.extui %lt3A_37 : i1 to i32
    %cond3A_39 = arith.constant 0 : i32
    %cond3A_40 = arith.cmpi ne, %convert_element_type3A_38, %cond3A_39 : i32
    scf.if %cond3A_40 {
      %add3A_124 = arith.constant 160000 : i32
      %add3A_125 = arith.addi %add3A_124, %mul3A_13 : i32
      %add3A_126 = arith.constant 4992 : i32
      %add3A_127 = arith.addi %add3A_125, %add3A_126 : i32
      "tpu.region"() ({
        %run_scoped3A = tpu.sem_alloc : memref<!tpu.dma_semaphore, #tpu.memory_space<semaphore_mem>>
        %dma_start3A = arith.constant 4992 : i32
        %dma_start3A_128 = tpu.memref_slice %arg15[%dma_start3A] : memref<5056xi32, #tpu.memory_space<vmem>> -> memref<64xi32, #tpu.memory_space<vmem>>
        %dma_start3A_129 = tpu.memref_slice %arg4[%add3A_127] : memref<480000xi32, #tpu.memory_space<hbm>> -> memref<64xi32, #tpu.memory_space<hbm>>
        %dma_start3A_130 = arith.constant 4992 : i32
        %dma_start3A_131 = tpu.memref_slice %arg15[%dma_start3A_130] : memref<5056xi32, #tpu.memory_space<vmem>> -> memref<64xi32, #tpu.memory_space<vmem>>
        %dma_start3A_132 = tpu.memref_slice %arg4[%add3A_127] : memref<480000xi32, #tpu.memory_space<hbm>> -> memref<64xi32, #tpu.memory_space<hbm>>
        tpu.enqueue_dma source(%dma_start3A_132 : memref<64xi32, #tpu.memory_space<hbm>>) target(%dma_start3A_131 : memref<64xi32, #tpu.memory_space<vmem>>) target_semaphore(%run_scoped3A : memref<!tpu.dma_semaphore, #tpu.memory_space<semaphore_mem>>)
        %dma_wait3A_133 = arith.constant 4992 : i32
        %dma_wait3A_134 = tpu.memref_slice %arg15[%dma_wait3A_133] : memref<5056xi32, #tpu.memory_space<vmem>> -> memref<64xi32, #tpu.memory_space<vmem>>
        %dma_wait3A_135 = tpu.memref_slice %arg4[%add3A_127] : memref<480000xi32, #tpu.memory_space<hbm>> -> memref<64xi32, #tpu.memory_space<hbm>>
        %dma_wait3A_136 = arith.constant 4992 : i32
        %dma_wait3A_137 = tpu.memref_slice %arg15[%dma_wait3A_136] : memref<5056xi32, #tpu.memory_space<vmem>> -> memref<64xi32, #tpu.memory_space<vmem>>
        %dma_wait3A_138 = tpu.memref_slice %arg4[%add3A_127] : memref<480000xi32, #tpu.memory_space<hbm>> -> memref<64xi32, #tpu.memory_space<hbm>>
        tpu.wait_dma2 semaphore(%run_scoped3A : memref<!tpu.dma_semaphore, #tpu.memory_space<semaphore_mem>>) src(%dma_wait3A_138 : memref<64xi32, #tpu.memory_space<hbm>>) dst(%dma_wait3A_137 : memref<64xi32, #tpu.memory_space<vmem>>)
        tpu.yield
      }) : () -> ()
    } else {
    }
    %add3A_41 = arith.constant 320000 : i32
    %add3A_42 = arith.addi %add3A_41, %mul3A_13 : i32
    "tpu.region"() ({
      %run_scoped3A = tpu.sem_alloc : memref<!tpu.dma_semaphore, #tpu.memory_space<semaphore_mem>>
      %dma_start3A = arith.constant 0 : i32
      %dma_start3A_124 = tpu.memref_slice %arg16[%dma_start3A] : memref<5056xi32, #tpu.memory_space<vmem>> -> memref<4992xi32, #tpu.memory_space<vmem>>
      %dma_start3A_125 = tpu.memref_slice %arg4[%add3A_42] : memref<480000xi32, #tpu.memory_space<hbm>> -> memref<4992xi32, #tpu.memory_space<hbm>>
      %dma_start3A_126 = arith.constant 0 : i32
      %dma_start3A_127 = tpu.memref_slice %arg16[%dma_start3A_126] : memref<5056xi32, #tpu.memory_space<vmem>> -> memref<4992xi32, #tpu.memory_space<vmem>>
      %dma_start3A_128 = tpu.memref_slice %arg4[%add3A_42] : memref<480000xi32, #tpu.memory_space<hbm>> -> memref<4992xi32, #tpu.memory_space<hbm>>
      tpu.enqueue_dma source(%dma_start3A_128 : memref<4992xi32, #tpu.memory_space<hbm>>) target(%dma_start3A_127 : memref<4992xi32, #tpu.memory_space<vmem>>) target_semaphore(%run_scoped3A : memref<!tpu.dma_semaphore, #tpu.memory_space<semaphore_mem>>)
      %dma_wait3A_129 = arith.constant 0 : i32
      %dma_wait3A_130 = tpu.memref_slice %arg16[%dma_wait3A_129] : memref<5056xi32, #tpu.memory_space<vmem>> -> memref<4992xi32, #tpu.memory_space<vmem>>
      %dma_wait3A_131 = tpu.memref_slice %arg4[%add3A_42] : memref<480000xi32, #tpu.memory_space<hbm>> -> memref<4992xi32, #tpu.memory_space<hbm>>
      %dma_wait3A_132 = arith.constant 0 : i32
      %dma_wait3A_133 = tpu.memref_slice %arg16[%dma_wait3A_132] : memref<5056xi32, #tpu.memory_space<vmem>> -> memref<4992xi32, #tpu.memory_space<vmem>>
      %dma_wait3A_134 = tpu.memref_slice %arg4[%add3A_42] : memref<480000xi32, #tpu.memory_space<hbm>> -> memref<4992xi32, #tpu.memory_space<hbm>>
      tpu.wait_dma2 semaphore(%run_scoped3A : memref<!tpu.dma_semaphore, #tpu.memory_space<semaphore_mem>>) src(%dma_wait3A_134 : memref<4992xi32, #tpu.memory_space<hbm>>) dst(%dma_wait3A_133 : memref<4992xi32, #tpu.memory_space<vmem>>)
      tpu.yield
    }) : () -> ()
    %lt3A_43 = arith.constant 4 : i32
    %lt3A_44 = arith.cmpi slt, %add3A, %lt3A_43 : i32
    %convert_element_type3A_45 = arith.extui %lt3A_44 : i1 to i32
    %cond3A_46 = arith.constant 0 : i32
    %cond3A_47 = arith.cmpi ne, %convert_element_type3A_45, %cond3A_46 : i32
    scf.if %cond3A_47 {
      %add3A_124 = arith.constant 320000 : i32
      %add3A_125 = arith.addi %add3A_124, %mul3A_13 : i32
      %add3A_126 = arith.constant 4992 : i32
      %add3A_127 = arith.addi %add3A_125, %add3A_126 : i32
      "tpu.region"() ({
        %run_scoped3A = tpu.sem_alloc : memref<!tpu.dma_semaphore, #tpu.memory_space<semaphore_mem>>
        %dma_start3A = arith.constant 4992 : i32
        %dma_start3A_128 = tpu.memref_slice %arg16[%dma_start3A] : memref<5056xi32, #tpu.memory_space<vmem>> -> memref<64xi32, #tpu.memory_space<vmem>>
        %dma_start3A_129 = tpu.memref_slice %arg4[%add3A_127] : memref<480000xi32, #tpu.memory_space<hbm>> -> memref<64xi32, #tpu.memory_space<hbm>>
        %dma_start3A_130 = arith.constant 4992 : i32
        %dma_start3A_131 = tpu.memref_slice %arg16[%dma_start3A_130] : memref<5056xi32, #tpu.memory_space<vmem>> -> memref<64xi32, #tpu.memory_space<vmem>>
        %dma_start3A_132 = tpu.memref_slice %arg4[%add3A_127] : memref<480000xi32, #tpu.memory_space<hbm>> -> memref<64xi32, #tpu.memory_space<hbm>>
        tpu.enqueue_dma source(%dma_start3A_132 : memref<64xi32, #tpu.memory_space<hbm>>) target(%dma_start3A_131 : memref<64xi32, #tpu.memory_space<vmem>>) target_semaphore(%run_scoped3A : memref<!tpu.dma_semaphore, #tpu.memory_space<semaphore_mem>>)
        %dma_wait3A_133 = arith.constant 4992 : i32
        %dma_wait3A_134 = tpu.memref_slice %arg16[%dma_wait3A_133] : memref<5056xi32, #tpu.memory_space<vmem>> -> memref<64xi32, #tpu.memory_space<vmem>>
        %dma_wait3A_135 = tpu.memref_slice %arg4[%add3A_127] : memref<480000xi32, #tpu.memory_space<hbm>> -> memref<64xi32, #tpu.memory_space<hbm>>
        %dma_wait3A_136 = arith.constant 4992 : i32
        %dma_wait3A_137 = tpu.memref_slice %arg16[%dma_wait3A_136] : memref<5056xi32, #tpu.memory_space<vmem>> -> memref<64xi32, #tpu.memory_space<vmem>>
        %dma_wait3A_138 = tpu.memref_slice %arg4[%add3A_127] : memref<480000xi32, #tpu.memory_space<hbm>> -> memref<64xi32, #tpu.memory_space<hbm>>
        tpu.wait_dma2 semaphore(%run_scoped3A : memref<!tpu.dma_semaphore, #tpu.memory_space<semaphore_mem>>) src(%dma_wait3A_138 : memref<64xi32, #tpu.memory_space<hbm>>) dst(%dma_wait3A_137 : memref<64xi32, #tpu.memory_space<vmem>>)
        tpu.yield
      }) : () -> ()
    } else {
    }
    %broadcast_in_dim3A = arith.constant 0 : i32
    %broadcast_in_dim3A_48 = vector.broadcast %broadcast_in_dim3A : i32 to vector<16xi32>
    %broadcast_in_dim3A_49 = arith.constant 1 : i32
    %broadcast_in_dim3A_50 = vector.broadcast %broadcast_in_dim3A_49 : i32 to vector<16xi32>
    %scan3A = arith.constant 0 : i32
    %scan3A_51 = arith.constant 0 : i32
    %scan3A_52 = arith.constant 316 : i32
    %scan3A_53 = arith.addi %scan3A_51, %scan3A_52 : i32
    %scan3A_54 = arith.constant 1 : i32
    %scan3A_55 = scf.for %scan3A_124 = %scan3A_51 to %scan3A_53 step %scan3A_54 iter_args(%scan3A_125 = %scan3A) -> (i32)  : i32 {
      %mul3A_126 = arith.constant 16 : i32
      %mul3A_127 = arith.muli %scan3A_124, %mul3A_126 : i32
      %swap3A = arith.index_cast %mul3A_127 : i32 to index
      %swap3A_128 = tpu.vector_load %arg10[%swap3A] {strides = array<i32>} : memref<5056xi32, #tpu.memory_space<vmem>>, vector<16xi32>,
      tpu.vector_store %arg10[%swap3A], %broadcast_in_dim3A_48 {strides = array<i32>} : memref<5056xi32, #tpu.memory_space<vmem>>, vector<16xi32>,
      %scan3A_129 = arith.constant 0 : i32
      scf.yield %scan3A_129 : i32
    }
    %scan3A_56 = arith.constant 316 : i32
    %scan3A_57 = arith.constant 0 : i32
    %scan3A_58 = arith.constant 0 : i32
    %scan3A_59 = arith.constant 50 : i32
    %scan3A_60 = arith.addi %scan3A_58, %scan3A_59 : i32
    %scan3A_61 = arith.constant 1 : i32
    %scan3A_62 = scf.for %scan3A_124 = %scan3A_58 to %scan3A_60 step %scan3A_61 iter_args(%scan3A_125 = %scan3A_57) -> (i32)  : i32 {
      %mul3A_126 = arith.constant 1600 : i32
      %mul3A_127 = arith.muli %scan3A_124, %mul3A_126 : i32
      "tpu.region"() ({
        %run_scoped3A = tpu.sem_alloc : memref<!tpu.dma_semaphore, #tpu.memory_space<semaphore_mem>>
        %dma_start3A = tpu.memref_slice %arg6[%mul3A_127] : memref<80000xi32, #tpu.memory_space<hbm>> -> memref<1600xi32, #tpu.memory_space<hbm>>
        %dma_start3A_136 = tpu.memref_slice %arg6[%mul3A_127] : memref<80000xi32, #tpu.memory_space<hbm>> -> memref<1600xi32, #tpu.memory_space<hbm>>
        tpu.enqueue_dma source(%dma_start3A_136 : memref<1600xi32, #tpu.memory_space<hbm>>) target(%arg11 : memref<1600xi32, #tpu.memory_space<vmem>>) target_semaphore(%run_scoped3A : memref<!tpu.dma_semaphore, #tpu.memory_space<semaphore_mem>>)
        %dma_wait3A_137 = tpu.memref_slice %arg6[%mul3A_127] : memref<80000xi32, #tpu.memory_space<hbm>> -> memref<1600xi32, #tpu.memory_space<hbm>>
        %dma_wait3A_138 = tpu.memref_slice %arg6[%mul3A_127] : memref<80000xi32, #tpu.memory_space<hbm>> -> memref<1600xi32, #tpu.memory_space<hbm>>
        tpu.wait_dma2 semaphore(%run_scoped3A : memref<!tpu.dma_semaphore, #tpu.memory_space<semaphore_mem>>) src(%dma_wait3A_138 : memref<1600xi32, #tpu.memory_space<hbm>>) dst(%arg11 : memref<1600xi32, #tpu.memory_space<vmem>>)
        tpu.yield
      }) : () -> ()
      %scan3A_128 = arith.constant 0 : i32
      %scan3A_129 = arith.constant 0 : i32
      %scan3A_130 = arith.constant 100 : i32
      %scan3A_131 = arith.addi %scan3A_129, %scan3A_130 : i32
      %scan3A_132 = arith.constant 1 : i32
      %scan3A_133 = scf.for %scan3A_136 = %scan3A_129 to %scan3A_131 step %scan3A_132 iter_args(%scan3A_137 = %scan3A_128) -> (i32)  : i32 {
        %mul3A_138 = arith.constant 16 : i32
        %mul3A_139 = arith.muli %scan3A_136, %mul3A_138 : i32
        %get3A = arith.index_cast %mul3A_139 : i32 to index
        %get3A_140 = tpu.vector_load %arg11[%get3A] {strides = array<i32>} : memref<1600xi32, #tpu.memory_space<vmem>>, vector<16xi32>,
        %sub3A_141 = vector.broadcast %mul3A_13 : i32 to vector<16xi32>
        %sub3A_142 = arith.subi %get3A_140, %sub3A_141 : vector<16xi32>
        %ge3A = arith.constant 0 : i32
        %ge3A_143 = vector.broadcast %ge3A : i32 to vector<16xi32>
        %ge3A_144 = arith.cmpi sge, %sub3A_142, %ge3A_143 : vector<16xi32>
        %lt3A_145 = vector.broadcast %mul3A_15 : i32 to vector<16xi32>
        %lt3A_146 = arith.cmpi slt, %sub3A_142, %lt3A_145 : vector<16xi32>
        %and3A = arith.andi %ge3A_144, %lt3A_146 : vector<16xi1>
        %jit3A = arith.constant 0 : i32
        %jit3A_147 = arith.constant 5055 : i32
        %max3A = vector.broadcast %jit3A : i32 to vector<16xi32>
        %max3A_148 = arith.maxsi %max3A, %sub3A_142 : vector<16xi32>
        %min3A_149 = vector.broadcast %jit3A_147 : i32 to vector<16xi32>
        %min3A_150 = arith.minsi %min3A_149, %max3A_148 : vector<16xi32>
        tpu.vector_store_idx %arg10[%min3A_150], %broadcast_in_dim3A_50 masked %and3A : memref<5056xi32, #tpu.memory_space<vmem>>[vector<16xi32>], vector<16xi32>, vector<16xi1>
        %scan3A_151 = arith.constant 0 : i32
        scf.yield %scan3A_151 : i32
      }
      %scan3A_134 = arith.constant 100 : i32
      %scan3A_135 = arith.constant 0 : i32
      scf.yield %scan3A_135 : i32
    }
    %scan3A_63 = arith.constant 50 : i32
    %scan3A_64 = arith.constant 0 : i32
    %scan3A_65 = arith.constant 0 : i32
    %scan3A_66 = arith.constant 40 : i32
    %scan3A_67 = arith.addi %scan3A_65, %scan3A_66 : i32
    %scan3A_68 = arith.constant 1 : i32
    %scan3A_69 = scf.for %scan3A_124 = %scan3A_65 to %scan3A_67 step %scan3A_68 iter_args(%scan3A_125 = %scan3A_64) -> (i32)  : i32 {
      %mul3A_126 = arith.constant 2 : i32
      %mul3A_127 = arith.muli %scan3A_124, %mul3A_126 : i32
      %mul3A_128 = arith.constant 2 : i32
      %mul3A_129 = arith.muli %scan3A_124, %mul3A_128 : i32
      %add3A_130 = arith.constant 1 : i32
      %add3A_131 = arith.addi %mul3A_129, %add3A_130 : i32
      %lt3A_132 = arith.cmpi slt, %mul3A_127, %sub3A : i32
      %convert_element_type3A_133 = arith.extui %lt3A_132 : i1 to i32
      %cond3A_134 = arith.constant 0 : i32
      %cond3A_135 = arith.cmpi ne, %convert_element_type3A_133, %cond3A_134 : i32
      scf.if %cond3A_135 {
        %ge3A_154 = arith.constant 2 : i32
        %ge3A_155 = arith.cmpi sge, %mul3A_127, %ge3A_154 : i32
        %convert_element_type3A_156 = arith.extui %ge3A_155 : i1 to i32
        %cond3A_157 = arith.constant 0 : i32
        %cond3A_158 = arith.cmpi ne, %convert_element_type3A_156, %cond3A_157 : i32
        scf.if %cond3A_158 {
          %dma_wait3A_308 = arith.constant 0 : i32
          %dma_wait3A_309 = arith.constant 0 : i32
          %dma_wait3A_310 = tpu.memref_slice %arg7[%dma_wait3A_308, %dma_wait3A_309] : memref<160000x128xf32, #tpu.memory_space<hbm>> -> memref<64x128xf32, #tpu.memory_space<hbm>>
          %dma_wait3A_311 = arith.constant 0 : i32
          %dma_wait3A_312 = arith.constant 0 : i32
          %dma_wait3A_313 = tpu.memref_slice %arg7[%dma_wait3A_311, %dma_wait3A_312] : memref<160000x128xf32, #tpu.memory_space<hbm>> -> memref<64x128xf32, #tpu.memory_space<hbm>>
          tpu.wait_dma2 semaphore(%arg35 : memref<!tpu.dma_semaphore, #tpu.memory_space<semaphore_mem>>) src(%dma_wait3A_313 : memref<64x128xf32, #tpu.memory_space<hbm>>) dst(%arg23 : memref<64x128xf32, #tpu.memory_space<vmem>>)
          %dma_wait3A_314 = arith.constant 0 : i32
          %dma_wait3A_315 = arith.constant 0 : i32
          %dma_wait3A_316 = tpu.memref_slice %arg7[%dma_wait3A_314, %dma_wait3A_315] : memref<160000x128xf32, #tpu.memory_space<hbm>> -> memref<64x128xf32, #tpu.memory_space<hbm>>
          %dma_wait3A_317 = arith.constant 0 : i32
          %dma_wait3A_318 = arith.constant 0 : i32
          %dma_wait3A_319 = tpu.memref_slice %arg7[%dma_wait3A_317, %dma_wait3A_318] : memref<160000x128xf32, #tpu.memory_space<hbm>> -> memref<64x128xf32, #tpu.memory_space<hbm>>
          tpu.wait_dma2 semaphore(%arg35 : memref<!tpu.dma_semaphore, #tpu.memory_space<semaphore_mem>>) src(%dma_wait3A_319 : memref<64x128xf32, #tpu.memory_space<hbm>>) dst(%arg24 : memref<64x128xf32, #tpu.memory_space<vmem>>)
          %dma_wait3A_320 = arith.constant 0 : i32
          %dma_wait3A_321 = arith.constant 0 : i32
          %dma_wait3A_322 = arith.constant 0 : i32
          %dma_wait3A_323 = tpu.memref_slice %arg22[%dma_wait3A_320, %dma_wait3A_321, %dma_wait3A_322] : memref<3x64x128xf32, #tpu.memory_space<vmem>> -> memref<1x64x128xf32, #tpu.memory_space<vmem>>
          %dma_wait3A_324 = tpu.memref_squeeze %dma_wait3A_323 : memref<1x64x128xf32, #tpu.memory_space<vmem>> -> memref<64x128xf32, #tpu.memory_space<vmem>>
          %dma_wait3A_325 = arith.constant 0 : i32
          %dma_wait3A_326 = arith.constant 0 : i32
          %dma_wait3A_327 = tpu.memref_slice %arg9[%dma_wait3A_325, %dma_wait3A_326] : memref<160000x128xf32, #tpu.memory_space<hbm>> -> memref<64x128xf32, #tpu.memory_space<hbm>>
          %dma_wait3A_328 = arith.constant 0 : i32
          %dma_wait3A_329 = arith.constant 0 : i32
          %dma_wait3A_330 = tpu.memref_slice %arg22[%dma_wait3A_320, %dma_wait3A_328, %dma_wait3A_329] : memref<3x64x128xf32, #tpu.memory_space<vmem>> -> memref<1x64x128xf32, #tpu.memory_space<vmem>>
          %dma_wait3A_331 = tpu.memref_squeeze %dma_wait3A_330 : memref<1x64x128xf32, #tpu.memory_space<vmem>> -> memref<64x128xf32, #tpu.memory_space<vmem>>
          %dma_wait3A_332 = arith.constant 0 : i32
          %dma_wait3A_333 = arith.constant 0 : i32
          %dma_wait3A_334 = tpu.memref_slice %arg9[%dma_wait3A_332, %dma_wait3A_333] : memref<160000x128xf32, #tpu.memory_space<hbm>> -> memref<64x128xf32, #tpu.memory_space<hbm>>
          tpu.wait_dma2 semaphore(%arg35 : memref<!tpu.dma_semaphore, #tpu.memory_space<semaphore_mem>>) src(%dma_wait3A_334 : memref<64x128xf32, #tpu.memory_space<hbm>>) dst(%dma_wait3A_331 : memref<64x128xf32, #tpu.memory_space<vmem>>)
        } else {
        }
        %mul3A_159 = arith.constant 64 : i32
        %mul3A_160 = arith.muli %mul3A_127, %mul3A_159 : i32
        %add3A_161 = arith.constant 0 : i32
        %add3A_162 = arith.addi %mul3A_160, %add3A_161 : i32
        %get3A = arith.index_cast %add3A_162 : i32 to index
        %get3A_163 = tpu.vector_load %arg10[%get3A] {strides = array<i32>} : memref<5056xi32, #tpu.memory_space<vmem>>, vector<16xi32>,
        %mul3A_164 = arith.constant 3000 : i32
        %mul3A_165 = vector.broadcast %mul3A_164 : i32 to vector<16xi32>
        %mul3A_166 = arith.muli %get3A_163, %mul3A_165 : vector<16xi32>
        %get3A_167 = arith.index_cast %add3A_162 : i32 to index
        %get3A_168 = tpu.vector_load %arg14[%get3A_167] {strides = array<i32>} : memref<5056xi32, #tpu.memory_space<vmem>>, vector<16xi32>,
        %add3A_169 = arith.addi %get3A_168, %mul3A_166 : vector<16xi32>
        %swap3A = arith.constant 0 : index
        %swap3A_170 = tpu.vector_load %arg19[%swap3A] {strides = array<i32>} : memref<64xi32, #tpu.memory_space<vmem>>, vector<16xi32>,
        tpu.vector_store %arg19[%swap3A], %add3A_169 {strides = array<i32>} : memref<64xi32, #tpu.memory_space<vmem>>, vector<16xi32>,
        %get3A_171 = arith.index_cast %add3A_162 : i32 to index
        %get3A_172 = tpu.vector_load %arg15[%get3A_171] {strides = array<i32>} : memref<5056xi32, #tpu.memory_space<vmem>>, vector<16xi32>,
        %add3A_173 = arith.addi %get3A_172, %mul3A_166 : vector<16xi32>
        %swap3A_174 = arith.constant 0 : index
        %swap3A_175 = tpu.vector_load %arg20[%swap3A_174] {strides = array<i32>} : memref<64xi32, #tpu.memory_space<vmem>>, vector<16xi32>,
        tpu.vector_store %arg20[%swap3A_174], %add3A_173 {strides = array<i32>} : memref<64xi32, #tpu.memory_space<vmem>>, vector<16xi32>,
        %get3A_176 = arith.index_cast %add3A_162 : i32 to index
        %get3A_177 = tpu.vector_load %arg16[%get3A_176] {strides = array<i32>} : memref<5056xi32, #tpu.memory_space<vmem>>, vector<16xi32>,
        %add3A_178 = arith.addi %get3A_177, %mul3A_166 : vector<16xi32>
        %swap3A_179 = arith.constant 0 : index
        %swap3A_180 = tpu.vector_load %arg21[%swap3A_179] {strides = array<i32>} : memref<64xi32, #tpu.memory_space<vmem>>, vector<16xi32>,
        tpu.vector_store %arg21[%swap3A_179], %add3A_178 {strides = array<i32>} : memref<64xi32, #tpu.memory_space<vmem>>, vector<16xi32>,
        %get3A_181 = arith.index_cast %add3A_162 : i32 to index
        %get3A_182 = tpu.vector_load %arg12[%get3A_181] {strides = array<i32>} : memref<5056xi32, #tpu.memory_space<vmem>>, vector<16xi32>,
        %swap3A_183 = arith.constant 0 : index
        %swap3A_184 = tpu.vector_load %arg17[%swap3A_183] {strides = array<i32>} : memref<64xi32, #tpu.memory_space<vmem>>, vector<16xi32>,
        tpu.vector_store %arg17[%swap3A_183], %get3A_182 {strides = array<i32>} : memref<64xi32, #tpu.memory_space<vmem>>, vector<16xi32>,
        %get3A_185 = arith.index_cast %add3A_162 : i32 to index
        %get3A_186 = tpu.vector_load %arg13[%get3A_185] {strides = array<i32>} : memref<5056xi32, #tpu.memory_space<vmem>>, vector<16xi32>,
        %swap3A_187 = arith.constant 0 : index
        %swap3A_188 = tpu.vector_load %arg18[%swap3A_187] {strides = array<i32>} : memref<64xi32, #tpu.memory_space<vmem>>, vector<16xi32>,
        tpu.vector_store %arg18[%swap3A_187], %get3A_186 {strides = array<i32>} : memref<64xi32, #tpu.memory_space<vmem>>, vector<16xi32>,
        %add3A_189 = arith.constant 16 : i32
        %add3A_190 = arith.addi %mul3A_160, %add3A_189 : i32
        %get3A_191 = arith.index_cast %add3A_190 : i32 to index
        %get3A_192 = tpu.vector_load %arg10[%get3A_191] {strides = array<i32>} : memref<5056xi32, #tpu.memory_space<vmem>>, vector<16xi32>,
        %mul3A_193 = arith.constant 3000 : i32
        %mul3A_194 = vector.broadcast %mul3A_193 : i32 to vector<16xi32>
        %mul3A_195 = arith.muli %get3A_192, %mul3A_194 : vector<16xi32>
        %get3A_196 = arith.index_cast %add3A_190 : i32 to index
        %get3A_197 = tpu.vector_load %arg14[%get3A_196] {strides = array<i32>} : memref<5056xi32, #tpu.memory_space<vmem>>, vector<16xi32>,
        %add3A_198 = arith.addi %get3A_197, %mul3A_195 : vector<16xi32>
        %swap3A_199 = arith.constant 16 : index
        %swap3A_200 = tpu.vector_load %arg19[%swap3A_199] {strides = array<i32>} : memref<64xi32, #tpu.memory_space<vmem>>, vector<16xi32>,
        tpu.vector_store %arg19[%swap3A_199], %add3A_198 {strides = array<i32>} : memref<64xi32, #tpu.memory_space<vmem>>, vector<16xi32>,
        %get3A_201 = arith.index_cast %add3A_190 : i32 to index
        %get3A_202 = tpu.vector_load %arg15[%get3A_201] {strides = array<i32>} : memref<5056xi32, #tpu.memory_space<vmem>>, vector<16xi32>,
        %add3A_203 = arith.addi %get3A_202, %mul3A_195 : vector<16xi32>
        %swap3A_204 = arith.constant 16 : index
        %swap3A_205 = tpu.vector_load %arg20[%swap3A_204] {strides = array<i32>} : memref<64xi32, #tpu.memory_space<vmem>>, vector<16xi32>,
        tpu.vector_store %arg20[%swap3A_204], %add3A_203 {strides = array<i32>} : memref<64xi32, #tpu.memory_space<vmem>>, vector<16xi32>,
        %get3A_206 = arith.index_cast %add3A_190 : i32 to index
        %get3A_207 = tpu.vector_load %arg16[%get3A_206] {strides = array<i32>} : memref<5056xi32, #tpu.memory_space<vmem>>, vector<16xi32>,
        %add3A_208 = arith.addi %get3A_207, %mul3A_195 : vector<16xi32>
        %swap3A_209 = arith.constant 16 : index
        %swap3A_210 = tpu.vector_load %arg21[%swap3A_209] {strides = array<i32>} : memref<64xi32, #tpu.memory_space<vmem>>, vector<16xi32>,
        tpu.vector_store %arg21[%swap3A_209], %add3A_208 {strides = array<i32>} : memref<64xi32, #tpu.memory_space<vmem>>, vector<16xi32>,
        %get3A_211 = arith.index_cast %add3A_190 : i32 to index
        %get3A_212 = tpu.vector_load %arg12[%get3A_211] {strides = array<i32>} : memref<5056xi32, #tpu.memory_space<vmem>>, vector<16xi32>,
        %swap3A_213 = arith.constant 16 : index
        %swap3A_214 = tpu.vector_load %arg17[%swap3A_213] {strides = array<i32>} : memref<64xi32, #tpu.memory_space<vmem>>, vector<16xi32>,
        tpu.vector_store %arg17[%swap3A_213], %get3A_212 {strides = array<i32>} : memref<64xi32, #tpu.memory_space<vmem>>, vector<16xi32>,
        %get3A_215 = arith.index_cast %add3A_190 : i32 to index
        %get3A_216 = tpu.vector_load %arg13[%get3A_215] {strides = array<i32>} : memref<5056xi32, #tpu.memory_space<vmem>>, vector<16xi32>,
        %swap3A_217 = arith.constant 16 : index
        %swap3A_218 = tpu.vector_load %arg18[%swap3A_217] {strides = array<i32>} : memref<64xi32, #tpu.memory_space<vmem>>, vector<16xi32>,
        tpu.vector_store %arg18[%swap3A_217], %get3A_216 {strides = array<i32>} : memref<64xi32, #tpu.memory_space<vmem>>, vector<16xi32>,
        %add3A_219 = arith.constant 32 : i32
        %add3A_220 = arith.addi %mul3A_160, %add3A_219 : i32
        %get3A_221 = arith.index_cast %add3A_220 : i32 to index
        %get3A_222 = tpu.vector_load %arg10[%get3A_221] {strides = array<i32>} : memref<5056xi32, #tpu.memory_space<vmem>>, vector<16xi32>,
        %mul3A_223 = arith.constant 3000 : i32
        %mul3A_224 = vector.broadcast %mul3A_223 : i32 to vector<16xi32>
        %mul3A_225 = arith.muli %get3A_222, %mul3A_224 : vector<16xi32>
        %get3A_226 = arith.index_cast %add3A_220 : i32 to index
        %get3A_227 = tpu.vector_load %arg14[%get3A_226] {strides = array<i32>} : memref<5056xi32, #tpu.memory_space<vmem>>, vector<16xi32>,
        %add3A_228 = arith.addi %get3A_227, %mul3A_225 : vector<16xi32>
        %swap3A_229 = arith.constant 32 : index
        %swap3A_230 = tpu.vector_load %arg19[%swap3A_229] {strides = array<i32>} : memref<64xi32, #tpu.memory_space<vmem>>, vector<16xi32>,
        tpu.vector_store %arg19[%swap3A_229], %add3A_228 {strides = array<i32>} : memref<64xi32, #tpu.memory_space<vmem>>, vector<16xi32>,
        %get3A_231 = arith.index_cast %add3A_220 : i32 to index
        %get3A_232 = tpu.vector_load %arg15[%get3A_231] {strides = array<i32>} : memref<5056xi32, #tpu.memory_space<vmem>>, vector<16xi32>,
        %add3A_233 = arith.addi %get3A_232, %mul3A_225 : vector<16xi32>
        %swap3A_234 = arith.constant 32 : index
        %swap3A_235 = tpu.vector_load %arg20[%swap3A_234] {strides = array<i32>} : memref<64xi32, #tpu.memory_space<vmem>>, vector<16xi32>,
        tpu.vector_store %arg20[%swap3A_234], %add3A_233 {strides = array<i32>} : memref<64xi32, #tpu.memory_space<vmem>>, vector<16xi32>,
        %get3A_236 = arith.index_cast %add3A_220 : i32 to index
        %get3A_237 = tpu.vector_load %arg16[%get3A_236] {strides = array<i32>} : memref<5056xi32, #tpu.memory_space<vmem>>, vector<16xi32>,
        %add3A_238 = arith.addi %get3A_237, %mul3A_225 : vector<16xi32>
        %swap3A_239 = arith.constant 32 : index
        %swap3A_240 = tpu.vector_load %arg21[%swap3A_239] {strides = array<i32>} : memref<64xi32, #tpu.memory_space<vmem>>, vector<16xi32>,
        tpu.vector_store %arg21[%swap3A_239], %add3A_238 {strides = array<i32>} : memref<64xi32, #tpu.memory_space<vmem>>, vector<16xi32>,
        %get3A_241 = arith.index_cast %add3A_220 : i32 to index
        %get3A_242 = tpu.vector_load %arg12[%get3A_241] {strides = array<i32>} : memref<5056xi32, #tpu.memory_space<vmem>>, vector<16xi32>,
        %swap3A_243 = arith.constant 32 : index
        %swap3A_244 = tpu.vector_load %arg17[%swap3A_243] {strides = array<i32>} : memref<64xi32, #tpu.memory_space<vmem>>, vector<16xi32>,
        tpu.vector_store %arg17[%swap3A_243], %get3A_242 {strides = array<i32>} : memref<64xi32, #tpu.memory_space<vmem>>, vector<16xi32>,
        %get3A_245 = arith.index_cast %add3A_220 : i32 to index
        %get3A_246 = tpu.vector_load %arg13[%get3A_245] {strides = array<i32>} : memref<5056xi32, #tpu.memory_space<vmem>>, vector<16xi32>,
        %swap3A_247 = arith.constant 32 : index
        %swap3A_248 = tpu.vector_load %arg18[%swap3A_247] {strides = array<i32>} : memref<64xi32, #tpu.memory_space<vmem>>, vector<16xi32>,
        tpu.vector_store %arg18[%swap3A_247], %get3A_246 {strides = array<i32>} : memref<64xi32, #tpu.memory_space<vmem>>, vector<16xi32>,
        %add3A_249 = arith.constant 48 : i32
        %add3A_250 = arith.addi %mul3A_160, %add3A_249 : i32
        %get3A_251 = arith.index_cast %add3A_250 : i32 to index
        %get3A_252 = tpu.vector_load %arg10[%get3A_251] {strides = array<i32>} : memref<5056xi32, #tpu.memory_space<vmem>>, vector<16xi32>,
        %mul3A_253 = arith.constant 3000 : i32
        %mul3A_254 = vector.broadcast %mul3A_253 : i32 to vector<16xi32>
        %mul3A_255 = arith.muli %get3A_252, %mul3A_254 : vector<16xi32>
        %get3A_256 = arith.index_cast %add3A_250 : i32 to index
        %get3A_257 = tpu.vector_load %arg14[%get3A_256] {strides = array<i32>} : memref<5056xi32, #tpu.memory_space<vmem>>, vector<16xi32>,
        %add3A_258 = arith.addi %get3A_257, %mul3A_255 : vector<16xi32>
        %swap3A_259 = arith.constant 48 : index
        %swap3A_260 = tpu.vector_load %arg19[%swap3A_259] {strides = array<i32>} : memref<64xi32, #tpu.memory_space<vmem>>, vector<16xi32>,
        tpu.vector_store %arg19[%swap3A_259], %add3A_258 {strides = array<i32>} : memref<64xi32, #tpu.memory_space<vmem>>, vector<16xi32>,
        %get3A_261 = arith.index_cast %add3A_250 : i32 to index
        %get3A_262 = tpu.vector_load %arg15[%get3A_261] {strides = array<i32>} : memref<5056xi32, #tpu.memory_space<vmem>>, vector<16xi32>,
        %add3A_263 = arith.addi %get3A_262, %mul3A_255 : vector<16xi32>
        %swap3A_264 = arith.constant 48 : index
        %swap3A_265 = tpu.vector_load %arg20[%swap3A_264] {strides = array<i32>} : memref<64xi32, #tpu.memory_space<vmem>>, vector<16xi32>,
        tpu.vector_store %arg20[%swap3A_264], %add3A_263 {strides = array<i32>} : memref<64xi32, #tpu.memory_space<vmem>>, vector<16xi32>,
        %get3A_266 = arith.index_cast %add3A_250 : i32 to index
        %get3A_267 = tpu.vector_load %arg16[%get3A_266] {strides = array<i32>} : memref<5056xi32, #tpu.memory_space<vmem>>, vector<16xi32>,
        %add3A_268 = arith.addi %get3A_267, %mul3A_255 : vector<16xi32>
        %swap3A_269 = arith.constant 48 : index
        %swap3A_270 = tpu.vector_load %arg21[%swap3A_269] {strides = array<i32>} : memref<64xi32, #tpu.memory_space<vmem>>, vector<16xi32>,
        tpu.vector_store %arg21[%swap3A_269], %add3A_268 {strides = array<i32>} : memref<64xi32, #tpu.memory_space<vmem>>, vector<16xi32>,
        %get3A_271 = arith.index_cast %add3A_250 : i32 to index
        %get3A_272 = tpu.vector_load %arg12[%get3A_271] {strides = array<i32>} : memref<5056xi32, #tpu.memory_space<vmem>>, vector<16xi32>,
        %swap3A_273 = arith.constant 48 : index
        %swap3A_274 = tpu.vector_load %arg17[%swap3A_273] {strides = array<i32>} : memref<64xi32, #tpu.memory_space<vmem>>, vector<16xi32>,
        tpu.vector_store %arg17[%swap3A_273], %get3A_272 {strides = array<i32>} : memref<64xi32, #tpu.memory_space<vmem>>, vector<16xi32>,
        %get3A_275 = arith.index_cast %add3A_250 : i32 to index
        %get3A_276 = tpu.vector_load %arg13[%get3A_275] {strides = array<i32>} : memref<5056xi32, #tpu.memory_space<vmem>>, vector<16xi32>,
        %swap3A_277 = arith.constant 48 : index
        %swap3A_278 = tpu.vector_load %arg18[%swap3A_277] {strides = array<i32>} : memref<64xi32, #tpu.memory_space<vmem>>, vector<16xi32>,
        tpu.vector_store %arg18[%swap3A_277], %get3A_276 {strides = array<i32>} : memref<64xi32, #tpu.memory_space<vmem>>, vector<16xi32>,
        %dma_start3A = arith.constant 0 : i32
        %dma_start3A_279 = arith.constant 0 : i32
        %dma_start3A_280 = tpu.memref_slice %arg2[%dma_start3A, %dma_start3A_279] : memref<10000x128xf32, #tpu.memory_space<hbm>> -> memref<10000x128xf32, #tpu.memory_space<hbm>>
        tpu.enqueue_indirect_dma source(%dma_start3A_280 : memref<10000x128xf32, #tpu.memory_space<hbm>>) target(%arg23 : memref<64x128xf32, #tpu.memory_space<vmem>>) offsets(%arg17 : memref<64xi32, #tpu.memory_space<vmem>>) semaphore(%arg33 : memref<!tpu.dma_semaphore, #tpu.memory_space<semaphore_mem>>)
        %dma_start3A_281 = arith.constant 0 : i32
        %dma_start3A_282 = arith.constant 0 : i32
        %dma_start3A_283 = tpu.memref_slice %arg2[%dma_start3A_281, %dma_start3A_282] : memref<10000x128xf32, #tpu.memory_space<hbm>> -> memref<10000x128xf32, #tpu.memory_space<hbm>>
        tpu.enqueue_indirect_dma source(%dma_start3A_283 : memref<10000x128xf32, #tpu.memory_space<hbm>>) target(%arg24 : memref<64x128xf32, #tpu.memory_space<vmem>>) offsets(%arg18 : memref<64xi32, #tpu.memory_space<vmem>>) semaphore(%arg33 : memref<!tpu.dma_semaphore, #tpu.memory_space<semaphore_mem>>)
        %dma_start3A_284 = arith.constant 0 : i32
        %dma_start3A_285 = arith.constant 0 : i32
        %dma_start3A_286 = arith.constant 0 : i32
        %dma_start3A_287 = tpu.memref_slice %arg22[%dma_start3A_284, %dma_start3A_285, %dma_start3A_286] : memref<3x64x128xf32, #tpu.memory_space<vmem>> -> memref<1x64x128xf32, #tpu.memory_space<vmem>>
        %dma_start3A_288 = tpu.memref_squeeze %dma_start3A_287 : memref<1x64x128xf32, #tpu.memory_space<vmem>> -> memref<64x128xf32, #tpu.memory_space<vmem>>
        %dma_start3A_289 = arith.constant 0 : i32
        %dma_start3A_290 = arith.constant 0 : i32
        %dma_start3A_291 = tpu.memref_slice %arg3[%dma_start3A_289, %dma_start3A_290] : memref<6000x128xf32, #tpu.memory_space<hbm>> -> memref<6000x128xf32, #tpu.memory_space<hbm>>
        tpu.enqueue_indirect_dma source(%dma_start3A_291 : memref<6000x128xf32, #tpu.memory_space<hbm>>) target(%dma_start3A_288 : memref<64x128xf32, #tpu.memory_space<vmem>>) offsets(%arg19 : memref<64xi32, #tpu.memory_space<vmem>>) semaphore(%arg33 : memref<!tpu.dma_semaphore, #tpu.memory_space<semaphore_mem>>)
        %dma_start3A_292 = arith.constant 1 : i32
        %dma_start3A_293 = arith.constant 0 : i32
        %dma_start3A_294 = arith.constant 0 : i32
        %dma_start3A_295 = tpu.memref_slice %arg22[%dma_start3A_292, %dma_start3A_293, %dma_start3A_294] : memref<3x64x128xf32, #tpu.memory_space<vmem>> -> memref<1x64x128xf32, #tpu.memory_space<vmem>>
        %dma_start3A_296 = tpu.memref_squeeze %dma_start3A_295 : memref<1x64x128xf32, #tpu.memory_space<vmem>> -> memref<64x128xf32, #tpu.memory_space<vmem>>
        %dma_start3A_297 = arith.constant 0 : i32
        %dma_start3A_298 = arith.constant 0 : i32
        %dma_start3A_299 = tpu.memref_slice %arg3[%dma_start3A_297, %dma_start3A_298] : memref<6000x128xf32, #tpu.memory_space<hbm>> -> memref<6000x128xf32, #tpu.memory_space<hbm>>
        tpu.enqueue_indirect_dma source(%dma_start3A_299 : memref<6000x128xf32, #tpu.memory_space<hbm>>) target(%dma_start3A_296 : memref<64x128xf32, #tpu.memory_space<vmem>>) offsets(%arg20 : memref<64xi32, #tpu.memory_space<vmem>>) semaphore(%arg33 : memref<!tpu.dma_semaphore, #tpu.memory_space<semaphore_mem>>)
        %dma_start3A_300 = arith.constant 2 : i32
        %dma_start3A_301 = arith.constant 0 : i32
        %dma_start3A_302 = arith.constant 0 : i32
        %dma_start3A_303 = tpu.memref_slice %arg22[%dma_start3A_300, %dma_start3A_301, %dma_start3A_302] : memref<3x64x128xf32, #tpu.memory_space<vmem>> -> memref<1x64x128xf32, #tpu.memory_space<vmem>>
        %dma_start3A_304 = tpu.memref_squeeze %dma_start3A_303 : memref<1x64x128xf32, #tpu.memory_space<vmem>> -> memref<64x128xf32, #tpu.memory_space<vmem>>
        %dma_start3A_305 = arith.constant 0 : i32
        %dma_start3A_306 = arith.constant 0 : i32
        %dma_start3A_307 = tpu.memref_slice %arg3[%dma_start3A_305, %dma_start3A_306] : memref<6000x128xf32, #tpu.memory_space<hbm>> -> memref<6000x128xf32, #tpu.memory_space<hbm>>
        tpu.enqueue_indirect_dma source(%dma_start3A_307 : memref<6000x128xf32, #tpu.memory_space<hbm>>) target(%dma_start3A_304 : memref<64x128xf32, #tpu.memory_space<vmem>>) offsets(%arg21 : memref<64xi32, #tpu.memory_space<vmem>>) semaphore(%arg33 : memref<!tpu.dma_semaphore, #tpu.memory_space<semaphore_mem>>)
      } else {
      }
      %ge3A = arith.constant 1 : i32
      %ge3A_136 = arith.cmpi sge, %mul3A_127, %ge3A : i32
      %sub3A_137 = arith.constant 1 : i32
      %sub3A_138 = arith.subi %mul3A_127, %sub3A_137 : i32
      %lt3A_139 = arith.cmpi slt, %sub3A_138, %sub3A : i32
      %and3A = arith.andi %ge3A_136, %lt3A_139 : i1
      %convert_element_type3A_140 = arith.extui %and3A : i1 to i32
      %cond3A_141 = arith.constant 0 : i32
      %cond3A_142 = arith.cmpi ne, %convert_element_type3A_140, %cond3A_141 : i32
      scf.if %cond3A_142 {
        %sub3A_154 = arith.constant 1 : i32
        %sub3A_155 = arith.subi %mul3A_127, %sub3A_154 : i32
        %dma_wait3A_156 = arith.constant 0 : i32
        %dma_wait3A_157 = arith.constant 0 : i32
        %dma_wait3A_158 = tpu.memref_slice %arg2[%dma_wait3A_156, %dma_wait3A_157] : memref<10000x128xf32, #tpu.memory_space<hbm>> -> memref<64x128xf32, #tpu.memory_space<hbm>>
        %dma_wait3A_159 = arith.constant 0 : i32
        %dma_wait3A_160 = arith.constant 0 : i32
        %dma_wait3A_161 = tpu.memref_slice %arg2[%dma_wait3A_159, %dma_wait3A_160] : memref<10000x128xf32, #tpu.memory_space<hbm>> -> memref<64x128xf32, #tpu.memory_space<hbm>>
        tpu.wait_dma2 semaphore(%arg34 : memref<!tpu.dma_semaphore, #tpu.memory_space<semaphore_mem>>) src(%dma_wait3A_161 : memref<64x128xf32, #tpu.memory_space<hbm>>) dst(%arg31 : memref<64x128xf32, #tpu.memory_space<vmem>>)
        %dma_wait3A_162 = arith.constant 0 : i32
        %dma_wait3A_163 = arith.constant 0 : i32
        %dma_wait3A_164 = tpu.memref_slice %arg2[%dma_wait3A_162, %dma_wait3A_163] : memref<10000x128xf32, #tpu.memory_space<hbm>> -> memref<64x128xf32, #tpu.memory_space<hbm>>
        %dma_wait3A_165 = arith.constant 0 : i32
        %dma_wait3A_166 = arith.constant 0 : i32
        %dma_wait3A_167 = tpu.memref_slice %arg2[%dma_wait3A_165, %dma_wait3A_166] : memref<10000x128xf32, #tpu.memory_space<hbm>> -> memref<64x128xf32, #tpu.memory_space<hbm>>
        tpu.wait_dma2 semaphore(%arg34 : memref<!tpu.dma_semaphore, #tpu.memory_space<semaphore_mem>>) src(%dma_wait3A_167 : memref<64x128xf32, #tpu.memory_space<hbm>>) dst(%arg32 : memref<64x128xf32, #tpu.memory_space<vmem>>)
        %dma_wait3A_168 = arith.constant 0 : i32
        %dma_wait3A_169 = arith.constant 0 : i32
        %dma_wait3A_170 = arith.constant 0 : i32
        %dma_wait3A_171 = tpu.memref_slice %arg30[%dma_wait3A_168, %dma_wait3A_169, %dma_wait3A_170] : memref<3x64x128xf32, #tpu.memory_space<vmem>> -> memref<1x64x128xf32, #tpu.memory_space<vmem>>
        %dma_wait3A_172 = tpu.memref_squeeze %dma_wait3A_171 : memref<1x64x128xf32, #tpu.memory_space<vmem>> -> memref<64x128xf32, #tpu.memory_space<vmem>>
        %dma_wait3A_173 = arith.constant 0 : i32
        %dma_wait3A_174 = arith.constant 0 : i32
        %dma_wait3A_175 = tpu.memref_slice %arg3[%dma_wait3A_173, %dma_wait3A_174] : memref<6000x128xf32, #tpu.memory_space<hbm>> -> memref<64x128xf32, #tpu.memory_space<hbm>>
        %dma_wait3A_176 = arith.constant 0 : i32
        %dma_wait3A_177 = arith.constant 0 : i32
        %dma_wait3A_178 = tpu.memref_slice %arg30[%dma_wait3A_168, %dma_wait3A_176, %dma_wait3A_177] : memref<3x64x128xf32, #tpu.memory_space<vmem>> -> memref<1x64x128xf32, #tpu.memory_space<vmem>>
        %dma_wait3A_179 = tpu.memref_squeeze %dma_wait3A_178 : memref<1x64x128xf32, #tpu.memory_space<vmem>> -> memref<64x128xf32, #tpu.memory_space<vmem>>
        %dma_wait3A_180 = arith.constant 0 : i32
        %dma_wait3A_181 = arith.constant 0 : i32
        %dma_wait3A_182 = tpu.memref_slice %arg3[%dma_wait3A_180, %dma_wait3A_181] : memref<6000x128xf32, #tpu.memory_space<hbm>> -> memref<64x128xf32, #tpu.memory_space<hbm>>
        tpu.wait_dma2 semaphore(%arg34 : memref<!tpu.dma_semaphore, #tpu.memory_space<semaphore_mem>>) src(%dma_wait3A_182 : memref<64x128xf32, #tpu.memory_space<hbm>>) dst(%dma_wait3A_179 : memref<64x128xf32, #tpu.memory_space<vmem>>)
        %dma_wait3A_183 = arith.constant 1 : i32
        %dma_wait3A_184 = arith.constant 0 : i32
        %dma_wait3A_185 = arith.constant 0 : i32
        %dma_wait3A_186 = tpu.memref_slice %arg30[%dma_wait3A_183, %dma_wait3A_184, %dma_wait3A_185] : memref<3x64x128xf32, #tpu.memory_space<vmem>> -> memref<1x64x128xf32, #tpu.memory_space<vmem>>
        %dma_wait3A_187 = tpu.memref_squeeze %dma_wait3A_186 : memref<1x64x128xf32, #tpu.memory_space<vmem>> -> memref<64x128xf32, #tpu.memory_space<vmem>>
        %dma_wait3A_188 = arith.constant 0 : i32
        %dma_wait3A_189 = arith.constant 0 : i32
        %dma_wait3A_190 = tpu.memref_slice %arg3[%dma_wait3A_188, %dma_wait3A_189] : memref<6000x128xf32, #tpu.memory_space<hbm>> -> memref<64x128xf32, #tpu.memory_space<hbm>>
        %dma_wait3A_191 = arith.constant 0 : i32
        %dma_wait3A_192 = arith.constant 0 : i32
        %dma_wait3A_193 = tpu.memref_slice %arg30[%dma_wait3A_183, %dma_wait3A_191, %dma_wait3A_192] : memref<3x64x128xf32, #tpu.memory_space<vmem>> -> memref<1x64x128xf32, #tpu.memory_space<vmem>>
        %dma_wait3A_194 = tpu.memref_squeeze %dma_wait3A_193 : memref<1x64x128xf32, #tpu.memory_space<vmem>> -> memref<64x128xf32, #tpu.memory_space<vmem>>
        %dma_wait3A_195 = arith.constant 0 : i32
        %dma_wait3A_196 = arith.constant 0 : i32
        %dma_wait3A_197 = tpu.memref_slice %arg3[%dma_wait3A_195, %dma_wait3A_196] : memref<6000x128xf32, #tpu.memory_space<hbm>> -> memref<64x128xf32, #tpu.memory_space<hbm>>
        tpu.wait_dma2 semaphore(%arg34 : memref<!tpu.dma_semaphore, #tpu.memory_space<semaphore_mem>>) src(%dma_wait3A_197 : memref<64x128xf32, #tpu.memory_space<hbm>>) dst(%dma_wait3A_194 : memref<64x128xf32, #tpu.memory_space<vmem>>)
        %dma_wait3A_198 = arith.constant 2 : i32
        %dma_wait3A_199 = arith.constant 0 : i32
        %dma_wait3A_200 = arith.constant 0 : i32
        %dma_wait3A_201 = tpu.memref_slice %arg30[%dma_wait3A_198, %dma_wait3A_199, %dma_wait3A_200] : memref<3x64x128xf32, #tpu.memory_space<vmem>> -> memref<1x64x128xf32, #tpu.memory_space<vmem>>
        %dma_wait3A_202 = tpu.memref_squeeze %dma_wait3A_201 : memref<1x64x128xf32, #tpu.memory_space<vmem>> -> memref<64x128xf32, #tpu.memory_space<vmem>>
        %dma_wait3A_203 = arith.constant 0 : i32
        %dma_wait3A_204 = arith.constant 0 : i32
        %dma_wait3A_205 = tpu.memref_slice %arg3[%dma_wait3A_203, %dma_wait3A_204] : memref<6000x128xf32, #tpu.memory_space<hbm>> -> memref<64x128xf32, #tpu.memory_space<hbm>>
        %dma_wait3A_206 = arith.constant 0 : i32
        %dma_wait3A_207 = arith.constant 0 : i32
        %dma_wait3A_208 = tpu.memref_slice %arg30[%dma_wait3A_198, %dma_wait3A_206, %dma_wait3A_207] : memref<3x64x128xf32, #tpu.memory_space<vmem>> -> memref<1x64x128xf32, #tpu.memory_space<vmem>>
        %dma_wait3A_209 = tpu.memref_squeeze %dma_wait3A_208 : memref<1x64x128xf32, #tpu.memory_space<vmem>> -> memref<64x128xf32, #tpu.memory_space<vmem>>
        %dma_wait3A_210 = arith.constant 0 : i32
        %dma_wait3A_211 = arith.constant 0 : i32
        %dma_wait3A_212 = tpu.memref_slice %arg3[%dma_wait3A_210, %dma_wait3A_211] : memref<6000x128xf32, #tpu.memory_space<hbm>> -> memref<64x128xf32, #tpu.memory_space<hbm>>
        tpu.wait_dma2 semaphore(%arg34 : memref<!tpu.dma_semaphore, #tpu.memory_space<semaphore_mem>>) src(%dma_wait3A_212 : memref<64x128xf32, #tpu.memory_space<hbm>>) dst(%dma_wait3A_209 : memref<64x128xf32, #tpu.memory_space<vmem>>)
        %scan3A_213 = arith.constant 0 : i32
        %scan3A_214 = arith.constant 0 : i32
        %scan3A_215 = arith.constant 64 : i32
        %scan3A_216 = arith.addi %scan3A_214, %scan3A_215 : i32
        %scan3A_217 = arith.constant 1 : i32
        %scan3A_218 = scf.for %scan3A_243 = %scan3A_214 to %scan3A_216 step %scan3A_217 iter_args(%scan3A_244 = %scan3A_213) -> (i32)  : i32 {
          %get3A = arith.constant 0 : i32
          %get3A_245 = arith.index_cast %get3A : i32 to index
          %get3A_246 = arith.index_cast %scan3A_243 : i32 to index
          %get3A_247 = arith.constant 0 : index
          %get3A_248 = tpu.vector_load %arg30[%get3A_245, %get3A_246, %get3A_247] {strides = array<i32>} : memref<3x64x128xf32, #tpu.memory_space<vmem>>, vector<16xf32>,
          %get3A_249 = arith.constant 1 : i32
          %get3A_250 = arith.index_cast %get3A_249 : i32 to index
          %get3A_251 = arith.index_cast %scan3A_243 : i32 to index
          %get3A_252 = arith.constant 0 : index
          %get3A_253 = tpu.vector_load %arg30[%get3A_250, %get3A_251, %get3A_252] {strides = array<i32>} : memref<3x64x128xf32, #tpu.memory_space<vmem>>, vector<16xf32>,
          %add3A_254 = arith.addf %get3A_248, %get3A_253 : vector<16xf32>
          %get3A_255 = arith.constant 2 : i32
          %get3A_256 = arith.index_cast %get3A_255 : i32 to index
          %get3A_257 = arith.index_cast %scan3A_243 : i32 to index
          %get3A_258 = arith.constant 0 : index
          %get3A_259 = tpu.vector_load %arg30[%get3A_256, %get3A_257, %get3A_258] {strides = array<i32>} : memref<3x64x128xf32, #tpu.memory_space<vmem>>, vector<16xf32>,
          %add3A_260 = arith.addf %add3A_254, %get3A_259 : vector<16xf32>
          %swap3A = arith.constant 0 : i32
          %swap3A_261 = arith.index_cast %swap3A : i32 to index
          %swap3A_262 = arith.index_cast %scan3A_243 : i32 to index
          %swap3A_263 = arith.constant 0 : index
          %swap3A_264 = tpu.vector_load %arg30[%swap3A_261, %swap3A_262, %swap3A_263] {strides = array<i32>} : memref<3x64x128xf32, #tpu.memory_space<vmem>>, vector<16xf32>,
          tpu.vector_store %arg30[%swap3A_261, %swap3A_262, %swap3A_263], %add3A_260 {strides = array<i32>} : memref<3x64x128xf32, #tpu.memory_space<vmem>>, vector<16xf32>,
          %get3A_265 = arith.constant 0 : i32
          %get3A_266 = arith.index_cast %get3A_265 : i32 to index
          %get3A_267 = arith.index_cast %scan3A_243 : i32 to index
          %get3A_268 = arith.constant 16 : index
          %get3A_269 = tpu.vector_load %arg30[%get3A_266, %get3A_267, %get3A_268] {strides = array<i32>} : memref<3x64x128xf32, #tpu.memory_space<vmem>>, vector<16xf32>,
          %get3A_270 = arith.constant 1 : i32
          %get3A_271 = arith.index_cast %get3A_270 : i32 to index
          %get3A_272 = arith.index_cast %scan3A_243 : i32 to index
          %get3A_273 = arith.constant 16 : index
          %get3A_274 = tpu.vector_load %arg30[%get3A_271, %get3A_272, %get3A_273] {strides = array<i32>} : memref<3x64x128xf32, #tpu.memory_space<vmem>>, vector<16xf32>,
          %add3A_275 = arith.addf %get3A_269, %get3A_274 : vector<16xf32>
          %get3A_276 = arith.constant 2 : i32
          %get3A_277 = arith.index_cast %get3A_276 : i32 to index
          %get3A_278 = arith.index_cast %scan3A_243 : i32 to index
          %get3A_279 = arith.constant 16 : index
          %get3A_280 = tpu.vector_load %arg30[%get3A_277, %get3A_278, %get3A_279] {strides = array<i32>} : memref<3x64x128xf32, #tpu.memory_space<vmem>>, vector<16xf32>,
          %add3A_281 = arith.addf %add3A_275, %get3A_280 : vector<16xf32>
          %swap3A_282 = arith.constant 0 : i32
          %swap3A_283 = arith.index_cast %swap3A_282 : i32 to index
          %swap3A_284 = arith.index_cast %scan3A_243 : i32 to index
          %swap3A_285 = arith.constant 16 : index
          %swap3A_286 = tpu.vector_load %arg30[%swap3A_283, %swap3A_284, %swap3A_285] {strides = array<i32>} : memref<3x64x128xf32, #tpu.memory_space<vmem>>, vector<16xf32>,
          tpu.vector_store %arg30[%swap3A_283, %swap3A_284, %swap3A_285], %add3A_281 {strides = array<i32>} : memref<3x64x128xf32, #tpu.memory_space<vmem>>, vector<16xf32>,
          %get3A_287 = arith.constant 0 : i32
          %get3A_288 = arith.index_cast %get3A_287 : i32 to index
          %get3A_289 = arith.index_cast %scan3A_243 : i32 to index
          %get3A_290 = arith.constant 32 : index
          %get3A_291 = tpu.vector_load %arg30[%get3A_288, %get3A_289, %get3A_290] {strides = array<i32>} : memref<3x64x128xf32, #tpu.memory_space<vmem>>, vector<16xf32>,
          %get3A_292 = arith.constant 1 : i32
          %get3A_293 = arith.index_cast %get3A_292 : i32 to index
          %get3A_294 = arith.index_cast %scan3A_243 : i32 to index
          %get3A_295 = arith.constant 32 : index
          %get3A_296 = tpu.vector_load %arg30[%get3A_293, %get3A_294, %get3A_295] {strides = array<i32>} : memref<3x64x128xf32, #tpu.memory_space<vmem>>, vector<16xf32>,
          %add3A_297 = arith.addf %get3A_291, %get3A_296 : vector<16xf32>
          %get3A_298 = arith.constant 2 : i32
          %get3A_299 = arith.index_cast %get3A_298 : i32 to index
          %get3A_300 = arith.index_cast %scan3A_243 : i32 to index
          %get3A_301 = arith.constant 32 : index
          %get3A_302 = tpu.vector_load %arg30[%get3A_299, %get3A_300, %get3A_301] {strides = array<i32>} : memref<3x64x128xf32, #tpu.memory_space<vmem>>, vector<16xf32>,
          %add3A_303 = arith.addf %add3A_297, %get3A_302 : vector<16xf32>
          %swap3A_304 = arith.constant 0 : i32
          %swap3A_305 = arith.index_cast %swap3A_304 : i32 to index
          %swap3A_306 = arith.index_cast %scan3A_243 : i32 to index
          %swap3A_307 = arith.constant 32 : index
          %swap3A_308 = tpu.vector_load %arg30[%swap3A_305, %swap3A_306, %swap3A_307] {strides = array<i32>} : memref<3x64x128xf32, #tpu.memory_space<vmem>>, vector<16xf32>,
          tpu.vector_store %arg30[%swap3A_305, %swap3A_306, %swap3A_307], %add3A_303 {strides = array<i32>} : memref<3x64x128xf32, #tpu.memory_space<vmem>>, vector<16xf32>,
          %get3A_309 = arith.constant 0 : i32
          %get3A_310 = arith.index_cast %get3A_309 : i32 to index
          %get3A_311 = arith.index_cast %scan3A_243 : i32 to index
          %get3A_312 = arith.constant 48 : index
          %get3A_313 = tpu.vector_load %arg30[%get3A_310, %get3A_311, %get3A_312] {strides = array<i32>} : memref<3x64x128xf32, #tpu.memory_space<vmem>>, vector<16xf32>,
          %get3A_314 = arith.constant 1 : i32
          %get3A_315 = arith.index_cast %get3A_314 : i32 to index
          %get3A_316 = arith.index_cast %scan3A_243 : i32 to index
          %get3A_317 = arith.constant 48 : index
          %get3A_318 = tpu.vector_load %arg30[%get3A_315, %get3A_316, %get3A_317] {strides = array<i32>} : memref<3x64x128xf32, #tpu.memory_space<vmem>>, vector<16xf32>,
          %add3A_319 = arith.addf %get3A_313, %get3A_318 : vector<16xf32>
          %get3A_320 = arith.constant 2 : i32
          %get3A_321 = arith.index_cast %get3A_320 : i32 to index
          %get3A_322 = arith.index_cast %scan3A_243 : i32 to index
          %get3A_323 = arith.constant 48 : index
          %get3A_324 = tpu.vector_load %arg30[%get3A_321, %get3A_322, %get3A_323] {strides = array<i32>} : memref<3x64x128xf32, #tpu.memory_space<vmem>>, vector<16xf32>,
          %add3A_325 = arith.addf %add3A_319, %get3A_324 : vector<16xf32>
          %swap3A_326 = arith.constant 0 : i32
          %swap3A_327 = arith.index_cast %swap3A_326 : i32 to index
          %swap3A_328 = arith.index_cast %scan3A_243 : i32 to index
          %swap3A_329 = arith.constant 48 : index
          %swap3A_330 = tpu.vector_load %arg30[%swap3A_327, %swap3A_328, %swap3A_329] {strides = array<i32>} : memref<3x64x128xf32, #tpu.memory_space<vmem>>, vector<16xf32>,
          tpu.vector_store %arg30[%swap3A_327, %swap3A_328, %swap3A_329], %add3A_325 {strides = array<i32>} : memref<3x64x128xf32, #tpu.memory_space<vmem>>, vector<16xf32>,
          %get3A_331 = arith.constant 0 : i32
          %get3A_332 = arith.index_cast %get3A_331 : i32 to index
          %get3A_333 = arith.index_cast %scan3A_243 : i32 to index
          %get3A_334 = arith.constant 64 : index
          %get3A_335 = tpu.vector_load %arg30[%get3A_332, %get3A_333, %get3A_334] {strides = array<i32>} : memref<3x64x128xf32, #tpu.memory_space<vmem>>, vector<16xf32>,
          %get3A_336 = arith.constant 1 : i32
          %get3A_337 = arith.index_cast %get3A_336 : i32 to index
          %get3A_338 = arith.index_cast %scan3A_243 : i32 to index
          %get3A_339 = arith.constant 64 : index
          %get3A_340 = tpu.vector_load %arg30[%get3A_337, %get3A_338, %get3A_339] {strides = array<i32>} : memref<3x64x128xf32, #tpu.memory_space<vmem>>, vector<16xf32>,
          %add3A_341 = arith.addf %get3A_335, %get3A_340 : vector<16xf32>
          %get3A_342 = arith.constant 2 : i32
          %get3A_343 = arith.index_cast %get3A_342 : i32 to index
          %get3A_344 = arith.index_cast %scan3A_243 : i32 to index
          %get3A_345 = arith.constant 64 : index
          %get3A_346 = tpu.vector_load %arg30[%get3A_343, %get3A_344, %get3A_345] {strides = array<i32>} : memref<3x64x128xf32, #tpu.memory_space<vmem>>, vector<16xf32>,
          %add3A_347 = arith.addf %add3A_341, %get3A_346 : vector<16xf32>
          %swap3A_348 = arith.constant 0 : i32
          %swap3A_349 = arith.index_cast %swap3A_348 : i32 to index
          %swap3A_350 = arith.index_cast %scan3A_243 : i32 to index
          %swap3A_351 = arith.constant 64 : index
          %swap3A_352 = tpu.vector_load %arg30[%swap3A_349, %swap3A_350, %swap3A_351] {strides = array<i32>} : memref<3x64x128xf32, #tpu.memory_space<vmem>>, vector<16xf32>,
          tpu.vector_store %arg30[%swap3A_349, %swap3A_350, %swap3A_351], %add3A_347 {strides = array<i32>} : memref<3x64x128xf32, #tpu.memory_space<vmem>>, vector<16xf32>,
          %get3A_353 = arith.constant 0 : i32
          %get3A_354 = arith.index_cast %get3A_353 : i32 to index
          %get3A_355 = arith.index_cast %scan3A_243 : i32 to index
          %get3A_356 = arith.constant 80 : index
          %get3A_357 = tpu.vector_load %arg30[%get3A_354, %get3A_355, %get3A_356] {strides = array<i32>} : memref<3x64x128xf32, #tpu.memory_space<vmem>>, vector<16xf32>,
          %get3A_358 = arith.constant 1 : i32
          %get3A_359 = arith.index_cast %get3A_358 : i32 to index
          %get3A_360 = arith.index_cast %scan3A_243 : i32 to index
          %get3A_361 = arith.constant 80 : index
          %get3A_362 = tpu.vector_load %arg30[%get3A_359, %get3A_360, %get3A_361] {strides = array<i32>} : memref<3x64x128xf32, #tpu.memory_space<vmem>>, vector<16xf32>,
          %add3A_363 = arith.addf %get3A_357, %get3A_362 : vector<16xf32>
          %get3A_364 = arith.constant 2 : i32
          %get3A_365 = arith.index_cast %get3A_364 : i32 to index
          %get3A_366 = arith.index_cast %scan3A_243 : i32 to index
          %get3A_367 = arith.constant 80 : index
          %get3A_368 = tpu.vector_load %arg30[%get3A_365, %get3A_366, %get3A_367] {strides = array<i32>} : memref<3x64x128xf32, #tpu.memory_space<vmem>>, vector<16xf32>,
          %add3A_369 = arith.addf %add3A_363, %get3A_368 : vector<16xf32>
          %swap3A_370 = arith.constant 0 : i32
          %swap3A_371 = arith.index_cast %swap3A_370 : i32 to index
          %swap3A_372 = arith.index_cast %scan3A_243 : i32 to index
          %swap3A_373 = arith.constant 80 : index
          %swap3A_374 = tpu.vector_load %arg30[%swap3A_371, %swap3A_372, %swap3A_373] {strides = array<i32>} : memref<3x64x128xf32, #tpu.memory_space<vmem>>, vector<16xf32>,
          tpu.vector_store %arg30[%swap3A_371, %swap3A_372, %swap3A_373], %add3A_369 {strides = array<i32>} : memref<3x64x128xf32, #tpu.memory_space<vmem>>, vector<16xf32>,
          %get3A_375 = arith.constant 0 : i32
          %get3A_376 = arith.index_cast %get3A_375 : i32 to index
          %get3A_377 = arith.index_cast %scan3A_243 : i32 to index
          %get3A_378 = arith.constant 96 : index
          %get3A_379 = tpu.vector_load %arg30[%get3A_376, %get3A_377, %get3A_378] {strides = array<i32>} : memref<3x64x128xf32, #tpu.memory_space<vmem>>, vector<16xf32>,
          %get3A_380 = arith.constant 1 : i32
          %get3A_381 = arith.index_cast %get3A_380 : i32 to index
          %get3A_382 = arith.index_cast %scan3A_243 : i32 to index
          %get3A_383 = arith.constant 96 : index
          %get3A_384 = tpu.vector_load %arg30[%get3A_381, %get3A_382, %get3A_383] {strides = array<i32>} : memref<3x64x128xf32, #tpu.memory_space<vmem>>, vector<16xf32>,
          %add3A_385 = arith.addf %get3A_379, %get3A_384 : vector<16xf32>
          %get3A_386 = arith.constant 2 : i32
          %get3A_387 = arith.index_cast %get3A_386 : i32 to index
          %get3A_388 = arith.index_cast %scan3A_243 : i32 to index
          %get3A_389 = arith.constant 96 : index
          %get3A_390 = tpu.vector_load %arg30[%get3A_387, %get3A_388, %get3A_389] {strides = array<i32>} : memref<3x64x128xf32, #tpu.memory_space<vmem>>, vector<16xf32>,
          %add3A_391 = arith.addf %add3A_385, %get3A_390 : vector<16xf32>
          %swap3A_392 = arith.constant 0 : i32
          %swap3A_393 = arith.index_cast %swap3A_392 : i32 to index
          %swap3A_394 = arith.index_cast %scan3A_243 : i32 to index
          %swap3A_395 = arith.constant 96 : index
          %swap3A_396 = tpu.vector_load %arg30[%swap3A_393, %swap3A_394, %swap3A_395] {strides = array<i32>} : memref<3x64x128xf32, #tpu.memory_space<vmem>>, vector<16xf32>,
          tpu.vector_store %arg30[%swap3A_393, %swap3A_394, %swap3A_395], %add3A_391 {strides = array<i32>} : memref<3x64x128xf32, #tpu.memory_space<vmem>>, vector<16xf32>,
          %get3A_397 = arith.constant 0 : i32
          %get3A_398 = arith.index_cast %get3A_397 : i32 to index
          %get3A_399 = arith.index_cast %scan3A_243 : i32 to index
          %get3A_400 = arith.constant 112 : index
          %get3A_401 = tpu.vector_load %arg30[%get3A_398, %get3A_399, %get3A_400] {strides = array<i32>} : memref<3x64x128xf32, #tpu.memory_space<vmem>>, vector<16xf32>,
          %get3A_402 = arith.constant 1 : i32
          %get3A_403 = arith.index_cast %get3A_402 : i32 to index
          %get3A_404 = arith.index_cast %scan3A_243 : i32 to index
          %get3A_405 = arith.constant 112 : index
          %get3A_406 = tpu.vector_load %arg30[%get3A_403, %get3A_404, %get3A_405] {strides = array<i32>} : memref<3x64x128xf32, #tpu.memory_space<vmem>>, vector<16xf32>,
          %add3A_407 = arith.addf %get3A_401, %get3A_406 : vector<16xf32>
          %get3A_408 = arith.constant 2 : i32
          %get3A_409 = arith.index_cast %get3A_408 : i32 to index
          %get3A_410 = arith.index_cast %scan3A_243 : i32 to index
          %get3A_411 = arith.constant 112 : index
          %get3A_412 = tpu.vector_load %arg30[%get3A_409, %get3A_410, %get3A_411] {strides = array<i32>} : memref<3x64x128xf32, #tpu.memory_space<vmem>>, vector<16xf32>,
          %add3A_413 = arith.addf %add3A_407, %get3A_412 : vector<16xf32>
          %swap3A_414 = arith.constant 0 : i32
          %swap3A_415 = arith.index_cast %swap3A_414 : i32 to index
          %swap3A_416 = arith.index_cast %scan3A_243 : i32 to index
          %swap3A_417 = arith.constant 112 : index
          %swap3A_418 = tpu.vector_load %arg30[%swap3A_415, %swap3A_416, %swap3A_417] {strides = array<i32>} : memref<3x64x128xf32, #tpu.memory_space<vmem>>, vector<16xf32>,
          tpu.vector_store %arg30[%swap3A_415, %swap3A_416, %swap3A_417], %add3A_413 {strides = array<i32>} : memref<3x64x128xf32, #tpu.memory_space<vmem>>, vector<16xf32>,
          %scan3A_419 = arith.constant 0 : i32
          scf.yield %scan3A_419 : i32
        }
        %scan3A_219 = arith.constant 64 : i32
        %mul3A_220 = arith.constant 64 : i32
        %mul3A_221 = arith.muli %sub3A_155, %mul3A_220 : i32
        %add3A_222 = arith.addi %mul3A_13, %mul3A_221 : i32
        %dma_start3A = arith.constant 0 : i32
        %dma_start3A_223 = tpu.memref_slice %arg7[%add3A_222, %dma_start3A] : memref<160000x128xf32, #tpu.memory_space<hbm>> -> memref<64x128xf32, #tpu.memory_space<hbm>>
        %dma_start3A_224 = arith.constant 0 : i32
        %dma_start3A_225 = tpu.memref_slice %arg7[%add3A_222, %dma_start3A_224] : memref<160000x128xf32, #tpu.memory_space<hbm>> -> memref<64x128xf32, #tpu.memory_space<hbm>>
        tpu.enqueue_dma source(%arg31 : memref<64x128xf32, #tpu.memory_space<vmem>>) target(%dma_start3A_225 : memref<64x128xf32, #tpu.memory_space<hbm>>) target_semaphore(%arg36 : memref<!tpu.dma_semaphore, #tpu.memory_space<semaphore_mem>>)
        %dma_start3A_226 = arith.constant 0 : i32
        %dma_start3A_227 = tpu.memref_slice %arg8[%add3A_222, %dma_start3A_226] : memref<160000x128xf32, #tpu.memory_space<hbm>> -> memref<64x128xf32, #tpu.memory_space<hbm>>
        %dma_start3A_228 = arith.constant 0 : i32
        %dma_start3A_229 = tpu.memref_slice %arg8[%add3A_222, %dma_start3A_228] : memref<160000x128xf32, #tpu.memory_space<hbm>> -> memref<64x128xf32, #tpu.memory_space<hbm>>
        tpu.enqueue_dma source(%arg32 : memref<64x128xf32, #tpu.memory_space<vmem>>) target(%dma_start3A_229 : memref<64x128xf32, #tpu.memory_space<hbm>>) target_semaphore(%arg36 : memref<!tpu.dma_semaphore, #tpu.memory_space<semaphore_mem>>)
        %dma_start3A_230 = arith.constant 0 : i32
        %dma_start3A_231 = arith.constant 0 : i32
        %dma_start3A_232 = arith.constant 0 : i32
        %dma_start3A_233 = tpu.memref_slice %arg30[%dma_start3A_230, %dma_start3A_231, %dma_start3A_232] : memref<3x64x128xf32, #tpu.memory_space<vmem>> -> memref<1x64x128xf32, #tpu.memory_space<vmem>>
        %dma_start3A_234 = tpu.memref_squeeze %dma_start3A_233 : memref<1x64x128xf32, #tpu.memory_space<vmem>> -> memref<64x128xf32, #tpu.memory_space<vmem>>
        %dma_start3A_235 = arith.constant 0 : i32
        %dma_start3A_236 = tpu.memref_slice %arg9[%add3A_222, %dma_start3A_235] : memref<160000x128xf32, #tpu.memory_space<hbm>> -> memref<64x128xf32, #tpu.memory_space<hbm>>
        %dma_start3A_237 = arith.constant 0 : i32
        %dma_start3A_238 = tpu.memref_slice %arg9[%add3A_222, %dma_start3A_237] : memref<160000x128xf32, #tpu.memory_space<hbm>> -> memref<64x128xf32, #tpu.memory_space<hbm>>
        %dma_start3A_239 = arith.constant 0 : i32
        %dma_start3A_240 = arith.constant 0 : i32
        %dma_start3A_241 = tpu.memref_slice %arg30[%dma_start3A_230, %dma_start3A_239, %dma_start3A_240] : memref<3x64x128xf32, #tpu.memory_space<vmem>> -> memref<1x64x128xf32, #tpu.memory_space<vmem>>
        %dma_start3A_242 = tpu.memref_squeeze %dma_start3A_241 : memref<1x64x128xf32, #tpu.memory_space<vmem>> -> memref<64x128xf32, #tpu.memory_space<vmem>>
        tpu.enqueue_dma source(%dma_start3A_242 : memref<64x128xf32, #tpu.memory_space<vmem>>) target(%dma_start3A_238 : memref<64x128xf32, #tpu.memory_space<hbm>>) target_semaphore(%arg36 : memref<!tpu.dma_semaphore, #tpu.memory_space<semaphore_mem>>)
      } else {
      }
      %lt3A_143 = arith.cmpi slt, %add3A_131, %sub3A : i32
      %convert_element_type3A_144 = arith.extui %lt3A_143 : i1 to i32
      %cond3A_145 = arith.constant 0 : i32
      %cond3A_146 = arith.cmpi ne, %convert_element_type3A_144, %cond3A_145 : i32
      scf.if %cond3A_146 {
        %ge3A_154 = arith.constant 2 : i32
        %ge3A_155 = arith.cmpi sge, %add3A_131, %ge3A_154 : i32
        %convert_element_type3A_156 = arith.extui %ge3A_155 : i1 to i32
        %cond3A_157 = arith.constant 0 : i32
        %cond3A_158 = arith.cmpi ne, %convert_element_type3A_156, %cond3A_157 : i32
        scf.if %cond3A_158 {
          %dma_wait3A_308 = arith.constant 0 : i32
          %dma_wait3A_309 = arith.constant 0 : i32
          %dma_wait3A_310 = tpu.memref_slice %arg7[%dma_wait3A_308, %dma_wait3A_309] : memref<160000x128xf32, #tpu.memory_space<hbm>> -> memref<64x128xf32, #tpu.memory_space<hbm>>
          %dma_wait3A_311 = arith.constant 0 : i32
          %dma_wait3A_312 = arith.constant 0 : i32
          %dma_wait3A_313 = tpu.memref_slice %arg7[%dma_wait3A_311, %dma_wait3A_312] : memref<160000x128xf32, #tpu.memory_space<hbm>> -> memref<64x128xf32, #tpu.memory_space<hbm>>
          tpu.wait_dma2 semaphore(%arg36 : memref<!tpu.dma_semaphore, #tpu.memory_space<semaphore_mem>>) src(%dma_wait3A_313 : memref<64x128xf32, #tpu.memory_space<hbm>>) dst(%arg31 : memref<64x128xf32, #tpu.memory_space<vmem>>)
          %dma_wait3A_314 = arith.constant 0 : i32
          %dma_wait3A_315 = arith.constant 0 : i32
          %dma_wait3A_316 = tpu.memref_slice %arg7[%dma_wait3A_314, %dma_wait3A_315] : memref<160000x128xf32, #tpu.memory_space<hbm>> -> memref<64x128xf32, #tpu.memory_space<hbm>>
          %dma_wait3A_317 = arith.constant 0 : i32
          %dma_wait3A_318 = arith.constant 0 : i32
          %dma_wait3A_319 = tpu.memref_slice %arg7[%dma_wait3A_317, %dma_wait3A_318] : memref<160000x128xf32, #tpu.memory_space<hbm>> -> memref<64x128xf32, #tpu.memory_space<hbm>>
          tpu.wait_dma2 semaphore(%arg36 : memref<!tpu.dma_semaphore, #tpu.memory_space<semaphore_mem>>) src(%dma_wait3A_319 : memref<64x128xf32, #tpu.memory_space<hbm>>) dst(%arg32 : memref<64x128xf32, #tpu.memory_space<vmem>>)
          %dma_wait3A_320 = arith.constant 0 : i32
          %dma_wait3A_321 = arith.constant 0 : i32
          %dma_wait3A_322 = arith.constant 0 : i32
          %dma_wait3A_323 = tpu.memref_slice %arg30[%dma_wait3A_320, %dma_wait3A_321, %dma_wait3A_322] : memref<3x64x128xf32, #tpu.memory_space<vmem>> -> memref<1x64x128xf32, #tpu.memory_space<vmem>>
          %dma_wait3A_324 = tpu.memref_squeeze %dma_wait3A_323 : memref<1x64x128xf32, #tpu.memory_space<vmem>> -> memref<64x128xf32, #tpu.memory_space<vmem>>
          %dma_wait3A_325 = arith.constant 0 : i32
          %dma_wait3A_326 = arith.constant 0 : i32
          %dma_wait3A_327 = tpu.memref_slice %arg9[%dma_wait3A_325, %dma_wait3A_326] : memref<160000x128xf32, #tpu.memory_space<hbm>> -> memref<64x128xf32, #tpu.memory_space<hbm>>
          %dma_wait3A_328 = arith.constant 0 : i32
          %dma_wait3A_329 = arith.constant 0 : i32
          %dma_wait3A_330 = tpu.memref_slice %arg30[%dma_wait3A_320, %dma_wait3A_328, %dma_wait3A_329] : memref<3x64x128xf32, #tpu.memory_space<vmem>> -> memref<1x64x128xf32, #tpu.memory_space<vmem>>
          %dma_wait3A_331 = tpu.memref_squeeze %dma_wait3A_330 : memref<1x64x128xf32, #tpu.memory_space<vmem>> -> memref<64x128xf32, #tpu.memory_space<vmem>>
          %dma_wait3A_332 = arith.constant 0 : i32
          %dma_wait3A_333 = arith.constant 0 : i32
          %dma_wait3A_334 = tpu.memref_slice %arg9[%dma_wait3A_332, %dma_wait3A_333] : memref<160000x128xf32, #tpu.memory_space<hbm>> -> memref<64x128xf32, #tpu.memory_space<hbm>>
          tpu.wait_dma2 semaphore(%arg36 : memref<!tpu.dma_semaphore, #tpu.memory_space<semaphore_mem>>) src(%dma_wait3A_334 : memref<64x128xf32, #tpu.memory_space<hbm>>) dst(%dma_wait3A_331 : memref<64x128xf32, #tpu.memory_space<vmem>>)
        } else {
        }
        %mul3A_159 = arith.constant 64 : i32
        %mul3A_160 = arith.muli %add3A_131, %mul3A_159 : i32
        %add3A_161 = arith.constant 0 : i32
        %add3A_162 = arith.addi %mul3A_160, %add3A_161 : i32
        %get3A = arith.index_cast %add3A_162 : i32 to index
        %get3A_163 = tpu.vector_load %arg10[%get3A] {strides = array<i32>} : memref<5056xi32, #tpu.memory_space<vmem>>, vector<16xi32>,
        %mul3A_164 = arith.constant 3000 : i32
        %mul3A_165 = vector.broadcast %mul3A_164 : i32 to vector<16xi32>
        %mul3A_166 = arith.muli %get3A_163, %mul3A_165 : vector<16xi32>
        %get3A_167 = arith.index_cast %add3A_162 : i32 to index
        %get3A_168 = tpu.vector_load %arg14[%get3A_167] {strides = array<i32>} : memref<5056xi32, #tpu.memory_space<vmem>>, vector<16xi32>,
        %add3A_169 = arith.addi %get3A_168, %mul3A_166 : vector<16xi32>
        %swap3A = arith.constant 0 : index
        %swap3A_170 = tpu.vector_load %arg27[%swap3A] {strides = array<i32>} : memref<64xi32, #tpu.memory_space<vmem>>, vector<16xi32>,
        tpu.vector_store %arg27[%swap3A], %add3A_169 {strides = array<i32>} : memref<64xi32, #tpu.memory_space<vmem>>, vector<16xi32>,
        %get3A_171 = arith.index_cast %add3A_162 : i32 to index
        %get3A_172 = tpu.vector_load %arg15[%get3A_171] {strides = array<i32>} : memref<5056xi32, #tpu.memory_space<vmem>>, vector<16xi32>,
        %add3A_173 = arith.addi %get3A_172, %mul3A_166 : vector<16xi32>
        %swap3A_174 = arith.constant 0 : index
        %swap3A_175 = tpu.vector_load %arg28[%swap3A_174] {strides = array<i32>} : memref<64xi32, #tpu.memory_space<vmem>>, vector<16xi32>,
        tpu.vector_store %arg28[%swap3A_174], %add3A_173 {strides = array<i32>} : memref<64xi32, #tpu.memory_space<vmem>>, vector<16xi32>,
        %get3A_176 = arith.index_cast %add3A_162 : i32 to index
        %get3A_177 = tpu.vector_load %arg16[%get3A_176] {strides = array<i32>} : memref<5056xi32, #tpu.memory_space<vmem>>, vector<16xi32>,
        %add3A_178 = arith.addi %get3A_177, %mul3A_166 : vector<16xi32>
        %swap3A_179 = arith.constant 0 : index
        %swap3A_180 = tpu.vector_load %arg29[%swap3A_179] {strides = array<i32>} : memref<64xi32, #tpu.memory_space<vmem>>, vector<16xi32>,
        tpu.vector_store %arg29[%swap3A_179], %add3A_178 {strides = array<i32>} : memref<64xi32, #tpu.memory_space<vmem>>, vector<16xi32>,
        %get3A_181 = arith.index_cast %add3A_162 : i32 to index
        %get3A_182 = tpu.vector_load %arg12[%get3A_181] {strides = array<i32>} : memref<5056xi32, #tpu.memory_space<vmem>>, vector<16xi32>,
        %swap3A_183 = arith.constant 0 : index
        %swap3A_184 = tpu.vector_load %arg25[%swap3A_183] {strides = array<i32>} : memref<64xi32, #tpu.memory_space<vmem>>, vector<16xi32>,
        tpu.vector_store %arg25[%swap3A_183], %get3A_182 {strides = array<i32>} : memref<64xi32, #tpu.memory_space<vmem>>, vector<16xi32>,
        %get3A_185 = arith.index_cast %add3A_162 : i32 to index
        %get3A_186 = tpu.vector_load %arg13[%get3A_185] {strides = array<i32>} : memref<5056xi32, #tpu.memory_space<vmem>>, vector<16xi32>,
        %swap3A_187 = arith.constant 0 : index
        %swap3A_188 = tpu.vector_load %arg26[%swap3A_187] {strides = array<i32>} : memref<64xi32, #tpu.memory_space<vmem>>, vector<16xi32>,
        tpu.vector_store %arg26[%swap3A_187], %get3A_186 {strides = array<i32>} : memref<64xi32, #tpu.memory_space<vmem>>, vector<16xi32>,
        %add3A_189 = arith.constant 16 : i32
        %add3A_190 = arith.addi %mul3A_160, %add3A_189 : i32
        %get3A_191 = arith.index_cast %add3A_190 : i32 to index
        %get3A_192 = tpu.vector_load %arg10[%get3A_191] {strides = array<i32>} : memref<5056xi32, #tpu.memory_space<vmem>>, vector<16xi32>,
        %mul3A_193 = arith.constant 3000 : i32
        %mul3A_194 = vector.broadcast %mul3A_193 : i32 to vector<16xi32>
        %mul3A_195 = arith.muli %get3A_192, %mul3A_194 : vector<16xi32>
        %get3A_196 = arith.index_cast %add3A_190 : i32 to index
        %get3A_197 = tpu.vector_load %arg14[%get3A_196] {strides = array<i32>} : memref<5056xi32, #tpu.memory_space<vmem>>, vector<16xi32>,
        %add3A_198 = arith.addi %get3A_197, %mul3A_195 : vector<16xi32>
        %swap3A_199 = arith.constant 16 : index
        %swap3A_200 = tpu.vector_load %arg27[%swap3A_199] {strides = array<i32>} : memref<64xi32, #tpu.memory_space<vmem>>, vector<16xi32>,
        tpu.vector_store %arg27[%swap3A_199], %add3A_198 {strides = array<i32>} : memref<64xi32, #tpu.memory_space<vmem>>, vector<16xi32>,
        %get3A_201 = arith.index_cast %add3A_190 : i32 to index
        %get3A_202 = tpu.vector_load %arg15[%get3A_201] {strides = array<i32>} : memref<5056xi32, #tpu.memory_space<vmem>>, vector<16xi32>,
        %add3A_203 = arith.addi %get3A_202, %mul3A_195 : vector<16xi32>
        %swap3A_204 = arith.constant 16 : index
        %swap3A_205 = tpu.vector_load %arg28[%swap3A_204] {strides = array<i32>} : memref<64xi32, #tpu.memory_space<vmem>>, vector<16xi32>,
        tpu.vector_store %arg28[%swap3A_204], %add3A_203 {strides = array<i32>} : memref<64xi32, #tpu.memory_space<vmem>>, vector<16xi32>,
        %get3A_206 = arith.index_cast %add3A_190 : i32 to index
        %get3A_207 = tpu.vector_load %arg16[%get3A_206] {strides = array<i32>} : memref<5056xi32, #tpu.memory_space<vmem>>, vector<16xi32>,
        %add3A_208 = arith.addi %get3A_207, %mul3A_195 : vector<16xi32>
        %swap3A_209 = arith.constant 16 : index
        %swap3A_210 = tpu.vector_load %arg29[%swap3A_209] {strides = array<i32>} : memref<64xi32, #tpu.memory_space<vmem>>, vector<16xi32>,
        tpu.vector_store %arg29[%swap3A_209], %add3A_208 {strides = array<i32>} : memref<64xi32, #tpu.memory_space<vmem>>, vector<16xi32>,
        %get3A_211 = arith.index_cast %add3A_190 : i32 to index
        %get3A_212 = tpu.vector_load %arg12[%get3A_211] {strides = array<i32>} : memref<5056xi32, #tpu.memory_space<vmem>>, vector<16xi32>,
        %swap3A_213 = arith.constant 16 : index
        %swap3A_214 = tpu.vector_load %arg25[%swap3A_213] {strides = array<i32>} : memref<64xi32, #tpu.memory_space<vmem>>, vector<16xi32>,
        tpu.vector_store %arg25[%swap3A_213], %get3A_212 {strides = array<i32>} : memref<64xi32, #tpu.memory_space<vmem>>, vector<16xi32>,
        %get3A_215 = arith.index_cast %add3A_190 : i32 to index
        %get3A_216 = tpu.vector_load %arg13[%get3A_215] {strides = array<i32>} : memref<5056xi32, #tpu.memory_space<vmem>>, vector<16xi32>,
        %swap3A_217 = arith.constant 16 : index
        %swap3A_218 = tpu.vector_load %arg26[%swap3A_217] {strides = array<i32>} : memref<64xi32, #tpu.memory_space<vmem>>, vector<16xi32>,
        tpu.vector_store %arg26[%swap3A_217], %get3A_216 {strides = array<i32>} : memref<64xi32, #tpu.memory_space<vmem>>, vector<16xi32>,
        %add3A_219 = arith.constant 32 : i32
        %add3A_220 = arith.addi %mul3A_160, %add3A_219 : i32
        %get3A_221 = arith.index_cast %add3A_220 : i32 to index
        %get3A_222 = tpu.vector_load %arg10[%get3A_221] {strides = array<i32>} : memref<5056xi32, #tpu.memory_space<vmem>>, vector<16xi32>,
        %mul3A_223 = arith.constant 3000 : i32
        %mul3A_224 = vector.broadcast %mul3A_223 : i32 to vector<16xi32>
        %mul3A_225 = arith.muli %get3A_222, %mul3A_224 : vector<16xi32>
        %get3A_226 = arith.index_cast %add3A_220 : i32 to index
        %get3A_227 = tpu.vector_load %arg14[%get3A_226] {strides = array<i32>} : memref<5056xi32, #tpu.memory_space<vmem>>, vector<16xi32>,
        %add3A_228 = arith.addi %get3A_227, %mul3A_225 : vector<16xi32>
        %swap3A_229 = arith.constant 32 : index
        %swap3A_230 = tpu.vector_load %arg27[%swap3A_229] {strides = array<i32>} : memref<64xi32, #tpu.memory_space<vmem>>, vector<16xi32>,
        tpu.vector_store %arg27[%swap3A_229], %add3A_228 {strides = array<i32>} : memref<64xi32, #tpu.memory_space<vmem>>, vector<16xi32>,
        %get3A_231 = arith.index_cast %add3A_220 : i32 to index
        %get3A_232 = tpu.vector_load %arg15[%get3A_231] {strides = array<i32>} : memref<5056xi32, #tpu.memory_space<vmem>>, vector<16xi32>,
        %add3A_233 = arith.addi %get3A_232, %mul3A_225 : vector<16xi32>
        %swap3A_234 = arith.constant 32 : index
        %swap3A_235 = tpu.vector_load %arg28[%swap3A_234] {strides = array<i32>} : memref<64xi32, #tpu.memory_space<vmem>>, vector<16xi32>,
        tpu.vector_store %arg28[%swap3A_234], %add3A_233 {strides = array<i32>} : memref<64xi32, #tpu.memory_space<vmem>>, vector<16xi32>,
        %get3A_236 = arith.index_cast %add3A_220 : i32 to index
        %get3A_237 = tpu.vector_load %arg16[%get3A_236] {strides = array<i32>} : memref<5056xi32, #tpu.memory_space<vmem>>, vector<16xi32>,
        %add3A_238 = arith.addi %get3A_237, %mul3A_225 : vector<16xi32>
        %swap3A_239 = arith.constant 32 : index
        %swap3A_240 = tpu.vector_load %arg29[%swap3A_239] {strides = array<i32>} : memref<64xi32, #tpu.memory_space<vmem>>, vector<16xi32>,
        tpu.vector_store %arg29[%swap3A_239], %add3A_238 {strides = array<i32>} : memref<64xi32, #tpu.memory_space<vmem>>, vector<16xi32>,
        %get3A_241 = arith.index_cast %add3A_220 : i32 to index
        %get3A_242 = tpu.vector_load %arg12[%get3A_241] {strides = array<i32>} : memref<5056xi32, #tpu.memory_space<vmem>>, vector<16xi32>,
        %swap3A_243 = arith.constant 32 : index
        %swap3A_244 = tpu.vector_load %arg25[%swap3A_243] {strides = array<i32>} : memref<64xi32, #tpu.memory_space<vmem>>, vector<16xi32>,
        tpu.vector_store %arg25[%swap3A_243], %get3A_242 {strides = array<i32>} : memref<64xi32, #tpu.memory_space<vmem>>, vector<16xi32>,
        %get3A_245 = arith.index_cast %add3A_220 : i32 to index
        %get3A_246 = tpu.vector_load %arg13[%get3A_245] {strides = array<i32>} : memref<5056xi32, #tpu.memory_space<vmem>>, vector<16xi32>,
        %swap3A_247 = arith.constant 32 : index
        %swap3A_248 = tpu.vector_load %arg26[%swap3A_247] {strides = array<i32>} : memref<64xi32, #tpu.memory_space<vmem>>, vector<16xi32>,
        tpu.vector_store %arg26[%swap3A_247], %get3A_246 {strides = array<i32>} : memref<64xi32, #tpu.memory_space<vmem>>, vector<16xi32>,
        %add3A_249 = arith.constant 48 : i32
        %add3A_250 = arith.addi %mul3A_160, %add3A_249 : i32
        %get3A_251 = arith.index_cast %add3A_250 : i32 to index
        %get3A_252 = tpu.vector_load %arg10[%get3A_251] {strides = array<i32>} : memref<5056xi32, #tpu.memory_space<vmem>>, vector<16xi32>,
        %mul3A_253 = arith.constant 3000 : i32
        %mul3A_254 = vector.broadcast %mul3A_253 : i32 to vector<16xi32>
        %mul3A_255 = arith.muli %get3A_252, %mul3A_254 : vector<16xi32>
        %get3A_256 = arith.index_cast %add3A_250 : i32 to index
        %get3A_257 = tpu.vector_load %arg14[%get3A_256] {strides = array<i32>} : memref<5056xi32, #tpu.memory_space<vmem>>, vector<16xi32>,
        %add3A_258 = arith.addi %get3A_257, %mul3A_255 : vector<16xi32>
        %swap3A_259 = arith.constant 48 : index
        %swap3A_260 = tpu.vector_load %arg27[%swap3A_259] {strides = array<i32>} : memref<64xi32, #tpu.memory_space<vmem>>, vector<16xi32>,
        tpu.vector_store %arg27[%swap3A_259], %add3A_258 {strides = array<i32>} : memref<64xi32, #tpu.memory_space<vmem>>, vector<16xi32>,
        %get3A_261 = arith.index_cast %add3A_250 : i32 to index
        %get3A_262 = tpu.vector_load %arg15[%get3A_261] {strides = array<i32>} : memref<5056xi32, #tpu.memory_space<vmem>>, vector<16xi32>,
        %add3A_263 = arith.addi %get3A_262, %mul3A_255 : vector<16xi32>
        %swap3A_264 = arith.constant 48 : index
        %swap3A_265 = tpu.vector_load %arg28[%swap3A_264] {strides = array<i32>} : memref<64xi32, #tpu.memory_space<vmem>>, vector<16xi32>,
        tpu.vector_store %arg28[%swap3A_264], %add3A_263 {strides = array<i32>} : memref<64xi32, #tpu.memory_space<vmem>>, vector<16xi32>,
        %get3A_266 = arith.index_cast %add3A_250 : i32 to index
        %get3A_267 = tpu.vector_load %arg16[%get3A_266] {strides = array<i32>} : memref<5056xi32, #tpu.memory_space<vmem>>, vector<16xi32>,
        %add3A_268 = arith.addi %get3A_267, %mul3A_255 : vector<16xi32>
        %swap3A_269 = arith.constant 48 : index
        %swap3A_270 = tpu.vector_load %arg29[%swap3A_269] {strides = array<i32>} : memref<64xi32, #tpu.memory_space<vmem>>, vector<16xi32>,
        tpu.vector_store %arg29[%swap3A_269], %add3A_268 {strides = array<i32>} : memref<64xi32, #tpu.memory_space<vmem>>, vector<16xi32>,
        %get3A_271 = arith.index_cast %add3A_250 : i32 to index
        %get3A_272 = tpu.vector_load %arg12[%get3A_271] {strides = array<i32>} : memref<5056xi32, #tpu.memory_space<vmem>>, vector<16xi32>,
        %swap3A_273 = arith.constant 48 : index
        %swap3A_274 = tpu.vector_load %arg25[%swap3A_273] {strides = array<i32>} : memref<64xi32, #tpu.memory_space<vmem>>, vector<16xi32>,
        tpu.vector_store %arg25[%swap3A_273], %get3A_272 {strides = array<i32>} : memref<64xi32, #tpu.memory_space<vmem>>, vector<16xi32>,
        %get3A_275 = arith.index_cast %add3A_250 : i32 to index
        %get3A_276 = tpu.vector_load %arg13[%get3A_275] {strides = array<i32>} : memref<5056xi32, #tpu.memory_space<vmem>>, vector<16xi32>,
        %swap3A_277 = arith.constant 48 : index
        %swap3A_278 = tpu.vector_load %arg26[%swap3A_277] {strides = array<i32>} : memref<64xi32, #tpu.memory_space<vmem>>, vector<16xi32>,
        tpu.vector_store %arg26[%swap3A_277], %get3A_276 {strides = array<i32>} : memref<64xi32, #tpu.memory_space<vmem>>, vector<16xi32>,
        %dma_start3A = arith.constant 0 : i32
        %dma_start3A_279 = arith.constant 0 : i32
        %dma_start3A_280 = tpu.memref_slice %arg2[%dma_start3A, %dma_start3A_279] : memref<10000x128xf32, #tpu.memory_space<hbm>> -> memref<10000x128xf32, #tpu.memory_space<hbm>>
        tpu.enqueue_indirect_dma source(%dma_start3A_280 : memref<10000x128xf32, #tpu.memory_space<hbm>>) target(%arg31 : memref<64x128xf32, #tpu.memory_space<vmem>>) offsets(%arg25 : memref<64xi32, #tpu.memory_space<vmem>>) semaphore(%arg34 : memref<!tpu.dma_semaphore, #tpu.memory_space<semaphore_mem>>)
        %dma_start3A_281 = arith.constant 0 : i32
        %dma_start3A_282 = arith.constant 0 : i32
        %dma_start3A_283 = tpu.memref_slice %arg2[%dma_start3A_281, %dma_start3A_282] : memref<10000x128xf32, #tpu.memory_space<hbm>> -> memref<10000x128xf32, #tpu.memory_space<hbm>>
        tpu.enqueue_indirect_dma source(%dma_start3A_283 : memref<10000x128xf32, #tpu.memory_space<hbm>>) target(%arg32 : memref<64x128xf32, #tpu.memory_space<vmem>>) offsets(%arg26 : memref<64xi32, #tpu.memory_space<vmem>>) semaphore(%arg34 : memref<!tpu.dma_semaphore, #tpu.memory_space<semaphore_mem>>)
        %dma_start3A_284 = arith.constant 0 : i32
        %dma_start3A_285 = arith.constant 0 : i32
        %dma_start3A_286 = arith.constant 0 : i32
        %dma_start3A_287 = tpu.memref_slice %arg30[%dma_start3A_284, %dma_start3A_285, %dma_start3A_286] : memref<3x64x128xf32, #tpu.memory_space<vmem>> -> memref<1x64x128xf32, #tpu.memory_space<vmem>>
        %dma_start3A_288 = tpu.memref_squeeze %dma_start3A_287 : memref<1x64x128xf32, #tpu.memory_space<vmem>> -> memref<64x128xf32, #tpu.memory_space<vmem>>
        %dma_start3A_289 = arith.constant 0 : i32
        %dma_start3A_290 = arith.constant 0 : i32
        %dma_start3A_291 = tpu.memref_slice %arg3[%dma_start3A_289, %dma_start3A_290] : memref<6000x128xf32, #tpu.memory_space<hbm>> -> memref<6000x128xf32, #tpu.memory_space<hbm>>
        tpu.enqueue_indirect_dma source(%dma_start3A_291 : memref<6000x128xf32, #tpu.memory_space<hbm>>) target(%dma_start3A_288 : memref<64x128xf32, #tpu.memory_space<vmem>>) offsets(%arg27 : memref<64xi32, #tpu.memory_space<vmem>>) semaphore(%arg34 : memref<!tpu.dma_semaphore, #tpu.memory_space<semaphore_mem>>)
        %dma_start3A_292 = arith.constant 1 : i32
        %dma_start3A_293 = arith.constant 0 : i32
        %dma_start3A_294 = arith.constant 0 : i32
        %dma_start3A_295 = tpu.memref_slice %arg30[%dma_start3A_292, %dma_start3A_293, %dma_start3A_294] : memref<3x64x128xf32, #tpu.memory_space<vmem>> -> memref<1x64x128xf32, #tpu.memory_space<vmem>>
        %dma_start3A_296 = tpu.memref_squeeze %dma_start3A_295 : memref<1x64x128xf32, #tpu.memory_space<vmem>> -> memref<64x128xf32, #tpu.memory_space<vmem>>
        %dma_start3A_297 = arith.constant 0 : i32
        %dma_start3A_298 = arith.constant 0 : i32
        %dma_start3A_299 = tpu.memref_slice %arg3[%dma_start3A_297, %dma_start3A_298] : memref<6000x128xf32, #tpu.memory_space<hbm>> -> memref<6000x128xf32, #tpu.memory_space<hbm>>
        tpu.enqueue_indirect_dma source(%dma_start3A_299 : memref<6000x128xf32, #tpu.memory_space<hbm>>) target(%dma_start3A_296 : memref<64x128xf32, #tpu.memory_space<vmem>>) offsets(%arg28 : memref<64xi32, #tpu.memory_space<vmem>>) semaphore(%arg34 : memref<!tpu.dma_semaphore, #tpu.memory_space<semaphore_mem>>)
        %dma_start3A_300 = arith.constant 2 : i32
        %dma_start3A_301 = arith.constant 0 : i32
        %dma_start3A_302 = arith.constant 0 : i32
        %dma_start3A_303 = tpu.memref_slice %arg30[%dma_start3A_300, %dma_start3A_301, %dma_start3A_302] : memref<3x64x128xf32, #tpu.memory_space<vmem>> -> memref<1x64x128xf32, #tpu.memory_space<vmem>>
        %dma_start3A_304 = tpu.memref_squeeze %dma_start3A_303 : memref<1x64x128xf32, #tpu.memory_space<vmem>> -> memref<64x128xf32, #tpu.memory_space<vmem>>
        %dma_start3A_305 = arith.constant 0 : i32
        %dma_start3A_306 = arith.constant 0 : i32
        %dma_start3A_307 = tpu.memref_slice %arg3[%dma_start3A_305, %dma_start3A_306] : memref<6000x128xf32, #tpu.memory_space<hbm>> -> memref<6000x128xf32, #tpu.memory_space<hbm>>
        tpu.enqueue_indirect_dma source(%dma_start3A_307 : memref<6000x128xf32, #tpu.memory_space<hbm>>) target(%dma_start3A_304 : memref<64x128xf32, #tpu.memory_space<vmem>>) offsets(%arg29 : memref<64xi32, #tpu.memory_space<vmem>>) semaphore(%arg34 : memref<!tpu.dma_semaphore, #tpu.memory_space<semaphore_mem>>)
      } else {
      }
      %sub3A_147 = arith.constant 1 : i32
      %sub3A_148 = arith.subi %add3A_131, %sub3A_147 : i32
      %lt3A_149 = arith.cmpi slt, %sub3A_148, %sub3A : i32
      %convert_element_type3A_150 = arith.extui %lt3A_149 : i1 to i32
      %cond3A_151 = arith.constant 0 : i32
      %cond3A_152 = arith.cmpi ne, %convert_element_type3A_150, %cond3A_151 : i32
      scf.if %cond3A_152 {
        %sub3A_154 = arith.constant 1 : i32
        %sub3A_155 = arith.subi %add3A_131, %sub3A_154 : i32
        %dma_wait3A_156 = arith.constant 0 : i32
        %dma_wait3A_157 = arith.constant 0 : i32
        %dma_wait3A_158 = tpu.memref_slice %arg2[%dma_wait3A_156, %dma_wait3A_157] : memref<10000x128xf32, #tpu.memory_space<hbm>> -> memref<64x128xf32, #tpu.memory_space<hbm>>
        %dma_wait3A_159 = arith.constant 0 : i32
        %dma_wait3A_160 = arith.constant 0 : i32
        %dma_wait3A_161 = tpu.memref_slice %arg2[%dma_wait3A_159, %dma_wait3A_160] : memref<10000x128xf32, #tpu.memory_space<hbm>> -> memref<64x128xf32, #tpu.memory_space<hbm>>
        tpu.wait_dma2 semaphore(%arg33 : memref<!tpu.dma_semaphore, #tpu.memory_space<semaphore_mem>>) src(%dma_wait3A_161 : memref<64x128xf32, #tpu.memory_space<hbm>>) dst(%arg23 : memref<64x128xf32, #tpu.memory_space<vmem>>)
        %dma_wait3A_162 = arith.constant 0 : i32
        %dma_wait3A_163 = arith.constant 0 : i32
        %dma_wait3A_164 = tpu.memref_slice %arg2[%dma_wait3A_162, %dma_wait3A_163] : memref<10000x128xf32, #tpu.memory_space<hbm>> -> memref<64x128xf32, #tpu.memory_space<hbm>>
        %dma_wait3A_165 = arith.constant 0 : i32
        %dma_wait3A_166 = arith.constant 0 : i32
        %dma_wait3A_167 = tpu.memref_slice %arg2[%dma_wait3A_165, %dma_wait3A_166] : memref<10000x128xf32, #tpu.memory_space<hbm>> -> memref<64x128xf32, #tpu.memory_space<hbm>>
        tpu.wait_dma2 semaphore(%arg33 : memref<!tpu.dma_semaphore, #tpu.memory_space<semaphore_mem>>) src(%dma_wait3A_167 : memref<64x128xf32, #tpu.memory_space<hbm>>) dst(%arg24 : memref<64x128xf32, #tpu.memory_space<vmem>>)
        %dma_wait3A_168 = arith.constant 0 : i32
        %dma_wait3A_169 = arith.constant 0 : i32
        %dma_wait3A_170 = arith.constant 0 : i32
        %dma_wait3A_171 = tpu.memref_slice %arg22[%dma_wait3A_168, %dma_wait3A_169, %dma_wait3A_170] : memref<3x64x128xf32, #tpu.memory_space<vmem>> -> memref<1x64x128xf32, #tpu.memory_space<vmem>>
        %dma_wait3A_172 = tpu.memref_squeeze %dma_wait3A_171 : memref<1x64x128xf32, #tpu.memory_space<vmem>> -> memref<64x128xf32, #tpu.memory_space<vmem>>
        %dma_wait3A_173 = arith.constant 0 : i32
        %dma_wait3A_174 = arith.constant 0 : i32
        %dma_wait3A_175 = tpu.memref_slice %arg3[%dma_wait3A_173, %dma_wait3A_174] : memref<6000x128xf32, #tpu.memory_space<hbm>> -> memref<64x128xf32, #tpu.memory_space<hbm>>
        %dma_wait3A_176 = arith.constant 0 : i32
        %dma_wait3A_177 = arith.constant 0 : i32
        %dma_wait3A_178 = tpu.memref_slice %arg22[%dma_wait3A_168, %dma_wait3A_176, %dma_wait3A_177] : memref<3x64x128xf32, #tpu.memory_space<vmem>> -> memref<1x64x128xf32, #tpu.memory_space<vmem>>
        %dma_wait3A_179 = tpu.memref_squeeze %dma_wait3A_178 : memref<1x64x128xf32, #tpu.memory_space<vmem>> -> memref<64x128xf32, #tpu.memory_space<vmem>>
        %dma_wait3A_180 = arith.constant 0 : i32
        %dma_wait3A_181 = arith.constant 0 : i32
        %dma_wait3A_182 = tpu.memref_slice %arg3[%dma_wait3A_180, %dma_wait3A_181] : memref<6000x128xf32, #tpu.memory_space<hbm>> -> memref<64x128xf32, #tpu.memory_space<hbm>>
        tpu.wait_dma2 semaphore(%arg33 : memref<!tpu.dma_semaphore, #tpu.memory_space<semaphore_mem>>) src(%dma_wait3A_182 : memref<64x128xf32, #tpu.memory_space<hbm>>) dst(%dma_wait3A_179 : memref<64x128xf32, #tpu.memory_space<vmem>>)
        %dma_wait3A_183 = arith.constant 1 : i32
        %dma_wait3A_184 = arith.constant 0 : i32
        %dma_wait3A_185 = arith.constant 0 : i32
        %dma_wait3A_186 = tpu.memref_slice %arg22[%dma_wait3A_183, %dma_wait3A_184, %dma_wait3A_185] : memref<3x64x128xf32, #tpu.memory_space<vmem>> -> memref<1x64x128xf32, #tpu.memory_space<vmem>>
        %dma_wait3A_187 = tpu.memref_squeeze %dma_wait3A_186 : memref<1x64x128xf32, #tpu.memory_space<vmem>> -> memref<64x128xf32, #tpu.memory_space<vmem>>
        %dma_wait3A_188 = arith.constant 0 : i32
        %dma_wait3A_189 = arith.constant 0 : i32
        %dma_wait3A_190 = tpu.memref_slice %arg3[%dma_wait3A_188, %dma_wait3A_189] : memref<6000x128xf32, #tpu.memory_space<hbm>> -> memref<64x128xf32, #tpu.memory_space<hbm>>
        %dma_wait3A_191 = arith.constant 0 : i32
        %dma_wait3A_192 = arith.constant 0 : i32
        %dma_wait3A_193 = tpu.memref_slice %arg22[%dma_wait3A_183, %dma_wait3A_191, %dma_wait3A_192] : memref<3x64x128xf32, #tpu.memory_space<vmem>> -> memref<1x64x128xf32, #tpu.memory_space<vmem>>
        %dma_wait3A_194 = tpu.memref_squeeze %dma_wait3A_193 : memref<1x64x128xf32, #tpu.memory_space<vmem>> -> memref<64x128xf32, #tpu.memory_space<vmem>>
        %dma_wait3A_195 = arith.constant 0 : i32
        %dma_wait3A_196 = arith.constant 0 : i32
        %dma_wait3A_197 = tpu.memref_slice %arg3[%dma_wait3A_195, %dma_wait3A_196] : memref<6000x128xf32, #tpu.memory_space<hbm>> -> memref<64x128xf32, #tpu.memory_space<hbm>>
        tpu.wait_dma2 semaphore(%arg33 : memref<!tpu.dma_semaphore, #tpu.memory_space<semaphore_mem>>) src(%dma_wait3A_197 : memref<64x128xf32, #tpu.memory_space<hbm>>) dst(%dma_wait3A_194 : memref<64x128xf32, #tpu.memory_space<vmem>>)
        %dma_wait3A_198 = arith.constant 2 : i32
        %dma_wait3A_199 = arith.constant 0 : i32
        %dma_wait3A_200 = arith.constant 0 : i32
        %dma_wait3A_201 = tpu.memref_slice %arg22[%dma_wait3A_198, %dma_wait3A_199, %dma_wait3A_200] : memref<3x64x128xf32, #tpu.memory_space<vmem>> -> memref<1x64x128xf32, #tpu.memory_space<vmem>>
        %dma_wait3A_202 = tpu.memref_squeeze %dma_wait3A_201 : memref<1x64x128xf32, #tpu.memory_space<vmem>> -> memref<64x128xf32, #tpu.memory_space<vmem>>
        %dma_wait3A_203 = arith.constant 0 : i32
        %dma_wait3A_204 = arith.constant 0 : i32
        %dma_wait3A_205 = tpu.memref_slice %arg3[%dma_wait3A_203, %dma_wait3A_204] : memref<6000x128xf32, #tpu.memory_space<hbm>> -> memref<64x128xf32, #tpu.memory_space<hbm>>
        %dma_wait3A_206 = arith.constant 0 : i32
        %dma_wait3A_207 = arith.constant 0 : i32
        %dma_wait3A_208 = tpu.memref_slice %arg22[%dma_wait3A_198, %dma_wait3A_206, %dma_wait3A_207] : memref<3x64x128xf32, #tpu.memory_space<vmem>> -> memref<1x64x128xf32, #tpu.memory_space<vmem>>
        %dma_wait3A_209 = tpu.memref_squeeze %dma_wait3A_208 : memref<1x64x128xf32, #tpu.memory_space<vmem>> -> memref<64x128xf32, #tpu.memory_space<vmem>>
        %dma_wait3A_210 = arith.constant 0 : i32
        %dma_wait3A_211 = arith.constant 0 : i32
        %dma_wait3A_212 = tpu.memref_slice %arg3[%dma_wait3A_210, %dma_wait3A_211] : memref<6000x128xf32, #tpu.memory_space<hbm>> -> memref<64x128xf32, #tpu.memory_space<hbm>>
        tpu.wait_dma2 semaphore(%arg33 : memref<!tpu.dma_semaphore, #tpu.memory_space<semaphore_mem>>) src(%dma_wait3A_212 : memref<64x128xf32, #tpu.memory_space<hbm>>) dst(%dma_wait3A_209 : memref<64x128xf32, #tpu.memory_space<vmem>>)
        %scan3A_213 = arith.constant 0 : i32
        %scan3A_214 = arith.constant 0 : i32
        %scan3A_215 = arith.constant 64 : i32
        %scan3A_216 = arith.addi %scan3A_214, %scan3A_215 : i32
        %scan3A_217 = arith.constant 1 : i32
        %scan3A_218 = scf.for %scan3A_243 = %scan3A_214 to %scan3A_216 step %scan3A_217 iter_args(%scan3A_244 = %scan3A_213) -> (i32)  : i32 {
          %get3A = arith.constant 0 : i32
          %get3A_245 = arith.index_cast %get3A : i32 to index
          %get3A_246 = arith.index_cast %scan3A_243 : i32 to index
          %get3A_247 = arith.constant 0 : index
          %get3A_248 = tpu.vector_load %arg22[%get3A_245, %get3A_246, %get3A_247] {strides = array<i32>} : memref<3x64x128xf32, #tpu.memory_space<vmem>>, vector<16xf32>,
          %get3A_249 = arith.constant 1 : i32
          %get3A_250 = arith.index_cast %get3A_249 : i32 to index
          %get3A_251 = arith.index_cast %scan3A_243 : i32 to index
          %get3A_252 = arith.constant 0 : index
          %get3A_253 = tpu.vector_load %arg22[%get3A_250, %get3A_251, %get3A_252] {strides = array<i32>} : memref<3x64x128xf32, #tpu.memory_space<vmem>>, vector<16xf32>,
          %add3A_254 = arith.addf %get3A_248, %get3A_253 : vector<16xf32>
          %get3A_255 = arith.constant 2 : i32
          %get3A_256 = arith.index_cast %get3A_255 : i32 to index
          %get3A_257 = arith.index_cast %scan3A_243 : i32 to index
          %get3A_258 = arith.constant 0 : index
          %get3A_259 = tpu.vector_load %arg22[%get3A_256, %get3A_257, %get3A_258] {strides = array<i32>} : memref<3x64x128xf32, #tpu.memory_space<vmem>>, vector<16xf32>,
          %add3A_260 = arith.addf %add3A_254, %get3A_259 : vector<16xf32>
          %swap3A = arith.constant 0 : i32
          %swap3A_261 = arith.index_cast %swap3A : i32 to index
          %swap3A_262 = arith.index_cast %scan3A_243 : i32 to index
          %swap3A_263 = arith.constant 0 : index
          %swap3A_264 = tpu.vector_load %arg22[%swap3A_261, %swap3A_262, %swap3A_263] {strides = array<i32>} : memref<3x64x128xf32, #tpu.memory_space<vmem>>, vector<16xf32>,
          tpu.vector_store %arg22[%swap3A_261, %swap3A_262, %swap3A_263], %add3A_260 {strides = array<i32>} : memref<3x64x128xf32, #tpu.memory_space<vmem>>, vector<16xf32>,
          %get3A_265 = arith.constant 0 : i32
          %get3A_266 = arith.index_cast %get3A_265 : i32 to index
          %get3A_267 = arith.index_cast %scan3A_243 : i32 to index
          %get3A_268 = arith.constant 16 : index
          %get3A_269 = tpu.vector_load %arg22[%get3A_266, %get3A_267, %get3A_268] {strides = array<i32>} : memref<3x64x128xf32, #tpu.memory_space<vmem>>, vector<16xf32>,
          %get3A_270 = arith.constant 1 : i32
          %get3A_271 = arith.index_cast %get3A_270 : i32 to index
          %get3A_272 = arith.index_cast %scan3A_243 : i32 to index
          %get3A_273 = arith.constant 16 : index
          %get3A_274 = tpu.vector_load %arg22[%get3A_271, %get3A_272, %get3A_273] {strides = array<i32>} : memref<3x64x128xf32, #tpu.memory_space<vmem>>, vector<16xf32>,
          %add3A_275 = arith.addf %get3A_269, %get3A_274 : vector<16xf32>
          %get3A_276 = arith.constant 2 : i32
          %get3A_277 = arith.index_cast %get3A_276 : i32 to index
          %get3A_278 = arith.index_cast %scan3A_243 : i32 to index
          %get3A_279 = arith.constant 16 : index
          %get3A_280 = tpu.vector_load %arg22[%get3A_277, %get3A_278, %get3A_279] {strides = array<i32>} : memref<3x64x128xf32, #tpu.memory_space<vmem>>, vector<16xf32>,
          %add3A_281 = arith.addf %add3A_275, %get3A_280 : vector<16xf32>
          %swap3A_282 = arith.constant 0 : i32
          %swap3A_283 = arith.index_cast %swap3A_282 : i32 to index
          %swap3A_284 = arith.index_cast %scan3A_243 : i32 to index
          %swap3A_285 = arith.constant 16 : index
          %swap3A_286 = tpu.vector_load %arg22[%swap3A_283, %swap3A_284, %swap3A_285] {strides = array<i32>} : memref<3x64x128xf32, #tpu.memory_space<vmem>>, vector<16xf32>,
          tpu.vector_store %arg22[%swap3A_283, %swap3A_284, %swap3A_285], %add3A_281 {strides = array<i32>} : memref<3x64x128xf32, #tpu.memory_space<vmem>>, vector<16xf32>,
          %get3A_287 = arith.constant 0 : i32
          %get3A_288 = arith.index_cast %get3A_287 : i32 to index
          %get3A_289 = arith.index_cast %scan3A_243 : i32 to index
          %get3A_290 = arith.constant 32 : index
          %get3A_291 = tpu.vector_load %arg22[%get3A_288, %get3A_289, %get3A_290] {strides = array<i32>} : memref<3x64x128xf32, #tpu.memory_space<vmem>>, vector<16xf32>,
          %get3A_292 = arith.constant 1 : i32
          %get3A_293 = arith.index_cast %get3A_292 : i32 to index
          %get3A_294 = arith.index_cast %scan3A_243 : i32 to index
          %get3A_295 = arith.constant 32 : index
          %get3A_296 = tpu.vector_load %arg22[%get3A_293, %get3A_294, %get3A_295] {strides = array<i32>} : memref<3x64x128xf32, #tpu.memory_space<vmem>>, vector<16xf32>,
          %add3A_297 = arith.addf %get3A_291, %get3A_296 : vector<16xf32>
          %get3A_298 = arith.constant 2 : i32
          %get3A_299 = arith.index_cast %get3A_298 : i32 to index
          %get3A_300 = arith.index_cast %scan3A_243 : i32 to index
          %get3A_301 = arith.constant 32 : index
          %get3A_302 = tpu.vector_load %arg22[%get3A_299, %get3A_300, %get3A_301] {strides = array<i32>} : memref<3x64x128xf32, #tpu.memory_space<vmem>>, vector<16xf32>,
          %add3A_303 = arith.addf %add3A_297, %get3A_302 : vector<16xf32>
          %swap3A_304 = arith.constant 0 : i32
          %swap3A_305 = arith.index_cast %swap3A_304 : i32 to index
          %swap3A_306 = arith.index_cast %scan3A_243 : i32 to index
          %swap3A_307 = arith.constant 32 : index
          %swap3A_308 = tpu.vector_load %arg22[%swap3A_305, %swap3A_306, %swap3A_307] {strides = array<i32>} : memref<3x64x128xf32, #tpu.memory_space<vmem>>, vector<16xf32>,
          tpu.vector_store %arg22[%swap3A_305, %swap3A_306, %swap3A_307], %add3A_303 {strides = array<i32>} : memref<3x64x128xf32, #tpu.memory_space<vmem>>, vector<16xf32>,
          %get3A_309 = arith.constant 0 : i32
          %get3A_310 = arith.index_cast %get3A_309 : i32 to index
          %get3A_311 = arith.index_cast %scan3A_243 : i32 to index
          %get3A_312 = arith.constant 48 : index
          %get3A_313 = tpu.vector_load %arg22[%get3A_310, %get3A_311, %get3A_312] {strides = array<i32>} : memref<3x64x128xf32, #tpu.memory_space<vmem>>, vector<16xf32>,
          %get3A_314 = arith.constant 1 : i32
          %get3A_315 = arith.index_cast %get3A_314 : i32 to index
          %get3A_316 = arith.index_cast %scan3A_243 : i32 to index
          %get3A_317 = arith.constant 48 : index
          %get3A_318 = tpu.vector_load %arg22[%get3A_315, %get3A_316, %get3A_317] {strides = array<i32>} : memref<3x64x128xf32, #tpu.memory_space<vmem>>, vector<16xf32>,
          %add3A_319 = arith.addf %get3A_313, %get3A_318 : vector<16xf32>
          %get3A_320 = arith.constant 2 : i32
          %get3A_321 = arith.index_cast %get3A_320 : i32 to index
          %get3A_322 = arith.index_cast %scan3A_243 : i32 to index
          %get3A_323 = arith.constant 48 : index
          %get3A_324 = tpu.vector_load %arg22[%get3A_321, %get3A_322, %get3A_323] {strides = array<i32>} : memref<3x64x128xf32, #tpu.memory_space<vmem>>, vector<16xf32>,
          %add3A_325 = arith.addf %add3A_319, %get3A_324 : vector<16xf32>
          %swap3A_326 = arith.constant 0 : i32
          %swap3A_327 = arith.index_cast %swap3A_326 : i32 to index
          %swap3A_328 = arith.index_cast %scan3A_243 : i32 to index
          %swap3A_329 = arith.constant 48 : index
          %swap3A_330 = tpu.vector_load %arg22[%swap3A_327, %swap3A_328, %swap3A_329] {strides = array<i32>} : memref<3x64x128xf32, #tpu.memory_space<vmem>>, vector<16xf32>,
          tpu.vector_store %arg22[%swap3A_327, %swap3A_328, %swap3A_329], %add3A_325 {strides = array<i32>} : memref<3x64x128xf32, #tpu.memory_space<vmem>>, vector<16xf32>,
          %get3A_331 = arith.constant 0 : i32
          %get3A_332 = arith.index_cast %get3A_331 : i32 to index
          %get3A_333 = arith.index_cast %scan3A_243 : i32 to index
          %get3A_334 = arith.constant 64 : index
          %get3A_335 = tpu.vector_load %arg22[%get3A_332, %get3A_333, %get3A_334] {strides = array<i32>} : memref<3x64x128xf32, #tpu.memory_space<vmem>>, vector<16xf32>,
          %get3A_336 = arith.constant 1 : i32
          %get3A_337 = arith.index_cast %get3A_336 : i32 to index
          %get3A_338 = arith.index_cast %scan3A_243 : i32 to index
          %get3A_339 = arith.constant 64 : index
          %get3A_340 = tpu.vector_load %arg22[%get3A_337, %get3A_338, %get3A_339] {strides = array<i32>} : memref<3x64x128xf32, #tpu.memory_space<vmem>>, vector<16xf32>,
          %add3A_341 = arith.addf %get3A_335, %get3A_340 : vector<16xf32>
          %get3A_342 = arith.constant 2 : i32
          %get3A_343 = arith.index_cast %get3A_342 : i32 to index
          %get3A_344 = arith.index_cast %scan3A_243 : i32 to index
          %get3A_345 = arith.constant 64 : index
          %get3A_346 = tpu.vector_load %arg22[%get3A_343, %get3A_344, %get3A_345] {strides = array<i32>} : memref<3x64x128xf32, #tpu.memory_space<vmem>>, vector<16xf32>,
          %add3A_347 = arith.addf %add3A_341, %get3A_346 : vector<16xf32>
          %swap3A_348 = arith.constant 0 : i32
          %swap3A_349 = arith.index_cast %swap3A_348 : i32 to index
          %swap3A_350 = arith.index_cast %scan3A_243 : i32 to index
          %swap3A_351 = arith.constant 64 : index
          %swap3A_352 = tpu.vector_load %arg22[%swap3A_349, %swap3A_350, %swap3A_351] {strides = array<i32>} : memref<3x64x128xf32, #tpu.memory_space<vmem>>, vector<16xf32>,
          tpu.vector_store %arg22[%swap3A_349, %swap3A_350, %swap3A_351], %add3A_347 {strides = array<i32>} : memref<3x64x128xf32, #tpu.memory_space<vmem>>, vector<16xf32>,
          %get3A_353 = arith.constant 0 : i32
          %get3A_354 = arith.index_cast %get3A_353 : i32 to index
          %get3A_355 = arith.index_cast %scan3A_243 : i32 to index
          %get3A_356 = arith.constant 80 : index
          %get3A_357 = tpu.vector_load %arg22[%get3A_354, %get3A_355, %get3A_356] {strides = array<i32>} : memref<3x64x128xf32, #tpu.memory_space<vmem>>, vector<16xf32>,
          %get3A_358 = arith.constant 1 : i32
          %get3A_359 = arith.index_cast %get3A_358 : i32 to index
          %get3A_360 = arith.index_cast %scan3A_243 : i32 to index
          %get3A_361 = arith.constant 80 : index
          %get3A_362 = tpu.vector_load %arg22[%get3A_359, %get3A_360, %get3A_361] {strides = array<i32>} : memref<3x64x128xf32, #tpu.memory_space<vmem>>, vector<16xf32>,
          %add3A_363 = arith.addf %get3A_357, %get3A_362 : vector<16xf32>
          %get3A_364 = arith.constant 2 : i32
          %get3A_365 = arith.index_cast %get3A_364 : i32 to index
          %get3A_366 = arith.index_cast %scan3A_243 : i32 to index
          %get3A_367 = arith.constant 80 : index
          %get3A_368 = tpu.vector_load %arg22[%get3A_365, %get3A_366, %get3A_367] {strides = array<i32>} : memref<3x64x128xf32, #tpu.memory_space<vmem>>, vector<16xf32>,
          %add3A_369 = arith.addf %add3A_363, %get3A_368 : vector<16xf32>
          %swap3A_370 = arith.constant 0 : i32
          %swap3A_371 = arith.index_cast %swap3A_370 : i32 to index
          %swap3A_372 = arith.index_cast %scan3A_243 : i32 to index
          %swap3A_373 = arith.constant 80 : index
          %swap3A_374 = tpu.vector_load %arg22[%swap3A_371, %swap3A_372, %swap3A_373] {strides = array<i32>} : memref<3x64x128xf32, #tpu.memory_space<vmem>>, vector<16xf32>,
          tpu.vector_store %arg22[%swap3A_371, %swap3A_372, %swap3A_373], %add3A_369 {strides = array<i32>} : memref<3x64x128xf32, #tpu.memory_space<vmem>>, vector<16xf32>,
          %get3A_375 = arith.constant 0 : i32
          %get3A_376 = arith.index_cast %get3A_375 : i32 to index
          %get3A_377 = arith.index_cast %scan3A_243 : i32 to index
          %get3A_378 = arith.constant 96 : index
          %get3A_379 = tpu.vector_load %arg22[%get3A_376, %get3A_377, %get3A_378] {strides = array<i32>} : memref<3x64x128xf32, #tpu.memory_space<vmem>>, vector<16xf32>,
          %get3A_380 = arith.constant 1 : i32
          %get3A_381 = arith.index_cast %get3A_380 : i32 to index
          %get3A_382 = arith.index_cast %scan3A_243 : i32 to index
          %get3A_383 = arith.constant 96 : index
          %get3A_384 = tpu.vector_load %arg22[%get3A_381, %get3A_382, %get3A_383] {strides = array<i32>} : memref<3x64x128xf32, #tpu.memory_space<vmem>>, vector<16xf32>,
          %add3A_385 = arith.addf %get3A_379, %get3A_384 : vector<16xf32>
          %get3A_386 = arith.constant 2 : i32
          %get3A_387 = arith.index_cast %get3A_386 : i32 to index
          %get3A_388 = arith.index_cast %scan3A_243 : i32 to index
          %get3A_389 = arith.constant 96 : index
          %get3A_390 = tpu.vector_load %arg22[%get3A_387, %get3A_388, %get3A_389] {strides = array<i32>} : memref<3x64x128xf32, #tpu.memory_space<vmem>>, vector<16xf32>,
          %add3A_391 = arith.addf %add3A_385, %get3A_390 : vector<16xf32>
          %swap3A_392 = arith.constant 0 : i32
          %swap3A_393 = arith.index_cast %swap3A_392 : i32 to index
          %swap3A_394 = arith.index_cast %scan3A_243 : i32 to index
          %swap3A_395 = arith.constant 96 : index
          %swap3A_396 = tpu.vector_load %arg22[%swap3A_393, %swap3A_394, %swap3A_395] {strides = array<i32>} : memref<3x64x128xf32, #tpu.memory_space<vmem>>, vector<16xf32>,
          tpu.vector_store %arg22[%swap3A_393, %swap3A_394, %swap3A_395], %add3A_391 {strides = array<i32>} : memref<3x64x128xf32, #tpu.memory_space<vmem>>, vector<16xf32>,
          %get3A_397 = arith.constant 0 : i32
          %get3A_398 = arith.index_cast %get3A_397 : i32 to index
          %get3A_399 = arith.index_cast %scan3A_243 : i32 to index
          %get3A_400 = arith.constant 112 : index
          %get3A_401 = tpu.vector_load %arg22[%get3A_398, %get3A_399, %get3A_400] {strides = array<i32>} : memref<3x64x128xf32, #tpu.memory_space<vmem>>, vector<16xf32>,
          %get3A_402 = arith.constant 1 : i32
          %get3A_403 = arith.index_cast %get3A_402 : i32 to index
          %get3A_404 = arith.index_cast %scan3A_243 : i32 to index
          %get3A_405 = arith.constant 112 : index
          %get3A_406 = tpu.vector_load %arg22[%get3A_403, %get3A_404, %get3A_405] {strides = array<i32>} : memref<3x64x128xf32, #tpu.memory_space<vmem>>, vector<16xf32>,
          %add3A_407 = arith.addf %get3A_401, %get3A_406 : vector<16xf32>
          %get3A_408 = arith.constant 2 : i32
          %get3A_409 = arith.index_cast %get3A_408 : i32 to index
          %get3A_410 = arith.index_cast %scan3A_243 : i32 to index
          %get3A_411 = arith.constant 112 : index
          %get3A_412 = tpu.vector_load %arg22[%get3A_409, %get3A_410, %get3A_411] {strides = array<i32>} : memref<3x64x128xf32, #tpu.memory_space<vmem>>, vector<16xf32>,
          %add3A_413 = arith.addf %add3A_407, %get3A_412 : vector<16xf32>
          %swap3A_414 = arith.constant 0 : i32
          %swap3A_415 = arith.index_cast %swap3A_414 : i32 to index
          %swap3A_416 = arith.index_cast %scan3A_243 : i32 to index
          %swap3A_417 = arith.constant 112 : index
          %swap3A_418 = tpu.vector_load %arg22[%swap3A_415, %swap3A_416, %swap3A_417] {strides = array<i32>} : memref<3x64x128xf32, #tpu.memory_space<vmem>>, vector<16xf32>,
          tpu.vector_store %arg22[%swap3A_415, %swap3A_416, %swap3A_417], %add3A_413 {strides = array<i32>} : memref<3x64x128xf32, #tpu.memory_space<vmem>>, vector<16xf32>,
          %scan3A_419 = arith.constant 0 : i32
          scf.yield %scan3A_419 : i32
        }
        %scan3A_219 = arith.constant 64 : i32
        %mul3A_220 = arith.constant 64 : i32
        %mul3A_221 = arith.muli %sub3A_155, %mul3A_220 : i32
        %add3A_222 = arith.addi %mul3A_13, %mul3A_221 : i32
        %dma_start3A = arith.constant 0 : i32
        %dma_start3A_223 = tpu.memref_slice %arg7[%add3A_222, %dma_start3A] : memref<160000x128xf32, #tpu.memory_space<hbm>> -> memref<64x128xf32, #tpu.memory_space<hbm>>
        %dma_start3A_224 = arith.constant 0 : i32
        %dma_start3A_225 = tpu.memref_slice %arg7[%add3A_222, %dma_start3A_224] : memref<160000x128xf32, #tpu.memory_space<hbm>> -> memref<64x128xf32, #tpu.memory_space<hbm>>
        tpu.enqueue_dma source(%arg23 : memref<64x128xf32, #tpu.memory_space<vmem>>) target(%dma_start3A_225 : memref<64x128xf32, #tpu.memory_space<hbm>>) target_semaphore(%arg35 : memref<!tpu.dma_semaphore, #tpu.memory_space<semaphore_mem>>)
        %dma_start3A_226 = arith.constant 0 : i32
        %dma_start3A_227 = tpu.memref_slice %arg8[%add3A_222, %dma_start3A_226] : memref<160000x128xf32, #tpu.memory_space<hbm>> -> memref<64x128xf32, #tpu.memory_space<hbm>>
        %dma_start3A_228 = arith.constant 0 : i32
        %dma_start3A_229 = tpu.memref_slice %arg8[%add3A_222, %dma_start3A_228] : memref<160000x128xf32, #tpu.memory_space<hbm>> -> memref<64x128xf32, #tpu.memory_space<hbm>>
        tpu.enqueue_dma source(%arg24 : memref<64x128xf32, #tpu.memory_space<vmem>>) target(%dma_start3A_229 : memref<64x128xf32, #tpu.memory_space<hbm>>) target_semaphore(%arg35 : memref<!tpu.dma_semaphore, #tpu.memory_space<semaphore_mem>>)
        %dma_start3A_230 = arith.constant 0 : i32
        %dma_start3A_231 = arith.constant 0 : i32
        %dma_start3A_232 = arith.constant 0 : i32
        %dma_start3A_233 = tpu.memref_slice %arg22[%dma_start3A_230, %dma_start3A_231, %dma_start3A_232] : memref<3x64x128xf32, #tpu.memory_space<vmem>> -> memref<1x64x128xf32, #tpu.memory_space<vmem>>
        %dma_start3A_234 = tpu.memref_squeeze %dma_start3A_233 : memref<1x64x128xf32, #tpu.memory_space<vmem>> -> memref<64x128xf32, #tpu.memory_space<vmem>>
        %dma_start3A_235 = arith.constant 0 : i32
        %dma_start3A_236 = tpu.memref_slice %arg9[%add3A_222, %dma_start3A_235] : memref<160000x128xf32, #tpu.memory_space<hbm>> -> memref<64x128xf32, #tpu.memory_space<hbm>>
        %dma_start3A_237 = arith.constant 0 : i32
        %dma_start3A_238 = tpu.memref_slice %arg9[%add3A_222, %dma_start3A_237] : memref<160000x128xf32, #tpu.memory_space<hbm>> -> memref<64x128xf32, #tpu.memory_space<hbm>>
        %dma_start3A_239 = arith.constant 0 : i32
        %dma_start3A_240 = arith.constant 0 : i32
        %dma_start3A_241 = tpu.memref_slice %arg22[%dma_start3A_230, %dma_start3A_239, %dma_start3A_240] : memref<3x64x128xf32, #tpu.memory_space<vmem>> -> memref<1x64x128xf32, #tpu.memory_space<vmem>>
        %dma_start3A_242 = tpu.memref_squeeze %dma_start3A_241 : memref<1x64x128xf32, #tpu.memory_space<vmem>> -> memref<64x128xf32, #tpu.memory_space<vmem>>
        tpu.enqueue_dma source(%dma_start3A_242 : memref<64x128xf32, #tpu.memory_space<vmem>>) target(%dma_start3A_238 : memref<64x128xf32, #tpu.memory_space<hbm>>) target_semaphore(%arg35 : memref<!tpu.dma_semaphore, #tpu.memory_space<semaphore_mem>>)
      } else {
      }
      %scan3A_153 = arith.constant 0 : i32
      scf.yield %scan3A_153 : i32
    }
    %scan3A_70 = arith.constant 40 : i32
    %dma_wait3A = arith.constant 0 : i32
    %dma_wait3A_71 = arith.constant 0 : i32
    %dma_wait3A_72 = tpu.memref_slice %arg7[%dma_wait3A, %dma_wait3A_71] : memref<160000x128xf32, #tpu.memory_space<hbm>> -> memref<64x128xf32, #tpu.memory_space<hbm>>
    %dma_wait3A_73 = arith.constant 0 : i32
    %dma_wait3A_74 = arith.constant 0 : i32
    %dma_wait3A_75 = tpu.memref_slice %arg7[%dma_wait3A_73, %dma_wait3A_74] : memref<160000x128xf32, #tpu.memory_space<hbm>> -> memref<64x128xf32, #tpu.memory_space<hbm>>
    tpu.wait_dma2 semaphore(%arg35 : memref<!tpu.dma_semaphore, #tpu.memory_space<semaphore_mem>>) src(%dma_wait3A_75 : memref<64x128xf32, #tpu.memory_space<hbm>>) dst(%arg23 : memref<64x128xf32, #tpu.memory_space<vmem>>)
    %dma_wait3A_76 = arith.constant 0 : i32
    %dma_wait3A_77 = arith.constant 0 : i32
    %dma_wait3A_78 = tpu.memref_slice %arg7[%dma_wait3A_76, %dma_wait3A_77] : memref<160000x128xf32, #tpu.memory_space<hbm>> -> memref<64x128xf32, #tpu.memory_space<hbm>>
    %dma_wait3A_79 = arith.constant 0 : i32
    %dma_wait3A_80 = arith.constant 0 : i32
    %dma_wait3A_81 = tpu.memref_slice %arg7[%dma_wait3A_79, %dma_wait3A_80] : memref<160000x128xf32, #tpu.memory_space<hbm>> -> memref<64x128xf32, #tpu.memory_space<hbm>>
    tpu.wait_dma2 semaphore(%arg35 : memref<!tpu.dma_semaphore, #tpu.memory_space<semaphore_mem>>) src(%dma_wait3A_81 : memref<64x128xf32, #tpu.memory_space<hbm>>) dst(%arg24 : memref<64x128xf32, #tpu.memory_space<vmem>>)
    %dma_wait3A_82 = arith.constant 0 : i32
    %dma_wait3A_83 = arith.constant 0 : i32
    %dma_wait3A_84 = arith.constant 0 : i32
    %dma_wait3A_85 = tpu.memref_slice %arg22[%dma_wait3A_82, %dma_wait3A_83, %dma_wait3A_84] : memref<3x64x128xf32, #tpu.memory_space<vmem>> -> memref<1x64x128xf32, #tpu.memory_space<vmem>>
    %dma_wait3A_86 = tpu.memref_squeeze %dma_wait3A_85 : memref<1x64x128xf32, #tpu.memory_space<vmem>> -> memref<64x128xf32, #tpu.memory_space<vmem>>
    %dma_wait3A_87 = arith.constant 0 : i32
    %dma_wait3A_88 = arith.constant 0 : i32
    %dma_wait3A_89 = tpu.memref_slice %arg9[%dma_wait3A_87, %dma_wait3A_88] : memref<160000x128xf32, #tpu.memory_space<hbm>> -> memref<64x128xf32, #tpu.memory_space<hbm>>
    %dma_wait3A_90 = arith.constant 0 : i32
    %dma_wait3A_91 = arith.constant 0 : i32
    %dma_wait3A_92 = tpu.memref_slice %arg22[%dma_wait3A_82, %dma_wait3A_90, %dma_wait3A_91] : memref<3x64x128xf32, #tpu.memory_space<vmem>> -> memref<1x64x128xf32, #tpu.memory_space<vmem>>
    %dma_wait3A_93 = tpu.memref_squeeze %dma_wait3A_92 : memref<1x64x128xf32, #tpu.memory_space<vmem>> -> memref<64x128xf32, #tpu.memory_space<vmem>>
    %dma_wait3A_94 = arith.constant 0 : i32
    %dma_wait3A_95 = arith.constant 0 : i32
    %dma_wait3A_96 = tpu.memref_slice %arg9[%dma_wait3A_94, %dma_wait3A_95] : memref<160000x128xf32, #tpu.memory_space<hbm>> -> memref<64x128xf32, #tpu.memory_space<hbm>>
    tpu.wait_dma2 semaphore(%arg35 : memref<!tpu.dma_semaphore, #tpu.memory_space<semaphore_mem>>) src(%dma_wait3A_96 : memref<64x128xf32, #tpu.memory_space<hbm>>) dst(%dma_wait3A_93 : memref<64x128xf32, #tpu.memory_space<vmem>>)
    %dma_wait3A_97 = arith.constant 0 : i32
    %dma_wait3A_98 = arith.constant 0 : i32
    %dma_wait3A_99 = tpu.memref_slice %arg7[%dma_wait3A_97, %dma_wait3A_98] : memref<160000x128xf32, #tpu.memory_space<hbm>> -> memref<64x128xf32, #tpu.memory_space<hbm>>
    %dma_wait3A_100 = arith.constant 0 : i32
    %dma_wait3A_101 = arith.constant 0 : i32
    %dma_wait3A_102 = tpu.memref_slice %arg7[%dma_wait3A_100, %dma_wait3A_101] : memref<160000x128xf32, #tpu.memory_space<hbm>> -> memref<64x128xf32, #tpu.memory_space<hbm>>
    tpu.wait_dma2 semaphore(%arg36 : memref<!tpu.dma_semaphore, #tpu.memory_space<semaphore_mem>>) src(%dma_wait3A_102 : memref<64x128xf32, #tpu.memory_space<hbm>>) dst(%arg31 : memref<64x128xf32, #tpu.memory_space<vmem>>)
    %dma_wait3A_103 = arith.constant 0 : i32
    %dma_wait3A_104 = arith.constant 0 : i32
    %dma_wait3A_105 = tpu.memref_slice %arg7[%dma_wait3A_103, %dma_wait3A_104] : memref<160000x128xf32, #tpu.memory_space<hbm>> -> memref<64x128xf32, #tpu.memory_space<hbm>>
    %dma_wait3A_106 = arith.constant 0 : i32
    %dma_wait3A_107 = arith.constant 0 : i32
    %dma_wait3A_108 = tpu.memref_slice %arg7[%dma_wait3A_106, %dma_wait3A_107] : memref<160000x128xf32, #tpu.memory_space<hbm>> -> memref<64x128xf32, #tpu.memory_space<hbm>>
    tpu.wait_dma2 semaphore(%arg36 : memref<!tpu.dma_semaphore, #tpu.memory_space<semaphore_mem>>) src(%dma_wait3A_108 : memref<64x128xf32, #tpu.memory_space<hbm>>) dst(%arg32 : memref<64x128xf32, #tpu.memory_space<vmem>>)
    %dma_wait3A_109 = arith.constant 0 : i32
    %dma_wait3A_110 = arith.constant 0 : i32
    %dma_wait3A_111 = arith.constant 0 : i32
    %dma_wait3A_112 = tpu.memref_slice %arg30[%dma_wait3A_109, %dma_wait3A_110, %dma_wait3A_111] : memref<3x64x128xf32, #tpu.memory_space<vmem>> -> memref<1x64x128xf32, #tpu.memory_space<vmem>>
    %dma_wait3A_113 = tpu.memref_squeeze %dma_wait3A_112 : memref<1x64x128xf32, #tpu.memory_space<vmem>> -> memref<64x128xf32, #tpu.memory_space<vmem>>
    %dma_wait3A_114 = arith.constant 0 : i32
    %dma_wait3A_115 = arith.constant 0 : i32
    %dma_wait3A_116 = tpu.memref_slice %arg9[%dma_wait3A_114, %dma_wait3A_115] : memref<160000x128xf32, #tpu.memory_space<hbm>> -> memref<64x128xf32, #tpu.memory_space<hbm>>
    %dma_wait3A_117 = arith.constant 0 : i32
    %dma_wait3A_118 = arith.constant 0 : i32
    %dma_wait3A_119 = tpu.memref_slice %arg30[%dma_wait3A_109, %dma_wait3A_117, %dma_wait3A_118] : memref<3x64x128xf32, #tpu.memory_space<vmem>> -> memref<1x64x128xf32, #tpu.memory_space<vmem>>
    %dma_wait3A_120 = tpu.memref_squeeze %dma_wait3A_119 : memref<1x64x128xf32, #tpu.memory_space<vmem>> -> memref<64x128xf32, #tpu.memory_space<vmem>>
    %dma_wait3A_121 = arith.constant 0 : i32
    %dma_wait3A_122 = arith.constant 0 : i32
    %dma_wait3A_123 = tpu.memref_slice %arg9[%dma_wait3A_121, %dma_wait3A_122] : memref<160000x128xf32, #tpu.memory_space<hbm>> -> memref<64x128xf32, #tpu.memory_space<hbm>>
    tpu.wait_dma2 semaphore(%arg36 : memref<!tpu.dma_semaphore, #tpu.memory_space<semaphore_mem>>) src(%dma_wait3A_123 : memref<64x128xf32, #tpu.memory_space<hbm>>) dst(%dma_wait3A_120 : memref<64x128xf32, #tpu.memory_space<vmem>>)
    return
  }
}

module attributes {stable_mosaic.version = 14 : i64} {
  func.func @_edge_block_kernel(%arg0: i32, %arg1: memref<2000x128xf32, #tpu.memory_space<vmem>>, %arg2: memref<2000x128xf32, #tpu.memory_space<vmem>>, %arg3: memref<2000x128xf32, #tpu.memory_space<vmem>>, %arg4: memref<384x128xf32, #tpu.memory_space<vmem>>, %arg5: memref<1x128xf32, #tpu.memory_space<vmem>>, %arg6: memref<128x128xf32, #tpu.memory_space<vmem>>, %arg7: memref<1x128xf32, #tpu.memory_space<vmem>>, %arg8: memref<256x128xf32, #tpu.memory_space<vmem>>, %arg9: memref<1x128xf32, #tpu.memory_space<vmem>>, %arg10: memref<128x128xf32, #tpu.memory_space<vmem>>, %arg11: memref<1x128xf32, #tpu.memory_space<vmem>>, %arg12: memref<2000x128xf32, #tpu.memory_space<vmem>>, %arg13: memref<2000x128xf32, #tpu.memory_space<vmem>>) attributes {dimension_semantics = [#tpu.dimension_semantics<arbitrary>], iteration_bounds = array<i64: 80>, scalar_prefetch = 0 : i64, scratch_operands = 0 : i64, tpu.core_type = #tpu.core_type<tc>, window_params = [{transform_indices = @transform_0, window_bounds = array<i64: 2000, 128>}, {transform_indices = @transform_1, window_bounds = array<i64: 2000, 128>}, {transform_indices = @transform_2, window_bounds = array<i64: 2000, 128>}, {pipeline_mode = #tpu.pipeline_mode<synchronous>, transform_indices = @transform_3, window_bounds = array<i64: 384, 128>}, {pipeline_mode = #tpu.pipeline_mode<synchronous>, transform_indices = @transform_4, window_bounds = array<i64: 1, 128>}, {pipeline_mode = #tpu.pipeline_mode<synchronous>, transform_indices = @transform_5, window_bounds = array<i64: 128, 128>}, {pipeline_mode = #tpu.pipeline_mode<synchronous>, transform_indices = @transform_6, window_bounds = array<i64: 1, 128>}, {pipeline_mode = #tpu.pipeline_mode<synchronous>, transform_indices = @transform_7, window_bounds = array<i64: 256, 128>}, {pipeline_mode = #tpu.pipeline_mode<synchronous>, transform_indices = @transform_8, window_bounds = array<i64: 1, 128>}, {pipeline_mode = #tpu.pipeline_mode<synchronous>, transform_indices = @transform_9, window_bounds = array<i64: 128, 128>}, {pipeline_mode = #tpu.pipeline_mode<synchronous>, transform_indices = @transform_10, window_bounds = array<i64: 1, 128>}, {transform_indices = @transform_11, window_bounds = array<i64: 2000, 128>}, {transform_indices = @transform_12, window_bounds = array<i64: 2000, 128>}]} {
    %get3A = arith.constant 0 : index
    %get3A_0 = arith.constant 0 : index
    %get3A_1 = vector.load %arg1[%get3A, %get3A_0] : memref<2000x128xf32, #tpu.memory_space<vmem>>, vector<2000x128xf32>
    %get3A_2 = arith.constant 0 : index
    %get3A_3 = arith.constant 0 : index
    %get3A_4 = vector.load %arg2[%get3A_2, %get3A_3] : memref<2000x128xf32, #tpu.memory_space<vmem>>, vector<2000x128xf32>
    %get3A_5 = arith.constant 0 : index
    %get3A_6 = arith.constant 0 : index
    %get3A_7 = vector.load %arg3[%get3A_5, %get3A_6] : memref<2000x128xf32, #tpu.memory_space<vmem>>, vector<2000x128xf32>
    %get3A_8 = arith.constant 0 : index
    %get3A_9 = arith.constant 0 : index
    %get3A_10 = vector.load %arg4[%get3A_8, %get3A_9] : memref<384x128xf32, #tpu.memory_space<vmem>>, vector<128x128xf32>
    %get3A_11 = arith.constant 128 : index
    %get3A_12 = arith.constant 0 : index
    %get3A_13 = vector.load %arg4[%get3A_11, %get3A_12] : memref<384x128xf32, #tpu.memory_space<vmem>>, vector<128x128xf32>
    %get3A_14 = arith.constant 256 : index
    %get3A_15 = arith.constant 0 : index
    %get3A_16 = vector.load %arg4[%get3A_14, %get3A_15] : memref<384x128xf32, #tpu.memory_space<vmem>>, vector<128x128xf32>
    %dot_general3A = arith.constant dense<0.000000e+00> : vector<2000x128xf32>
    %dot_general3A_17 = tpu.matmul %get3A_1, %get3A_10, %dot_general3A {dimension_numbers = #tpu.dot_dimension_numbers<[1], [0], [0], [1], [0, 0, 1, 1], [], []>, transpose_lhs_hint = false} : vector<2000x128xf32>, vector<128x128xf32>, vector<2000x128xf32> -> vector<2000x128xf32>
    %dot_general3A_18 = arith.constant dense<0.000000e+00> : vector<2000x128xf32>
    %dot_general3A_19 = tpu.matmul %get3A_4, %get3A_13, %dot_general3A_18 {dimension_numbers = #tpu.dot_dimension_numbers<[1], [0], [0], [1], [0, 0, 1, 1], [], []>, transpose_lhs_hint = false} : vector<2000x128xf32>, vector<128x128xf32>, vector<2000x128xf32> -> vector<2000x128xf32>
    %add3A = arith.addf %dot_general3A_17, %dot_general3A_19 : vector<2000x128xf32>
    %dot_general3A_20 = arith.constant dense<0.000000e+00> : vector<2000x128xf32>
    %dot_general3A_21 = tpu.matmul %get3A_7, %get3A_16, %dot_general3A_20 {dimension_numbers = #tpu.dot_dimension_numbers<[1], [0], [0], [1], [0, 0, 1, 1], [], []>, transpose_lhs_hint = false} : vector<2000x128xf32>, vector<128x128xf32>, vector<2000x128xf32> -> vector<2000x128xf32>
    %add3A_22 = arith.addf %add3A, %dot_general3A_21 : vector<2000x128xf32>
    %get3A_23 = arith.constant 0 : index
    %get3A_24 = arith.constant 0 : index
    %get3A_25 = vector.load %arg5[%get3A_23, %get3A_24] : memref<1x128xf32, #tpu.memory_space<vmem>>, vector<1x128xf32>
    %add3A_26 = vector.broadcast %get3A_25 : vector<1x128xf32> to vector<2000x128xf32>
    %add3A_27 = arith.addf %add3A_22, %add3A_26 : vector<2000x128xf32>
    %max3A = arith.constant 0.000000e+00 : f32
    %max3A_28 = vector.broadcast %max3A : f32 to vector<2000x128xf32>
    %max3A_29 = arith.maximumf %add3A_27, %max3A_28 : vector<2000x128xf32>
    %get3A_30 = arith.constant 0 : index
    %get3A_31 = arith.constant 0 : index
    %get3A_32 = vector.load %arg6[%get3A_30, %get3A_31] : memref<128x128xf32, #tpu.memory_space<vmem>>, vector<128x128xf32>
    %dot_general3A_33 = arith.constant dense<0.000000e+00> : vector<2000x128xf32>
    %dot_general3A_34 = tpu.matmul %max3A_29, %get3A_32, %dot_general3A_33 {dimension_numbers = #tpu.dot_dimension_numbers<[1], [0], [0], [1], [0, 0, 1, 1], [], []>, transpose_lhs_hint = false} : vector<2000x128xf32>, vector<128x128xf32>, vector<2000x128xf32> -> vector<2000x128xf32>
    %get3A_35 = arith.constant 0 : index
    %get3A_36 = arith.constant 0 : index
    %get3A_37 = vector.load %arg7[%get3A_35, %get3A_36] : memref<1x128xf32, #tpu.memory_space<vmem>>, vector<1x128xf32>
    %add3A_38 = vector.broadcast %get3A_37 : vector<1x128xf32> to vector<2000x128xf32>
    %add3A_39 = arith.addf %dot_general3A_34, %add3A_38 : vector<2000x128xf32>
    %swap3A = arith.constant 0 : index
    %swap3A_40 = arith.constant 0 : index
    %swap3A_41 = vector.load %arg12[%swap3A, %swap3A_40] : memref<2000x128xf32, #tpu.memory_space<vmem>>, vector<2000x128xf32>
    tpu.vector_store %arg12[%swap3A, %swap3A_40], %add3A_39 {strides = array<i32>} : memref<2000x128xf32, #tpu.memory_space<vmem>>, vector<2000x128xf32>,
    %get3A_42 = arith.constant 0 : index
    %get3A_43 = arith.constant 0 : index
    %get3A_44 = vector.load %arg8[%get3A_42, %get3A_43] : memref<256x128xf32, #tpu.memory_space<vmem>>, vector<128x128xf32>
    %get3A_45 = arith.constant 128 : index
    %get3A_46 = arith.constant 0 : index
    %get3A_47 = vector.load %arg8[%get3A_45, %get3A_46] : memref<256x128xf32, #tpu.memory_space<vmem>>, vector<128x128xf32>
    %dot_general3A_48 = arith.constant dense<0.000000e+00> : vector<2000x128xf32>
    %dot_general3A_49 = tpu.matmul %get3A_1, %get3A_44, %dot_general3A_48 {dimension_numbers = #tpu.dot_dimension_numbers<[1], [0], [0], [1], [0, 0, 1, 1], [], []>, transpose_lhs_hint = false} : vector<2000x128xf32>, vector<128x128xf32>, vector<2000x128xf32> -> vector<2000x128xf32>
    %dot_general3A_50 = arith.constant dense<0.000000e+00> : vector<2000x128xf32>
    %dot_general3A_51 = tpu.matmul %add3A_39, %get3A_47, %dot_general3A_50 {dimension_numbers = #tpu.dot_dimension_numbers<[1], [0], [0], [1], [0, 0, 1, 1], [], []>, transpose_lhs_hint = false} : vector<2000x128xf32>, vector<128x128xf32>, vector<2000x128xf32> -> vector<2000x128xf32>
    %add3A_52 = arith.addf %dot_general3A_49, %dot_general3A_51 : vector<2000x128xf32>
    %get3A_53 = arith.constant 0 : index
    %get3A_54 = arith.constant 0 : index
    %get3A_55 = vector.load %arg9[%get3A_53, %get3A_54] : memref<1x128xf32, #tpu.memory_space<vmem>>, vector<1x128xf32>
    %add3A_56 = vector.broadcast %get3A_55 : vector<1x128xf32> to vector<2000x128xf32>
    %add3A_57 = arith.addf %add3A_52, %add3A_56 : vector<2000x128xf32>
    %max3A_58 = arith.constant 0.000000e+00 : f32
    %max3A_59 = vector.broadcast %max3A_58 : f32 to vector<2000x128xf32>
    %max3A_60 = arith.maximumf %add3A_57, %max3A_59 : vector<2000x128xf32>
    %get3A_61 = arith.constant 0 : index
    %get3A_62 = arith.constant 0 : index
    %get3A_63 = vector.load %arg10[%get3A_61, %get3A_62] : memref<128x128xf32, #tpu.memory_space<vmem>>, vector<128x128xf32>
    %dot_general3A_64 = arith.constant dense<0.000000e+00> : vector<2000x128xf32>
    %dot_general3A_65 = tpu.matmul %max3A_60, %get3A_63, %dot_general3A_64 {dimension_numbers = #tpu.dot_dimension_numbers<[1], [0], [0], [1], [0, 0, 1, 1], [], []>, transpose_lhs_hint = false} : vector<2000x128xf32>, vector<128x128xf32>, vector<2000x128xf32> -> vector<2000x128xf32>
    %get3A_66 = arith.constant 0 : index
    %get3A_67 = arith.constant 0 : index
    %get3A_68 = vector.load %arg11[%get3A_66, %get3A_67] : memref<1x128xf32, #tpu.memory_space<vmem>>, vector<1x128xf32>
    %add3A_69 = vector.broadcast %get3A_68 : vector<1x128xf32> to vector<2000x128xf32>
    %add3A_70 = arith.addf %dot_general3A_65, %add3A_69 : vector<2000x128xf32>
    %swap3A_71 = arith.constant 0 : index
    %swap3A_72 = arith.constant 0 : index
    %swap3A_73 = vector.load %arg13[%swap3A_71, %swap3A_72] : memref<2000x128xf32, #tpu.memory_space<vmem>>, vector<2000x128xf32>
    tpu.vector_store %arg13[%swap3A_71, %swap3A_72], %add3A_70 {strides = array<i32>} : memref<2000x128xf32, #tpu.memory_space<vmem>>, vector<2000x128xf32>,
    return
  }
  func.func @transform_0(%arg0: i32) -> (i32, i32) {
    %c0_i32 = arith.constant 0 : i32
    %c0_i32_0 = arith.constant 0 : i32
    return %arg0, %c0_i32 : i32, i32
  }
  func.func @transform_1(%arg0: i32) -> (i32, i32) {
    %c0_i32 = arith.constant 0 : i32
    %c0_i32_0 = arith.constant 0 : i32
    return %arg0, %c0_i32 : i32, i32
  }
  func.func @transform_2(%arg0: i32) -> (i32, i32) {
    %c0_i32 = arith.constant 0 : i32
    %c0_i32_0 = arith.constant 0 : i32
    return %arg0, %c0_i32 : i32, i32
  }
  func.func @transform_3(%arg0: i32) -> (i32, i32) {
    %c0_i32 = arith.constant 0 : i32
    %c0_i32_0 = arith.constant 0 : i32
    %c0_i32_1 = arith.constant 0 : i32
    return %c0_i32, %c0_i32_0 : i32, i32
  }
  func.func @transform_4(%arg0: i32) -> (i32, i32) {
    %c0_i32 = arith.constant 0 : i32
    %c0_i32_0 = arith.constant 0 : i32
    %c0_i32_1 = arith.constant 0 : i32
    return %c0_i32, %c0_i32_0 : i32, i32
  }
  func.func @transform_5(%arg0: i32) -> (i32, i32) {
    %c0_i32 = arith.constant 0 : i32
    %c0_i32_0 = arith.constant 0 : i32
    %c0_i32_1 = arith.constant 0 : i32
    return %c0_i32, %c0_i32_0 : i32, i32
  }
  func.func @transform_6(%arg0: i32) -> (i32, i32) {
    %c0_i32 = arith.constant 0 : i32
    %c0_i32_0 = arith.constant 0 : i32
    %c0_i32_1 = arith.constant 0 : i32
    return %c0_i32, %c0_i32_0 : i32, i32
  }
  func.func @transform_7(%arg0: i32) -> (i32, i32) {
    %c0_i32 = arith.constant 0 : i32
    %c0_i32_0 = arith.constant 0 : i32
    %c0_i32_1 = arith.constant 0 : i32
    return %c0_i32, %c0_i32_0 : i32, i32
  }
  func.func @transform_8(%arg0: i32) -> (i32, i32) {
    %c0_i32 = arith.constant 0 : i32
    %c0_i32_0 = arith.constant 0 : i32
    %c0_i32_1 = arith.constant 0 : i32
    return %c0_i32, %c0_i32_0 : i32, i32
  }
  func.func @transform_9(%arg0: i32) -> (i32, i32) {
    %c0_i32 = arith.constant 0 : i32
    %c0_i32_0 = arith.constant 0 : i32
    %c0_i32_1 = arith.constant 0 : i32
    return %c0_i32, %c0_i32_0 : i32, i32
  }
  func.func @transform_10(%arg0: i32) -> (i32, i32) {
    %c0_i32 = arith.constant 0 : i32
    %c0_i32_0 = arith.constant 0 : i32
    %c0_i32_1 = arith.constant 0 : i32
    return %c0_i32, %c0_i32_0 : i32, i32
  }
  func.func @transform_11(%arg0: i32) -> (i32, i32) {
    %c0_i32 = arith.constant 0 : i32
    %c0_i32_0 = arith.constant 0 : i32
    return %arg0, %c0_i32 : i32, i32
  }
  func.func @transform_12(%arg0: i32) -> (i32, i32) {
    %c0_i32 = arith.constant 0 : i32
    %c0_i32_0 = arith.constant 0 : i32
    return %arg0, %c0_i32 : i32, i32
  }
}

module attributes {stable_mosaic.version = 14 : i64} {
  func.func @_node_block_kernel(%arg0: i32, %arg1: memref<2000x128xf32, #tpu.memory_space<vmem>>, %arg2: memref<2x2000x128xf32, #tpu.memory_space<vmem>>, %arg3: memref<2x2000x16xf32, #tpu.memory_space<vmem>>, %arg4: memref<1x1x2000xi32, #tpu.memory_space<vmem>>, %arg5: memref<256x128xf32, #tpu.memory_space<vmem>>, %arg6: memref<1x128xf32, #tpu.memory_space<vmem>>, %arg7: memref<128x128xf32, #tpu.memory_space<vmem>>, %arg8: memref<1x128xf32, #tpu.memory_space<vmem>>, %arg9: memref<2000x128xf32, #tpu.memory_space<vmem>>, %arg10: memref<128x384xf32, #tpu.memory_space<vmem>>) attributes {dimension_semantics = [#tpu.dimension_semantics<arbitrary>], iteration_bounds = array<i64: 5>, scalar_prefetch = 0 : i64, scratch_operands = 0 : i64, tpu.core_type = #tpu.core_type<tc>, window_params = [{transform_indices = @transform_0, window_bounds = array<i64: 2000, 128>}, {transform_indices = @transform_1, window_bounds = array<i64: 2, 2000, 128>}, {transform_indices = @transform_2, window_bounds = array<i64: 2, 2000, 16>}, {transform_indices = @transform_3, window_bounds = array<i64: 1, 1, 2000>}, {pipeline_mode = #tpu.pipeline_mode<synchronous>, transform_indices = @transform_4, window_bounds = array<i64: 256, 128>}, {pipeline_mode = #tpu.pipeline_mode<synchronous>, transform_indices = @transform_5, window_bounds = array<i64: 1, 128>}, {pipeline_mode = #tpu.pipeline_mode<synchronous>, transform_indices = @transform_6, window_bounds = array<i64: 128, 128>}, {pipeline_mode = #tpu.pipeline_mode<synchronous>, transform_indices = @transform_7, window_bounds = array<i64: 1, 128>}, {transform_indices = @transform_8, window_bounds = array<i64: 2000, 128>}, {pipeline_mode = #tpu.pipeline_mode<synchronous>, transform_indices = @transform_9, window_bounds = array<i64: 128, 384>}]} {
    %get3A = arith.constant 0 : index
    %get3A_0 = arith.constant 0 : index
    %get3A_1 = vector.load %arg1[%get3A, %get3A_0] : memref<2000x128xf32, #tpu.memory_space<vmem>>, vector<2000x128xf32>
    %get3A_2 = arith.constant 0 : index
    %get3A_3 = arith.constant 0 : index
    %get3A_4 = arith.constant 0 : index
    %get3A_5 = vector.load %arg3[%get3A_2, %get3A_3, %get3A_4] : memref<2x2000x16xf32, #tpu.memory_space<vmem>>, vector<1x2000x16xf32>
    %get3A_6 = vector.shape_cast %get3A_5 : vector<1x2000x16xf32> to vector<2000x16xf32>
    %get3A_7 = arith.constant 1 : index
    %get3A_8 = arith.constant 0 : index
    %get3A_9 = arith.constant 0 : index
    %get3A_10 = vector.load %arg3[%get3A_7, %get3A_8, %get3A_9] : memref<2x2000x16xf32, #tpu.memory_space<vmem>>, vector<1x2000x16xf32>
    %get3A_11 = vector.shape_cast %get3A_10 : vector<1x2000x16xf32> to vector<2000x16xf32>
    %add3A = arith.addf %get3A_6, %get3A_11 : vector<2000x16xf32>
    %slice3A = vector.extract_strided_slice %add3A {offsets = [0, 0], sizes = [2000, 1], strides = [1, 1]} : vector<2000x16xf32> to vector<2000x1xf32>
    %get3A_12 = arith.constant 0 : index
    %get3A_13 = arith.constant 0 : index
    %get3A_14 = arith.constant 0 : index
    %get3A_15 = vector.load %arg2[%get3A_12, %get3A_13, %get3A_14] : memref<2x2000x128xf32, #tpu.memory_space<vmem>>, vector<1x2000x128xf32>
    %get3A_16 = vector.shape_cast %get3A_15 : vector<1x2000x128xf32> to vector<2000x128xf32>
    %get3A_17 = arith.constant 1 : index
    %get3A_18 = arith.constant 0 : index
    %get3A_19 = arith.constant 0 : index
    %get3A_20 = vector.load %arg2[%get3A_17, %get3A_18, %get3A_19] : memref<2x2000x128xf32, #tpu.memory_space<vmem>>, vector<1x2000x128xf32>
    %get3A_21 = vector.shape_cast %get3A_20 : vector<1x2000x128xf32> to vector<2000x128xf32>
    %add3A_22 = arith.addf %get3A_16, %get3A_21 : vector<2000x128xf32>
    %max3A = arith.constant 1.000000e+00 : f32
    %max3A_23 = vector.broadcast %max3A : f32 to vector<2000x1xf32>
    %max3A_24 = arith.maximumf %slice3A, %max3A_23 : vector<2000x1xf32>
    %div3A = vector.broadcast %max3A_24 : vector<2000x1xf32> to vector<2000x128xf32>
    %div3A_25 = arith.divf %add3A_22, %div3A : vector<2000x128xf32>
    %get3A_26 = arith.constant 0 : index
    %get3A_27 = arith.constant 0 : index
    %get3A_28 = vector.load %arg5[%get3A_26, %get3A_27] : memref<256x128xf32, #tpu.memory_space<vmem>>, vector<128x128xf32>
    %get3A_29 = arith.constant 128 : index
    %get3A_30 = arith.constant 0 : index
    %get3A_31 = vector.load %arg5[%get3A_29, %get3A_30] : memref<256x128xf32, #tpu.memory_space<vmem>>, vector<128x128xf32>
    %dot_general3A = arith.constant dense<0.000000e+00> : vector<2000x128xf32>
    %dot_general3A_32 = tpu.matmul %get3A_1, %get3A_28, %dot_general3A {dimension_numbers = #tpu.dot_dimension_numbers<[1], [0], [0], [1], [0, 0, 1, 1], [], []>, transpose_lhs_hint = false} : vector<2000x128xf32>, vector<128x128xf32>, vector<2000x128xf32> -> vector<2000x128xf32>
    %dot_general3A_33 = arith.constant dense<0.000000e+00> : vector<2000x128xf32>
    %dot_general3A_34 = tpu.matmul %div3A_25, %get3A_31, %dot_general3A_33 {dimension_numbers = #tpu.dot_dimension_numbers<[1], [0], [0], [1], [0, 0, 1, 1], [], []>, transpose_lhs_hint = false} : vector<2000x128xf32>, vector<128x128xf32>, vector<2000x128xf32> -> vector<2000x128xf32>
    %add3A_35 = arith.addf %dot_general3A_32, %dot_general3A_34 : vector<2000x128xf32>
    %get3A_36 = arith.constant 0 : index
    %get3A_37 = arith.constant 0 : index
    %get3A_38 = vector.load %arg6[%get3A_36, %get3A_37] : memref<1x128xf32, #tpu.memory_space<vmem>>, vector<1x128xf32>
    %add3A_39 = vector.broadcast %get3A_38 : vector<1x128xf32> to vector<2000x128xf32>
    %add3A_40 = arith.addf %add3A_35, %add3A_39 : vector<2000x128xf32>
    %max3A_41 = arith.constant 0.000000e+00 : f32
    %max3A_42 = vector.broadcast %max3A_41 : f32 to vector<2000x128xf32>
    %max3A_43 = arith.maximumf %add3A_40, %max3A_42 : vector<2000x128xf32>
    %get3A_44 = arith.constant 0 : index
    %get3A_45 = arith.constant 0 : index
    %get3A_46 = vector.load %arg7[%get3A_44, %get3A_45] : memref<128x128xf32, #tpu.memory_space<vmem>>, vector<128x128xf32>
    %dot_general3A_47 = arith.constant dense<0.000000e+00> : vector<2000x128xf32>
    %dot_general3A_48 = tpu.matmul %max3A_43, %get3A_46, %dot_general3A_47 {dimension_numbers = #tpu.dot_dimension_numbers<[1], [0], [0], [1], [0, 0, 1, 1], [], []>, transpose_lhs_hint = false} : vector<2000x128xf32>, vector<128x128xf32>, vector<2000x128xf32> -> vector<2000x128xf32>
    %get3A_49 = arith.constant 0 : index
    %get3A_50 = arith.constant 0 : index
    %get3A_51 = vector.load %arg8[%get3A_49, %get3A_50] : memref<1x128xf32, #tpu.memory_space<vmem>>, vector<1x128xf32>
    %add3A_52 = vector.broadcast %get3A_51 : vector<1x128xf32> to vector<2000x128xf32>
    %add3A_53 = arith.addf %dot_general3A_48, %add3A_52 : vector<2000x128xf32>
    %swap3A = arith.constant 0 : index
    %swap3A_54 = arith.constant 0 : index
    %swap3A_55 = vector.load %arg9[%swap3A, %swap3A_54] : memref<2000x128xf32, #tpu.memory_space<vmem>>, vector<2000x128xf32>
    tpu.vector_store %arg9[%swap3A, %swap3A_54], %add3A_53 {strides = array<i32>} : memref<2000x128xf32, #tpu.memory_space<vmem>>, vector<2000x128xf32>,
    %iota3A = tpu.iota {dimensions = array<i32: 0>} : vector<128x2000xi32>
    %get3A_56 = arith.constant 0 : index
    %get3A_57 = arith.constant 0 : index
    %get3A_58 = arith.constant 0 : index
    %get3A_59 = vector.load %arg4[%get3A_56, %get3A_57, %get3A_58] : memref<1x1x2000xi32, #tpu.memory_space<vmem>>, vector<1x1x2000xi32>
    %get3A_60 = vector.shape_cast %get3A_59 : vector<1x1x2000xi32> to vector<1x2000xi32>
    %eq3A = vector.broadcast %get3A_60 : vector<1x2000xi32> to vector<128x2000xi32>
    %eq3A_61 = arith.cmpi eq, %iota3A, %eq3A : vector<128x2000xi32>
    %convert_element_type3A = arith.extui %eq3A_61 : vector<128x2000xi1> to vector<128x2000xi32>
    %convert_element_type3A_62 = arith.sitofp %convert_element_type3A : vector<128x2000xi32> to vector<128x2000xf32>
    %mul3A = arith.mulf %add3A_53, %add3A_53 : vector<2000x128xf32>
    %broadcast_in_dim3A = arith.constant 1.000000e+00 : f32
    %broadcast_in_dim3A_63 = vector.broadcast %broadcast_in_dim3A : f32 to vector<2000x128xf32>
    %concatenate3A = tpu.concatenate %add3A_53, %mul3A, %broadcast_in_dim3A_63 in 1 : vector<2000x128xf32>, vector<2000x128xf32>, vector<2000x128xf32> -> vector<2000x384xf32>
    %dot_general3A_64 = arith.constant dense<0.000000e+00> : vector<128x384xf32>
    %dot_general3A_65 = tpu.matmul %convert_element_type3A_62, %concatenate3A, %dot_general3A_64 {dimension_numbers = #tpu.dot_dimension_numbers<[1], [0], [0], [1], [0, 0, 1, 1], [], []>, transpose_lhs_hint = false} : vector<128x2000xf32>, vector<2000x384xf32>, vector<128x384xf32> -> vector<128x384xf32>
    %eq3A_66 = arith.constant 0 : i32
    %eq3A_67 = arith.cmpi eq, %arg0, %eq3A_66 : i32
    %convert_element_type3A_68 = arith.extui %eq3A_67 : i1 to i32
    %cond3A = arith.constant 0 : i32
    %cond3A_69 = arith.cmpi ne, %convert_element_type3A_68, %cond3A : i32
    scf.if %cond3A_69 {
      %broadcast_in_dim3A_77 = arith.constant 0.000000e+00 : f32
      %broadcast_in_dim3A_78 = vector.broadcast %broadcast_in_dim3A_77 : f32 to vector<128x384xf32>
      %swap3A_79 = arith.constant 0 : index
      %swap3A_80 = arith.constant 0 : index
      %swap3A_81 = vector.load %arg10[%swap3A_79, %swap3A_80] : memref<128x384xf32, #tpu.memory_space<vmem>>, vector<128x384xf32>
      tpu.vector_store %arg10[%swap3A_79, %swap3A_80], %broadcast_in_dim3A_78 {strides = array<i32>} : memref<128x384xf32, #tpu.memory_space<vmem>>, vector<128x384xf32>,
    } else {
    }
    %get3A_70 = arith.constant 0 : index
    %get3A_71 = arith.constant 0 : index
    %get3A_72 = vector.load %arg10[%get3A_70, %get3A_71] : memref<128x384xf32, #tpu.memory_space<vmem>>, vector<128x384xf32>
    %add3A_73 = arith.addf %get3A_72, %dot_general3A_65 : vector<128x384xf32>
    %swap3A_74 = arith.constant 0 : index
    %swap3A_75 = arith.constant 0 : index
    %swap3A_76 = vector.load %arg10[%swap3A_74, %swap3A_75] : memref<128x384xf32, #tpu.memory_space<vmem>>, vector<128x384xf32>
    tpu.vector_store %arg10[%swap3A_74, %swap3A_75], %add3A_73 {strides = array<i32>} : memref<128x384xf32, #tpu.memory_space<vmem>>, vector<128x384xf32>,
    return
  }
  func.func @transform_0(%arg0: i32) -> (i32, i32) {
    %c0_i32 = arith.constant 0 : i32
    %c0_i32_0 = arith.constant 0 : i32
    return %arg0, %c0_i32 : i32, i32
  }
  func.func @transform_1(%arg0: i32) -> (i32, i32, i32) {
    %c0_i32 = arith.constant 0 : i32
    %c0_i32_0 = arith.constant 0 : i32
    %c0_i32_1 = arith.constant 0 : i32
    return %c0_i32, %arg0, %c0_i32_0 : i32, i32, i32
  }
  func.func @transform_2(%arg0: i32) -> (i32, i32, i32) {
    %c0_i32 = arith.constant 0 : i32
    %c0_i32_0 = arith.constant 0 : i32
    %c0_i32_1 = arith.constant 0 : i32
    return %c0_i32, %arg0, %c0_i32_0 : i32, i32, i32
  }
  func.func @transform_3(%arg0: i32) -> (i32, i32, i32) {
    %c0_i32 = arith.constant 0 : i32
    %c0_i32_0 = arith.constant 0 : i32
    %c0_i32_1 = arith.constant 0 : i32
    return %arg0, %c0_i32, %c0_i32_0 : i32, i32, i32
  }
  func.func @transform_4(%arg0: i32) -> (i32, i32) {
    %c0_i32 = arith.constant 0 : i32
    %c0_i32_0 = arith.constant 0 : i32
    %c0_i32_1 = arith.constant 0 : i32
    return %c0_i32, %c0_i32_0 : i32, i32
  }
  func.func @transform_5(%arg0: i32) -> (i32, i32) {
    %c0_i32 = arith.constant 0 : i32
    %c0_i32_0 = arith.constant 0 : i32
    %c0_i32_1 = arith.constant 0 : i32
    return %c0_i32, %c0_i32_0 : i32, i32
  }
  func.func @transform_6(%arg0: i32) -> (i32, i32) {
    %c0_i32 = arith.constant 0 : i32
    %c0_i32_0 = arith.constant 0 : i32
    %c0_i32_1 = arith.constant 0 : i32
    return %c0_i32, %c0_i32_0 : i32, i32
  }
  func.func @transform_7(%arg0: i32) -> (i32, i32) {
    %c0_i32 = arith.constant 0 : i32
    %c0_i32_0 = arith.constant 0 : i32
    %c0_i32_1 = arith.constant 0 : i32
    return %c0_i32, %c0_i32_0 : i32, i32
  }
  func.func @transform_8(%arg0: i32) -> (i32, i32) {
    %c0_i32 = arith.constant 0 : i32
    %c0_i32_0 = arith.constant 0 : i32
    return %arg0, %c0_i32 : i32, i32
  }
  func.func @transform_9(%arg0: i32) -> (i32, i32) {
    %c0_i32 = arith.constant 0 : i32
    %c0_i32_0 = arith.constant 0 : i32
    %c0_i32_1 = arith.constant 0 : i32
    return %c0_i32, %c0_i32_0 : i32, i32
  }
}

module attributes {stable_mosaic.version = 14 : i64} {
  func.func @_norm_block_kernel(%arg0: i32, %arg1: memref<2000x128xf32, #tpu.memory_space<vmem>>, %arg2: memref<2000x1xi32, #tpu.memory_space<vmem>>, %arg3: memref<128x384xf32, #tpu.memory_space<vmem>>, %arg4: memref<1x128xf32, #tpu.memory_space<vmem>>, %arg5: memref<1x128xf32, #tpu.memory_space<vmem>>, %arg6: memref<2000x128xf32, #tpu.memory_space<vmem>>) attributes {dimension_semantics = [#tpu.dimension_semantics<arbitrary>], iteration_bounds = array<i64: 5>, scalar_prefetch = 0 : i64, scratch_operands = 0 : i64, tpu.core_type = #tpu.core_type<tc>, window_params = [{transform_indices = @transform_0, window_bounds = array<i64: 2000, 128>}, {transform_indices = @transform_1, window_bounds = array<i64: 2000, 1>}, {pipeline_mode = #tpu.pipeline_mode<synchronous>, transform_indices = @transform_2, window_bounds = array<i64: 128, 384>}, {pipeline_mode = #tpu.pipeline_mode<synchronous>, transform_indices = @transform_3, window_bounds = array<i64: 1, 128>}, {pipeline_mode = #tpu.pipeline_mode<synchronous>, transform_indices = @transform_4, window_bounds = array<i64: 1, 128>}, {transform_indices = @transform_5, window_bounds = array<i64: 2000, 128>}]} {
    %get3A = arith.constant 0 : index
    %get3A_0 = arith.constant 0 : index
    %get3A_1 = vector.load %arg1[%get3A, %get3A_0] : memref<2000x128xf32, #tpu.memory_space<vmem>>, vector<2000x128xf32>
    %iota3A = tpu.iota {dimensions = array<i32: 1>} : vector<2000x128xi32>
    %get3A_2 = arith.constant 0 : index
    %get3A_3 = arith.constant 0 : index
    %get3A_4 = vector.load %arg2[%get3A_2, %get3A_3] : memref<2000x1xi32, #tpu.memory_space<vmem>>, vector<2000x1xi32>
    %eq3A = vector.broadcast %get3A_4 : vector<2000x1xi32> to vector<2000x128xi32>
    %eq3A_5 = arith.cmpi eq, %iota3A, %eq3A : vector<2000x128xi32>
    %convert_element_type3A = arith.extui %eq3A_5 : vector<2000x128xi1> to vector<2000x128xi32>
    %convert_element_type3A_6 = arith.sitofp %convert_element_type3A : vector<2000x128xi32> to vector<2000x128xf32>
    %get3A_7 = arith.constant 0 : index
    %get3A_8 = arith.constant 0 : index
    %get3A_9 = vector.load %arg3[%get3A_7, %get3A_8] : memref<128x384xf32, #tpu.memory_space<vmem>>, vector<128x384xf32>
    %dot_general3A = arith.constant dense<0.000000e+00> : vector<2000x384xf32>
    %dot_general3A_10 = tpu.matmul %convert_element_type3A_6, %get3A_9, %dot_general3A {dimension_numbers = #tpu.dot_dimension_numbers<[1], [0], [0], [1], [0, 0, 1, 1], [], []>, transpose_lhs_hint = false} : vector<2000x128xf32>, vector<128x384xf32>, vector<2000x384xf32> -> vector<2000x384xf32>
    %slice3A = vector.extract_strided_slice %dot_general3A_10 {offsets = [0, 256], sizes = [2000, 1], strides = [1, 1]} : vector<2000x384xf32> to vector<2000x1xf32>
    %max3A = arith.constant 1.000000e+00 : f32
    %max3A_11 = vector.broadcast %max3A : f32 to vector<2000x1xf32>
    %max3A_12 = arith.maximumf %slice3A, %max3A_11 : vector<2000x1xf32>
    %slice3A_13 = vector.extract_strided_slice %dot_general3A_10 {offsets = [0, 0], sizes = [2000, 128], strides = [1, 1]} : vector<2000x384xf32> to vector<2000x128xf32>
    %div3A = vector.broadcast %max3A_12 : vector<2000x1xf32> to vector<2000x128xf32>
    %div3A_14 = arith.divf %slice3A_13, %div3A : vector<2000x128xf32>
    %slice3A_15 = vector.extract_strided_slice %dot_general3A_10 {offsets = [0, 128], sizes = [2000, 128], strides = [1, 1]} : vector<2000x384xf32> to vector<2000x128xf32>
    %div3A_16 = vector.broadcast %max3A_12 : vector<2000x1xf32> to vector<2000x128xf32>
    %div3A_17 = arith.divf %slice3A_15, %div3A_16 : vector<2000x128xf32>
    %mul3A = arith.mulf %div3A_14, %div3A_14 : vector<2000x128xf32>
    %sub3A = arith.subf %div3A_17, %mul3A : vector<2000x128xf32>
    %max3A_18 = arith.constant 0.000000e+00 : f32
    %max3A_19 = vector.broadcast %max3A_18 : f32 to vector<2000x128xf32>
    %max3A_20 = arith.maximumf %sub3A, %max3A_19 : vector<2000x128xf32>
    %add3A = arith.constant 9.99999974E-6 : f32
    %add3A_21 = vector.broadcast %add3A : f32 to vector<2000x128xf32>
    %add3A_22 = arith.addf %max3A_20, %add3A_21 : vector<2000x128xf32>
    %rsqrt3A = math.rsqrt %add3A_22 : vector<2000x128xf32>
    %sub3A_23 = arith.subf %get3A_1, %div3A_14 : vector<2000x128xf32>
    %mul3A_24 = arith.mulf %sub3A_23, %rsqrt3A : vector<2000x128xf32>
    %get3A_25 = arith.constant 0 : index
    %get3A_26 = arith.constant 0 : index
    %get3A_27 = vector.load %arg4[%get3A_25, %get3A_26] : memref<1x128xf32, #tpu.memory_space<vmem>>, vector<1x128xf32>
    %mul3A_28 = vector.broadcast %get3A_27 : vector<1x128xf32> to vector<2000x128xf32>
    %mul3A_29 = arith.mulf %mul3A_24, %mul3A_28 : vector<2000x128xf32>
    %get3A_30 = arith.constant 0 : index
    %get3A_31 = arith.constant 0 : index
    %get3A_32 = vector.load %arg5[%get3A_30, %get3A_31] : memref<1x128xf32, #tpu.memory_space<vmem>>, vector<1x128xf32>
    %add3A_33 = vector.broadcast %get3A_32 : vector<1x128xf32> to vector<2000x128xf32>
    %add3A_34 = arith.addf %mul3A_29, %add3A_33 : vector<2000x128xf32>
    %swap3A = arith.constant 0 : index
    %swap3A_35 = arith.constant 0 : index
    %swap3A_36 = vector.load %arg6[%swap3A, %swap3A_35] : memref<2000x128xf32, #tpu.memory_space<vmem>>, vector<2000x128xf32>
    tpu.vector_store %arg6[%swap3A, %swap3A_35], %add3A_34 {strides = array<i32>} : memref<2000x128xf32, #tpu.memory_space<vmem>>, vector<2000x128xf32>,
    return
  }
  func.func @transform_0(%arg0: i32) -> (i32, i32) {
    %c0_i32 = arith.constant 0 : i32
    %c0_i32_0 = arith.constant 0 : i32
    return %arg0, %c0_i32 : i32, i32
  }
  func.func @transform_1(%arg0: i32) -> (i32, i32) {
    %c0_i32 = arith.constant 0 : i32
    %c0_i32_0 = arith.constant 0 : i32
    return %arg0, %c0_i32 : i32, i32
  }
  func.func @transform_2(%arg0: i32) -> (i32, i32) {
    %c0_i32 = arith.constant 0 : i32
    %c0_i32_0 = arith.constant 0 : i32
    %c0_i32_1 = arith.constant 0 : i32
    return %c0_i32, %c0_i32_0 : i32, i32
  }
  func.func @transform_3(%arg0: i32) -> (i32, i32) {
    %c0_i32 = arith.constant 0 : i32
    %c0_i32_0 = arith.constant 0 : i32
    %c0_i32_1 = arith.constant 0 : i32
    return %c0_i32, %c0_i32_0 : i32, i32
  }
  func.func @transform_4(%arg0: i32) -> (i32, i32) {
    %c0_i32 = arith.constant 0 : i32
    %c0_i32_0 = arith.constant 0 : i32
    %c0_i32_1 = arith.constant 0 : i32
    return %c0_i32, %c0_i32_0 : i32, i32
  }
  func.func @transform_5(%arg0: i32) -> (i32, i32) {
    %c0_i32 = arith.constant 0 : i32
    %c0_i32_0 = arith.constant 0 : i32
    return %arg0, %c0_i32 : i32, i32
  }
}

</mosaic_0001>

<sc_bundles>
// kernel: kernel.11.cloned.1.call-start
scs
__scs_entry_jumppad:
0x0: {  	(pc) =	sbr.rel $0x88, $3  }
0x1: {  	(tag) =	ssettag $0x0;
	lr =	simm.s32 $0x1  }
0x2: {  	[smem:$0x3F8D] =	sst lr;
	_ =	strace $0xD0000000  }
0x3: {  	_ = 	snop  }
0x4: {  	_ = 	snop  }
0x5: {  	_ = 	snop  }
0x6: {  	_ = 	snop  }
0x7: {  	_ = 	snop  }
__scs_overlays_trampoline_lowered:
0x8: {  	[smem:$0x3F9C] =	sst s0  }
0x9: {  	[smem:$0x3F9D] =	sst s1  }
0xa: {  	[smem:$0x3F9E] =	sst s2  }
0xb: {  	[smem:$0x3F9F] =	sst s3  }
0xc: {  	[smem:$0x3FA0] =	sst s4  }
0xd: {  	[smem:$0x3FA1] =	sst s5  }
0xe: {  	[smem:$0x3FA2] =	sst s6  }
0xf: {  	[smem:$0x3FA3] =	sst s7  }
0x10: {  	[smem:$0x3FA4] =	sst s8  }
0x11: {  	[smem:$0x3FA5] =	sst s9;
	s0 =	simm.s32 @!p0 $0x0  }
0x12: {  	s1 =	sld [smem:$0x3F8B];
	s0 =	simm.s32 @p0 $0x1  }
0x13: {  	[smem:$0x3FA6] =	sst s0;
	s0 =	simm.s32 @!p1 $0x0  }
0x14: {  	s2 =	sld [smem:$0x3F8A];
	s0 =	simm.s32 @p1 $0x1  }
0x15: {  	[smem:$0x3FA7] =	sst s0;
	s0 =	simm.s32 @!p2 $0x0  }
0x16: {  	s3 =	sld [smem:$0x3FDB];
	s0 =	simm.s32 @p2 $0x1  }
0x17: {  	s4 =	simm.s32 $0x1BF5;
	[smem:$0x3FA9] =	sst s0  }
0x18: {  	s0 =	sld [smem:$0x3F8C];
	_ =	swait.ge [sflag:s4], $0x0  }
0x19: {  	s7 =	sld [smem:$0x3F8D]  }
0x1a: {  	s8 =	sadd.s32 $0xFFFFE003, lr  }
0x1b: {  	s9 =	sadd.s32 $0xFFFFFEF7, lr;
	s5 =	simm.s32 $0xFFFFFFFF;
	p2 =	slt.u32 s8, $0xFFFFF086  }
0x1c: {  	p1 =	slt.u32 s9, $0xF7A;
	s5 =	simm.s32 @!p2 $0x0  }
0x1d: {  	s5 =	simm.s32 @p1 $0x1;
	p0 =	seq.s32 s7, s2  }
0x1e: {  	s7 =	smul.u32 @!p0 $0xF7A, s2;
	p2 =	seq.s32 @!p0 s5, $0x0  }
0x1f: {  	s9 =	smul.u32 $0xF7A, s1;
	s8 =	simm.s32 @!p0 $0x1BF5;
	p2 =	por !p2, p0  }
0x20: {  	[sflag:s8] =	ssyncset.s32 @!p0 $0xFFFFF086;
	s6 =	sadd.s32 @!p0 s3, s7;
	s7 =	simm.s32 @!p0 $0x108  }
0x21: {  	s3 =	sadd.s32 s3, s9;
	s6 =	sadd.s32 @!p0 $0x88, s6;
	s7 =	simm.s32 @p2 $0x1082  }
0x22: {  	[simem:s7], [sflag:s8] =	dma.local @!p0 [hbm:s6], $0xF7A  }
0x23: {  	s9 =	sor.u32 $0xD0000000, s2;
	s6 =	simm.s32 $0x108;
	_ =	swait.ge @!p0 [sflag:s8], $0x0  }
0x24: {  	s3 =	sadd.s32 $0x88, s3;
	s6 =	simm.s32 @!p1 $0x1082;
	[sflag:s4] =	ssyncset.s32 $0xFFFFF086  }
0x25: {  	[simem:s6], [sflag:s4] =	dma.local [hbm:s3], $0xF7A  }
0x26: {  	[smem:$0x3F8D] =	sst s1;
	(tag) =	ssettag s2;
	_ =	strace s9  }
0x27: {  	s1 =	sld [smem:$0x3F9D]  }
0x28: {  	s2 =	sld [smem:$0x3F9E]  }
0x29: {  	s4 =	sld [smem:$0x3FA0]  }
0x2a: {  	p0 =	seq.s32 s5, $0x0;
	s5 =	sld [smem:$0x3FA1]  }
0x2b: {  	s6 =	sld [smem:$0x3FA2]  }
0x2c: {  	s7 =	sld [smem:$0x3FA3]  }
0x2d: {  	s3 =	simm.s32 $0x108;
	s8 =	sld [smem:$0x3FA4]  }
0x2e: {  	s3 =	simm.s32 @!p0 $0x1082;
	s9 =	sld [smem:$0x3FA5]  }
0x2f: {  	lr =	sadd.s32 s0, s3;
	s0 =	sld [smem:$0x3F9C]  }
0x30: {  	s3 =	sld [smem:$0x3F9F]  }
0x31: {  	[smem:$0x3FA8] =	sst s10  }
0x32: {  	s10 =	sld [smem:$0x3FA6];
	_ =	sdelay $0x3  }
0x33: {  	p0 =	seq.s32 s10, $0x1;
	s10 =	sld [smem:$0x3FA8];
	_ =	sdelay $0x3  }
0x34: {  	[smem:$0x3FA8] =	sst s10  }
0x35: {  	s10 =	sld [smem:$0x3FA7];
	_ =	sdelay $0x3  }
0x36: {  	p1 =	seq.s32 s10, $0x1;
	s10 =	sld [smem:$0x3FA8];
	_ =	sdelay $0x3  }
0x37: {  	[smem:$0x3FA8] =	sst s10  }
0x38: {  	s10 =	sld [smem:$0x3FA9]  }
0x39: {  	_ = 	snop;
	(pc) =	sbr.ind lr, $3  }
0x3a: {  	_ = 	snop  }
0x3b: {  	_ = 	snop  }
0x3c: {  	p2 =	seq.s32 s10, $0x1;
	s10 =	sld [smem:$0x3FA8]  }
0x3d: {  	_ =	shalt  }
0x3e: {  	_ =	shalt  }
0x3f: {  	_ =	shalt  }
0x40: {  	_ =	shalt  }
0x41: {  	_ =	shalt  }
0x42: {  	_ =	shalt  }
0x43: {  	_ =	shalt  }
0x44: {  	_ =	shalt  }
0x45: {  	_ =	shalt  }
0x46: {  	_ =	shalt  }
0x47: {  	_ =	shalt  }
0x48: {  	_ =	shalt  }
0x49: {  	_ =	shalt  }
0x4a: {  	_ =	shalt  }
0x4b: {  	_ =	shalt  }
0x4c: {  	_ =	shalt  }
0x4d: {  	_ =	shalt  }
0x4e: {  	_ =	shalt  }
0x4f: {  	_ =	shalt  }
0x50: {  	_ =	shalt  }
0x51: {  	_ =	shalt  }
0x52: {  	_ =	shalt  }
0x53: {  	_ =	shalt  }
0x54: {  	_ =	shalt  }
0x55: {  	_ =	shalt  }
0x56: {  	_ =	shalt  }
0x57: {  	_ =	shalt  }
0x58: {  	_ =	shalt  }
0x59: {  	_ =	shalt  }
0x5a: {  	_ =	shalt  }
0x5b: {  	_ =	shalt  }
0x5c: {  	_ =	shalt  }
0x5d: {  	_ =	shalt  }
0x5e: {  	_ =	shalt  }
0x5f: {  	_ =	shalt  }
0x60: {  	_ =	shalt  }
0x61: {  	_ =	shalt  }
0x62: {  	_ =	shalt  }
0x63: {  	_ =	shalt  }
0x64: {  	_ =	shalt  }
0x65: {  	_ =	shalt  }
0x66: {  	_ =	shalt  }
0x67: {  	_ =	shalt  }
0x68: {  	_ =	shalt  }
0x69: {  	_ =	shalt  }
0x6a: {  	_ =	shalt  }
0x6b: {  	_ =	shalt  }
0x6c: {  	_ =	shalt  }
0x6d: {  	_ =	shalt  }
0x6e: {  	_ =	shalt  }
0x6f: {  	_ =	shalt  }
0x70: {  	_ =	shalt  }
0x71: {  	_ =	shalt  }
0x72: {  	_ =	shalt  }
0x73: {  	_ =	shalt  }
0x74: {  	_ =	shalt  }
0x75: {  	_ =	shalt  }
0x76: {  	_ =	shalt  }
0x77: {  	_ =	shalt  }
0x78: {  	_ =	shalt  }
0x79: {  	_ =	shalt  }
0x7a: {  	_ =	shalt  }
0x7b: {  	_ =	shalt  }
0x7c: {  	_ =	shalt  }
0x7d: {  	_ =	shalt  }
0x7e: {  	_ =	shalt  }
0x7f: {  	_ =	shalt  }
0x80: {  	_ =	shalt  }
0x81: {  	_ =	shalt  }
0x82: {  	_ =	shalt  }
0x83: {  	_ =	shalt  }
0x84: {  	_ =	shalt  }
0x85: {  	_ =	shalt  }
0x86: {  	_ =	shalt  }
0x87: {  	_ =	shalt  }
.Lfunc_end0:
.L_simem_size_0:
called_computation.1_lowered:
.L_overlay_start_0:
0x88: {  	s2 =	sld [smem:$0x3FD9]  }
0x89: {  	s3 =	sld [smem:$0x3FFE];
	_ =	sdelay $0x1  }
0x8a: {  	s1 =	srdreg.scid  }
0x8b: {  	s0 =	sand.u32 $0x1, s1  }
0x8c: {  	s14 =	sshll.u32 s0, $0xA;
	s2 =	sadd.s32 s3, s2  }
0x8d: {  	s2 =	sadd.s32 s2, s14  }
0x8e: {  	[smem:$0x3FB4] =	sst s2  }
0x8f: {  	_ = 	snop  }
0x90: {  	s2 =	sld [smem:$0x3FD0];
	_ =	sdelay $0x2  }
0x91: {  	s4 =	simm.s32 $0xA;
	s5 =	simm.s32 $0x10;
	s15 =	sld [smem:$0x3FC6]  }
0x92: {  	[smem:s5], [sflag:s4] =	dma.local [hbm:s2], $0x1  }
0x93: {  	_ =	swait.eq [sflag:s4], $0x1  }
0x94: {  	[sflag:s4] =	ssyncset.done $0x0  }
0x95: {  	s16 =	sld [smem:$0x10];
	[sflag:s4] =	ssyncadd.s32 $0xFFFFFFFF  }
0x96: {  	s17 =	sld [smem:$0x11];
	(tm) =	ssettm $0x1  }
0x97: {  	s18 =	sld [smem:$0x3FFB];
	_ =	sdelay $0x3  }
0x98: {  	_ =	strace s18  }
0x99: {  	s5 =	sld [smem:$0x3FFC];
	_ =	sdelay $0x3  }
0x9a: {  	_ =	strace s5  }
0x9b: {  	s5 =	sld [smem:$0x3FFD];
	_ =	sdelay $0x3  }
0x9c: {  	_ =	strace s5  }
0x9d: {  	_ =	strace $0x8FFFFFFF  }
0x9e: {  	s19 =	sld [smem:$0x3FDB];
	_ =	sdelay $0x1  }
0x9f: {  	s6 =	simm.s32 $_scs_section_size  }
0xa0: {  	s7 =	simm.s32 $_size__tile_overlayer_lowered;
	s8 =	simm.s32 $_tile_overlayer_lowered  }
0xa1: {  	s22 =	simm.s32 $0x1BFF;
	s21 =	sshll.u32 s8, $0x1;
	s5 =	sadd.s32 s6, s19  }
0xa2: {  	s9 =	simm.s32 $0x0;
	s20 =	sshll.u32 s7, $0x1;
	s7 =	sadd.s32 s21, s5  }
0xa3: {  	[timem:s9], [sflag:s22] =	dma.local [hbm:s7], s20  }
0xa4: {  	_ =	swait.ge [sflag:s22], s20  }
0xa5: {  	s6 =	ssub.s32 $0x0, s20;
	[sflag:s22] =	ssyncset.done $0x0  }
0xa6: {  	[sflag:s22] =	ssyncadd.s32 s6;
	_ =	sdelay $0x1  }
0xa7: {  	s23 =	simm.s32 $0x1B8B  }
0xa8: {  	_ =	swait.ge [sflag:s23], $0x1  }
0xa9: {  	[sflag:s23] =	ssyncset.done $0x0  }
0xaa: {  	s25 =	simm.s32 $0x1B8E;
	s24 =	sld [smem:$0x3FFE];
	[sflag:s23] =	ssyncadd.s32 $0xFFFFFFFF  }
0xab: {  	s26 =	simm.s32 $execute0_lowered;
	[smem:$0x3FD2] =	sst s25  }
0xac: {  	s7 =	sshll.u32 s26, $0x1;
	_ =	strace $0x80000049;
	[dreg:$0x1] =	wrdreg $0xFFFFFFFF  }
0xad: {  	s28 =	simm.s32 $_size_execute0_lowered;
	s5 =	sadd.s32 s5, s7;
	[dreg:$0x0] =	wrdreg $0x0  }
0xae: {  	s7 =	sshll.u32 s28, $0x1;
	[dreg:$0x2] =	wrdreg s5  }
0xaf: {  	[dreg:$0x3] =	wrdreg s7  }
0xb0: {  	[dreg:$0x4] =	wrdreg $0xC0  }
0xb1: {  	_ =	task [dreg:s9], $0x5FFFF  }
0xb2: {  	[dreg:$0x1] =	wrdreg $0xFFFFFFFF  }
0xb3: {  	[dreg:$0x0] =	wrdreg $0x60  }
0xb4: {  	[dreg:$0x2] =	wrdreg s16  }
0xb5: {  	[dreg:$0x3] =	wrdreg s17  }
0xb6: {  	[dreg:$0x4] =	wrdreg s24  }
0xb7: {  	[dreg:$0x5] =	wrdreg s15  }
0xb8: {  	[dreg:$0x6] =	wrdreg $0x9  }
0xb9: {  	_ =	task.clear_ibuf [dreg:s9], $0x7FFFF;
	_ =	strace $0x90000049  }
0xba: {  	s29 =	simm.s32 $0x9;
	_ =	strace $0x8000004B  }
0xbb: {  	_ =	swait.ge [sflag:s29], $0x1  }
0xbc: {  	[sflag:s29] =	ssyncadd.s32 $0xFFFFFFFF  }
0xbd: {  	_ =	strace $0x9000004B  }
0xbe: {  	_ =	sfence  }
0xbf: {  	s30 =	sld [smem:$0x0];
	_ =	sdelay $0x2  }
0xc0: {  	s31 =	sshll.u32 s1, $0xD;
	s1 =	sshrl.u32 s1, $0x2  }
0xc1: {  	s3 =	sand.u32 $0x4000, s31;
	s1 =	sadd.s32 s1, s30  }
0xc2: {  	s0 =	sor.u32 s3, s0;
	s1 =	sshll.u32 s1, $0x11  }
0xc3: {  	s0 =	sor.u32 s1, s0  }
0xc4: {  	s0 =	sadd.s32 $0x8F2B, s0  }
0xc5: {  	[sflag:s0] =	ssyncadd.remote.s32 $0x1  }
0xc6: {  	_ =	sfence.sel $0xFFFF  }
0xc7: {  	[dreg:$0x0] =	wrdreg $0xFFFFFFFF;
	(pc) =	sbr.abs _section_cstart, $3  }
0xc8: {  	[dreg:$0x1] =	wrdreg $0xFFFFFFFF  }
0xc9: {  	_ =	task.clear_ibuf [dreg:s9], $0x2FFFF;
	_ =	strace $0x9FFFFFFF  }
0xca: {  	(tm) =	ssettm $0x7FFFFFFF  }
0xcb: {  	_ =	shalt  }
tec
execute0_lowered:
.L_overlay_start_1:
0x0: {  	(tag) =	ssettag $0x1  }
0x1: {  	s1 =	rddreg [dreg:$0x0]  }
0x2: {  	s2 =	rddreg [dreg:$0x1]  }
0x3: {  	s0 =	rddreg [dreg:$0x2]  }
0x4: {  	s3 =	rddreg [dreg:$0x3];
	s5 =	simm.s32 $0x0  }
0x5: {  	s4 =	srdreg.scid;
	s19 =	stileid.u32;
	s28 =	simm.s32 $0x40  }
0x6: {  	s30 =	simm.s32 $0xE100;
	s29 =	simm.s32 $0x14380;
	s31 =	simm.s32 $0x12300  }
0x7: {  	[smem:$0x7FF] =	sst s5;
	s4 =	sand.u32 $0x1, s4;
	s6 =	sshll.u32 s19, $0x1  }
0x8: {  	s10 =	sadd.s32 $0xF400, s0;
	s11 =	sadd.s32 $0x5600, s0;
	s7 =	sadd.s32 $0x28F000, s0  }
0x9: {  	p0 =	sgt.u32 s19, $0x1;
	s19 =	simm.s32 $0x12380;
	s8 =	sor.u32 s4, s6  }
0xa: {  	_ =	strace $0x8000004A;
	s6 =	sadd.s32 $0x1E000, s0;
	s9 =	smul.u32 $0x4E, s8  }
0xb: {  	s4 =	ssub.s32 $0x2, s4;
	s12 =	sadd.s32 $0x1, s8;
	s8 =	smin.u32 s8, $0x4  }
0xc: {  	s25 =	sshrl.u32 s4, $0x1;
	s12 =	smin.u32 s12, $0x4;
	s13 =	sadd.s32 s8, s9  }
0xd: {  	s9 =	sadd.s32 s12, s9;
	s8 =	sadd.s32 $0x500000, s0;
	s0 =	ssub.s32 s4, s25  }
0xe: {  	s9 =	ssub.s32 s9, s13;
	s4 =	sshll.u32 s13, $0x6;
	s26 =	sshll.u32 s13, $0x3  }
0xf: {  	s0 =	smax.u32 s0, $0x1;
	s9 =	sadd.s32 $0x4E, s9;
	s14 =	sshrl.u32 s4, $0x3  }
0x10: {  	s16 =	sadd.s32 s11, s26;
	s12 =	sadd.s32 s10, s26;
	[dreg:$0xf] =	wrdreg s0  }
0x11: {  	s0 =	simm.s32 $0x10100;
	v0 =	vmov s4;
	s4 =	simm.s32 $0x16380;
	s15 =	sshll.u32 s9, $0x6  }
0x12: {  	[dreg:$0x5] =	wrdreg s16;
	s20 =	sadd.s32 $0x270, s14;
	s17 =	sadd.s32 $0x4E20, s14  }
0x13: {  	s22 =	sadd.s32 $0x5090, s14;
	[dreg:$0x8] =	wrdreg s12;
	s18 =	sadd.s32 s11, s20  }
0x14: {  	s16 =	simm.s32 $0x2;
	s21 =	sadd.s32 s11, s17;
	[dreg:$0x6] =	wrdreg s18  }
0x15: {  	s12 =	simm.s32 $0x0;
	s23 =	sadd.s32 s10, s17;
	[dreg:$0x7] =	wrdreg s21  }
0x16: {  	s11 =	sadd.s32 s11, s22;
	s24 =	sadd.s32 s10, s20;
	[dreg:$0x9] =	wrdreg s23  }
0x17: {  	s25 =	sadd.s32 s10, s22;
	s10 =	sadd.s32 s10, s14;
	[dreg:$0xa] =	wrdreg s11  }
.Ltmp0:
0x18: {  	s20 =	sadd.s32 $0x7FFFF, s13;
	[dreg:$0xb] =	wrdreg s24;
	(pc) =	sbr.rel .LBB2_1-.Ltmp0, $4  }
0x19: {  	s17 =	simm.s32 $0x18380;
	[dreg:$0xc] =	wrdreg s25;
	s26 =	sadd.s32 $0x9C40, s10  }
0x1a: {  	s10 =	sadd.s32 $0x9EB0, s10;
	s21 =	sshll.u32 s13, $0xA;
	s24 =	simm.s32 $0x5  }
0x1b: {  	s23 =	simm.s32 $0x8100;
	s18 =	simm.s32 $0x1A380;
	[dreg:$0xd] =	wrdreg s26  }
0x1c: {  	v2 =	vimm.s32 $0x0;
	v3 =	vimm.s32 $0x1;
	v1 =	vmov s15;
	s25 =	simm.s32 $0x1;
	[dreg:$0xe] =	wrdreg s10;
	s26 =	simm.s32 $0x1400  }
.LBB2_21:
0x1d: {  	s10 =	simm.s32 $0x3  }
0x1e: {  	_ =	swait.ge [sflag:s10], $0x2000  }
0x1f: {  	[sflag:s10] =	ssyncset.done $0x0  }
0x20: {  	[sflag:s10] =	ssyncadd.s32 $0xFFFFE000  }
0x21: {  	_ =	swait.ge [sflag:s10], $0x2000  }
0x22: {  	[sflag:s10] =	ssyncset.done $0x0  }
0x23: {  	[sflag:s10] =	ssyncadd.s32 $0xFFFFE000  }
0x24: {  	_ =	swait.ge [sflag:s10], $0x2000  }
0x25: {  	[sflag:s10] =	ssyncset.done $0x0  }
0x26: {  	s11 =	simm.s32 $0x4;
	[sflag:s10] =	ssyncadd.s32 $0xFFFFE000  }
0x27: {  	_ =	swait.ge [sflag:s11], $0x2000  }
0x28: {  	[sflag:s11] =	ssyncset.done $0x0  }
0x29: {  	[sflag:s11] =	ssyncadd.s32 $0xFFFFE000  }
0x2a: {  	_ =	swait.ge [sflag:s11], $0x2000  }
0x2b: {  	[sflag:s11] =	ssyncset.done $0x0  }
0x2c: {  	[sflag:s11] =	ssyncadd.s32 $0xFFFFE000  }
0x2d: {  	_ =	swait.ge [sflag:s11], $0x2000  }
0x2e: {  	s12 =	rddreg [dreg:$0x10]  }
0x2f: {  	s22 =	rddreg [dreg:$0xf];
	s12 =	sadd.s32 $0x1, s12  }
0x30: {  	p1 =	sne.s32 s12, s22  }
.Ltmp1:
0x31: {  	_ = 	snop;
	(pc) =	sbr.rel @!p1 .LBB2_22-.Ltmp1, $3  }
0x32: {  	_ =	sdelay $0x1  }
0x33: {  	[sflag:s11] =	ssyncset.done $0x0  }
0x34: {  	[sflag:s11] =	ssyncadd.s32 $0xFFFFE000  }
.LBB2_1:
0x35: {  	[dreg:$0x10] =	wrdreg s12  }
0x36: {  	s10 =	rddreg [dreg:$0x5];
	s11 =	simm.s32 $0x1A80  }
0x37: {  	[tilespmem:s11], [sflag:$0x5] =	stream.linear.gather [hbm4b:s10+s5], $0x1380, $0x38;
	[tilespmem:$0x1C380] =	vst v63  }
0x38: {  	_ =	swait.ge [sflag:s24], $0x1380  }
0x39: {  	s10 =	simm.s32 @p0 $0x0;
	[sflag:s24] =	ssyncset.done $0x0  }
0x3a: {  	s11 =	simm.s32 @p0 $0x2E80;
	s22 =	rddreg [dreg:$0x7];
	[sflag:s24] =	ssyncadd.s32 $0xFFFFEC80  }
0x3b: {  	[tilespmem:s11], [sflag:$0x5] =	stream.linear.gather @p0 [hbm4b:s22+s10], $0x1380, $0x38;
	[tilespmem:$0x1C380] =	vst v63  }
0x3c: {  	s11 =	simm.s32 @p0 $0x5  }
0x3d: {  	_ =	swait.ge @p0 [sflag:s11], $0x1380  }
0x3e: {  	[sflag:s11] =	ssyncset.done @p0 $0x0  }
0x3f: {  	s15 =	simm.s32 @p0 $0x4280;
	s13 =	rddreg [dreg:$0x8];
	[sflag:s11] =	ssyncadd.s32 @p0 $0xFFFFEC80  }
0x40: {  	[tilespmem:s15], [sflag:$0x5] =	stream.linear.gather @p0 [hbm4b:s13+s10], $0x1380, $0x38;
	[tilespmem:$0x1C380] =	vst v63  }
0x41: {  	_ =	swait.ge @p0 [sflag:s11], $0x1380  }
0x42: {  	[sflag:s11] =	ssyncset.done @p0 $0x0  }
0x43: {  	s15 =	simm.s32 @p0 $0x5680;
	s14 =	rddreg [dreg:$0x9];
	[sflag:s11] =	ssyncadd.s32 @p0 $0xFFFFEC80  }
0x44: {  	[tilespmem:s15], [sflag:$0x5] =	stream.linear.gather @p0 [hbm4b:s14+s10], $0x1380, $0x38;
	[tilespmem:$0x1C380] =	vst v63  }
0x45: {  	_ =	swait.ge @p0 [sflag:s11], $0x1380  }
0x46: {  	s10 =	simm.s32 @!p0 $0x0;
	[sflag:s11] =	ssyncset.done @p0 $0x0  }
0x47: {  	s12 =	rddreg [dreg:$0x6];
	[sflag:s11] =	ssyncadd.s32 @p0 $0xFFFFEC80;
	s11 =	simm.s32 @!p0 $0x2E00  }
0x48: {  	[tilespmem:s11], [sflag:$0x5] =	stream.linear.gather @!p0 [hbm4b:s12+s10], $0x40, $0x38;
	[tilespmem:$0x1C380] =	vst v63  }
0x49: {  	s11 =	simm.s32 @!p0 $0x5  }
0x4a: {  	_ =	swait.ge @!p0 [sflag:s11], $0x40  }
0x4b: {  	[sflag:s11] =	ssyncset.done @!p0 $0x0  }
0x4c: {  	s15 =	simm.s32 @!p0 $0x2E80;
	[sflag:s11] =	ssyncadd.s32 @!p0 $0xFFFFFFC0  }
0x4d: {  	[tilespmem:s15], [sflag:$0x5] =	stream.linear.gather @!p0 [hbm4b:s22+s10], $0x1380, $0x38;
	[tilespmem:$0x1C380] =	vst v63  }
0x4e: {  	_ =	swait.ge @!p0 [sflag:s11], $0x1380  }
0x4f: {  	[sflag:s11] =	ssyncset.done @!p0 $0x0  }
0x50: {  	s15 =	simm.s32 @!p0 $0x4200;
	s12 =	rddreg [dreg:$0xa];
	[sflag:s11] =	ssyncadd.s32 @!p0 $0xFFFFEC80  }
0x51: {  	[tilespmem:s15], [sflag:$0x5] =	stream.linear.gather @!p0 [hbm4b:s12+s10], $0x40, $0x38;
	[tilespmem:$0x1C380] =	vst v63  }
0x52: {  	_ =	swait.ge @!p0 [sflag:s11], $0x40  }
0x53: {  	[sflag:s11] =	ssyncset.done @!p0 $0x0  }
0x54: {  	s15 =	simm.s32 @!p0 $0x4280;
	[sflag:s11] =	ssyncadd.s32 @!p0 $0xFFFFFFC0  }
0x55: {  	[tilespmem:s15], [sflag:$0x5] =	stream.linear.gather @!p0 [hbm4b:s13+s10], $0x1380, $0x38;
	[tilespmem:$0x1C380] =	vst v63  }
0x56: {  	_ =	swait.ge @!p0 [sflag:s11], $0x1380  }
0x57: {  	[sflag:s11] =	ssyncset.done @!p0 $0x0  }
0x58: {  	s15 =	simm.s32 @!p0 $0x5600;
	s12 =	rddreg [dreg:$0xb];
	[sflag:s11] =	ssyncadd.s32 @!p0 $0xFFFFEC80  }
0x59: {  	[tilespmem:s15], [sflag:$0x5] =	stream.linear.gather @!p0 [hbm4b:s12+s10], $0x40, $0x38;
	[tilespmem:$0x1C380] =	vst v63  }
0x5a: {  	_ =	swait.ge @!p0 [sflag:s11], $0x40  }
0x5b: {  	[sflag:s11] =	ssyncset.done @!p0 $0x0  }
0x5c: {  	s15 =	simm.s32 @!p0 $0x5680;
	[sflag:s11] =	ssyncadd.s32 @!p0 $0xFFFFFFC0  }
0x5d: {  	[tilespmem:s15], [sflag:$0x5] =	stream.linear.gather @!p0 [hbm4b:s14+s10], $0x1380, $0x38;
	[tilespmem:$0x1C380] =	vst v63  }
0x5e: {  	_ =	swait.ge @!p0 [sflag:s11], $0x1380  }
0x5f: {  	[sflag:s11] =	ssyncset.done @!p0 $0x0  }
0x60: {  	s15 =	simm.s32 @!p0 $0x6A00;
	s12 =	rddreg [dreg:$0xc];
	[sflag:s11] =	ssyncadd.s32 @!p0 $0xFFFFEC80  }
0x61: {  	[tilespmem:s15], [sflag:$0x5] =	stream.linear.gather @!p0 [hbm4b:s12+s10], $0x40, $0x38;
	[tilespmem:$0x1C380] =	vst v63  }
0x62: {  	_ =	swait.ge @!p0 [sflag:s11], $0x40  }
0x63: {  	[sflag:s11] =	ssyncset.done @!p0 $0x0  }
0x64: {  	s22 =	simm.s32 $0x6A80;
	s15 =	rddreg [dreg:$0xd];
	[sflag:s11] =	ssyncadd.s32 @!p0 $0xFFFFFFC0  }
0x65: {  	[tilespmem:s22], [sflag:$0x5] =	stream.linear.gather [hbm4b:s15+s5], $0x1380, $0x38;
	[tilespmem:$0x1C380] =	vst v63  }
0x66: {  	_ =	swait.ge [sflag:s24], $0x1380  }
0x67: {  	[sflag:s24] =	ssyncset.done $0x0  }
0x68: {  	s15 =	simm.s32 @!p0 $0x7E00;
	s12 =	rddreg [dreg:$0xe];
	[sflag:s24] =	ssyncadd.s32 $0xFFFFEC80  }
0x69: {  	[tilespmem:s15], [sflag:$0x5] =	stream.linear.gather @!p0 [hbm4b:s12+s10], $0x40, $0x38;
	[tilespmem:$0x1C380] =	vst v63  }
0x6a: {  	_ =	swait.ge @!p0 [sflag:s11], $0x40  }
0x6b: {  	[sflag:s11] =	ssyncset.done @!p0 $0x0  }
0x6c: {  	s10 =	simm.s32 $0x40;
	[sflag:s11] =	ssyncadd.s32 @!p0 $0xFFFFFFC0;
	s11 =	simm.s32 $0x0  }
.LBB2_2:
0x6d: {  	p1 =	sne.s32 s10, $0x4EC0;
	[tilespmem:s11+$0x0] =	vst v2;
	s11 =	smov.u32 s10;
	s10 =	sadd.s32 $0x40, s10  }
.Ltmp2:
0x6e: {  	(pc) =	sbr.rel @p1 .LBB2_2-.Ltmp2, $2  }
0x6f: {  	_ =	sdelay $0x2  }
0x70: {  	s11 =	sshra.s32 s11, $0x2  }
0x71: {  	s10 =	simm.s32 $0x0  }
0x72: {  	[tilespmem:s11+$0x0] =	vst v2;
	s11 =	simm.s32 $0x0;
	s13 =	simm.s32 $0x7E80;
	s14 =	simm.s32 $0x7F00  }
.LBB2_4:
0x73: {  	s15 =	smul.u32 $0xC8, s11;
	_ =	sdelay $0x1  }
0x74: {  	s15 =	sadd.s32 s3, s15  }
0x75: {  	[tilespmem:s26], [sflag:$0x5] =	stream.linear.gather [hbm4b:s15+s10], $0x640, $0x38;
	[tilespmem:$0x1C380] =	vst v63  }
0x76: {  	_ =	swait.ge [sflag:s24], $0x640  }
0x77: {  	[sflag:s24] =	ssyncset.done $0x0  }
0x78: {  	s22 =	simm.s32 $0x0;
	s15 =	simm.s32 $0x40;
	[sflag:s24] =	ssyncadd.s32 $0xFFFFF9C0  }
.LBB2_5:
0x79: {  	p1 =	sne.s32 s15, $0x18C0;
	v4 =	vld [tilespmem:s22+$0x1400];
	_ =	sdelay $0x4  }
0x7a: {  	v4 =	vsub.s32 v4, v0  }
0x7b: {  	vm0 =	vgt.s32 v4, $0xFFFFFFFF;
	vm1 =	vlt.s32 v4, v1;
	vm2 =	vgt.s32 v4, $0x0  }
0x7c: {  	vm0 =	vmand vm0, vm1;
	v4 =	vnsel vm2, $0x0, v4  }
0x7d: {  	v4 =	vmin.u32 v4, $0x13BF  }
.Ltmp3:
0x7e: {  	(pc) =	sbr.rel @p1 .LBB2_5-.Ltmp3, $2  }
0x7f: {  	_ =	sdelay $0x2  }
0x80: {  	s22 =	sshra.s32 s15, $0x2;
	s15 =	sadd.s32 $0x40, s15;
	[tilespmem:v4+s5+$0x0] =	vst.idx.msk vm0, v3  }
0x81: {  	v4 =	vld [tilespmem:s22+$0x1400];
	_ =	sdelay $0x4  }
0x82: {  	v4 =	vsub.s32 v4, v0  }
0x83: {  	vm0 =	vgt.s32 v4, $0xFFFFFFFF;
	vm1 =	vlt.s32 v4, v1;
	vm2 =	vgt.s32 v4, $0x0  }
0x84: {  	s11 =	sadd.s32 $0x1, s11;
	vm0 =	vmand vm0, vm1;
	v4 =	vnsel vm2, $0x0, v4  }
0x85: {  	p1 =	sne.s32 s11, $0x32;
	v4 =	vmin.u32 v4, $0x13BF  }
.Ltmp4:
0x86: {  	_ = 	snop;
	(pc) =	sbr.rel @p1 .LBB2_4-.Ltmp4, $2  }
0x87: {  	_ =	sdelay $0x2  }
0x88: {  	[tilespmem:v4+s5+$0x0] =	vst.idx.msk vm0, v3  }
.Ltmp5:
0x89: {  	(pc) =	sbr.rel .LBB2_8-.Ltmp5, $2  }
0x8a: {  	_ =	sdelay $0x2  }
0x8b: {  	s10 =	simm.s32 $0x0  }
.LBB2_20:
0x8c: {  	s10 =	sadd.s32 $0x1, s10  }
0x8d: {  	p1 =	sne.s32 s10, $0x28  }
.Ltmp6:
0x8e: {  	_ = 	snop;
	(pc) =	sbr.rel @!p1 .LBB2_21-.Ltmp6, $1  }
0x8f: {  	_ =	sdelay $0x3  }
.LBB2_8:
0x90: {  	s11 =	sshll.u32 s10, $0x1  }
0x91: {  	p1 =	sge.u32 s11, s9  }
.Ltmp7:
0x92: {  	_ = 	snop;
	(pc) =	sbr.rel @p1 .LBB2_10-.Ltmp7, $2  }
0x93: {  	_ =	sdelay $0x2  }
0x94: {  	p2 =	seq.s32 s10, $0x0  }
0x95: {  	s15 =	simm.s32 @!p2 $0x3  }
0x96: {  	_ =	swait.ge @!p2 [sflag:s15], $0x2000  }
0x97: {  	[sflag:s15] =	ssyncset.done @!p2 $0x0  }
0x98: {  	[sflag:s15] =	ssyncadd.s32 @!p2 $0xFFFFE000  }
0x99: {  	_ =	swait.ge @!p2 [sflag:s15], $0x2000  }
0x9a: {  	[sflag:s15] =	ssyncset.done @!p2 $0x0  }
0x9b: {  	[sflag:s15] =	ssyncadd.s32 @!p2 $0xFFFFE000  }
0x9c: {  	_ =	swait.ge @!p2 [sflag:s15], $0x2000  }
0x9d: {  	[sflag:s15] =	ssyncset.done @!p2 $0x0  }
0x9e: {  	s12 =	sshll.u32 s10, $0x7;
	[sflag:s15] =	ssyncadd.s32 @!p2 $0xFFFFE000  }
0x9f: {  	v4 =	vld [tilespmem:s12+$0x0];
	_ =	sdelay $0x1  }
0xa0: {  	v5 =	vld [tilespmem:s12+$0x4280];
	_ =	sdelay $0x2  }
0xa1: {  	v4 =	vmul.u32 $0xBB8, v4;
	_ =	sdelay $0x1  }
0xa2: {  	v5 =	vadd.s32 v4, v5  }
0xa3: {  	[tilespmem:$0x7F80] =	vst v5  }
0xa4: {  	v5 =	vld [tilespmem:s12+$0x5680];
	_ =	sdelay $0x4  }
0xa5: {  	v5 =	vadd.s32 v4, v5  }
0xa6: {  	[tilespmem:$0x8000] =	vst v5  }
0xa7: {  	v5 =	vld [tilespmem:s12+$0x6A80];
	_ =	sdelay $0x4  }
0xa8: {  	v4 =	vadd.s32 v4, v5  }
0xa9: {  	[tilespmem:$0x8080] =	vst v4  }
0xaa: {  	v4 =	vld [tilespmem:s12+$0x1A80];
	_ =	sdelay $0x4  }
0xab: {  	[tilespmem:$0x7E80] =	vst v4  }
0xac: {  	v4 =	vld [tilespmem:s12+$0x2E80];
	_ =	sdelay $0x4  }
0xad: {  	[tilespmem:$0x7F00] =	vst v4  }
0xae: {  	v4 =	vld [tilespmem:s12+$0x10];
	_ =	sdelay $0x1  }
0xaf: {  	v5 =	vld [tilespmem:s12+$0x4290];
	_ =	sdelay $0x2  }
0xb0: {  	v4 =	vmul.u32 $0xBB8, v4;
	_ =	sdelay $0x1  }
0xb1: {  	v5 =	vadd.s32 v4, v5  }
0xb2: {  	[tilespmem:$0x7F90] =	vst v5  }
0xb3: {  	v5 =	vld [tilespmem:s12+$0x5690];
	_ =	sdelay $0x4  }
0xb4: {  	v5 =	vadd.s32 v4, v5  }
0xb5: {  	[tilespmem:$0x8010] =	vst v5  }
0xb6: {  	v5 =	vld [tilespmem:s12+$0x6A90];
	_ =	sdelay $0x4  }
0xb7: {  	v4 =	vadd.s32 v4, v5  }
0xb8: {  	[tilespmem:$0x8090] =	vst v4  }
0xb9: {  	v4 =	vld [tilespmem:s12+$0x1A90];
	_ =	sdelay $0x4  }
0xba: {  	[tilespmem:$0x7E90] =	vst v4  }
0xbb: {  	v4 =	vld [tilespmem:s12+$0x2E90];
	_ =	sdelay $0x4  }
0xbc: {  	[tilespmem:$0x7F10] =	vst v4  }
0xbd: {  	v4 =	vld [tilespmem:s12+$0x20];
	_ =	sdelay $0x1  }
0xbe: {  	v5 =	vld [tilespmem:s12+$0x42A0];
	_ =	sdelay $0x2  }
0xbf: {  	v4 =	vmul.u32 $0xBB8, v4;
	_ =	sdelay $0x1  }
0xc0: {  	v5 =	vadd.s32 v4, v5  }
0xc1: {  	[tilespmem:$0x7FA0] =	vst v5  }
0xc2: {  	v5 =	vld [tilespmem:s12+$0x56A0];
	_ =	sdelay $0x4  }
0xc3: {  	v5 =	vadd.s32 v4, v5  }
0xc4: {  	[tilespmem:$0x8020] =	vst v5  }
0xc5: {  	v5 =	vld [tilespmem:s12+$0x6AA0];
	_ =	sdelay $0x4  }
0xc6: {  	v4 =	vadd.s32 v4, v5  }
0xc7: {  	[tilespmem:$0x80A0] =	vst v4  }
0xc8: {  	v4 =	vld [tilespmem:s12+$0x1AA0];
	_ =	sdelay $0x4  }
0xc9: {  	[tilespmem:$0x7EA0] =	vst v4  }
0xca: {  	v4 =	vld [tilespmem:s12+$0x2EA0];
	_ =	sdelay $0x4  }
0xcb: {  	[tilespmem:$0x7F20] =	vst v4  }
0xcc: {  	v4 =	vld [tilespmem:s12+$0x30];
	_ =	sdelay $0x1  }
0xcd: {  	v5 =	vld [tilespmem:s12+$0x42B0];
	_ =	sdelay $0x2  }
0xce: {  	v4 =	vmul.u32 $0xBB8, v4;
	_ =	sdelay $0x1  }
0xcf: {  	v5 =	vadd.s32 v4, v5  }
0xd0: {  	[tilespmem:$0x7FB0] =	vst v5  }
0xd1: {  	v5 =	vld [tilespmem:s12+$0x56B0];
	_ =	sdelay $0x4  }
0xd2: {  	v5 =	vadd.s32 v4, v5  }
0xd3: {  	[tilespmem:$0x8030] =	vst v5  }
0xd4: {  	v5 =	vld [tilespmem:s12+$0x6AB0];
	_ =	sdelay $0x4  }
0xd5: {  	v4 =	vadd.s32 v4, v5  }
0xd6: {  	[tilespmem:$0x80B0] =	vst v4  }
0xd7: {  	v4 =	vld [tilespmem:s12+$0x1AB0];
	_ =	sdelay $0x4  }
0xd8: {  	[tilespmem:$0x7EB0] =	vst v4  }
0xd9: {  	v4 =	vld [tilespmem:s12+$0x2EB0];
	_ =	sdelay $0x4  }
0xda: {  	[tilespmem:$0x7F30] =	vst v4  }
0xdb: {  	[tilespmem:s30], [sflag:$0x1] =	stream.indirect.gather [hbm4b:s1+s28], $0x80, s13, s28, $0xb8;
	[tilespmem:$0x1C380] =	vst v63  }
0xdc: {  	_ = 	snop  }
0xdd: {  	[tilespmem:s0], [sflag:$0x1] =	stream.indirect.gather [hbm4b:s1+s28], $0x80, s14, s28, $0xb8;
	[tilespmem:$0x1C380] =	vst v63  }
0xde: {  	s12 =	simm.s32 $0x7F80  }
0xdf: {  	[tilespmem:s23], [sflag:$0x1] =	stream.indirect.gather [hbm4b:s2+s28], $0x80, s12, s28, $0xb8;
	[tilespmem:$0x1C380] =	vst v63  }
0xe0: {  	s22 =	simm.s32 $0xA100;
	s15 =	simm.s32 $0x8000  }
0xe1: {  	[tilespmem:s22], [sflag:$0x1] =	stream.indirect.gather [hbm4b:s2+s28], $0x80, s15, s28, $0xb8;
	[tilespmem:$0x1C380] =	vst v63  }
0xe2: {  	s15 =	simm.s32 $0x8080;
	s22 =	simm.s32 $0xC100  }
0xe3: {  	[tilespmem:s22], [sflag:$0x1] =	stream.indirect.gather [hbm4b:s2+s28], $0x80, s15, s28, $0xb8;
	[tilespmem:$0x1C380] =	vst v63  }
.LBB2_10:
0xe4: {  	p3 =	sgt.u32 @!p2 s11, s9  }
0xe5: {  	p3 =	por p2, p3  }
.Ltmp8:
0xe6: {  	_ = 	snop;
	(pc) =	sbr.rel @p3 .LBB2_14-.Ltmp8, $1  }
0xe7: {  	_ =	sdelay $0x3  }
0xe8: {  	_ =	swait.ge [sflag:s16], $0x2000  }
0xe9: {  	[sflag:s16] =	ssyncset.done $0x0  }
0xea: {  	[sflag:s16] =	ssyncadd.s32 $0xFFFFE000  }
0xeb: {  	_ =	swait.ge [sflag:s16], $0x2000  }
0xec: {  	[sflag:s16] =	ssyncset.done $0x0  }
0xed: {  	[sflag:s16] =	ssyncadd.s32 $0xFFFFE000  }
0xee: {  	_ =	swait.ge [sflag:s16], $0x2000  }
0xef: {  	[sflag:s16] =	ssyncset.done $0x0  }
0xf0: {  	[sflag:s16] =	ssyncadd.s32 $0xFFFFE000  }
0xf1: {  	_ =	swait.ge [sflag:s16], $0x2000  }
0xf2: {  	[sflag:s16] =	ssyncset.done $0x0  }
0xf3: {  	[sflag:s16] =	ssyncadd.s32 $0xFFFFE000  }
0xf4: {  	_ =	swait.ge [sflag:s16], $0x2000  }
0xf5: {  	[sflag:s16] =	ssyncset.done $0x0  }
0xf6: {  	s15 =	simm.s32 $0x0;
	[sflag:s16] =	ssyncadd.s32 $0xFFFFE000  }
0xf7: {  	v9 =	vld [tilespmem:s15+$0x16380]  }
0xf8: {  	v8 =	vld [tilespmem:s15+$0x16390]  }
0xf9: {  	v7 =	vld [tilespmem:s15+$0x163A0]  }
0xfa: {  	v6 =	vld [tilespmem:s15+$0x163B0]  }
0xfb: {  	v5 =	vld [tilespmem:s15+$0x163C0]  }
0xfc: {  	v4 =	vld [tilespmem:s15+$0x163D0]  }
0xfd: {  	v16 =	vld [tilespmem:s15+$0x14380]  }
0xfe: {  	v21 =	vld [tilespmem:s15+$0x14390]  }
0xff: {  	v15 =	vld [tilespmem:s15+$0x143A0]  }
0x100: {  	v14 =	vld [tilespmem:s15+$0x143B0]  }
0x101: {  	v13 =	vld [tilespmem:s15+$0x143C0]  }
0x102: {  	v12 =	vld [tilespmem:s15+$0x143D0]  }
0x103: {  	v11 =	vld [tilespmem:s15+$0x143E0]  }
0x104: {  	v10 =	vld [tilespmem:s15+$0x143F0]  }
0x105: {  	v22 =	vld [tilespmem:s15+$0x12380]  }
0x106: {  	v23 =	vld [tilespmem:s15+$0x12390]  }
0x107: {  	v20 =	vld [tilespmem:s15+$0x123A0]  }
0x108: {  	v19 =	vld [tilespmem:s15+$0x123B0]  }
0x109: {  	v18 =	vld [tilespmem:s15+$0x123C0]  }
0x10a: {  	v17 =	vld [tilespmem:s15+$0x123D0];
	v22 =	vadd.f32 v16, v22  }
0x10b: {  	s22 =	simm.s32 $0x200;
	v21 =	vadd.f32 v21, v23;
	v16 =	vld [tilespmem:s15+$0x123E0]  }
.LBB2_12:
0x10c: {  	p3 =	sne.s32 s22, $0x7E00;
	v9 =	vadd.f32 v9, v22;
	v15 =	vadd.f32 v15, v20;
	v20 =	vld [tilespmem:s15+$0x123F0]  }
0x10d: {  	v8 =	vadd.f32 v8, v21;
	v14 =	vadd.f32 v14, v19;
	v19 =	vld [tilespmem:s15+$0x163E0]  }
0x10e: {  	s12 =	sshra.s32 s22, $0x2;
	[tilespmem:s15+$0x12380] =	vst v9;
	v7 =	vadd.f32 v7, v15;
	v13 =	vadd.f32 v13, v18;
	v15 =	vld [tilespmem:s15+$0x163F0]  }
0x10f: {  	v9 =	vld [tilespmem:s12+$0x16380];
	[tilespmem:s15+$0x12390] =	vst v8;
	v6 =	vadd.f32 v6, v14;
	v12 =	vadd.f32 v12, v17  }
0x110: {  	v8 =	vld [tilespmem:s12+$0x16390];
	[tilespmem:s15+$0x123A0] =	vst v7;
	v5 =	vadd.f32 v5, v13;
	v11 =	vadd.f32 v11, v16  }
0x111: {  	v7 =	vld [tilespmem:s12+$0x163A0];
	[tilespmem:s15+$0x123B0] =	vst v6;
	v4 =	vadd.f32 v4, v12;
	v10 =	vadd.f32 v10, v20  }
0x112: {  	v6 =	vld [tilespmem:s12+$0x163B0];
	[tilespmem:s15+$0x123C0] =	vst v5;
	v11 =	vadd.f32 v19, v11  }
0x113: {  	v5 =	vld [tilespmem:s12+$0x163C0];
	[tilespmem:s15+$0x123D0] =	vst v4;
	v10 =	vadd.f32 v15, v10  }
0x114: {  	v4 =	vld [tilespmem:s12+$0x163D0];
	[tilespmem:s15+$0x123E0] =	vst v11  }
0x115: {  	v16 =	vld [tilespmem:s12+$0x14380];
	[tilespmem:s15+$0x123F0] =	vst v10;
	s15 =	smov.u32 s12  }
0x116: {  	v21 =	vld [tilespmem:s15+$0x14390]  }
0x117: {  	v15 =	vld [tilespmem:s15+$0x143A0]  }
0x118: {  	v14 =	vld [tilespmem:s15+$0x143B0]  }
0x119: {  	v13 =	vld [tilespmem:s15+$0x143C0]  }
0x11a: {  	v12 =	vld [tilespmem:s15+$0x143D0]  }
0x11b: {  	v11 =	vld [tilespmem:s15+$0x143E0]  }
0x11c: {  	v10 =	vld [tilespmem:s15+$0x143F0]  }
0x11d: {  	v17 =	vld [tilespmem:s15+$0x12380]  }
0x11e: {  	v23 =	vld [tilespmem:s15+$0x12390]  }
.Ltmp9:
0x11f: {  	v20 =	vld [tilespmem:s15+$0x123A0];
	(pc) =	sbr.rel @p3 .LBB2_12-.Ltmp9, $4  }
0x120: {  	v19 =	vld [tilespmem:s15+$0x123B0]  }
0x121: {  	v18 =	vld [tilespmem:s15+$0x123C0]  }
0x122: {  	v22 =	vadd.f32 v16, v17;
	v17 =	vld [tilespmem:s15+$0x123D0]  }
0x123: {  	s22 =	sadd.s32 $0x200, s22;
	v21 =	vadd.f32 v21, v23;
	v16 =	vld [tilespmem:s15+$0x123E0]  }
0x124: {  	v9 =	vadd.f32 v9, v22;
	v57 =	vld [tilespmem:s15+$0x123F0];
	v15 =	vadd.f32 v15, v20  }
0x125: {  	v58 =	vld [tilespmem:s15+$0x163E0];
	v8 =	vadd.f32 v8, v21;
	v14 =	vadd.f32 v14, v19  }
0x126: {  	v60 =	vld [tilespmem:s15+$0x163F0];
	[tilespmem:s15+$0x12380] =	vst v9;
	v7 =	vadd.f32 v7, v15;
	v59 =	vadd.f32 v13, v18  }
0x127: {  	[tilespmem:s15+$0x12390] =	vst v8;
	v6 =	vadd.f32 v6, v14;
	v61 =	vadd.f32 v12, v17  }
0x128: {  	[tilespmem:s15+$0x123A0] =	vst v7;
	v5 =	vadd.f32 v5, v59;
	v62 =	vadd.f32 v11, v16  }
0x129: {  	[tilespmem:s15+$0x123B0] =	vst v6;
	v4 =	vadd.f32 v4, v61;
	v63 =	vadd.f32 v10, v57  }
0x12a: {  	s11 =	sadd.s32 s11, s20;
	[tilespmem:s15+$0x123C0] =	vst v5;
	v5 =	vadd.f32 v58, v62  }
0x12b: {  	s11 =	sshll.u32 s11, $0xA;
	[tilespmem:s15+$0x123D0] =	vst v4;
	v4 =	vadd.f32 v60, v63  }
0x12c: {  	s11 =	sand.u32 $0x1FFFFC00, s11;
	[tilespmem:s15+$0x123E0] =	vst v5  }
0x12d: {  	s12 =	sadd.s32 s6, s11;
	[tilespmem:s15+$0x123F0] =	vst v4  }
0x12e: {  	[hbm4b:s12+s5] =	stream.linear.scatter [tilespmem:s17], [sflag:$0x4], $0x2000, $0x38;
	[tilespmem:$0x1C380] =	vst v63  }
0x12f: {  	s22 =	sadd.s32 s7, s11  }
0x130: {  	[hbm4b:s22+s5] =	stream.linear.scatter [tilespmem:s18], [sflag:$0x4], $0x2000, $0x38;
	[tilespmem:$0x1C380] =	vst v63  }
0x131: {  	s11 =	sadd.s32 s8, s11  }
0x132: {  	[hbm4b:s11+s5] =	stream.linear.scatter [tilespmem:s19], [sflag:$0x4], $0x2000, $0x38;
	[tilespmem:$0x1C380] =	vst v63  }
.LBB2_14:
0x133: {  	s11 =	sshllo.u32 s10, $0x1  }
0x134: {  	p3 =	sge.u32 s11, s9  }
.Ltmp10:
0x135: {  	_ = 	snop;
	(pc) =	sbr.rel @p3 .LBB2_16-.Ltmp10, $1  }
0x136: {  	_ =	sdelay $0x3  }
0x137: {  	s12 =	simm.s32 @!p2 $0x4  }
0x138: {  	_ =	swait.ge @!p2 [sflag:s12], $0x2000  }
0x139: {  	[sflag:s12] =	ssyncset.done @!p2 $0x0  }
0x13a: {  	[sflag:s12] =	ssyncadd.s32 @!p2 $0xFFFFE000  }
0x13b: {  	_ =	swait.ge @!p2 [sflag:s12], $0x2000  }
0x13c: {  	[sflag:s12] =	ssyncset.done @!p2 $0x0  }
0x13d: {  	[sflag:s12] =	ssyncadd.s32 @!p2 $0xFFFFE000  }
0x13e: {  	_ =	swait.ge @!p2 [sflag:s12], $0x2000  }
0x13f: {  	[sflag:s12] =	ssyncset.done @!p2 $0x0  }
0x140: {  	s11 =	sshll.u32 s11, $0x6;
	[sflag:s12] =	ssyncadd.s32 @!p2 $0xFFFFE000  }
0x141: {  	v4 =	vld [tilespmem:s11+$0x0];
	_ =	sdelay $0x1  }
0x142: {  	v5 =	vld [tilespmem:s11+$0x4280];
	_ =	sdelay $0x2  }
0x143: {  	v4 =	vmul.u32 $0xBB8, v4;
	_ =	sdelay $0x1  }
0x144: {  	v5 =	vadd.s32 v4, v5  }
0x145: {  	[tilespmem:$0x12200] =	vst v5  }
0x146: {  	v5 =	vld [tilespmem:s11+$0x5680];
	_ =	sdelay $0x4  }
0x147: {  	v5 =	vadd.s32 v4, v5  }
0x148: {  	[tilespmem:$0x12280] =	vst v5  }
0x149: {  	v5 =	vld [tilespmem:s11+$0x6A80];
	_ =	sdelay $0x4  }
0x14a: {  	v4 =	vadd.s32 v4, v5  }
0x14b: {  	[tilespmem:$0x12300] =	vst v4  }
0x14c: {  	v4 =	vld [tilespmem:s11+$0x1A80];
	_ =	sdelay $0x4  }
0x14d: {  	[tilespmem:$0x12100] =	vst v4  }
0x14e: {  	v4 =	vld [tilespmem:s11+$0x2E80];
	_ =	sdelay $0x4  }
0x14f: {  	s22 =	sor.u32 $0x50, s11;
	[tilespmem:$0x12180] =	vst v4  }
0x150: {  	v4 =	vld [tilespmem:s22+$0x0];
	_ =	sdelay $0x1  }
0x151: {  	v5 =	vld [tilespmem:s22+$0x4280];
	_ =	sdelay $0x2  }
0x152: {  	v4 =	vmul.u32 $0xBB8, v4;
	_ =	sdelay $0x1  }
0x153: {  	v5 =	vadd.s32 v4, v5  }
0x154: {  	[tilespmem:$0x12210] =	vst v5  }
0x155: {  	v5 =	vld [tilespmem:s22+$0x5680];
	_ =	sdelay $0x4  }
0x156: {  	v5 =	vadd.s32 v4, v5  }
0x157: {  	[tilespmem:$0x12290] =	vst v5  }
0x158: {  	v5 =	vld [tilespmem:s22+$0x6A80];
	_ =	sdelay $0x4  }
0x159: {  	v4 =	vadd.s32 v4, v5  }
0x15a: {  	[tilespmem:$0x12310] =	vst v4  }
0x15b: {  	v4 =	vld [tilespmem:s22+$0x1A80];
	_ =	sdelay $0x4  }
0x15c: {  	[tilespmem:$0x12110] =	vst v4  }
0x15d: {  	v4 =	vld [tilespmem:s22+$0x2E80];
	_ =	sdelay $0x4  }
0x15e: {  	s15 =	sor.u32 $0x60, s11;
	[tilespmem:$0x12190] =	vst v4  }
0x15f: {  	v4 =	vld [tilespmem:s15+$0x0];
	_ =	sdelay $0x1  }
0x160: {  	v5 =	vld [tilespmem:s15+$0x4280];
	_ =	sdelay $0x2  }
0x161: {  	v4 =	vmul.u32 $0xBB8, v4;
	_ =	sdelay $0x1  }
0x162: {  	v5 =	vadd.s32 v4, v5  }
0x163: {  	[tilespmem:$0x12220] =	vst v5  }
0x164: {  	v5 =	vld [tilespmem:s15+$0x5680];
	_ =	sdelay $0x4  }
0x165: {  	v5 =	vadd.s32 v4, v5  }
0x166: {  	[tilespmem:$0x122A0] =	vst v5  }
0x167: {  	v5 =	vld [tilespmem:s15+$0x6A80];
	_ =	sdelay $0x4  }
0x168: {  	v4 =	vadd.s32 v4, v5  }
0x169: {  	[tilespmem:$0x12320] =	vst v4  }
0x16a: {  	v4 =	vld [tilespmem:s15+$0x1A80];
	_ =	sdelay $0x4  }
0x16b: {  	[tilespmem:$0x12120] =	vst v4  }
0x16c: {  	v4 =	vld [tilespmem:s15+$0x2E80];
	_ =	sdelay $0x4  }
0x16d: {  	s11 =	sor.u32 $0x70, s11;
	[tilespmem:$0x121A0] =	vst v4  }
0x16e: {  	v4 =	vld [tilespmem:s11+$0x0];
	_ =	sdelay $0x1  }
0x16f: {  	v5 =	vld [tilespmem:s11+$0x4280];
	_ =	sdelay $0x2  }
0x170: {  	v4 =	vmul.u32 $0xBB8, v4;
	_ =	sdelay $0x1  }
0x171: {  	v5 =	vadd.s32 v4, v5  }
0x172: {  	[tilespmem:$0x12230] =	vst v5  }
0x173: {  	v5 =	vld [tilespmem:s11+$0x5680];
	_ =	sdelay $0x4  }
0x174: {  	v5 =	vadd.s32 v4, v5  }
0x175: {  	[tilespmem:$0x122B0] =	vst v5  }
0x176: {  	v5 =	vld [tilespmem:s11+$0x6A80];
	_ =	sdelay $0x4  }
0x177: {  	v4 =	vadd.s32 v4, v5  }
0x178: {  	[tilespmem:$0x12330] =	vst v4  }
0x179: {  	v4 =	vld [tilespmem:s11+$0x1A80];
	_ =	sdelay $0x4  }
0x17a: {  	[tilespmem:$0x12130] =	vst v4  }
0x17b: {  	v4 =	vld [tilespmem:s11+$0x2E80];
	_ =	sdelay $0x4  }
0x17c: {  	s22 =	simm.s32 $0x12100;
	[tilespmem:$0x121B0] =	vst v4  }
0x17d: {  	[tilespmem:s17], [sflag:$0x2] =	stream.indirect.gather [hbm4b:s1+s28], $0x80, s22, s28, $0xb8;
	[tilespmem:$0x1C380] =	vst v63  }
0x17e: {  	s12 =	simm.s32 $0x12180  }
0x17f: {  	[tilespmem:s18], [sflag:$0x2] =	stream.indirect.gather [hbm4b:s1+s28], $0x80, s12, s28, $0xb8;
	[tilespmem:$0x1C380] =	vst v63  }
0x180: {  	s15 =	simm.s32 $0x12200  }
0x181: {  	[tilespmem:s19], [sflag:$0x2] =	stream.indirect.gather [hbm4b:s2+s28], $0x80, s15, s28, $0xb8;
	[tilespmem:$0x1C380] =	vst v63  }
0x182: {  	s22 =	simm.s32 $0x12280  }
0x183: {  	[tilespmem:s29], [sflag:$0x2] =	stream.indirect.gather [hbm4b:s2+s28], $0x80, s22, s28, $0xb8;
	[tilespmem:$0x1C380] =	vst v63  }
0x184: {  	_ = 	snop  }
0x185: {  	[tilespmem:s4], [sflag:$0x2] =	stream.indirect.gather [hbm4b:s2+s28], $0x80, s31, s28, $0xb8;
	[tilespmem:$0x1C380] =	vst v63  }
.LBB2_16:
.Ltmp11:
0x186: {  	(pc) =	sbr.rel @p1 .LBB2_20-.Ltmp11, $1  }
0x187: {  	_ =	sdelay $0x3  }
0x188: {  	_ =	swait.ge [sflag:s25], $0x2000  }
0x189: {  	[sflag:s25] =	ssyncset.done $0x0  }
0x18a: {  	[sflag:s25] =	ssyncadd.s32 $0xFFFFE000  }
0x18b: {  	_ =	swait.ge [sflag:s25], $0x2000  }
0x18c: {  	[sflag:s25] =	ssyncset.done $0x0  }
0x18d: {  	[sflag:s25] =	ssyncadd.s32 $0xFFFFE000  }
0x18e: {  	_ =	swait.ge [sflag:s25], $0x2000  }
0x18f: {  	[sflag:s25] =	ssyncset.done $0x0  }
0x190: {  	[sflag:s25] =	ssyncadd.s32 $0xFFFFE000  }
0x191: {  	_ =	swait.ge [sflag:s25], $0x2000  }
0x192: {  	[sflag:s25] =	ssyncset.done $0x0  }
0x193: {  	[sflag:s25] =	ssyncadd.s32 $0xFFFFE000  }
0x194: {  	_ =	swait.ge [sflag:s25], $0x2000  }
0x195: {  	[sflag:s25] =	ssyncset.done $0x0  }
0x196: {  	s11 =	simm.s32 $0x0;
	[sflag:s25] =	ssyncadd.s32 $0xFFFFE000  }
0x197: {  	v9 =	vld [tilespmem:s11+$0xC100]  }
0x198: {  	v8 =	vld [tilespmem:s11+$0xC110]  }
0x199: {  	v7 =	vld [tilespmem:s11+$0xC120]  }
0x19a: {  	v6 =	vld [tilespmem:s11+$0xC130]  }
0x19b: {  	v5 =	vld [tilespmem:s11+$0xC140]  }
0x19c: {  	v4 =	vld [tilespmem:s11+$0xC150]  }
0x19d: {  	v16 =	vld [tilespmem:s11+$0xA100]  }
0x19e: {  	v21 =	vld [tilespmem:s11+$0xA110]  }
0x19f: {  	v15 =	vld [tilespmem:s11+$0xA120]  }
0x1a0: {  	v14 =	vld [tilespmem:s11+$0xA130]  }
0x1a1: {  	v13 =	vld [tilespmem:s11+$0xA140]  }
0x1a2: {  	v12 =	vld [tilespmem:s11+$0xA150]  }
0x1a3: {  	v11 =	vld [tilespmem:s11+$0xA160]  }
0x1a4: {  	v10 =	vld [tilespmem:s11+$0xA170]  }
0x1a5: {  	v22 =	vld [tilespmem:s11+$0x8100]  }
0x1a6: {  	v23 =	vld [tilespmem:s11+$0x8110]  }
0x1a7: {  	v20 =	vld [tilespmem:s11+$0x8120]  }
0x1a8: {  	v19 =	vld [tilespmem:s11+$0x8130]  }
0x1a9: {  	v18 =	vld [tilespmem:s11+$0x8140]  }
0x1aa: {  	v17 =	vld [tilespmem:s11+$0x8150];
	v22 =	vadd.f32 v16, v22  }
0x1ab: {  	s15 =	simm.s32 $0x200;
	v21 =	vadd.f32 v21, v23;
	v16 =	vld [tilespmem:s11+$0x8160]  }
.LBB2_18:
0x1ac: {  	p1 =	sne.s32 s15, $0x7E00;
	v9 =	vadd.f32 v9, v22;
	v15 =	vadd.f32 v15, v20;
	v20 =	vld [tilespmem:s11+$0x8170]  }
0x1ad: {  	v8 =	vadd.f32 v8, v21;
	v14 =	vadd.f32 v14, v19;
	v19 =	vld [tilespmem:s11+$0xC160]  }
0x1ae: {  	s12 =	sshra.s32 s15, $0x2;
	[tilespmem:s11+$0x8100] =	vst v9;
	v7 =	vadd.f32 v7, v15;
	v13 =	vadd.f32 v13, v18;
	v15 =	vld [tilespmem:s11+$0xC170]  }
0x1af: {  	v9 =	vld [tilespmem:s12+$0xC100];
	[tilespmem:s11+$0x8110] =	vst v8;
	v6 =	vadd.f32 v6, v14;
	v12 =	vadd.f32 v12, v17  }
0x1b0: {  	v8 =	vld [tilespmem:s12+$0xC110];
	[tilespmem:s11+$0x8120] =	vst v7;
	v5 =	vadd.f32 v5, v13;
	v11 =	vadd.f32 v11, v16  }
0x1b1: {  	v7 =	vld [tilespmem:s12+$0xC120];
	[tilespmem:s11+$0x8130] =	vst v6;
	v4 =	vadd.f32 v4, v12;
	v10 =	vadd.f32 v10, v20  }
0x1b2: {  	v6 =	vld [tilespmem:s12+$0xC130];
	[tilespmem:s11+$0x8140] =	vst v5;
	v11 =	vadd.f32 v19, v11  }
0x1b3: {  	v5 =	vld [tilespmem:s12+$0xC140];
	[tilespmem:s11+$0x8150] =	vst v4;
	v10 =	vadd.f32 v15, v10  }
0x1b4: {  	v4 =	vld [tilespmem:s12+$0xC150];
	[tilespmem:s11+$0x8160] =	vst v11  }
0x1b5: {  	v16 =	vld [tilespmem:s12+$0xA100];
	[tilespmem:s11+$0x8170] =	vst v10;
	s11 =	smov.u32 s12  }
0x1b6: {  	v21 =	vld [tilespmem:s11+$0xA110]  }
0x1b7: {  	v15 =	vld [tilespmem:s11+$0xA120]  }
0x1b8: {  	v14 =	vld [tilespmem:s11+$0xA130]  }
0x1b9: {  	v13 =	vld [tilespmem:s11+$0xA140]  }
0x1ba: {  	v12 =	vld [tilespmem:s11+$0xA150]  }
0x1bb: {  	v11 =	vld [tilespmem:s11+$0xA160]  }
0x1bc: {  	v10 =	vld [tilespmem:s11+$0xA170]  }
0x1bd: {  	v17 =	vld [tilespmem:s11+$0x8100]  }
0x1be: {  	v23 =	vld [tilespmem:s11+$0x8110]  }
.Ltmp12:
0x1bf: {  	v20 =	vld [tilespmem:s11+$0x8120];
	(pc) =	sbr.rel @p1 .LBB2_18-.Ltmp12, $4  }
0x1c0: {  	v19 =	vld [tilespmem:s11+$0x8130]  }
0x1c1: {  	v18 =	vld [tilespmem:s11+$0x8140]  }
0x1c2: {  	v22 =	vadd.f32 v16, v17;
	v17 =	vld [tilespmem:s11+$0x8150]  }
0x1c3: {  	s15 =	sadd.s32 $0x200, s15;
	v21 =	vadd.f32 v21, v23;
	v16 =	vld [tilespmem:s11+$0x8160]  }
0x1c4: {  	v9 =	vadd.f32 v9, v22;
	v57 =	vld [tilespmem:s11+$0x8170];
	v15 =	vadd.f32 v15, v20  }
0x1c5: {  	v58 =	vld [tilespmem:s11+$0xC160];
	v8 =	vadd.f32 v8, v21;
	v14 =	vadd.f32 v14, v19  }
0x1c6: {  	v60 =	vld [tilespmem:s11+$0xC170];
	[tilespmem:s11+$0x8100] =	vst v9;
	v7 =	vadd.f32 v7, v15;
	v59 =	vadd.f32 v13, v18  }
0x1c7: {  	[tilespmem:s11+$0x8110] =	vst v8;
	v6 =	vadd.f32 v6, v14;
	v61 =	vadd.f32 v12, v17  }
0x1c8: {  	[tilespmem:s11+$0x8120] =	vst v7;
	v5 =	vadd.f32 v5, v59;
	v62 =	vadd.f32 v11, v16  }
0x1c9: {  	[tilespmem:s11+$0x8130] =	vst v6;
	v4 =	vadd.f32 v4, v61;
	v63 =	vadd.f32 v10, v57  }
0x1ca: {  	[tilespmem:s11+$0x8140] =	vst v5;
	v5 =	vadd.f32 v58, v62  }
0x1cb: {  	s12 =	sshll.u32 s10, $0xB;
	[tilespmem:s11+$0x8150] =	vst v4;
	v4 =	vadd.f32 v60, v63  }
0x1cc: {  	s12 =	sadd.s32 s21, s12;
	[tilespmem:s11+$0x8160] =	vst v5  }
0x1cd: {  	s22 =	sadd.s32 s6, s12;
	[tilespmem:s11+$0x8170] =	vst v4  }
0x1ce: {  	[hbm4b:s22+s5] =	stream.linear.scatter [tilespmem:s30], [sflag:$0x3], $0x2000, $0x38;
	[tilespmem:$0x1C380] =	vst v63  }
.Ltmp13:
0x1cf: {  	_ = 	snop;
	(pc) =	sbr.rel .LBB2_20-.Ltmp13, $4  }
0x1d0: {  	s15 =	sadd.s32 s7, s12  }
0x1d1: {  	[hbm4b:s15+s5] =	stream.linear.scatter [tilespmem:s0], [sflag:$0x3], $0x2000, $0x38;
	[tilespmem:$0x1C380] =	vst v63  }
0x1d2: {  	s22 =	sadd.s32 s8, s12  }
0x1d3: {  	[hbm4b:s22+s5] =	stream.linear.scatter [tilespmem:s23], [sflag:$0x3], $0x2000, $0x38;
	[tilespmem:$0x1C380] =	vst v63  }
.LBB2_22:
0x1d4: {  	_ =	sfence.sel $0x180000  }
0x1d5: {  	[bflag:$0x0] =	sbarrier.arrive $0xFFFF  }
0x1d6: {  	_ =	strace $0x9000004A  }
0x1d7: {  	s0 =	stileid.u32;
	[bflag:$0x2] =	sbarrier.arrive $0xFFFF  }
0x1d8: {  	p0 =	sne.s32 s0, $0x0;
	s0 =	rddreg [dreg:$0x4]  }
0x1d9: {  	s0 =	sadd.s32 @!p0 $0x100000, s0  }
0x1da: {  	[sflag:s0] =	ssyncadd.tile.s32 @!p0 $0x1;
	_ =	shalt  }
.Lfunc_end2:
_tile_overlayer_lowered:
.L_overlay_start_2:
0x1db: {  	(tag) =	ssettag $0x2  }
0x1dc: {  	s0 =	rddreg [dreg:$0x0];
	s2 =	stileid.u32  }
0x1dd: {  	s1 =	rddreg [dreg:$0x1];
	p0 =	sne.s32 s2, $0x0  }
0x1de: {  	s3 =	rddreg [dreg:$0x2];
	[bflag:$0x3] =	sbarrier.arrive $0xFFFF;
	s2 =	simm.s32 @!p0 $0x1C05  }
0x1df: {  	[timem:s3], [sflag:s2] =	dma.local @!p0 [hbm:s0], s1  }
0x1e0: {  	s0 =	simm.s32 @!p0 $0x5  }
0x1e1: {  	_ =	swait.ge @!p0 [sflag:s0], s1  }
0x1e2: {  	s1 =	ssub.s32 @!p0 $0x0, s1;
	[sflag:s0] =	ssyncset.done @!p0 $0x0  }
0x1e3: {  	[sflag:s0] =	ssyncadd.s32 @!p0 s1  }
0x1e4: {  	[bflag:$0x3] =	sbarrier.arrive $0xFFFF  }
0x1e5: {  	_ =	shalt  }

// kernel: kernel.14.cloned.1.call-start
scs
__scs_entry_jumppad:
0x0: {  	(pc) =	sbr.rel $0x88, $3  }
0x1: {  	(tag) =	ssettag $0x0;
	lr =	simm.s32 $0x1  }
0x2: {  	[smem:$0x3F8D] =	sst lr;
	_ =	strace $0xD0000000  }
0x3: {  	_ = 	snop  }
0x4: {  	_ = 	snop  }
0x5: {  	_ = 	snop  }
0x6: {  	_ = 	snop  }
0x7: {  	_ = 	snop  }
__scs_overlays_trampoline_lowered:
0x8: {  	[smem:$0x3F9C] =	sst s0  }
0x9: {  	[smem:$0x3F9D] =	sst s1  }
0xa: {  	[smem:$0x3F9E] =	sst s2  }
0xb: {  	[smem:$0x3F9F] =	sst s3  }
0xc: {  	[smem:$0x3FA0] =	sst s4  }
0xd: {  	[smem:$0x3FA1] =	sst s5  }
0xe: {  	[smem:$0x3FA2] =	sst s6  }
0xf: {  	[smem:$0x3FA3] =	sst s7  }
0x10: {  	[smem:$0x3FA4] =	sst s8  }
0x11: {  	[smem:$0x3FA5] =	sst s9;
	s0 =	simm.s32 @!p0 $0x0  }
0x12: {  	s1 =	sld [smem:$0x3F8B];
	s0 =	simm.s32 @p0 $0x1  }
0x13: {  	[smem:$0x3FA6] =	sst s0;
	s0 =	simm.s32 @!p1 $0x0  }
0x14: {  	s2 =	sld [smem:$0x3F8A];
	s0 =	simm.s32 @p1 $0x1  }
0x15: {  	[smem:$0x3FA7] =	sst s0;
	s0 =	simm.s32 @!p2 $0x0  }
0x16: {  	s3 =	sld [smem:$0x3FDB];
	s0 =	simm.s32 @p2 $0x1  }
0x17: {  	s4 =	simm.s32 $0x1BF5;
	[smem:$0x3FA9] =	sst s0  }
0x18: {  	s0 =	sld [smem:$0x3F8C];
	_ =	swait.ge [sflag:s4], $0x0  }
0x19: {  	s7 =	sld [smem:$0x3F8D]  }
0x1a: {  	s8 =	sadd.s32 $0xFFFFE003, lr  }
0x1b: {  	s9 =	sadd.s32 $0xFFFFFEF7, lr;
	s5 =	simm.s32 $0xFFFFFFFF;
	p2 =	slt.u32 s8, $0xFFFFF086  }
0x1c: {  	p1 =	slt.u32 s9, $0xF7A;
	s5 =	simm.s32 @!p2 $0x0  }
0x1d: {  	s5 =	simm.s32 @p1 $0x1;
	p0 =	seq.s32 s7, s2  }
0x1e: {  	s7 =	smul.u32 @!p0 $0xF7A, s2;
	p2 =	seq.s32 @!p0 s5, $0x0  }
0x1f: {  	s9 =	smul.u32 $0xF7A, s1;
	s8 =	simm.s32 @!p0 $0x1BF5;
	p2 =	por !p2, p0  }
0x20: {  	[sflag:s8] =	ssyncset.s32 @!p0 $0xFFFFF086;
	s6 =	sadd.s32 @!p0 s3, s7;
	s7 =	simm.s32 @!p0 $0x108  }
0x21: {  	s3 =	sadd.s32 s3, s9;
	s6 =	sadd.s32 @!p0 $0x88, s6;
	s7 =	simm.s32 @p2 $0x1082  }
0x22: {  	[simem:s7], [sflag:s8] =	dma.local @!p0 [hbm:s6], $0xF7A  }
0x23: {  	s9 =	sor.u32 $0xD0000000, s2;
	s6 =	simm.s32 $0x108;
	_ =	swait.ge @!p0 [sflag:s8], $0x0  }
0x24: {  	s3 =	sadd.s32 $0x88, s3;
	s6 =	simm.s32 @!p1 $0x1082;
	[sflag:s4] =	ssyncset.s32 $0xFFFFF086  }
0x25: {  	[simem:s6], [sflag:s4] =	dma.local [hbm:s3], $0xF7A  }
0x26: {  	[smem:$0x3F8D] =	sst s1;
	(tag) =	ssettag s2;
	_ =	strace s9  }
0x27: {  	s1 =	sld [smem:$0x3F9D]  }
0x28: {  	s2 =	sld [smem:$0x3F9E]  }
0x29: {  	s4 =	sld [smem:$0x3FA0]  }
0x2a: {  	p0 =	seq.s32 s5, $0x0;
	s5 =	sld [smem:$0x3FA1]  }
0x2b: {  	s6 =	sld [smem:$0x3FA2]  }
0x2c: {  	s7 =	sld [smem:$0x3FA3]  }
0x2d: {  	s3 =	simm.s32 $0x108;
	s8 =	sld [smem:$0x3FA4]  }
0x2e: {  	s3 =	simm.s32 @!p0 $0x1082;
	s9 =	sld [smem:$0x3FA5]  }
0x2f: {  	lr =	sadd.s32 s0, s3;
	s0 =	sld [smem:$0x3F9C]  }
0x30: {  	s3 =	sld [smem:$0x3F9F]  }
0x31: {  	[smem:$0x3FA8] =	sst s10  }
0x32: {  	s10 =	sld [smem:$0x3FA6];
	_ =	sdelay $0x3  }
0x33: {  	p0 =	seq.s32 s10, $0x1;
	s10 =	sld [smem:$0x3FA8];
	_ =	sdelay $0x3  }
0x34: {  	[smem:$0x3FA8] =	sst s10  }
0x35: {  	s10 =	sld [smem:$0x3FA7];
	_ =	sdelay $0x3  }
0x36: {  	p1 =	seq.s32 s10, $0x1;
	s10 =	sld [smem:$0x3FA8];
	_ =	sdelay $0x3  }
0x37: {  	[smem:$0x3FA8] =	sst s10  }
0x38: {  	s10 =	sld [smem:$0x3FA9]  }
0x39: {  	_ = 	snop;
	(pc) =	sbr.ind lr, $3  }
0x3a: {  	_ = 	snop  }
0x3b: {  	_ = 	snop  }
0x3c: {  	p2 =	seq.s32 s10, $0x1;
	s10 =	sld [smem:$0x3FA8]  }
0x3d: {  	_ =	shalt  }
0x3e: {  	_ =	shalt  }
0x3f: {  	_ =	shalt  }
0x40: {  	_ =	shalt  }
0x41: {  	_ =	shalt  }
0x42: {  	_ =	shalt  }
0x43: {  	_ =	shalt  }
0x44: {  	_ =	shalt  }
0x45: {  	_ =	shalt  }
0x46: {  	_ =	shalt  }
0x47: {  	_ =	shalt  }
0x48: {  	_ =	shalt  }
0x49: {  	_ =	shalt  }
0x4a: {  	_ =	shalt  }
0x4b: {  	_ =	shalt  }
0x4c: {  	_ =	shalt  }
0x4d: {  	_ =	shalt  }
0x4e: {  	_ =	shalt  }
0x4f: {  	_ =	shalt  }
0x50: {  	_ =	shalt  }
0x51: {  	_ =	shalt  }
0x52: {  	_ =	shalt  }
0x53: {  	_ =	shalt  }
0x54: {  	_ =	shalt  }
0x55: {  	_ =	shalt  }
0x56: {  	_ =	shalt  }
0x57: {  	_ =	shalt  }
0x58: {  	_ =	shalt  }
0x59: {  	_ =	shalt  }
0x5a: {  	_ =	shalt  }
0x5b: {  	_ =	shalt  }
0x5c: {  	_ =	shalt  }
0x5d: {  	_ =	shalt  }
0x5e: {  	_ =	shalt  }
0x5f: {  	_ =	shalt  }
0x60: {  	_ =	shalt  }
0x61: {  	_ =	shalt  }
0x62: {  	_ =	shalt  }
0x63: {  	_ =	shalt  }
0x64: {  	_ =	shalt  }
0x65: {  	_ =	shalt  }
0x66: {  	_ =	shalt  }
0x67: {  	_ =	shalt  }
0x68: {  	_ =	shalt  }
0x69: {  	_ =	shalt  }
0x6a: {  	_ =	shalt  }
0x6b: {  	_ =	shalt  }
0x6c: {  	_ =	shalt  }
0x6d: {  	_ =	shalt  }
0x6e: {  	_ =	shalt  }
0x6f: {  	_ =	shalt  }
0x70: {  	_ =	shalt  }
0x71: {  	_ =	shalt  }
0x72: {  	_ =	shalt  }
0x73: {  	_ =	shalt  }
0x74: {  	_ =	shalt  }
0x75: {  	_ =	shalt  }
0x76: {  	_ =	shalt  }
0x77: {  	_ =	shalt  }
0x78: {  	_ =	shalt  }
0x79: {  	_ =	shalt  }
0x7a: {  	_ =	shalt  }
0x7b: {  	_ =	shalt  }
0x7c: {  	_ =	shalt  }
0x7d: {  	_ =	shalt  }
0x7e: {  	_ =	shalt  }
0x7f: {  	_ =	shalt  }
0x80: {  	_ =	shalt  }
0x81: {  	_ =	shalt  }
0x82: {  	_ =	shalt  }
0x83: {  	_ =	shalt  }
0x84: {  	_ =	shalt  }
0x85: {  	_ =	shalt  }
0x86: {  	_ =	shalt  }
0x87: {  	_ =	shalt  }
.Lfunc_end0:
.L_simem_size_0:
called_computation.2_lowered:
.L_overlay_start_0:
0x88: {  	s2 =	sld [smem:$0x3FD9]  }
0x89: {  	s3 =	sld [smem:$0x3FFE];
	_ =	sdelay $0x1  }
0x8a: {  	s1 =	srdreg.scid  }
0x8b: {  	s0 =	sand.u32 $0x1, s1  }
0x8c: {  	s16 =	sshll.u32 s0, $0xA;
	s2 =	sadd.s32 s3, s2  }
0x8d: {  	s2 =	sadd.s32 s2, s16  }
0x8e: {  	[smem:$0x3FB4] =	sst s2  }
0x8f: {  	_ = 	snop  }
0x90: {  	(tm) =	ssettm $0x1  }
0x91: {  	s17 =	sld [smem:$0x3FFB];
	_ =	sdelay $0x3  }
0x92: {  	_ =	strace s17  }
0x93: {  	s2 =	sld [smem:$0x3FFC];
	_ =	sdelay $0x3  }
0x94: {  	_ =	strace s2  }
0x95: {  	s2 =	sld [smem:$0x3FFD];
	_ =	sdelay $0x3  }
0x96: {  	_ =	strace s2  }
0x97: {  	_ =	strace $0x8FFFFFFF  }
0x98: {  	s18 =	sld [smem:$0x3FDB];
	_ =	sdelay $0x1  }
0x99: {  	s19 =	simm.s32 $_scs_section_size  }
0x9a: {  	s4 =	simm.s32 $_size__tile_overlayer_lowered;
	s5 =	simm.s32 $_tile_overlayer_lowered  }
0x9b: {  	s22 =	simm.s32 $0x1BFF;
	s21 =	sshll.u32 s5, $0x1;
	s2 =	sadd.s32 s19, s18  }
0x9c: {  	s6 =	simm.s32 $0x0;
	s20 =	sshll.u32 s4, $0x1;
	s4 =	sadd.s32 s21, s2  }
0x9d: {  	[timem:s6], [sflag:s22] =	dma.local [hbm:s4], s20  }
0x9e: {  	_ =	swait.ge [sflag:s22], s20  }
0x9f: {  	s3 =	ssub.s32 $0x0, s20;
	[sflag:s22] =	ssyncset.done $0x0  }
0xa0: {  	[sflag:s22] =	ssyncadd.s32 s3;
	_ =	sdelay $0x1  }
0xa1: {  	s23 =	simm.s32 $0x1B8B  }
0xa2: {  	_ =	swait.ge [sflag:s23], $0x1  }
0xa3: {  	[sflag:s23] =	ssyncset.done $0x0  }
0xa4: {  	s25 =	simm.s32 $0x1B8E;
	s24 =	sld [smem:$0x3FFE];
	[sflag:s23] =	ssyncadd.s32 $0xFFFFFFFF  }
0xa5: {  	s26 =	simm.s32 $execute0_lowered;
	[smem:$0x3FD2] =	sst s25  }
0xa6: {  	s4 =	sshll.u32 s26, $0x1;
	_ =	strace $0x8000004C;
	[dreg:$0x1] =	wrdreg $0xFFFFFFFF  }
0xa7: {  	s28 =	simm.s32 $_size_execute0_lowered;
	s2 =	sadd.s32 s2, s4;
	[dreg:$0x0] =	wrdreg $0x0  }
0xa8: {  	s4 =	sshll.u32 s28, $0x1;
	[dreg:$0x2] =	wrdreg s2  }
0xa9: {  	[dreg:$0x3] =	wrdreg s4  }
0xaa: {  	[dreg:$0x4] =	wrdreg $0xC0  }
0xab: {  	_ =	task [dreg:s6], $0x5FFFF  }
0xac: {  	[dreg:$0x1] =	wrdreg $0xFFFFFFFF  }
0xad: {  	[dreg:$0x0] =	wrdreg $0x60  }
0xae: {  	[dreg:$0x2] =	wrdreg s24  }
0xaf: {  	[dreg:$0x3] =	wrdreg $0xB9C00  }
0xb0: {  	[dreg:$0x4] =	wrdreg $0x156400  }
0xb1: {  	[dreg:$0x5] =	wrdreg $0x9  }
0xb2: {  	_ =	task.clear_ibuf [dreg:s6], $0x6FFFF;
	_ =	strace $0x9000004C  }
0xb3: {  	s29 =	simm.s32 $0x9;
	_ =	strace $0x8000004E  }
0xb4: {  	_ =	swait.ge [sflag:s29], $0x1  }
0xb5: {  	[sflag:s29] =	ssyncadd.s32 $0xFFFFFFFF  }
0xb6: {  	_ =	strace $0x9000004E  }
0xb7: {  	_ =	sfence  }
0xb8: {  	s30 =	sld [smem:$0x0];
	_ =	sdelay $0x2  }
0xb9: {  	s31 =	sshll.u32 s1, $0xD;
	s1 =	sshrl.u32 s1, $0x2  }
0xba: {  	s3 =	sand.u32 $0x4000, s31;
	s1 =	sadd.s32 s1, s30  }
0xbb: {  	s0 =	sor.u32 s3, s0;
	s1 =	sshll.u32 s1, $0x11  }
0xbc: {  	s0 =	sor.u32 s1, s0  }
0xbd: {  	s0 =	sadd.s32 $0x8F2B, s0  }
0xbe: {  	[sflag:s0] =	ssyncadd.remote.s32 $0x1  }
0xbf: {  	_ =	sfence.sel $0xFFFF  }
0xc0: {  	[dreg:$0x0] =	wrdreg $0xFFFFFFFF;
	(pc) =	sbr.abs _section_cstart, $3  }
0xc1: {  	[dreg:$0x1] =	wrdreg $0xFFFFFFFF  }
0xc2: {  	_ =	task.clear_ibuf [dreg:s6], $0x2FFFF;
	_ =	strace $0x9FFFFFFF  }
0xc3: {  	(tm) =	ssettm $0x7FFFFFFF  }
tec
execute0_lowered:
.L_overlay_start_1:
0x0: {  	(tag) =	ssettag $0x1  }
0x1: {  	s0 =	srdreg.scid;
	s1 =	rddreg [dreg:$0x0]  }
0x2: {  	s20 =	stileid.u32;
	s2 =	rddreg [dreg:$0x1];
	s7 =	simm.s32 $0x0  }
0x3: {  	s28 =	simm.s32 $0x3;
	s29 =	simm.s32 $0x4;
	s10 =	smul.u32 $0x27000, s20  }
0x4: {  	s30 =	simm.s32 $0x0;
	s0 =	sand.u32 $0x1, s0;
	s11 =	smul.u32 $0x9C00, s20  }
0x5: {  	s3 =	sshll.u32 s20, $0x1;
	[smem:$0x7FF] =	sst s7;
	s16 =	smul.u32 $0x138, s20  }
0x6: {  	s13 =	sadd.s32 $0x771000, s1;
	s14 =	sadd.s32 $0x19200, s1;
	s17 =	smul.u32 $0x1380, s20  }
0x7: {  	p0 =	sgt.u32 s20, $0x1;
	p1 =	sne.s32 s20, $0xF;
	s4 =	sor.u32 s0, s3  }
0x8: {  	s3 =	rddreg [dreg:$0x2];
	_ =	strace $0x8000004D;
	s18 =	smul.u32 $0x138800, s0  }
0x9: {  	s8 =	ssub.s32 $0x2, s0;
	s5 =	smul.u32 $0x4E, s4;
	s6 =	smin.u32 s4, $0x4  }
0xa: {  	s9 =	sshrl.u32 s8, $0x1;
	s22 =	sshrl.u32 s10, $0x2;
	s4 =	sadd.s32 $0x1, s4  }
0xb: {  	s10 =	sadd.s32 $0x9C000, s2;
	s16 =	sadd.s32 $0x1388, s16;
	s15 =	ssub.s32 s8, s9  }
0xc: {  	s8 =	sadd.s32 s22, s2;
	s9 =	sadd.s32 s17, s3;
	s4 =	smin.u32 s4, $0x4  }
0xd: {  	s23 =	sadd.s32 s11, s18;
	s26 =	sshrl.u32 s18, $0x3;
	s12 =	sadd.s32 s6, s5  }
0xe: {  	s8 =	sadd.s32 $0x4E00, s8;
	s4 =	sadd.s32 s4, s5;
	s5 =	sshrl.u32 s23, $0x3  }
0xf: {  	s31 =	sadd.s32 s14, s26;
	s19 =	sshll.u32 s12, $0x3;
	s4 =	ssub.s32 s4, s12  }
0x10: {  	s24 =	sadd.s32 s14, s5;
	s7 =	sadd.s32 s19, s1;
	s1 =	sadd.s32 $0xF400, s1  }
0x11: {  	s19 =	smul.u32 $0x27100, s0;
	[dreg:$0x6] =	wrdreg s24;
	s24 =	sadd.s32 $0x13800, s31  }
0x12: {  	s12 =	sadd.s32 $0x4E, s4;
	s21 =	sadd.s32 $0xA420, s7;
	[dreg:$0xa] =	wrdreg s24  }
0x13: {  	s0 =	smul.u32 $0x4E, s0;
	s7 =	sadd.s32 $0xA690, s7;
	[dreg:$0x4] =	wrdreg s21  }
0x14: {  	s24 =	simm.s32 $0x5;
	[dreg:$0x5] =	wrdreg s7;
	s7 =	sadd.s32 s11, s2  }
0x15: {  	s11 =	sadd.s32 $0x13800, s3;
	s25 =	sadd.s32 s17, s19;
	s17 =	sshll.u32 s16, $0x7  }
0x16: {  	s16 =	sshll.u32 s16, $0x4;
	s21 =	smul.u32 $0x9C, s20;
	s22 =	sshrl.u32 s19, $0x3  }
0x17: {  	s20 =	simm.s32 $0xA640;
	s4 =	sshrl.u32 s25, $0x3;
	s5 =	sadd.s32 s18, s17  }
0x18: {  	s16 =	sadd.s32 s19, s16;
	s18 =	sadd.s32 s1, s22;
	s4 =	sadd.s32 s1, s4  }
0x19: {  	s5 =	sshrl.u32 s5, $0x3;
	s16 =	sshrl.u32 s16, $0x3;
	s23 =	sadd.s32 s0, s21  }
0x1a: {  	s25 =	sadd.s32 s21, s6;
	s26 =	sadd.s32 $0x2700, s18;
	s21 =	smax.u32 s15, $0x1  }
0x1b: {  	[dreg:$0x7] =	wrdreg s4;
	s5 =	sadd.s32 s14, s5;
	s1 =	sadd.s32 s1, s16  }
0x1c: {  	[dreg:$0xb] =	wrdreg s26;
	s4 =	sadd.s32 $0x27080, s31;
	s31 =	sadd.s32 $0x4E10, s18  }
0x1d: {  	s0 =	sadd.s32 s0, s25;
	[dreg:$0x9] =	wrdreg s1;
	s1 =	sadd.s32 s6, s23  }
0x1e: {  	s25 =	simm.s32 $0x5840;
	[dreg:$0x8] =	wrdreg s5;
	s1 =	sshll.u32 s1, $0xA  }
0x1f: {  	[dreg:$0xc] =	wrdreg s4;
	s0 =	sshll.u32 s0, $0xA;
	s1 =	sadd.s32 s13, s1  }
0x20: {  	v0 =	vimm.f32 $0.0e+00;
	v1 =	vimm.f32 $1.000000000e+00;
	[dreg:$0xd] =	wrdreg s31;
	s23 =	sadd.s32 s0, s13;
	s14 =	sadd.s32 $0x400, s1  }
.LBB2_1:
0x21: {  	s0 =	simm.s32 $0x0;
	s1 =	simm.s32 $0x200  }
.LBB2_2:
0x22: {  	p2 =	sne.s32 s1, $0x13600;
	[tilespmem:s0+$0x58B0] =	vst v0  }
0x23: {  	[tilespmem:s0+$0x5840] =	vst v0  }
0x24: {  	[tilespmem:s0+$0x5850] =	vst v0  }
.Ltmp0:
0x25: {  	[tilespmem:s0+$0x5860] =	vst v0;
	(pc) =	sbr.rel @p2 .LBB2_2-.Ltmp0, $4  }
0x26: {  	[tilespmem:s0+$0x5870] =	vst v0  }
0x27: {  	[tilespmem:s0+$0x5880] =	vst v0  }
0x28: {  	[tilespmem:s0+$0x5890] =	vst v0  }
0x29: {  	[tilespmem:s0+$0x58A0] =	vst v0;
	s0 =	sshra.s32 s1, $0x2;
	s1 =	sadd.s32 $0x200, s1  }
0x2a: {  	[tilespmem:s0+$0x58B0] =	vst v0  }
0x2b: {  	[tilespmem:s0+$0x5840] =	vst v0  }
0x2c: {  	[tilespmem:s0+$0x5850] =	vst v0  }
0x2d: {  	[tilespmem:s0+$0x5860] =	vst v0  }
0x2e: {  	[tilespmem:s0+$0x5870] =	vst v0  }
0x2f: {  	[tilespmem:s0+$0x5880] =	vst v0  }
0x30: {  	[tilespmem:s0+$0x5890] =	vst v0  }
0x31: {  	[tilespmem:s0+$0x58A0] =	vst v0;
	s0 =	simm.s32 $0x40;
	s1 =	simm.s32 $0x0  }
.LBB2_4:
0x32: {  	p2 =	sne.s32 s0, $0x4DC0;
	[tilespmem:s1+$0xA640] =	vst v0;
	s1 =	smov.u32 s0;
	s0 =	sadd.s32 $0x40, s0  }
.Ltmp1:
0x33: {  	(pc) =	sbr.rel @p2 .LBB2_4-.Ltmp1, $2  }
0x34: {  	_ =	sdelay $0x2  }
0x35: {  	s1 =	sshra.s32 s1, $0x2  }
0x36: {  	[tilespmem:s1+$0xA640] =	vst v0;
	s0 =	simm.s32 $0x40;
	s1 =	simm.s32 $0x0  }
.LBB2_6:
0x37: {  	p2 =	sne.s32 s0, $0xFC0;
	[tilespmem:s1+$0x5440] =	vst v1;
	s1 =	smov.u32 s0;
	s0 =	sadd.s32 $0x40, s0  }
.Ltmp2:
0x38: {  	(pc) =	sbr.rel @p2 .LBB2_6-.Ltmp2, $2  }
0x39: {  	_ =	sdelay $0x2  }
0x3a: {  	s1 =	sshra.s32 s1, $0x2  }
0x3b: {  	[tilespmem:s1+$0x5440] =	vst v1;
	s0 =	simm.s32 $0x0;
	s31 =	rddreg [dreg:$0x4]  }
0x3c: {  	[tilespmem:s0], [sflag:$0x5] =	stream.linear.gather [hbm4b:s31+s0], $0x1380, $0x38;
	[tilespmem:$0x169D0] =	vst v63  }
0x3d: {  	_ =	swait.ge [sflag:s24], $0x1380  }
0x3e: {  	s1 =	simm.s32 @!p0 $0x1380;
	[sflag:s24] =	ssyncset.done $0x0  }
0x3f: {  	s0 =	simm.s32 @!p0 $0x0;
	s4 =	rddreg [dreg:$0x5];
	[sflag:s24] =	ssyncadd.s32 $0xFFFFEC80  }
0x40: {  	[tilespmem:s1], [sflag:$0x5] =	stream.linear.gather @!p0 [hbm4b:s4+s0], $0x40, $0x38;
	[tilespmem:$0x169D0] =	vst v63  }
0x41: {  	s0 =	simm.s32 @!p0 $0x5  }
0x42: {  	_ =	swait.ge @!p0 [sflag:s0], $0x40  }
0x43: {  	[sflag:s0] =	ssyncset.done @!p0 $0x0  }
0x44: {  	[sflag:s0] =	ssyncadd.s32 @!p0 $0xFFFFFFC0  }
0x45: {  	[spmem:s7] =	stream.linear.scatter [tilespmem:s25], [sflag:$0x5], $0x4E00, $0x38;
	[tilespmem:$0x169D0] =	vst v63  }
0x46: {  	_ =	swait.ge [sflag:s24], $0x4E00  }
0x47: {  	[sflag:s24] =	ssyncset.done $0x0  }
0x48: {  	[sflag:s24] =	ssyncadd.s32 $0xFFFFB200  }
0x49: {  	[spmem:s8] =	stream.linear.scatter [tilespmem:s25], [sflag:$0x5], $0x4E00, $0x38;
	[tilespmem:$0x169D0] =	vst v63  }
0x4a: {  	_ =	swait.ge [sflag:s24], $0x4E00  }
0x4b: {  	[sflag:s24] =	ssyncset.done $0x0  }
0x4c: {  	[sflag:s24] =	ssyncadd.s32 $0xFFFFB200  }
0x4d: {  	[spmem:s9] =	stream.linear.scatter [tilespmem:s20], [sflag:$0x5], $0x1380, $0x38;
	[tilespmem:$0x169D0] =	vst v63  }
0x4e: {  	_ =	swait.ge [sflag:s24], $0x1380  }
0x4f: {  	[sflag:s24] =	ssyncset.done $0x0  }
0x50: {  	s0 =	simm.s32 @!p1 $0x5840;
	[sflag:s24] =	ssyncadd.s32 $0xFFFFEC80  }
0x51: {  	[spmem:s10] =	stream.linear.scatter @!p1 [tilespmem:s0], [sflag:$0x5], $0x800, $0x38;
	[tilespmem:$0x169D0] =	vst v63  }
0x52: {  	s0 =	simm.s32 @!p1 $0x5  }
0x53: {  	_ =	swait.ge @!p1 [sflag:s0], $0x800  }
0x54: {  	[sflag:s0] =	ssyncset.done @!p1 $0x0  }
0x55: {  	s1 =	simm.s32 @!p1 $0xA640;
	[sflag:s0] =	ssyncadd.s32 @!p1 $0xFFFFF800  }
0x56: {  	[spmem:s11] =	stream.linear.scatter @!p1 [tilespmem:s1], [sflag:$0x5], $0x100, $0x38;
	[tilespmem:$0x169D0] =	vst v63  }
0x57: {  	p2 =	sle.u32 s12, $0x0;
	_ =	swait.ge @!p1 [sflag:s0], $0x100  }
0x58: {  	p3 =	por @!p2 $0x1, $0x1;
	[sflag:s0] =	ssyncset.done @!p1 $0x0  }
0x59: {  	p4 =	por p3, p2;
	[sflag:s0] =	ssyncadd.s32 @!p1 $0xFFFFFF00  }
0x5a: {  	s0 =	simm.s32 @!p4 $0x3;
	[bflag:$0x0] =	sbarrier.arrive $0xFFFF  }
0x5b: {  	_ =	swait.ge @!p4 [sflag:s0], $0x2000  }
0x5c: {  	[sflag:s0] =	ssyncset.done @!p4 $0x0  }
0x5d: {  	p3 =	por $0x1, $0x1;
	[sflag:s0] =	ssyncadd.s32 @!p4 $0xFFFFE000  }
0x5e: {  	p2 =	por p2, p2;
	p5 =	slt.u32 @!p3 s12, $0x0;
	_ =	swait.ge @!p4 [sflag:s0], $0x400  }
0x5f: {  	p3 =	por p5, p3;
	s4 =	simm.s32 @!p2 $0x0;
	[sflag:s0] =	ssyncset.done @!p4 $0x0  }
0x60: {  	s5 =	simm.s32 @!p3 $0x2;
	s1 =	simm.s32 @!p2 $0x1400;
	[sflag:s0] =	ssyncadd.s32 @!p4 $0xFFFFFC00  }
0x61: {  	[tilespmem:s1], [sflag:$0x1] =	stream.linear.gather @!p2 [hbm4b:s23+s4], $0x2000, $0x38;
	[tilespmem:$0x169D0] =	vst v63  }
0x62: {  	_ =	swait.ge @!p3 [sflag:s5], $0x2000  }
0x63: {  	[sflag:s5] =	ssyncset.done @!p3 $0x0  }
0x64: {  	s15 =	simm.s32 $0x0;
	[sflag:s5] =	ssyncadd.s32 @!p3 $0xFFFFE000  }
0x65: {  	v2 =	vld @!p3 [tilespmem:s15+$0xFFFFFFC0];
	_ =	sdelay $0x4  }
0x66: {  	v2 =	vmin.u32 @!p3 v2, $0x1388  }
0x67: {  	[tilespmem:$0x3400] =	vst @!p3 v2  }
0x68: {  	v2 =	vld @!p3 [tilespmem:s15+$0xFFFFFFD0];
	_ =	sdelay $0x4  }
0x69: {  	v2 =	vmin.u32 @!p3 v2, $0x1388  }
0x6a: {  	[tilespmem:$0x3410] =	vst @!p3 v2  }
0x6b: {  	v2 =	vld @!p3 [tilespmem:s15+$0xFFFFFFE0];
	_ =	sdelay $0x4  }
0x6c: {  	v2 =	vmin.u32 @!p3 v2, $0x1388  }
0x6d: {  	[tilespmem:$0x3420] =	vst @!p3 v2  }
0x6e: {  	v2 =	vld @!p3 [tilespmem:s15+$0xFFFFFFF0];
	_ =	sdelay $0x3  }
0x6f: {  	p4 =	sle.u32 s12, $0x1  }
0x70: {  	s0 =	simm.s32 @!p3 $0x40;
	p5 =	por @!p4 $0x1, $0x1;
	v2 =	vmin.u32 @!p3 v2, $0x1388  }
0x71: {  	s4 =	simm.s32 @!p3 $0x3400;
	p5 =	por p5, p4;
	s5 =	simm.s32 @!p3 $0x3440;
	[tilespmem:$0x3430] =	vst @!p3 v2  }
0x72: {  	[spmem:s2] =	stream.indirect.scatter.add.f32 @!p3 [tilespmem:s5], [sflag:$0x4], $0x80, s4, s0, $0xb8;
	[tilespmem:$0x169D0] =	vst v63  }
0x73: {  	s6 =	simm.s32 @!p5 $0x4;
	s5 =	simm.s32 @!p3 $0x5440  }
0x74: {  	[spmem:s3] =	stream.indirect.scatter.add.f32 @!p3 [tilespmem:s5], [sflag:$0x4], $0x10, s4, s0, $0xb8;
	[tilespmem:$0x169D0] =	vst v63  }
0x75: {  	_ =	swait.ge @!p5 [sflag:s6], $0x2000  }
0x76: {  	[sflag:s6] =	ssyncset.done @!p5 $0x0  }
0x77: {  	[sflag:s6] =	ssyncadd.s32 @!p5 $0xFFFFE000  }
0x78: {  	_ =	swait.ge @!p5 [sflag:s6], $0x400  }
0x79: {  	s0 =	simm.s32 @!p2 $0x1;
	[sflag:s6] =	ssyncset.done @!p5 $0x0  }
0x7a: {  	s4 =	simm.s32 @!p4 $0x0;
	s5 =	simm.s32 @!p4 $0x3440;
	[sflag:s6] =	ssyncadd.s32 @!p5 $0xFFFFFC00  }
0x7b: {  	[tilespmem:s5], [sflag:$0x2] =	stream.linear.gather @!p4 [hbm4b:s14+s4], $0x2000, $0x38;
	[tilespmem:$0x169D0] =	vst v63  }
0x7c: {  	_ =	swait.ge @!p2 [sflag:s0], $0x2000  }
0x7d: {  	[sflag:s0] =	ssyncset.done @!p2 $0x0  }
0x7e: {  	[sflag:s0] =	ssyncadd.s32 @!p2 $0xFFFFE000  }
0x7f: {  	v2 =	vld @!p2 [tilespmem:s15+$0x0];
	_ =	sdelay $0x4  }
0x80: {  	v2 =	vmin.u32 @!p2 v2, $0x1388  }
0x81: {  	[tilespmem:$0x13C0] =	vst @!p2 v2  }
0x82: {  	v2 =	vld @!p2 [tilespmem:s15+$0x10];
	_ =	sdelay $0x4  }
0x83: {  	v2 =	vmin.u32 @!p2 v2, $0x1388  }
0x84: {  	[tilespmem:$0x13D0] =	vst @!p2 v2  }
0x85: {  	v2 =	vld @!p2 [tilespmem:s15+$0x20];
	_ =	sdelay $0x4  }
0x86: {  	v2 =	vmin.u32 @!p2 v2, $0x1388  }
0x87: {  	[tilespmem:$0x13E0] =	vst @!p2 v2  }
0x88: {  	s13 =	simm.s32 $0x4;
	s16 =	simm.s32 @!p2 $0x40;
	s17 =	simm.s32 @!p2 $0x13C0;
	v2 =	vld @!p2 [tilespmem:s15+$0x30]  }
0x89: {  	s6 =	sadd.s32 $0x800, s23;
	s4 =	simm.s32 $0x2;
	p4 =	sle.u32 s12, $0x2  }
0x8a: {  	s5 =	smov.u32 s14;
	p5 =	por @!p4 $0x0, $0x0;
	s0 =	simm.s32 $0x80  }
.LBB2_8:
0x8b: {  	p5 =	por p5, p4  }
0x8c: {  	s5 =	sadd.s32 $0x800, s5;
	s15 =	smov.u32 s13;
	s13 =	sadd.s32 $0x2, s13  }
0x8d: {  	p3 =	sne.s32 s13, $0x50;
	v2 =	vmin.u32 @!p2 v2, $0x1388  }
0x8e: {  	s18 =	simm.s32 @!p2 $0x5440;
	[tilespmem:$0x13F0] =	vst @!p2 v2  }
0x8f: {  	[spmem:s2] =	stream.indirect.scatter.add.f32 @!p2 [tilespmem:s1], [sflag:$0x3], $0x80, s17, s16, $0xb8;
	[tilespmem:$0x169D0] =	vst v63  }
0x90: {  	s19 =	simm.s32 @!p5 $0x3  }
0x91: {  	[spmem:s3] =	stream.indirect.scatter.add.f32 @!p2 [tilespmem:s18], [sflag:$0x3], $0x10, s17, s16, $0xb8;
	[tilespmem:$0x169D0] =	vst v63  }
0x92: {  	p2 =	por p4, p4;
	_ =	swait.ge @!p5 [sflag:s19], $0x2000  }
0x93: {  	p4 =	seq.s32 s4, $0x0;
	[sflag:s19] =	ssyncset.done @!p5 $0x0  }
0x94: {  	s1 =	simm.s32 @!p2 $0x1400;
	p6 =	sgt.u32 @!p4 s4, s12;
	[sflag:s19] =	ssyncadd.s32 @!p5 $0xFFFFE000  }
0x95: {  	s16 =	simm.s32 @!p2 $0x0;
	p4 =	por p6, p4;
	_ =	swait.ge @!p5 [sflag:s19], $0x400  }
0x96: {  	s17 =	simm.s32 @!p4 $0x2;
	[sflag:s19] =	ssyncset.done @!p5 $0x0  }
0x97: {  	[sflag:s19] =	ssyncadd.s32 @!p5 $0xFFFFFC00  }
0x98: {  	[tilespmem:s1], [sflag:$0x1] =	stream.linear.gather @!p2 [hbm4b:s6+s16], $0x2000, $0x38;
	[tilespmem:$0x169D0] =	vst v63  }
0x99: {  	_ =	swait.ge @!p4 [sflag:s17], $0x2000  }
0x9a: {  	[sflag:s17] =	ssyncset.done @!p4 $0x0  }
0x9b: {  	[sflag:s17] =	ssyncadd.s32 @!p4 $0xFFFFE000  }
0x9c: {  	v2 =	vld @!p4 [tilespmem:s0+$0xFFFFFFC0];
	_ =	sdelay $0x4  }
0x9d: {  	v2 =	vmin.u32 @!p4 v2, $0x1388  }
0x9e: {  	[tilespmem:$0x3400] =	vst @!p4 v2  }
0x9f: {  	v2 =	vld @!p4 [tilespmem:s0+$0xFFFFFFD0];
	_ =	sdelay $0x4  }
0xa0: {  	v2 =	vmin.u32 @!p4 v2, $0x1388  }
0xa1: {  	[tilespmem:$0x3410] =	vst @!p4 v2  }
0xa2: {  	v2 =	vld @!p4 [tilespmem:s0+$0xFFFFFFE0];
	_ =	sdelay $0x4  }
0xa3: {  	v2 =	vmin.u32 @!p4 v2, $0x1388  }
0xa4: {  	[tilespmem:$0x3420] =	vst @!p4 v2  }
0xa5: {  	v2 =	vld @!p4 [tilespmem:s0+$0xFFFFFFF0];
	_ =	sdelay $0x3  }
0xa6: {  	s16 =	sadd.s32 $0x1, s4  }
0xa7: {  	s18 =	simm.s32 @!p4 $0x3400;
	p5 =	sge.u32 s16, s12;
	s17 =	simm.s32 @!p4 $0x40;
	v2 =	vmin.u32 @!p4 v2, $0x1388  }
0xa8: {  	s16 =	simm.s32 @!p4 $0x3440;
	p6 =	seq.s32 @!p5 s4, $0x0;
	s4 =	smov.u32 s15;
	[tilespmem:$0x3430] =	vst @!p4 v2  }
0xa9: {  	[spmem:s2] =	stream.indirect.scatter.add.f32 @!p4 [tilespmem:s16], [sflag:$0x4], $0x80, s18, s17, $0xb8;
	[tilespmem:$0x169D0] =	vst v63  }
0xaa: {  	p6 =	por p6, p5  }
0xab: {  	s15 =	simm.s32 @!p4 $0x5440;
	s16 =	simm.s32 @!p6 $0x4  }
0xac: {  	[spmem:s3] =	stream.indirect.scatter.add.f32 @!p4 [tilespmem:s15], [sflag:$0x4], $0x10, s18, s17, $0xb8;
	[tilespmem:$0x169D0] =	vst v63  }
0xad: {  	_ =	swait.ge @!p6 [sflag:s16], $0x2000  }
0xae: {  	[sflag:s16] =	ssyncset.done @!p6 $0x0  }
0xaf: {  	s15 =	simm.s32 @!p2 $0x1;
	[sflag:s16] =	ssyncadd.s32 @!p6 $0xFFFFE000  }
0xb0: {  	_ =	swait.ge @!p6 [sflag:s16], $0x400  }
0xb1: {  	[sflag:s16] =	ssyncset.done @!p6 $0x0  }
0xb2: {  	s17 =	simm.s32 @!p5 $0x3440;
	[sflag:s16] =	ssyncadd.s32 @!p6 $0xFFFFFC00;
	s16 =	simm.s32 @!p5 $0x0  }
0xb3: {  	[tilespmem:s17], [sflag:$0x2] =	stream.linear.gather @!p5 [hbm4b:s5+s16], $0x2000, $0x38;
	[tilespmem:$0x169D0] =	vst v63  }
0xb4: {  	_ =	swait.ge @!p2 [sflag:s15], $0x2000  }
0xb5: {  	[sflag:s15] =	ssyncset.done @!p2 $0x0  }
0xb6: {  	[sflag:s15] =	ssyncadd.s32 @!p2 $0xFFFFE000  }
0xb7: {  	v2 =	vld @!p2 [tilespmem:s0+$0x0];
	_ =	sdelay $0x4  }
0xb8: {  	v2 =	vmin.u32 @!p2 v2, $0x1388  }
0xb9: {  	[tilespmem:$0x13C0] =	vst @!p2 v2  }
0xba: {  	v2 =	vld @!p2 [tilespmem:s0+$0x10];
	_ =	sdelay $0x4  }
0xbb: {  	v2 =	vmin.u32 @!p2 v2, $0x1388  }
0xbc: {  	[tilespmem:$0x13D0] =	vst @!p2 v2  }
0xbd: {  	v2 =	vld @!p2 [tilespmem:s0+$0x20];
	_ =	sdelay $0x4  }
0xbe: {  	v2 =	vmin.u32 @!p2 v2, $0x1388  }
.Ltmp3:
0xbf: {  	[tilespmem:$0x13E0] =	vst @!p2 v2;
	(pc) =	sbr.rel @p3 .LBB2_8-.Ltmp3, $3  }
0xc0: {  	v2 =	vld @!p2 [tilespmem:s0+$0x30];
	_ =	sdelay $0x1  }
0xc1: {  	s6 =	sadd.s32 $0x800, s6;
	p4 =	sge.u32 s4, s12;
	s0 =	sadd.s32 $0x80, s0  }
0xc2: {  	p5 =	seq.s32 @!p4 s4, $0x0;
	s16 =	simm.s32 @!p2 $0x40;
	s17 =	simm.s32 @!p2 $0x13C0  }
0xc3: {  	_ = 	snop  }
0xc4: {  	v2 =	vmin.u32 @!p2 v2, $0x1388  }
0xc5: {  	p5 =	por p5, p4;
	[tilespmem:$0x13F0] =	vst @!p2 v2  }
0xc6: {  	[spmem:s2] =	stream.indirect.scatter.add.f32 @!p2 [tilespmem:s1], [sflag:$0x3], $0x80, s17, s16, $0xb8;
	[tilespmem:$0x169D0] =	vst v63  }
0xc7: {  	s13 =	simm.s32 @!p5 $0x3;
	s1 =	simm.s32 @!p2 $0x5440  }
0xc8: {  	[spmem:s3] =	stream.indirect.scatter.add.f32 @!p2 [tilespmem:s1], [sflag:$0x3], $0x10, s17, s16, $0xb8;
	[tilespmem:$0x169D0] =	vst v63  }
0xc9: {  	_ =	swait.ge @!p5 [sflag:s13], $0x2000  }
0xca: {  	[sflag:s13] =	ssyncset.done @!p5 $0x0  }
0xcb: {  	p3 =	seq.s32 s4, $0x0;
	[sflag:s13] =	ssyncadd.s32 @!p5 $0xFFFFE000  }
0xcc: {  	p2 =	por p4, p4;
	p4 =	sgt.u32 @!p3 s4, s12;
	_ =	swait.ge @!p5 [sflag:s13], $0x400  }
0xcd: {  	s1 =	simm.s32 @!p2 $0x1400;
	p3 =	por p4, p3;
	[sflag:s13] =	ssyncset.done @!p5 $0x0  }
0xce: {  	s15 =	simm.s32 @!p2 $0x0;
	s16 =	simm.s32 @!p3 $0x2;
	[sflag:s13] =	ssyncadd.s32 @!p5 $0xFFFFFC00  }
0xcf: {  	[tilespmem:s1], [sflag:$0x1] =	stream.linear.gather @!p2 [hbm4b:s6+s15], $0x2000, $0x38;
	[tilespmem:$0x169D0] =	vst v63  }
0xd0: {  	_ =	swait.ge @!p3 [sflag:s16], $0x2000  }
0xd1: {  	[sflag:s16] =	ssyncset.done @!p3 $0x0  }
0xd2: {  	[sflag:s16] =	ssyncadd.s32 @!p3 $0xFFFFE000  }
0xd3: {  	v2 =	vld @!p3 [tilespmem:s0+$0xFFFFFFC0];
	_ =	sdelay $0x4  }
0xd4: {  	v2 =	vmin.u32 @!p3 v2, $0x1388  }
0xd5: {  	[tilespmem:$0x3400] =	vst @!p3 v2  }
0xd6: {  	v2 =	vld @!p3 [tilespmem:s0+$0xFFFFFFD0];
	_ =	sdelay $0x4  }
0xd7: {  	v2 =	vmin.u32 @!p3 v2, $0x1388  }
0xd8: {  	[tilespmem:$0x3410] =	vst @!p3 v2  }
0xd9: {  	v2 =	vld @!p3 [tilespmem:s0+$0xFFFFFFE0];
	_ =	sdelay $0x4  }
0xda: {  	v2 =	vmin.u32 @!p3 v2, $0x1388  }
0xdb: {  	[tilespmem:$0x3420] =	vst @!p3 v2  }
0xdc: {  	v2 =	vld @!p3 [tilespmem:s0+$0xFFFFFFF0];
	_ =	sdelay $0x2  }
0xdd: {  	s18 =	sadd.s32 $0x1, s4  }
0xde: {  	p4 =	sge.u32 s18, s12  }
0xdf: {  	s13 =	simm.s32 @!p3 $0x40;
	p5 =	seq.s32 @!p4 s4, $0x0;
	v2 =	vmin.u32 @!p3 v2, $0x1388  }
0xe0: {  	s6 =	simm.s32 @!p3 $0x3400;
	s15 =	simm.s32 @!p3 $0x3440;
	p5 =	por p5, p4;
	[tilespmem:$0x3430] =	vst @!p3 v2  }
0xe1: {  	[spmem:s2] =	stream.indirect.scatter.add.f32 @!p3 [tilespmem:s15], [sflag:$0x4], $0x80, s6, s13, $0xb8;
	[tilespmem:$0x169D0] =	vst v63  }
0xe2: {  	s4 =	simm.s32 @!p3 $0x5440;
	s15 =	simm.s32 @!p5 $0x4  }
0xe3: {  	[spmem:s3] =	stream.indirect.scatter.add.f32 @!p3 [tilespmem:s4], [sflag:$0x4], $0x10, s6, s13, $0xb8;
	[tilespmem:$0x169D0] =	vst v63  }
0xe4: {  	_ =	swait.ge @!p5 [sflag:s15], $0x2000  }
0xe5: {  	[sflag:s15] =	ssyncset.done @!p5 $0x0  }
0xe6: {  	[sflag:s15] =	ssyncadd.s32 @!p5 $0xFFFFE000  }
0xe7: {  	_ =	swait.ge @!p5 [sflag:s15], $0x400  }
0xe8: {  	s4 =	sadd.s32 $0x800, s5;
	s5 =	simm.s32 @!p2 $0x1;
	[sflag:s15] =	ssyncset.done @!p5 $0x0  }
0xe9: {  	s6 =	simm.s32 @!p4 $0x0;
	s13 =	simm.s32 @!p4 $0x3440;
	[sflag:s15] =	ssyncadd.s32 @!p5 $0xFFFFFC00  }
0xea: {  	[tilespmem:s13], [sflag:$0x2] =	stream.linear.gather @!p4 [hbm4b:s4+s6], $0x2000, $0x38;
	[tilespmem:$0x169D0] =	vst v63  }
0xeb: {  	_ =	swait.ge @!p2 [sflag:s5], $0x2000  }
0xec: {  	[sflag:s5] =	ssyncset.done @!p2 $0x0  }
0xed: {  	[sflag:s5] =	ssyncadd.s32 @!p2 $0xFFFFE000  }
0xee: {  	v2 =	vld @!p2 [tilespmem:s0+$0x0];
	_ =	sdelay $0x4  }
0xef: {  	v2 =	vmin.u32 @!p2 v2, $0x1388  }
0xf0: {  	[tilespmem:$0x13C0] =	vst @!p2 v2  }
0xf1: {  	v2 =	vld @!p2 [tilespmem:s0+$0x10];
	_ =	sdelay $0x4  }
0xf2: {  	v2 =	vmin.u32 @!p2 v2, $0x1388  }
0xf3: {  	[tilespmem:$0x13D0] =	vst @!p2 v2  }
0xf4: {  	v2 =	vld @!p2 [tilespmem:s0+$0x20];
	_ =	sdelay $0x4  }
0xf5: {  	v2 =	vmin.u32 @!p2 v2, $0x1388  }
0xf6: {  	[tilespmem:$0x13E0] =	vst @!p2 v2  }
0xf7: {  	v2 =	vld @!p2 [tilespmem:s0+$0x30];
	_ =	sdelay $0x4  }
0xf8: {  	v2 =	vmin.u32 @!p2 v2, $0x1388  }
0xf9: {  	s4 =	simm.s32 @!p2 $0x13C0;
	s0 =	simm.s32 @!p2 $0x40;
	[tilespmem:$0x13F0] =	vst @!p2 v2  }
0xfa: {  	[spmem:s2] =	stream.indirect.scatter.add.f32 @!p2 [tilespmem:s1], [sflag:$0x3], $0x80, s4, s0, $0xb8;
	[tilespmem:$0x169D0] =	vst v63  }
0xfb: {  	s1 =	simm.s32 @!p2 $0x5440  }
0xfc: {  	[spmem:s3] =	stream.indirect.scatter.add.f32 @!p2 [tilespmem:s1], [sflag:$0x3], $0x10, s4, s0, $0xb8;
	[tilespmem:$0x169D0] =	vst v63  }
0xfd: {  	_ =	swait.ge [sflag:s28], $0x2000  }
0xfe: {  	[sflag:s28] =	ssyncset.done $0x0  }
0xff: {  	[sflag:s28] =	ssyncadd.s32 $0xFFFFE000  }
0x100: {  	_ =	swait.ge [sflag:s28], $0x400  }
0x101: {  	[sflag:s28] =	ssyncset.done $0x0  }
0x102: {  	[sflag:s28] =	ssyncadd.s32 $0xFFFFFC00  }
0x103: {  	_ =	swait.ge [sflag:s29], $0x2000  }
0x104: {  	[sflag:s29] =	ssyncset.done $0x0  }
0x105: {  	[sflag:s29] =	ssyncadd.s32 $0xFFFFE000  }
0x106: {  	_ =	swait.ge [sflag:s29], $0x400  }
0x107: {  	[sflag:s29] =	ssyncset.done $0x0  }
0x108: {  	s19 =	stileid.u32;
	[sflag:s29] =	ssyncadd.s32 $0xFFFFFC00  }
0x109: {  	s0 =	sshll.u32 s19, $0x6;
	[bflag:$0x0] =	sbarrier.arrive $0xFFFF  }
0x10a: {  	s1 =	sshrl.u32 s7, $0x3;
	s31 =	sor.u32 $0x1C05, s0;
	s22 =	rddreg [dreg:$0x6]  }
0x10b: {  	[hbm:s22], [sflag:s31] =	dma.local [spmem:s1], $0x1380  }
0x10c: {  	_ =	swait.ge [sflag:s24], $0x1380  }
0x10d: {  	[sflag:s24] =	ssyncset.done $0x0  }
0x10e: {  	s4 =	sshrl.u32 s9, $0x3;
	s26 =	rddreg [dreg:$0x7];
	[sflag:s24] =	ssyncadd.s32 $0xFFFFEC80  }
0x10f: {  	[hbm:s26], [sflag:s31] =	dma.local [spmem:s4], $0x270  }
0x110: {  	_ =	swait.ge [sflag:s24], $0x270  }
0x111: {  	s6 =	simm.s32 @!p1 $0x5;
	[sflag:s24] =	ssyncset.done $0x0  }
0x112: {  	s0 =	sshrl.u32 @!p1 s10, $0x3;
	s5 =	rddreg [dreg:$0xa];
	[sflag:s24] =	ssyncadd.s32 $0xFFFFFD90  }
0x113: {  	[hbm:s5], [sflag:s31] =	dma.local @!p1 [spmem:s0], $0x80  }
0x114: {  	_ =	swait.ge @!p1 [sflag:s6], $0x80  }
0x115: {  	[sflag:s6] =	ssyncset.done @!p1 $0x0  }
0x116: {  	s5 =	sshrl.u32 @!p1 s11, $0x3;
	s13 =	rddreg [dreg:$0xb];
	[sflag:s6] =	ssyncadd.s32 @!p1 $0xFFFFFF80  }
0x117: {  	[hbm:s13], [sflag:s31] =	dma.local @!p1 [spmem:s5], $0x10  }
0x118: {  	_ =	swait.ge @!p1 [sflag:s6], $0x10  }
0x119: {  	[sflag:s6] =	ssyncset.done @!p1 $0x0  }
0x11a: {  	[sflag:s6] =	ssyncadd.s32 @!p1 $0xFFFFFFF0  }
0x11b: {  	[spmem:s7] =	stream.linear.scatter [tilespmem:s25], [sflag:$0x5], $0x4E00, $0x38;
	[tilespmem:$0x169D0] =	vst v63  }
0x11c: {  	_ =	swait.ge [sflag:s24], $0x4E00  }
0x11d: {  	[sflag:s24] =	ssyncset.done $0x0  }
0x11e: {  	[sflag:s24] =	ssyncadd.s32 $0xFFFFB200  }
0x11f: {  	[spmem:s8] =	stream.linear.scatter [tilespmem:s25], [sflag:$0x5], $0x4E00, $0x38;
	[tilespmem:$0x169D0] =	vst v63  }
0x120: {  	_ =	swait.ge [sflag:s24], $0x4E00  }
0x121: {  	[sflag:s24] =	ssyncset.done $0x0  }
0x122: {  	[sflag:s24] =	ssyncadd.s32 $0xFFFFB200  }
0x123: {  	[spmem:s9] =	stream.linear.scatter [tilespmem:s20], [sflag:$0x5], $0x1380, $0x38;
	[tilespmem:$0x169D0] =	vst v63  }
0x124: {  	_ =	swait.ge [sflag:s24], $0x1380  }
0x125: {  	[sflag:s24] =	ssyncset.done $0x0  }
0x126: {  	s13 =	simm.s32 @!p1 $0x5840;
	[sflag:s24] =	ssyncadd.s32 $0xFFFFEC80  }
0x127: {  	[spmem:s10] =	stream.linear.scatter @!p1 [tilespmem:s13], [sflag:$0x5], $0x800, $0x38;
	[tilespmem:$0x169D0] =	vst v63  }
0x128: {  	_ =	swait.ge @!p1 [sflag:s6], $0x800  }
0x129: {  	[sflag:s6] =	ssyncset.done @!p1 $0x0  }
0x12a: {  	s13 =	simm.s32 @!p1 $0xA640;
	[sflag:s6] =	ssyncadd.s32 @!p1 $0xFFFFF800  }
0x12b: {  	[spmem:s11] =	stream.linear.scatter @!p1 [tilespmem:s13], [sflag:$0x5], $0x100, $0x38;
	[tilespmem:$0x169D0] =	vst v63  }
0x12c: {  	p2 =	sle.u32 s12, $0x0;
	_ =	swait.ge @!p1 [sflag:s6], $0x100  }
0x12d: {  	p3 =	por @!p2 $0x1, $0x1;
	[sflag:s6] =	ssyncset.done @!p1 $0x0  }
0x12e: {  	p4 =	por p3, p2;
	[sflag:s6] =	ssyncadd.s32 @!p1 $0xFFFFFF00  }
0x12f: {  	s6 =	simm.s32 @!p4 $0x3;
	[bflag:$0x0] =	sbarrier.arrive $0xFFFF  }
0x130: {  	_ =	swait.ge @!p4 [sflag:s6], $0x2000  }
0x131: {  	[sflag:s6] =	ssyncset.done @!p4 $0x0  }
0x132: {  	p3 =	por $0x1, $0x1;
	[sflag:s6] =	ssyncadd.s32 @!p4 $0xFFFFE000  }
0x133: {  	p2 =	por p2, p2;
	p5 =	slt.u32 @!p3 s12, $0x0;
	_ =	swait.ge @!p4 [sflag:s6], $0x400  }
0x134: {  	s15 =	simm.s32 @!p2 $0x0;
	p3 =	por p5, p3;
	[sflag:s6] =	ssyncset.done @!p4 $0x0  }
0x135: {  	s16 =	simm.s32 @!p3 $0x2;
	s13 =	simm.s32 @!p2 $0x1400;
	[sflag:s6] =	ssyncadd.s32 @!p4 $0xFFFFFC00  }
0x136: {  	[tilespmem:s13], [sflag:$0x1] =	stream.linear.gather @!p2 [hbm4b:s23+s15], $0x2000, $0x38;
	[tilespmem:$0x169D0] =	vst v63  }
0x137: {  	_ =	swait.ge @!p3 [sflag:s16], $0x2000  }
0x138: {  	[sflag:s16] =	ssyncset.done @!p3 $0x0  }
0x139: {  	s18 =	simm.s32 $0x0;
	[sflag:s16] =	ssyncadd.s32 @!p3 $0xFFFFE000  }
0x13a: {  	v2 =	vld @!p3 [tilespmem:s18+$0xFFFFFFC0];
	_ =	sdelay $0x4  }
0x13b: {  	v2 =	vadd.s32 @!p3 $0xFFFFEC78, v2  }
0x13c: {  	v2 =	vmin.u32 @!p3 v2, $0x1388  }
0x13d: {  	[tilespmem:$0x3400] =	vst @!p3 v2  }
0x13e: {  	v2 =	vld @!p3 [tilespmem:s18+$0xFFFFFFD0];
	_ =	sdelay $0x4  }
0x13f: {  	v2 =	vadd.s32 @!p3 $0xFFFFEC78, v2  }
0x140: {  	v2 =	vmin.u32 @!p3 v2, $0x1388  }
0x141: {  	[tilespmem:$0x3410] =	vst @!p3 v2  }
0x142: {  	v2 =	vld @!p3 [tilespmem:s18+$0xFFFFFFE0];
	_ =	sdelay $0x4  }
0x143: {  	v2 =	vadd.s32 @!p3 $0xFFFFEC78, v2  }
0x144: {  	v2 =	vmin.u32 @!p3 v2, $0x1388  }
0x145: {  	[tilespmem:$0x3420] =	vst @!p3 v2  }
0x146: {  	v2 =	vld @!p3 [tilespmem:s18+$0xFFFFFFF0];
	_ =	sdelay $0x4  }
0x147: {  	p4 =	sle.u32 s12, $0x1;
	v2 =	vadd.s32 @!p3 $0xFFFFEC78, v2  }
0x148: {  	s6 =	simm.s32 @!p3 $0x40;
	p5 =	por @!p4 $0x1, $0x1;
	v2 =	vmin.u32 @!p3 v2, $0x1388  }
0x149: {  	s15 =	simm.s32 @!p3 $0x3400;
	p5 =	por p5, p4;
	s16 =	simm.s32 @!p3 $0x3440;
	[tilespmem:$0x3430] =	vst @!p3 v2  }
0x14a: {  	[spmem:s2] =	stream.indirect.scatter.add.f32 @!p3 [tilespmem:s16], [sflag:$0x4], $0x80, s15, s6, $0xb8;
	[tilespmem:$0x169D0] =	vst v63  }
0x14b: {  	s17 =	simm.s32 @!p5 $0x4;
	s16 =	simm.s32 @!p3 $0x5440  }
0x14c: {  	[spmem:s3] =	stream.indirect.scatter.add.f32 @!p3 [tilespmem:s16], [sflag:$0x4], $0x10, s15, s6, $0xb8;
	[tilespmem:$0x169D0] =	vst v63  }
0x14d: {  	_ =	swait.ge @!p5 [sflag:s17], $0x2000  }
0x14e: {  	[sflag:s17] =	ssyncset.done @!p5 $0x0  }
0x14f: {  	[sflag:s17] =	ssyncadd.s32 @!p5 $0xFFFFE000  }
0x150: {  	_ =	swait.ge @!p5 [sflag:s17], $0x400  }
0x151: {  	s6 =	simm.s32 @!p2 $0x1;
	[sflag:s17] =	ssyncset.done @!p5 $0x0  }
0x152: {  	s15 =	simm.s32 @!p4 $0x0;
	s16 =	simm.s32 @!p4 $0x3440;
	[sflag:s17] =	ssyncadd.s32 @!p5 $0xFFFFFC00  }
0x153: {  	[tilespmem:s16], [sflag:$0x2] =	stream.linear.gather @!p4 [hbm4b:s14+s15], $0x2000, $0x38;
	[tilespmem:$0x169D0] =	vst v63  }
0x154: {  	_ =	swait.ge @!p2 [sflag:s6], $0x2000  }
0x155: {  	[sflag:s6] =	ssyncset.done @!p2 $0x0  }
0x156: {  	[sflag:s6] =	ssyncadd.s32 @!p2 $0xFFFFE000  }
0x157: {  	v2 =	vld @!p2 [tilespmem:s18+$0x0];
	_ =	sdelay $0x4  }
0x158: {  	v2 =	vadd.s32 @!p2 $0xFFFFEC78, v2  }
0x159: {  	v2 =	vmin.u32 @!p2 v2, $0x1388  }
0x15a: {  	[tilespmem:$0x13C0] =	vst @!p2 v2  }
0x15b: {  	v2 =	vld @!p2 [tilespmem:s18+$0x10];
	_ =	sdelay $0x4  }
0x15c: {  	v2 =	vadd.s32 @!p2 $0xFFFFEC78, v2  }
0x15d: {  	v2 =	vmin.u32 @!p2 v2, $0x1388  }
0x15e: {  	[tilespmem:$0x13D0] =	vst @!p2 v2  }
0x15f: {  	v2 =	vld @!p2 [tilespmem:s18+$0x20];
	_ =	sdelay $0x4  }
0x160: {  	v2 =	vadd.s32 @!p2 $0xFFFFEC78, v2  }
0x161: {  	v2 =	vmin.u32 @!p2 v2, $0x1388  }
0x162: {  	[tilespmem:$0x13E0] =	vst @!p2 v2  }
0x163: {  	s19 =	simm.s32 @!p2 $0x13C0;
	s22 =	smov.u32 s14;
	s26 =	simm.s32 @!p2 $0x40;
	v2 =	vld @!p2 [tilespmem:s18+$0x30]  }
0x164: {  	s17 =	simm.s32 $0x4;
	s15 =	simm.s32 $0x2;
	p4 =	sle.u32 s12, $0x2  }
0x165: {  	s16 =	sadd.s32 $0x800, s23;
	p5 =	por @!p4 $0x0, $0x0;
	s6 =	simm.s32 $0x80  }
.LBB2_10:
0x166: {  	p5 =	por p5, p4  }
0x167: {  	s22 =	sadd.s32 $0x800, s22;
	s18 =	smov.u32 s17;
	s17 =	sadd.s32 $0x2, s17  }
0x168: {  	p3 =	sne.s32 s17, $0x50;
	v2 =	vadd.s32 @!p2 $0xFFFFEC78, v2  }
0x169: {  	v2 =	vmin.u32 @!p2 v2, $0x1388  }
0x16a: {  	[tilespmem:$0x13F0] =	vst @!p2 v2  }
0x16b: {  	[spmem:s2] =	stream.indirect.scatter.add.f32 @!p2 [tilespmem:s13], [sflag:$0x3], $0x80, s19, s26, $0xb8;
	[tilespmem:$0x169D0] =	vst v63  }
0x16c: {  	s20 =	simm.s32 @!p5 $0x3;
	s13 =	simm.s32 @!p2 $0x5440  }
0x16d: {  	[spmem:s3] =	stream.indirect.scatter.add.f32 @!p2 [tilespmem:s13], [sflag:$0x3], $0x10, s19, s26, $0xb8;
	[tilespmem:$0x169D0] =	vst v63  }
0x16e: {  	p6 =	seq.s32 s15, $0x0;
	p2 =	por p4, p4;
	_ =	swait.ge @!p5 [sflag:s20], $0x2000  }
0x16f: {  	p4 =	sgt.u32 @!p6 s15, s12;
	s13 =	simm.s32 @!p2 $0x1400;
	[sflag:s20] =	ssyncset.done @!p5 $0x0  }
0x170: {  	s19 =	simm.s32 @!p2 $0x0;
	p4 =	por p4, p6;
	[sflag:s20] =	ssyncadd.s32 @!p5 $0xFFFFE000  }
0x171: {  	s26 =	simm.s32 @!p4 $0x2;
	_ =	swait.ge @!p5 [sflag:s20], $0x400  }
0x172: {  	[sflag:s20] =	ssyncset.done @!p5 $0x0  }
0x173: {  	[sflag:s20] =	ssyncadd.s32 @!p5 $0xFFFFFC00  }
0x174: {  	[tilespmem:s13], [sflag:$0x1] =	stream.linear.gather @!p2 [hbm4b:s16+s19], $0x2000, $0x38;
	[tilespmem:$0x169D0] =	vst v63  }
0x175: {  	_ =	swait.ge @!p4 [sflag:s26], $0x2000  }
0x176: {  	[sflag:s26] =	ssyncset.done @!p4 $0x0  }
0x177: {  	[sflag:s26] =	ssyncadd.s32 @!p4 $0xFFFFE000  }
0x178: {  	v2 =	vld @!p4 [tilespmem:s6+$0xFFFFFFC0];
	_ =	sdelay $0x4  }
0x179: {  	v2 =	vadd.s32 @!p4 $0xFFFFEC78, v2  }
0x17a: {  	v2 =	vmin.u32 @!p4 v2, $0x1388  }
0x17b: {  	[tilespmem:$0x3400] =	vst @!p4 v2  }
0x17c: {  	v2 =	vld @!p4 [tilespmem:s6+$0xFFFFFFD0];
	_ =	sdelay $0x4  }
0x17d: {  	v2 =	vadd.s32 @!p4 $0xFFFFEC78, v2  }
0x17e: {  	v2 =	vmin.u32 @!p4 v2, $0x1388  }
0x17f: {  	[tilespmem:$0x3410] =	vst @!p4 v2  }
0x180: {  	v2 =	vld @!p4 [tilespmem:s6+$0xFFFFFFE0];
	_ =	sdelay $0x4  }
0x181: {  	v2 =	vadd.s32 @!p4 $0xFFFFEC78, v2  }
0x182: {  	v2 =	vmin.u32 @!p4 v2, $0x1388  }
0x183: {  	[tilespmem:$0x3420] =	vst @!p4 v2  }
0x184: {  	v2 =	vld @!p4 [tilespmem:s6+$0xFFFFFFF0];
	_ =	sdelay $0x3  }
0x185: {  	s19 =	sadd.s32 $0x1, s15  }
0x186: {  	s20 =	simm.s32 @!p4 $0x40;
	p5 =	sge.u32 s19, s12;
	s26 =	simm.s32 @!p4 $0x3400;
	v2 =	vadd.s32 @!p4 $0xFFFFEC78, v2  }
0x187: {  	p6 =	seq.s32 @!p5 s15, $0x0;
	s15 =	smov.u32 s18;
	v2 =	vmin.u32 @!p4 v2, $0x1388  }
0x188: {  	s18 =	simm.s32 @!p4 $0x3440;
	[tilespmem:$0x3430] =	vst @!p4 v2  }
0x189: {  	[spmem:s2] =	stream.indirect.scatter.add.f32 @!p4 [tilespmem:s18], [sflag:$0x4], $0x80, s26, s20, $0xb8;
	[tilespmem:$0x169D0] =	vst v63  }
0x18a: {  	p6 =	por p6, p5  }
0x18b: {  	s19 =	simm.s32 @!p6 $0x4;
	s18 =	simm.s32 @!p4 $0x5440  }
0x18c: {  	[spmem:s3] =	stream.indirect.scatter.add.f32 @!p4 [tilespmem:s18], [sflag:$0x4], $0x10, s26, s20, $0xb8;
	[tilespmem:$0x169D0] =	vst v63  }
0x18d: {  	_ =	swait.ge @!p6 [sflag:s19], $0x2000  }
0x18e: {  	s18 =	simm.s32 @!p2 $0x1;
	[sflag:s19] =	ssyncset.done @!p6 $0x0  }
0x18f: {  	[sflag:s19] =	ssyncadd.s32 @!p6 $0xFFFFE000  }
0x190: {  	_ =	swait.ge @!p6 [sflag:s19], $0x400  }
0x191: {  	[sflag:s19] =	ssyncset.done @!p6 $0x0  }
0x192: {  	s20 =	simm.s32 @!p5 $0x3440;
	[sflag:s19] =	ssyncadd.s32 @!p6 $0xFFFFFC00;
	s19 =	simm.s32 @!p5 $0x0  }
0x193: {  	[tilespmem:s20], [sflag:$0x2] =	stream.linear.gather @!p5 [hbm4b:s22+s19], $0x2000, $0x38;
	[tilespmem:$0x169D0] =	vst v63  }
0x194: {  	_ =	swait.ge @!p2 [sflag:s18], $0x2000  }
0x195: {  	[sflag:s18] =	ssyncset.done @!p2 $0x0  }
0x196: {  	[sflag:s18] =	ssyncadd.s32 @!p2 $0xFFFFE000  }
0x197: {  	v2 =	vld @!p2 [tilespmem:s6+$0x0];
	_ =	sdelay $0x4  }
0x198: {  	v2 =	vadd.s32 @!p2 $0xFFFFEC78, v2  }
0x199: {  	v2 =	vmin.u32 @!p2 v2, $0x1388  }
0x19a: {  	[tilespmem:$0x13C0] =	vst @!p2 v2  }
0x19b: {  	v2 =	vld @!p2 [tilespmem:s6+$0x10];
	_ =	sdelay $0x4  }
0x19c: {  	v2 =	vadd.s32 @!p2 $0xFFFFEC78, v2  }
0x19d: {  	v2 =	vmin.u32 @!p2 v2, $0x1388  }
0x19e: {  	[tilespmem:$0x13D0] =	vst @!p2 v2  }
0x19f: {  	v2 =	vld @!p2 [tilespmem:s6+$0x20];
	_ =	sdelay $0x4  }
0x1a0: {  	v2 =	vadd.s32 @!p2 $0xFFFFEC78, v2  }
0x1a1: {  	v2 =	vmin.u32 @!p2 v2, $0x1388  }
.Ltmp4:
0x1a2: {  	[tilespmem:$0x13E0] =	vst @!p2 v2;
	(pc) =	sbr.rel @p3 .LBB2_10-.Ltmp4, $3  }
0x1a3: {  	v2 =	vld @!p2 [tilespmem:s6+$0x30];
	_ =	sdelay $0x1  }
0x1a4: {  	s16 =	sadd.s32 $0x800, s16;
	p4 =	sge.u32 s15, s12;
	s6 =	sadd.s32 $0x80, s6  }
0x1a5: {  	s26 =	simm.s32 @!p2 $0x40;
	p5 =	seq.s32 @!p4 s15, $0x0;
	s19 =	simm.s32 @!p2 $0x13C0  }
0x1a6: {  	_ = 	snop  }
0x1a7: {  	v2 =	vadd.s32 @!p2 $0xFFFFEC78, v2  }
0x1a8: {  	v2 =	vmin.u32 @!p2 v2, $0x1388  }
0x1a9: {  	p5 =	por p5, p4;
	[tilespmem:$0x13F0] =	vst @!p2 v2  }
0x1aa: {  	[spmem:s2] =	stream.indirect.scatter.add.f32 @!p2 [tilespmem:s13], [sflag:$0x3], $0x80, s19, s26, $0xb8;
	[tilespmem:$0x169D0] =	vst v63  }
0x1ab: {  	s17 =	simm.s32 @!p5 $0x3;
	s13 =	simm.s32 @!p2 $0x5440  }
0x1ac: {  	[spmem:s3] =	stream.indirect.scatter.add.f32 @!p2 [tilespmem:s13], [sflag:$0x3], $0x10, s19, s26, $0xb8;
	[tilespmem:$0x169D0] =	vst v63  }
0x1ad: {  	_ =	swait.ge @!p5 [sflag:s17], $0x2000  }
0x1ae: {  	[sflag:s17] =	ssyncset.done @!p5 $0x0  }
0x1af: {  	p3 =	seq.s32 s15, $0x0;
	[sflag:s17] =	ssyncadd.s32 @!p5 $0xFFFFE000  }
0x1b0: {  	p2 =	por p4, p4;
	p4 =	sgt.u32 @!p3 s15, s12;
	_ =	swait.ge @!p5 [sflag:s17], $0x400  }
0x1b1: {  	s13 =	simm.s32 @!p2 $0x1400;
	p3 =	por p4, p3;
	[sflag:s17] =	ssyncset.done @!p5 $0x0  }
0x1b2: {  	s18 =	simm.s32 @!p2 $0x0;
	s19 =	simm.s32 @!p3 $0x2;
	[sflag:s17] =	ssyncadd.s32 @!p5 $0xFFFFFC00  }
0x1b3: {  	[tilespmem:s13], [sflag:$0x1] =	stream.linear.gather @!p2 [hbm4b:s16+s18], $0x2000, $0x38;
	[tilespmem:$0x169D0] =	vst v63  }
0x1b4: {  	_ =	swait.ge @!p3 [sflag:s19], $0x2000  }
0x1b5: {  	[sflag:s19] =	ssyncset.done @!p3 $0x0  }
0x1b6: {  	[sflag:s19] =	ssyncadd.s32 @!p3 $0xFFFFE000  }
0x1b7: {  	v2 =	vld @!p3 [tilespmem:s6+$0xFFFFFFC0];
	_ =	sdelay $0x4  }
0x1b8: {  	v2 =	vadd.s32 @!p3 $0xFFFFEC78, v2  }
0x1b9: {  	v2 =	vmin.u32 @!p3 v2, $0x1388  }
0x1ba: {  	[tilespmem:$0x3400] =	vst @!p3 v2  }
0x1bb: {  	v2 =	vld @!p3 [tilespmem:s6+$0xFFFFFFD0];
	_ =	sdelay $0x4  }
0x1bc: {  	v2 =	vadd.s32 @!p3 $0xFFFFEC78, v2  }
0x1bd: {  	v2 =	vmin.u32 @!p3 v2, $0x1388  }
0x1be: {  	[tilespmem:$0x3410] =	vst @!p3 v2  }
0x1bf: {  	v2 =	vld @!p3 [tilespmem:s6+$0xFFFFFFE0];
	_ =	sdelay $0x4  }
0x1c0: {  	v2 =	vadd.s32 @!p3 $0xFFFFEC78, v2  }
0x1c1: {  	v2 =	vmin.u32 @!p3 v2, $0x1388  }
0x1c2: {  	[tilespmem:$0x3420] =	vst @!p3 v2  }
0x1c3: {  	v2 =	vld @!p3 [tilespmem:s6+$0xFFFFFFF0];
	_ =	sdelay $0x3  }
0x1c4: {  	s20 =	sadd.s32 $0x1, s15  }
0x1c5: {  	p4 =	sge.u32 s20, s12;
	v2 =	vadd.s32 @!p3 $0xFFFFEC78, v2  }
0x1c6: {  	s17 =	simm.s32 @!p3 $0x40;
	p5 =	seq.s32 @!p4 s15, $0x0;
	v2 =	vmin.u32 @!p3 v2, $0x1388  }
0x1c7: {  	s15 =	simm.s32 @!p3 $0x3440;
	s16 =	simm.s32 @!p3 $0x3400;
	p5 =	por p5, p4;
	[tilespmem:$0x3430] =	vst @!p3 v2  }
0x1c8: {  	[spmem:s2] =	stream.indirect.scatter.add.f32 @!p3 [tilespmem:s15], [sflag:$0x4], $0x80, s16, s17, $0xb8;
	[tilespmem:$0x169D0] =	vst v63  }
0x1c9: {  	s18 =	simm.s32 @!p5 $0x4;
	s15 =	simm.s32 @!p3 $0x5440  }
0x1ca: {  	[spmem:s3] =	stream.indirect.scatter.add.f32 @!p3 [tilespmem:s15], [sflag:$0x4], $0x10, s16, s17, $0xb8;
	[tilespmem:$0x169D0] =	vst v63  }
0x1cb: {  	_ =	swait.ge @!p5 [sflag:s18], $0x2000  }
0x1cc: {  	[sflag:s18] =	ssyncset.done @!p5 $0x0  }
0x1cd: {  	[sflag:s18] =	ssyncadd.s32 @!p5 $0xFFFFE000  }
0x1ce: {  	_ =	swait.ge @!p5 [sflag:s18], $0x400  }
0x1cf: {  	s15 =	sadd.s32 $0x800, s22;
	s16 =	simm.s32 @!p2 $0x1;
	[sflag:s18] =	ssyncset.done @!p5 $0x0  }
0x1d0: {  	s17 =	simm.s32 @!p4 $0x0;
	[sflag:s18] =	ssyncadd.s32 @!p5 $0xFFFFFC00;
	s18 =	simm.s32 @!p4 $0x3440  }
0x1d1: {  	[tilespmem:s18], [sflag:$0x2] =	stream.linear.gather @!p4 [hbm4b:s15+s17], $0x2000, $0x38;
	[tilespmem:$0x169D0] =	vst v63  }
0x1d2: {  	_ =	swait.ge @!p2 [sflag:s16], $0x2000  }
0x1d3: {  	[sflag:s16] =	ssyncset.done @!p2 $0x0  }
0x1d4: {  	[sflag:s16] =	ssyncadd.s32 @!p2 $0xFFFFE000  }
0x1d5: {  	v2 =	vld @!p2 [tilespmem:s6+$0x0];
	_ =	sdelay $0x4  }
0x1d6: {  	v2 =	vadd.s32 @!p2 $0xFFFFEC78, v2  }
0x1d7: {  	v2 =	vmin.u32 @!p2 v2, $0x1388  }
0x1d8: {  	[tilespmem:$0x13C0] =	vst @!p2 v2  }
0x1d9: {  	v2 =	vld @!p2 [tilespmem:s6+$0x10];
	_ =	sdelay $0x4  }
0x1da: {  	v2 =	vadd.s32 @!p2 $0xFFFFEC78, v2  }
0x1db: {  	v2 =	vmin.u32 @!p2 v2, $0x1388  }
0x1dc: {  	[tilespmem:$0x13D0] =	vst @!p2 v2  }
0x1dd: {  	v2 =	vld @!p2 [tilespmem:s6+$0x20];
	_ =	sdelay $0x4  }
0x1de: {  	v2 =	vadd.s32 @!p2 $0xFFFFEC78, v2  }
0x1df: {  	v2 =	vmin.u32 @!p2 v2, $0x1388  }
0x1e0: {  	[tilespmem:$0x13E0] =	vst @!p2 v2  }
0x1e1: {  	v2 =	vld @!p2 [tilespmem:s6+$0x30];
	_ =	sdelay $0x4  }
0x1e2: {  	v2 =	vadd.s32 @!p2 $0xFFFFEC78, v2  }
0x1e3: {  	v2 =	vmin.u32 @!p2 v2, $0x1388  }
0x1e4: {  	s15 =	simm.s32 @!p2 $0x13C0;
	s6 =	simm.s32 @!p2 $0x40;
	[tilespmem:$0x13F0] =	vst @!p2 v2  }
0x1e5: {  	[spmem:s2] =	stream.indirect.scatter.add.f32 @!p2 [tilespmem:s13], [sflag:$0x3], $0x80, s15, s6, $0xb8;
	[tilespmem:$0x169D0] =	vst v63  }
0x1e6: {  	s13 =	simm.s32 @!p2 $0x5440  }
0x1e7: {  	[spmem:s3] =	stream.indirect.scatter.add.f32 @!p2 [tilespmem:s13], [sflag:$0x3], $0x10, s15, s6, $0xb8;
	[tilespmem:$0x169D0] =	vst v63  }
0x1e8: {  	_ =	swait.ge [sflag:s28], $0x2000  }
0x1e9: {  	[sflag:s28] =	ssyncset.done $0x0  }
0x1ea: {  	[sflag:s28] =	ssyncadd.s32 $0xFFFFE000  }
0x1eb: {  	_ =	swait.ge [sflag:s28], $0x400  }
0x1ec: {  	[sflag:s28] =	ssyncset.done $0x0  }
0x1ed: {  	[sflag:s28] =	ssyncadd.s32 $0xFFFFFC00  }
0x1ee: {  	_ =	swait.ge [sflag:s29], $0x2000  }
0x1ef: {  	[sflag:s29] =	ssyncset.done $0x0  }
0x1f0: {  	[sflag:s29] =	ssyncadd.s32 $0xFFFFE000  }
0x1f1: {  	_ =	swait.ge [sflag:s29], $0x400  }
0x1f2: {  	[sflag:s29] =	ssyncset.done $0x0  }
0x1f3: {  	[sflag:s29] =	ssyncadd.s32 $0xFFFFFC00  }
0x1f4: {  	[bflag:$0x0] =	sbarrier.arrive $0xFFFF  }
0x1f5: {  	s22 =	rddreg [dreg:$0x8]  }
0x1f6: {  	[hbm:s22], [sflag:s31] =	dma.local [spmem:s1], $0x1380  }
0x1f7: {  	_ =	swait.ge [sflag:s24], $0x1380  }
0x1f8: {  	[sflag:s24] =	ssyncset.done $0x0  }
0x1f9: {  	s26 =	rddreg [dreg:$0x9];
	[sflag:s24] =	ssyncadd.s32 $0xFFFFEC80  }
0x1fa: {  	[hbm:s26], [sflag:s31] =	dma.local [spmem:s4], $0x270  }
0x1fb: {  	_ =	swait.ge [sflag:s24], $0x270  }
0x1fc: {  	[sflag:s24] =	ssyncset.done $0x0  }
0x1fd: {  	s1 =	rddreg [dreg:$0xc];
	[sflag:s24] =	ssyncadd.s32 $0xFFFFFD90  }
0x1fe: {  	[hbm:s1], [sflag:s31] =	dma.local @!p1 [spmem:s0], $0x80  }
0x1ff: {  	s0 =	simm.s32 @!p1 $0x5  }
0x200: {  	s30 =	sadd.s32 $0x1, s30;
	_ =	swait.ge @!p1 [sflag:s0], $0x80  }
0x201: {  	p2 =	sne.s32 s30, s21;
	[sflag:s0] =	ssyncset.done @!p1 $0x0  }
.Ltmp5:
0x202: {  	s1 =	rddreg [dreg:$0xd];
	[sflag:s0] =	ssyncadd.s32 @!p1 $0xFFFFFF80;
	(pc) =	sbr.rel @p2 .LBB2_1-.Ltmp5, $4  }
0x203: {  	[hbm:s1], [sflag:s31] =	dma.local @!p1 [spmem:s5], $0x10  }
0x204: {  	_ =	swait.ge @!p1 [sflag:s0], $0x10  }
0x205: {  	[sflag:s0] =	ssyncset.done @!p1 $0x0  }
0x206: {  	s20 =	simm.s32 $0xA640;
	[sflag:s0] =	ssyncadd.s32 @!p1 $0xFFFFFFF0  }
0x207: {  	_ =	sfence.sel $0x180000  }
0x208: {  	[bflag:$0x0] =	sbarrier.arrive $0xFFFF  }
0x209: {  	_ =	strace $0x9000004D  }
0x20a: {  	s0 =	stileid.u32;
	[bflag:$0x2] =	sbarrier.arrive $0xFFFF  }
0x20b: {  	p0 =	sne.s32 s0, $0x0;
	s0 =	rddreg [dreg:$0x3]  }
0x20c: {  	s0 =	sadd.s32 @!p0 $0x100000, s0  }
0x20d: {  	[sflag:s0] =	ssyncadd.tile.s32 @!p0 $0x1;
	_ =	shalt  }
.Lfunc_end2:
_tile_overlayer_lowered:
.L_overlay_start_2:
0x20e: {  	(tag) =	ssettag $0x2  }
0x20f: {  	s0 =	rddreg [dreg:$0x0];
	s2 =	stileid.u32  }
0x210: {  	s1 =	rddreg [dreg:$0x1];
	p0 =	sne.s32 s2, $0x0  }
0x211: {  	s3 =	rddreg [dreg:$0x2];
	[bflag:$0x3] =	sbarrier.arrive $0xFFFF;
	s2 =	simm.s32 @!p0 $0x1C05  }
0x212: {  	[timem:s3], [sflag:s2] =	dma.local @!p0 [hbm:s0], s1  }
0x213: {  	s0 =	simm.s32 @!p0 $0x5  }
0x214: {  	_ =	swait.ge @!p0 [sflag:s0], s1  }
0x215: {  	s1 =	ssub.s32 @!p0 $0x0, s1;
	[sflag:s0] =	ssyncset.done @!p0 $0x0  }
0x216: {  	[sflag:s0] =	ssyncadd.s32 @!p0 s1  }
0x217: {  	[bflag:$0x3] =	sbarrier.arrive $0xFFFF  }
0x218: {  	_ =	shalt  }

// kernel: kernel.8.cloned.1.call-start
scs
__scs_entry_jumppad:
0x0: {  	(pc) =	sbr.rel $0x88, $3  }
0x1: {  	(tag) =	ssettag $0x0;
	lr =	simm.s32 $0x1  }
0x2: {  	[smem:$0x3F8D] =	sst lr;
	_ =	strace $0xD0000000  }
0x3: {  	_ = 	snop  }
0x4: {  	_ = 	snop  }
0x5: {  	_ = 	snop  }
0x6: {  	_ = 	snop  }
0x7: {  	_ = 	snop  }
__scs_overlays_trampoline_lowered:
0x8: {  	[smem:$0x3F9C] =	sst s0  }
0x9: {  	[smem:$0x3F9D] =	sst s1  }
0xa: {  	[smem:$0x3F9E] =	sst s2  }
0xb: {  	[smem:$0x3F9F] =	sst s3  }
0xc: {  	[smem:$0x3FA0] =	sst s4  }
0xd: {  	[smem:$0x3FA1] =	sst s5  }
0xe: {  	[smem:$0x3FA2] =	sst s6  }
0xf: {  	[smem:$0x3FA3] =	sst s7  }
0x10: {  	[smem:$0x3FA4] =	sst s8  }
0x11: {  	[smem:$0x3FA5] =	sst s9;
	s0 =	simm.s32 @!p0 $0x0  }
0x12: {  	s1 =	sld [smem:$0x3F8B];
	s0 =	simm.s32 @p0 $0x1  }
0x13: {  	[smem:$0x3FA6] =	sst s0;
	s0 =	simm.s32 @!p1 $0x0  }
0x14: {  	s2 =	sld [smem:$0x3F8A];
	s0 =	simm.s32 @p1 $0x1  }
0x15: {  	[smem:$0x3FA7] =	sst s0;
	s0 =	simm.s32 @!p2 $0x0  }
0x16: {  	s3 =	sld [smem:$0x3FDB];
	s0 =	simm.s32 @p2 $0x1  }
0x17: {  	s4 =	simm.s32 $0x1BF5;
	[smem:$0x3FA9] =	sst s0  }
0x18: {  	s0 =	sld [smem:$0x3F8C];
	_ =	swait.ge [sflag:s4], $0x0  }
0x19: {  	s7 =	sld [smem:$0x3F8D]  }
0x1a: {  	s8 =	sadd.s32 $0xFFFFE003, lr  }
0x1b: {  	s9 =	sadd.s32 $0xFFFFFEF7, lr;
	s5 =	simm.s32 $0xFFFFFFFF;
	p2 =	slt.u32 s8, $0xFFFFF086  }
0x1c: {  	p1 =	slt.u32 s9, $0xF7A;
	s5 =	simm.s32 @!p2 $0x0  }
0x1d: {  	s5 =	simm.s32 @p1 $0x1;
	p0 =	seq.s32 s7, s2  }
0x1e: {  	s7 =	smul.u32 @!p0 $0xF7A, s2;
	p2 =	seq.s32 @!p0 s5, $0x0  }
0x1f: {  	s9 =	smul.u32 $0xF7A, s1;
	s8 =	simm.s32 @!p0 $0x1BF5;
	p2 =	por !p2, p0  }
0x20: {  	[sflag:s8] =	ssyncset.s32 @!p0 $0xFFFFF086;
	s6 =	sadd.s32 @!p0 s3, s7;
	s7 =	simm.s32 @!p0 $0x108  }
0x21: {  	s3 =	sadd.s32 s3, s9;
	s6 =	sadd.s32 @!p0 $0x88, s6;
	s7 =	simm.s32 @p2 $0x1082  }
0x22: {  	[simem:s7], [sflag:s8] =	dma.local @!p0 [hbm:s6], $0xF7A  }
0x23: {  	s9 =	sor.u32 $0xD0000000, s2;
	s6 =	simm.s32 $0x108;
	_ =	swait.ge @!p0 [sflag:s8], $0x0  }
0x24: {  	s3 =	sadd.s32 $0x88, s3;
	s6 =	simm.s32 @!p1 $0x1082;
	[sflag:s4] =	ssyncset.s32 $0xFFFFF086  }
0x25: {  	[simem:s6], [sflag:s4] =	dma.local [hbm:s3], $0xF7A  }
0x26: {  	[smem:$0x3F8D] =	sst s1;
	(tag) =	ssettag s2;
	_ =	strace s9  }
0x27: {  	s1 =	sld [smem:$0x3F9D]  }
0x28: {  	s2 =	sld [smem:$0x3F9E]  }
0x29: {  	s4 =	sld [smem:$0x3FA0]  }
0x2a: {  	p0 =	seq.s32 s5, $0x0;
	s5 =	sld [smem:$0x3FA1]  }
0x2b: {  	s6 =	sld [smem:$0x3FA2]  }
0x2c: {  	s7 =	sld [smem:$0x3FA3]  }
0x2d: {  	s3 =	simm.s32 $0x108;
	s8 =	sld [smem:$0x3FA4]  }
0x2e: {  	s3 =	simm.s32 @!p0 $0x1082;
	s9 =	sld [smem:$0x3FA5]  }
0x2f: {  	lr =	sadd.s32 s0, s3;
	s0 =	sld [smem:$0x3F9C]  }
0x30: {  	s3 =	sld [smem:$0x3F9F]  }
0x31: {  	[smem:$0x3FA8] =	sst s10  }
0x32: {  	s10 =	sld [smem:$0x3FA6];
	_ =	sdelay $0x3  }
0x33: {  	p0 =	seq.s32 s10, $0x1;
	s10 =	sld [smem:$0x3FA8];
	_ =	sdelay $0x3  }
0x34: {  	[smem:$0x3FA8] =	sst s10  }
0x35: {  	s10 =	sld [smem:$0x3FA7];
	_ =	sdelay $0x3  }
0x36: {  	p1 =	seq.s32 s10, $0x1;
	s10 =	sld [smem:$0x3FA8];
	_ =	sdelay $0x3  }
0x37: {  	[smem:$0x3FA8] =	sst s10  }
0x38: {  	s10 =	sld [smem:$0x3FA9]  }
0x39: {  	_ = 	snop;
	(pc) =	sbr.ind lr, $3  }
0x3a: {  	_ = 	snop  }
0x3b: {  	_ = 	snop  }
0x3c: {  	p2 =	seq.s32 s10, $0x1;
	s10 =	sld [smem:$0x3FA8]  }
0x3d: {  	_ =	shalt  }
0x3e: {  	_ =	shalt  }
0x3f: {  	_ =	shalt  }
0x40: {  	_ =	shalt  }
0x41: {  	_ =	shalt  }
0x42: {  	_ =	shalt  }
0x43: {  	_ =	shalt  }
0x44: {  	_ =	shalt  }
0x45: {  	_ =	shalt  }
0x46: {  	_ =	shalt  }
0x47: {  	_ =	shalt  }
0x48: {  	_ =	shalt  }
0x49: {  	_ =	shalt  }
0x4a: {  	_ =	shalt  }
0x4b: {  	_ =	shalt  }
0x4c: {  	_ =	shalt  }
0x4d: {  	_ =	shalt  }
0x4e: {  	_ =	shalt  }
0x4f: {  	_ =	shalt  }
0x50: {  	_ =	shalt  }
0x51: {  	_ =	shalt  }
0x52: {  	_ =	shalt  }
0x53: {  	_ =	shalt  }
0x54: {  	_ =	shalt  }
0x55: {  	_ =	shalt  }
0x56: {  	_ =	shalt  }
0x57: {  	_ =	shalt  }
0x58: {  	_ =	shalt  }
0x59: {  	_ =	shalt  }
0x5a: {  	_ =	shalt  }
0x5b: {  	_ =	shalt  }
0x5c: {  	_ =	shalt  }
0x5d: {  	_ =	shalt  }
0x5e: {  	_ =	shalt  }
0x5f: {  	_ =	shalt  }
0x60: {  	_ =	shalt  }
0x61: {  	_ =	shalt  }
0x62: {  	_ =	shalt  }
0x63: {  	_ =	shalt  }
0x64: {  	_ =	shalt  }
0x65: {  	_ =	shalt  }
0x66: {  	_ =	shalt  }
0x67: {  	_ =	shalt  }
0x68: {  	_ =	shalt  }
0x69: {  	_ =	shalt  }
0x6a: {  	_ =	shalt  }
0x6b: {  	_ =	shalt  }
0x6c: {  	_ =	shalt  }
0x6d: {  	_ =	shalt  }
0x6e: {  	_ =	shalt  }
0x6f: {  	_ =	shalt  }
0x70: {  	_ =	shalt  }
0x71: {  	_ =	shalt  }
0x72: {  	_ =	shalt  }
0x73: {  	_ =	shalt  }
0x74: {  	_ =	shalt  }
0x75: {  	_ =	shalt  }
0x76: {  	_ =	shalt  }
0x77: {  	_ =	shalt  }
0x78: {  	_ =	shalt  }
0x79: {  	_ =	shalt  }
0x7a: {  	_ =	shalt  }
0x7b: {  	_ =	shalt  }
0x7c: {  	_ =	shalt  }
0x7d: {  	_ =	shalt  }
0x7e: {  	_ =	shalt  }
0x7f: {  	_ =	shalt  }
0x80: {  	_ =	shalt  }
0x81: {  	_ =	shalt  }
0x82: {  	_ =	shalt  }
0x83: {  	_ =	shalt  }
0x84: {  	_ =	shalt  }
0x85: {  	_ =	shalt  }
0x86: {  	_ =	shalt  }
0x87: {  	_ =	shalt  }
.Lfunc_end0:
.L_simem_size_0:
called_computation_lowered:
.L_overlay_start_0:
0x88: {  	s2 =	sld [smem:$0x3FD9]  }
0x89: {  	s3 =	sld [smem:$0x3FFE];
	_ =	sdelay $0x1  }
0x8a: {  	s1 =	srdreg.scid  }
0x8b: {  	s0 =	sand.u32 $0x1, s1  }
0x8c: {  	s14 =	sshll.u32 s0, $0xA;
	s2 =	sadd.s32 s3, s2  }
0x8d: {  	s2 =	sadd.s32 s2, s14  }
0x8e: {  	[smem:$0x3FB4] =	sst s2  }
0x8f: {  	_ = 	snop  }
0x90: {  	s2 =	sld [smem:$0x3FD0];
	_ =	sdelay $0x2  }
0x91: {  	s4 =	simm.s32 $0xA;
	s5 =	simm.s32 $0x10;
	s15 =	sld [smem:$0x3FC4]  }
0x92: {  	[smem:s5], [sflag:s4] =	dma.local [hbm:s2], $0x1  }
0x93: {  	_ =	swait.eq [sflag:s4], $0x1  }
0x94: {  	[sflag:s4] =	ssyncset.done $0x0  }
0x95: {  	[sflag:s4] =	ssyncadd.s32 $0xFFFFFFFF  }
0x96: {  	s16 =	sld [smem:$0x10];
	(tm) =	ssettm $0x1  }
0x97: {  	s17 =	sld [smem:$0x3FFB];
	_ =	sdelay $0x3  }
0x98: {  	_ =	strace s17  }
0x99: {  	s4 =	sld [smem:$0x3FFC];
	_ =	sdelay $0x3  }
0x9a: {  	_ =	strace s4  }
0x9b: {  	s4 =	sld [smem:$0x3FFD];
	_ =	sdelay $0x3  }
0x9c: {  	_ =	strace s4  }
0x9d: {  	_ =	strace $0x8FFFFFFF  }
0x9e: {  	s18 =	sld [smem:$0x3FDB];
	_ =	sdelay $0x1  }
0x9f: {  	s19 =	simm.s32 $_scs_section_size  }
0xa0: {  	s6 =	simm.s32 $_size__tile_overlayer_lowered;
	s7 =	simm.s32 $_tile_overlayer_lowered  }
0xa1: {  	s22 =	simm.s32 $0x1BFF;
	s21 =	sshll.u32 s7, $0x1;
	s4 =	sadd.s32 s19, s18  }
0xa2: {  	s8 =	simm.s32 $0x0;
	s20 =	sshll.u32 s6, $0x1;
	s6 =	sadd.s32 s21, s4  }
0xa3: {  	[timem:s8], [sflag:s22] =	dma.local [hbm:s6], s20  }
0xa4: {  	_ =	swait.ge [sflag:s22], s20  }
0xa5: {  	s5 =	ssub.s32 $0x0, s20;
	[sflag:s22] =	ssyncset.done $0x0  }
0xa6: {  	[sflag:s22] =	ssyncadd.s32 s5;
	_ =	sdelay $0x1  }
0xa7: {  	s23 =	simm.s32 $0x1B8B  }
0xa8: {  	_ =	swait.ge [sflag:s23], $0x1  }
0xa9: {  	[sflag:s23] =	ssyncset.done $0x0  }
0xaa: {  	s25 =	simm.s32 $0x1B8E;
	s24 =	sld [smem:$0x3FFE];
	[sflag:s23] =	ssyncadd.s32 $0xFFFFFFFF  }
0xab: {  	s26 =	simm.s32 $execute0_lowered;
	[smem:$0x3FD2] =	sst s25  }
0xac: {  	s6 =	sshll.u32 s26, $0x1;
	_ =	strace $0x80000046;
	[dreg:$0x1] =	wrdreg $0xFFFFFFFF  }
0xad: {  	s28 =	simm.s32 $_size_execute0_lowered;
	s4 =	sadd.s32 s4, s6;
	[dreg:$0x0] =	wrdreg $0x0  }
0xae: {  	s6 =	sshll.u32 s28, $0x1;
	[dreg:$0x2] =	wrdreg s4  }
0xaf: {  	[dreg:$0x3] =	wrdreg s6  }
0xb0: {  	[dreg:$0x4] =	wrdreg $0xC0  }
0xb1: {  	_ =	task [dreg:s8], $0x5FFFF  }
0xb2: {  	[dreg:$0x1] =	wrdreg $0xFFFFFFFF  }
0xb3: {  	[dreg:$0x0] =	wrdreg $0x60  }
0xb4: {  	[dreg:$0x2] =	wrdreg s15  }
0xb5: {  	[dreg:$0x3] =	wrdreg s24  }
0xb6: {  	[dreg:$0x4] =	wrdreg s16  }
0xb7: {  	[dreg:$0x5] =	wrdreg $0x9  }
0xb8: {  	_ =	task.clear_ibuf [dreg:s8], $0x6FFFF;
	_ =	strace $0x90000046  }
0xb9: {  	s29 =	simm.s32 $0x9;
	_ =	strace $0x80000048  }
0xba: {  	_ =	swait.ge [sflag:s29], $0x1  }
0xbb: {  	[sflag:s29] =	ssyncadd.s32 $0xFFFFFFFF  }
0xbc: {  	_ =	strace $0x90000048  }
0xbd: {  	_ =	sfence  }
0xbe: {  	s30 =	sld [smem:$0x0];
	_ =	sdelay $0x2  }
0xbf: {  	s31 =	sshll.u32 s1, $0xD;
	s1 =	sshrl.u32 s1, $0x2  }
0xc0: {  	s3 =	sand.u32 $0x4000, s31;
	s1 =	sadd.s32 s1, s30  }
0xc1: {  	s0 =	sor.u32 s3, s0;
	s1 =	sshll.u32 s1, $0x11  }
0xc2: {  	s0 =	sor.u32 s1, s0  }
0xc3: {  	s0 =	sadd.s32 $0x8F2B, s0  }
0xc4: {  	[sflag:s0] =	ssyncadd.remote.s32 $0x1  }
0xc5: {  	_ =	sfence.sel $0xFFFF  }
0xc6: {  	[dreg:$0x0] =	wrdreg $0xFFFFFFFF;
	(pc) =	sbr.abs _section_cstart, $3  }
0xc7: {  	[dreg:$0x1] =	wrdreg $0xFFFFFFFF  }
0xc8: {  	_ =	task.clear_ibuf [dreg:s8], $0x2FFFF;
	_ =	strace $0x9FFFFFFF  }
0xc9: {  	(tm) =	ssettm $0x7FFFFFFF  }
tec
execute0_lowered:
.L_overlay_start_1:
0x0: {  	(tag) =	ssettag $0x1  }
0x1: {  	s1 =	rddreg [dreg:$0x0]  }
0x2: {  	s6 =	rddreg [dreg:$0x1]  }
0x3: {  	s2 =	rddreg [dreg:$0x2];
	s4 =	srdreg.scid  }
0x4: {  	s0 =	rddreg [dreg:$0x3];
	s3 =	simm.s32 $0x0;
	s9 =	simm.s32 $0x3  }
0x5: {  	s10 =	simm.s32 $0x80;
	s11 =	simm.s32 $0x100;
	s12 =	simm.s32 $0x40  }
0x6: {  	s13 =	simm.s32 $0x180;
	s14 =	simm.s32 $0x2180;
	s15 =	simm.s32 $0x4180  }
.Ltmp0:
0x7: {  	s16 =	simm.s32 $0x1;
	s5 =	sand.u32 $0x1, s4;
	(pc) =	sbr.rel .LBB2_1-.Ltmp0, $4  }
0x8: {  	s17 =	simm.s32 $0x6180;
	s18 =	simm.s32 $0x2;
	s7 =	ssub.s32 $0x2, s5  }
0x9: {  	s19 =	simm.s32 $0x0;
	[smem:$0x7FF] =	sst s3;
	s8 =	sshrl.u32 s7, $0x1  }
0xa: {  	s4 =	stileid.u32;
	s6 =	sadd.s32 $0x4600, s6;
	s8 =	ssub.s32 s7, s8  }
0xb: {  	_ =	strace $0x80000047;
	s7 =	sshll.u32 s4, $0x1;
	s8 =	smax.u32 s8, $0x1  }
.LBB2_7:
0xc: {  	s19 =	sadd.s32 $0x1, s19  }
0xd: {  	p0 =	sne.s32 s19, s8  }
.Ltmp1:
0xe: {  	_ = 	snop;
	(pc) =	sbr.rel @!p0 .LBB2_8-.Ltmp1, $1  }
0xf: {  	_ =	sdelay $0x3  }
.LBB2_1:
.Ltmp2:
0x10: {  	(pc) =	sbr.rel .LBB2_2-.Ltmp2, $2  }
0x11: {  	_ =	sdelay $0x2  }
0x12: {  	s20 =	simm.s32 $0x0  }
.LBB2_6:
0x13: {  	s20 =	sadd.s32 $0x1, s20  }
0x14: {  	p0 =	sne.s32 s20, $0x5  }
.Ltmp3:
0x15: {  	_ = 	snop;
	(pc) =	sbr.rel @!p0 .LBB2_7-.Ltmp3, $1  }
0x16: {  	_ =	sdelay $0x3  }
.LBB2_2:
0x17: {  	s21 =	sshll.u32 s20, $0x5  }
0x18: {  	s21 =	sor.u32 s21, s7  }
0x19: {  	s21 =	sor.u32 s5, s21  }
0x1a: {  	p0 =	sgt.u32 s21, $0x9C  }
.Ltmp4:
0x1b: {  	_ = 	snop;
	(pc) =	sbr.rel @p0 .LBB2_6-.Ltmp4, $1  }
0x1c: {  	_ =	sdelay $0x3  }
0x1d: {  	s21 =	sshll.u32 s21, $0x6  }
0x1e: {  	s21 =	smin.u32 s21, $0x26D0  }
0x1f: {  	s22 =	sshrl.u32 s21, $0x3  }
0x20: {  	s23 =	simm.s32 $0x0;
	s22 =	sadd.s32 s6, s22  }
0x21: {  	[tilespmem:s23], [sflag:$0x3] =	stream.linear.gather [hbm4b:s22+s23], $0x40, $0x38;
	[tilespmem:$0x8180] =	vst v63  }
0x22: {  	_ =	swait.ge [sflag:s9], $0x40  }
0x23: {  	[sflag:s9] =	ssyncset.done $0x0  }
0x24: {  	s24 =	sadd.s32 $0x4E2, s22;
	[sflag:s9] =	ssyncadd.s32 $0xFFFFFFC0  }
0x25: {  	[tilespmem:s10], [sflag:$0x3] =	stream.linear.gather [hbm4b:s24+s23], $0x40, $0x38;
	[tilespmem:$0x8180] =	vst v63  }
0x26: {  	_ =	swait.ge [sflag:s9], $0x40  }
0x27: {  	[sflag:s9] =	ssyncset.done $0x0  }
0x28: {  	s22 =	sadd.s32 $0x9C4, s22;
	[sflag:s9] =	ssyncadd.s32 $0xFFFFFFC0  }
0x29: {  	[tilespmem:s11], [sflag:$0x3] =	stream.linear.gather [hbm4b:s22+s23], $0x40, $0x38;
	[tilespmem:$0x8180] =	vst v63  }
0x2a: {  	_ =	swait.ge [sflag:s9], $0x40  }
0x2b: {  	[sflag:s9] =	ssyncset.done $0x0  }
0x2c: {  	[sflag:s9] =	ssyncadd.s32 $0xFFFFFFC0  }
0x2d: {  	[tilespmem:s13], [sflag:$0x1] =	stream.indirect.gather [hbm4b:s1+s12], $0x80, s23, s12, $0xb8;
	[tilespmem:$0x8180] =	vst v63  }
0x2e: {  	_ = 	snop  }
0x2f: {  	[tilespmem:s14], [sflag:$0x1] =	stream.indirect.gather [hbm4b:s1+s12], $0x80, s10, s12, $0xb8;
	[tilespmem:$0x8180] =	vst v63  }
0x30: {  	_ = 	snop  }
0x31: {  	[tilespmem:s15], [sflag:$0x1] =	stream.indirect.gather [hbm4b:s1+s12], $0x80, s11, s12, $0xb8;
	[tilespmem:$0x8180] =	vst v63  }
0x32: {  	_ =	swait.ge [sflag:s16], $0x2000  }
0x33: {  	[sflag:s16] =	ssyncset.done $0x0  }
0x34: {  	[sflag:s16] =	ssyncadd.s32 $0xFFFFE000  }
0x35: {  	_ =	swait.ge [sflag:s16], $0x2000  }
0x36: {  	[sflag:s16] =	ssyncset.done $0x0  }
0x37: {  	[sflag:s16] =	ssyncadd.s32 $0xFFFFE000  }
0x38: {  	_ =	swait.ge [sflag:s16], $0x2000  }
0x39: {  	[sflag:s16] =	ssyncset.done $0x0  }
0x3a: {  	s22 =	simm.s32 $0x0;
	[sflag:s16] =	ssyncadd.s32 $0xFFFFE000  }
0x3b: {  	v0 =	vld [tilespmem:s22+$0x1F0]  }
0x3c: {  	v1 =	vld [tilespmem:s22+$0x21F0]  }
0x3d: {  	v2 =	vld [tilespmem:s22+$0x180]  }
0x3e: {  	v3 =	vld [tilespmem:s22+$0x41F0]  }
0x3f: {  	v4 =	vld [tilespmem:s22+$0x2180]  }
0x40: {  	v5 =	vld [tilespmem:s22+$0x190]  }
0x41: {  	v6 =	vld [tilespmem:s22+$0x2190]  }
0x42: {  	v7 =	vld [tilespmem:s22+$0x21A0]  }
0x43: {  	v9 =	vld [tilespmem:s22+$0x21B0]  }
0x44: {  	v10 =	vld [tilespmem:s22+$0x1C0]  }
0x45: {  	v11 =	vld [tilespmem:s22+$0x21C0]  }
0x46: {  	v12 =	vld [tilespmem:s22+$0x1D0]  }
0x47: {  	v13 =	vld [tilespmem:s22+$0x21D0]  }
0x48: {  	v14 =	vld [tilespmem:s22+$0x1E0]  }
0x49: {  	v15 =	vld [tilespmem:s22+$0x21E0]  }
0x4a: {  	v16 =	vld [tilespmem:s22+$0x4180]  }
0x4b: {  	v0 =	vadd.f32 v1, v0;
	v1 =	vld [tilespmem:s22+$0x1A0]  }
0x4c: {  	v17 =	vld [tilespmem:s22+$0x4190]  }
0x4d: {  	v0 =	vadd.f32 v3, v0;
	v3 =	vld [tilespmem:s22+$0x1B0]  }
0x4e: {  	v18 =	vld [tilespmem:s22+$0x41A0]  }
0x4f: {  	v8 =	vld [tilespmem:s22+$0x41B0];
	v2 =	vadd.f32 v4, v2;
	v19 =	vadd.f32 v6, v5  }
0x50: {  	v5 =	vld [tilespmem:s22+$0x41C0];
	v4 =	vadd.f32 v13, v12;
	v20 =	vadd.f32 v7, v1  }
0x51: {  	v6 =	vld [tilespmem:s22+$0x41D0];
	v1 =	vadd.f32 v11, v10;
	v10 =	vadd.f32 v16, v2  }
0x52: {  	s23 =	simm.s32 $0x80;
	[tilespmem:s22+$0x61F0] =	vst v0;
	v7 =	vld [tilespmem:s22+$0x41E0];
	v0 =	vadd.f32 v9, v3;
	v9 =	vadd.f32 v17, v19  }
0x53: {  	s24 =	simm.s32 $0x400;
	v2 =	vadd.f32 v15, v14;
	v3 =	vld [tilespmem:s23+$0x1F0];
	[tilespmem:s22+$0x6180] =	vst v10;
	v10 =	vadd.f32 v18, v20  }
.LBB2_4:
0x54: {  	p0 =	sne.s32 s24, $0x7E00;
	v11 =	vld [tilespmem:s23+$0x21F0];
	[tilespmem:s22+$0x6190] =	vst v9;
	v0 =	vadd.f32 v8, v0  }
0x55: {  	v8 =	vld [tilespmem:s23+$0x180];
	[tilespmem:s22+$0x61A0] =	vst v10;
	v1 =	vadd.f32 v5, v1  }
0x56: {  	v5 =	vld [tilespmem:s23+$0x41F0];
	[tilespmem:s22+$0x61B0] =	vst v0;
	v0 =	vadd.f32 v6, v4  }
0x57: {  	v4 =	vld [tilespmem:s23+$0x2180];
	[tilespmem:s22+$0x61C0] =	vst v1;
	v1 =	vadd.f32 v7, v2  }
0x58: {  	v2 =	vld [tilespmem:s23+$0x190];
	[tilespmem:s22+$0x61D0] =	vst v0  }
0x59: {  	v0 =	vld [tilespmem:s23+$0x2190];
	v3 =	vadd.f32 v11, v3;
	[tilespmem:s22+$0x61E0] =	vst v1;
	s22 =	smov.u32 s23  }
0x5a: {  	v1 =	vld [tilespmem:s22+$0x1A0]  }
0x5b: {  	v6 =	vld [tilespmem:s22+$0x21A0];
	v3 =	vadd.f32 v5, v3  }
0x5c: {  	v7 =	vadd.f32 v4, v8;
	v4 =	vld [tilespmem:s22+$0x1B0]  }
0x5d: {  	v5 =	vld [tilespmem:s22+$0x21B0];
	[tilespmem:s22+$0x61F0] =	vst v3  }
0x5e: {  	v3 =	vadd.f32 v0, v2;
	v2 =	vld [tilespmem:s22+$0x1C0]  }
0x5f: {  	v8 =	vld [tilespmem:s22+$0x21C0]  }
0x60: {  	v10 =	vadd.f32 v6, v1;
	v6 =	vld [tilespmem:s22+$0x1D0]  }
0x61: {  	v9 =	vld [tilespmem:s22+$0x21D0]  }
0x62: {  	v0 =	vadd.f32 v5, v4;
	v11 =	vld [tilespmem:s22+$0x1E0]  }
0x63: {  	v12 =	vld [tilespmem:s22+$0x21E0]  }
0x64: {  	v13 =	vld [tilespmem:s22+$0x4180];
	v1 =	vadd.f32 v8, v2  }
0x65: {  	v14 =	vld [tilespmem:s22+$0x4190]  }
0x66: {  	v15 =	vld [tilespmem:s22+$0x41A0];
	v4 =	vadd.f32 v9, v6  }
.Ltmp5:
0x67: {  	v8 =	vld [tilespmem:s22+$0x41B0];
	(pc) =	sbr.rel @p0 .LBB2_4-.Ltmp5, $4  }
0x68: {  	v5 =	vld [tilespmem:s22+$0x41C0];
	v2 =	vadd.f32 v12, v11  }
0x69: {  	v11 =	vadd.f32 v13, v7;
	v6 =	vld [tilespmem:s22+$0x41D0]  }
0x6a: {  	s23 =	sshra.s32 s24, $0x2;
	v9 =	vadd.f32 v14, v3;
	v7 =	vld [tilespmem:s22+$0x41E0]  }
0x6b: {  	s24 =	sadd.s32 $0x200, s24;
	v3 =	vld [tilespmem:s23+$0x1F0];
	[tilespmem:s22+$0x6180] =	vst v11;
	v10 =	vadd.f32 v15, v10  }
0x6c: {  	v11 =	vld [tilespmem:s23+$0x21F0];
	[tilespmem:s22+$0x6190] =	vst v9;
	v0 =	vadd.f32 v8, v0  }
0x6d: {  	v9 =	vld [tilespmem:s23+$0x180];
	[tilespmem:s22+$0x61A0] =	vst v10;
	v1 =	vadd.f32 v5, v1  }
0x6e: {  	v44 =	vld [tilespmem:s23+$0x41F0];
	[tilespmem:s22+$0x61B0] =	vst v0;
	v4 =	vadd.f32 v6, v4  }
0x6f: {  	v0 =	vld [tilespmem:s23+$0x2180];
	[tilespmem:s22+$0x61C0] =	vst v1;
	v2 =	vadd.f32 v7, v2  }
0x70: {  	v1 =	vld [tilespmem:s23+$0x190];
	[tilespmem:s22+$0x61D0] =	vst v4  }
0x71: {  	v4 =	vld [tilespmem:s23+$0x2190];
	[tilespmem:s22+$0x61E0] =	vst v2  }
0x72: {  	v46 =	vld [tilespmem:s23+$0x1A0]  }
0x73: {  	v47 =	vld [tilespmem:s23+$0x21A0]  }
0x74: {  	v48 =	vld [tilespmem:s23+$0x1B0]  }
0x75: {  	v49 =	vld [tilespmem:s23+$0x21B0]  }
0x76: {  	v50 =	vld [tilespmem:s23+$0x1C0]  }
0x77: {  	v51 =	vld [tilespmem:s23+$0x21C0]  }
0x78: {  	v10 =	vld [tilespmem:s23+$0x1D0]  }
0x79: {  	v52 =	vld [tilespmem:s23+$0x21D0]  }
0x7a: {  	v12 =	vld [tilespmem:s23+$0x1E0]  }
0x7b: {  	v13 =	vld [tilespmem:s23+$0x21E0]  }
0x7c: {  	v14 =	vld [tilespmem:s23+$0x4180]  }
0x7d: {  	v15 =	vld [tilespmem:s23+$0x4190]  }
0x7e: {  	v45 =	vadd.f32 v11, v3;
	v16 =	vld [tilespmem:s23+$0x41A0]  }
0x7f: {  	v53 =	vld [tilespmem:s23+$0x41B0];
	v0 =	vadd.f32 v0, v9  }
0x80: {  	v54 =	vld [tilespmem:s23+$0x41C0];
	v2 =	vadd.f32 v44, v45;
	v1 =	vadd.f32 v4, v1  }
0x81: {  	v55 =	vld [tilespmem:s23+$0x41D0];
	v3 =	vadd.f32 v47, v46;
	v0 =	vadd.f32 v14, v0  }
0x82: {  	v56 =	vld [tilespmem:s23+$0x41E0];
	[tilespmem:s23+$0x61F0] =	vst v2;
	v6 =	vadd.f32 v49, v48;
	v1 =	vadd.f32 v15, v1  }
0x83: {  	v2 =	vadd.f32 v51, v50;
	[tilespmem:s23+$0x6180] =	vst v0;
	v57 =	vadd.f32 v16, v3  }
0x84: {  	v58 =	vadd.f32 v52, v10;
	v59 =	vadd.f32 v53, v6;
	[tilespmem:s23+$0x6190] =	vst v1  }
0x85: {  	v60 =	vadd.f32 v13, v12;
	v61 =	vadd.f32 v54, v2;
	[tilespmem:s23+$0x61A0] =	vst v57  }
0x86: {  	v62 =	vadd.f32 v55, v58;
	[tilespmem:s23+$0x61B0] =	vst v59  }
0x87: {  	v63 =	vadd.f32 v56, v60;
	[tilespmem:s23+$0x61C0] =	vst v61  }
0x88: {  	s21 =	sshll.u32 s21, $0x4;
	[tilespmem:s23+$0x61D0] =	vst v62  }
.Ltmp6:
0x89: {  	s21 =	sadd.s32 s2, s21;
	[tilespmem:s23+$0x61E0] =	vst v63;
	(pc) =	sbr.rel .LBB2_6-.Ltmp6, $4  }
0x8a: {  	[hbm4b:s21+s3] =	stream.linear.scatter [tilespmem:s17], [sflag:$0x2], $0x2000, $0x38;
	[tilespmem:$0x8180] =	vst v63  }
0x8b: {  	_ =	swait.ge [sflag:s18], $0x2000  }
0x8c: {  	[sflag:s18] =	ssyncset.done $0x0  }
0x8d: {  	[sflag:s18] =	ssyncadd.s32 $0xFFFFE000  }
.LBB2_8:
0x8e: {  	_ =	sfence.sel $0x180000  }
0x8f: {  	[bflag:$0x0] =	sbarrier.arrive $0xFFFF  }
0x90: {  	p0 =	sne.s32 s4, $0x0;
	_ =	strace $0x90000047  }
0x91: {  	s0 =	sadd.s32 @!p0 $0x100000, s0;
	[bflag:$0x2] =	sbarrier.arrive $0xFFFF  }
0x92: {  	[sflag:s0] =	ssyncadd.tile.s32 @!p0 $0x1;
	_ =	shalt  }
.Lfunc_end2:
_tile_overlayer_lowered:
.L_overlay_start_2:
0x93: {  	(tag) =	ssettag $0x2  }
0x94: {  	s0 =	rddreg [dreg:$0x0];
	s2 =	stileid.u32  }
0x95: {  	s1 =	rddreg [dreg:$0x1];
	p0 =	sne.s32 s2, $0x0  }
0x96: {  	s3 =	rddreg [dreg:$0x2];
	[bflag:$0x3] =	sbarrier.arrive $0xFFFF;
	s2 =	simm.s32 @!p0 $0x1C02  }
0x97: {  	[timem:s3], [sflag:s2] =	dma.local @!p0 [hbm:s0], s1  }
0x98: {  	s0 =	simm.s32 @!p0 $0x2  }
0x99: {  	_ =	swait.ge @!p0 [sflag:s0], s1  }
0x9a: {  	s1 =	ssub.s32 @!p0 $0x0, s1;
	[sflag:s0] =	ssyncset.done @!p0 $0x0  }
0x9b: {  	[sflag:s0] =	ssyncadd.s32 @!p0 s1  }
0x9c: {  	[bflag:$0x3] =	sbarrier.arrive $0xFFFF  }
0x9d: {  	_ =	shalt  }

</sc_bundles>
